<compile_context>
chip_gen: v7x
topology: tpu7x:2x2x1
jax: 0.10.2.dev20260603
libtpu: 0.0.44.dev20260713+nightly
codegen_flags: <defaults>
</compile_context>

<pallas_src>
import jax
import jax.numpy as jnp
from jax import lax
from jax.experimental import pallas as pl
from jax.experimental.pallas import tpu as pltpu
from jax.experimental.pallas import tpu_sc as plsc

NC = 2
NS = 16
L = 16

B, N, E, K = 4, 25000, 800000, 64
BPC = B // NC
TPB = NS // BPC
NLOC = 25088
Q = NLOC // TPB
NPAD2 = BPC * NLOC
CH = 2048
EPT = E // TPB
NF = EPT // CH
TAIL = EPT - NF * CH

MAGIC = 0x5F3759DF


def _rsqrt16(v):
    ib = lax.bitcast_convert_type(v, jnp.int32)
    y = lax.bitcast_convert_type(MAGIC - (ib >> 1), jnp.float32)
    half = v * 0.5
    for _ in range(3):
        y = y * (1.5 - half * y * y)
    return jnp.where(v > 0.5, y, 0.0)


def _bf16r(v):
    ib = lax.bitcast_convert_type(v, jnp.int32)
    r = ib + 0x7FFF + ((ib >> 16) & 1)
    r = jnp.bitwise_and(r, jnp.int32(-65536))
    return lax.bitcast_convert_type(r, jnp.float32)


def _body(ei, xp, dfi, wg, bg, wp, bp, wv, bv, wt, tm,
          pol_out, val_out,
          d_s, p_s, s_s, stage_s,
          s_priv, ploc,
          rawc, rawr,
          xv, dvv, pvv,
          cb0, cb1, cb2, cb3,
          dbuf, pbuf, vbuf, shbuf):
    cid = lax.axis_index("c")
    tid = lax.axis_index("s")
    bl = tid // TPB
    b = cid * BPC + bl
    lane8 = tid % TPB
    iot = lax.iota(jnp.int32, L)
    ones16 = jnp.ones((L,), jnp.float32)
    row_base = (b * 2 + 0) * E
    col_base = (b * 2 + 1) * E
    start = lane8 * EPT
    nbase = tid * Q

    def zero_priv():
        def z16(i, _):
            s_priv[pl.ds(i * L, L)] = jnp.zeros((L,), jnp.float32)
            return 0
        lax.fori_loop(0, NLOC // L, z16, 0)

    def stage_and_reduce(acc):
        pltpu.sync_copy(s_priv, stage_s.at[pl.ds(tid * NLOC, NLOC)])
        plsc.subcore_barrier()
        rbase = bl * TPB * NLOC + lane8 * Q
        pltpu.sync_copy(stage_s.at[pl.ds(rbase, Q)], acc)
        for r in range(1, TPB):
            pltpu.sync_copy(stage_s.at[pl.ds(rbase + r * NLOC, Q)], xv)

            def radd(i, _):
                for u in range(4):
                    j = (i * 4 + u) * L
                    acc[pl.ds(j, L)] = acc[pl.ds(j, L)] + xv[pl.ds(j, L)]
                return 0
            lax.fori_loop(0, Q // L // 4, radd, 0)

    zero_priv()

    def deg_body(n16, k, _):
        off = start + k * CH
        pltpu.sync_copy(ei.at[pl.ds(col_base + off, n16 * L)],
                        rawc.at[pl.ds(0, n16 * L)])

        def cadd(i, _):
            for u in range(4):
                plsc.addupdate_scatter(
                    s_priv, [rawc[pl.ds((i * 4 + u) * L, L)]], ones16)
            return 0
        lax.fori_loop(0, n16 // 4, cadd, 0)
        return 0
    lax.fori_loop(0, NF, lambda k, c: deg_body(CH // L, k, c), 0)
    deg_body(TAIL // L, NF, 0)
    stage_and_reduce(dvv)

    @pl.when(jnp.logical_and(cid == 0, tid == 0))
    def _selfloop_deg():
        dvv[pl.ds(0, L)] = dvv[pl.ds(0, L)] + jnp.where(iot == 0, 1.0, 0.0)

    pltpu.sync_copy(xp.at[pl.ds(cid * NPAD2 + nbase, Q)], xv)

    def dp16(i, _):
        dd = _rsqrt16(dvv[pl.ds(i * L, L)])
        dvv[pl.ds(i * L, L)] = dd
        pvv[pl.ds(i * L, L)] = dd * xv[pl.ds(i * L, L)]
        return 0
    lax.fori_loop(0, Q // L, dp16, 0)
    pltpu.sync_copy(dvv, d_s.at[pl.ds(nbase, Q)])
    pltpu.sync_copy(pvv, p_s.at[pl.ds(nbase, Q)])
    vbuf[...] = jnp.where(iot == 0, pvv[pl.ds(0, L)], 0.0)
    zero_priv()
    plsc.subcore_barrier()

    pltpu.sync_copy(p_s.at[pl.ds(bl * NLOC, NLOC)], ploc)

    def msg_body(n16, k, _):
        off = start + k * CH
        pltpu.sync_copy(ei.at[pl.ds(row_base + off, n16 * L)],
                        rawr.at[pl.ds(0, n16 * L)])
        pltpu.sync_copy(ei.at[pl.ds(col_base + off, n16 * L)],
                        rawc.at[pl.ds(0, n16 * L)])

        def gadd(i, _):
            for u in range(4):
                pd16 = plsc.load_gather(
                    ploc, [rawr[pl.ds((i * 4 + u) * L, L)]])
                plsc.addupdate_scatter(
                    s_priv, [rawc[pl.ds((i * 4 + u) * L, L)]], pd16)
            return 0
        lax.fori_loop(0, n16 // 4, gadd, 0)
        return 0
    lax.fori_loop(0, NF, lambda k, c: msg_body(CH // L, k, c), 0)
    msg_body(TAIL // L, NF, 0)

    @pl.when(jnp.logical_and(cid == 0, tid == 0))
    def _selfloop_msg():
        s_priv[pl.ds(0, L)] = s_priv[pl.ds(0, L)] + vbuf[...]

    stage_and_reduce(pvv)
    pltpu.sync_copy(d_s.at[pl.ds(nbase, Q)], xv)

    def smul(i, _):
        pvv[pl.ds(i * L, L)] = pvv[pl.ds(i * L, L)] * xv[pl.ds(i * L, L)]
        return 0
    lax.fori_loop(0, Q // L, smul, 0)
    pltpu.sync_copy(pvv, s_s.at[pl.ds(nbase, Q)])
    plsc.subcore_barrier()

    def lanesum(v):
        for sh in (8, 4, 2, 1):
            shbuf[...] = v
            v = v + plsc.load_gather(shbuf, [jnp.bitwise_and(iot + sh, L - 1)])
        return v

    @pl.when(tid < 2)
    def _value_head():
        base = tid * NLOC
        acc0 = jnp.zeros((L,), jnp.float32)

        def vchunk(k, acc):
            pltpu.sync_copy(s_s.at[pl.ds(base + k * Q, Q)], xv)

            def vacc(i, a):
                return a + xv[pl.ds(i * L, L)]
            return lax.fori_loop(0, Q // L, vacc, acc)
        acc0 = lax.fori_loop(0, N // Q, vchunk, acc0)
        tail = N - (N // Q) * Q
        nfull = tail // L
        rem = tail - nfull * L
        pltpu.sync_copy(s_s.at[pl.ds(base + (N // Q) * Q, tail)],
                        xv.at[pl.ds(0, tail)])

        def vacc2(i, a):
            return a + xv[pl.ds(i * L, L)]
        acc0 = lax.fori_loop(0, nfull, vacc2, acc0)
        acc0 = acc0 + jnp.where(iot < rem, xv[pl.ds(nfull * L, L)], 0.0)
        pltpu.sync_copy(wv, cb0)
        pltpu.sync_copy(wg, cb1)
        pltpu.sync_copy(bg, cb2)
        pltpu.sync_copy(bv, cb3)
        means = lanesum(acc0) / jnp.float32(N)
        emb16 = _bf16r(means * cb1[...] + cb2[...])
        valv = lanesum(emb16 * _bf16r(cb0[...])) + lanesum(cb3[...])
        vbuf[...] = jnp.where(iot == 0, valv, 0.0)
        pltpu.sync_copy(vbuf, val_out.at[pl.ds((cid * BPC + tid) * L, L)])

    @pl.when(jnp.logical_and(tid >= 2, tid < 4))
    def _policy_head():
        pb = tid - 2
        gb = cid * BPC + pb
        pltpu.sync_copy(dfi.at[pl.ds(gb * K, K)], dbuf)
        pltpu.sync_copy(s_s.at[pl.ds(pb * NLOC, NLOC)], ploc)
        pltpu.sync_copy(wp, cb0)
        pltpu.sync_copy(wg, cb1)
        pltpu.sync_copy(bg, cb2)
        pltpu.sync_copy(bp, cb3)
        bp_s = lanesum(cb3[...])
        wgv, bgv, wpv = cb1[...], cb2[...], cb0[...]
        wgc = [lanesum(jnp.where(iot == c, wgv, 0.0)) for c in range(8)]
        bgc = [lanesum(jnp.where(iot == c, bgv, 0.0)) for c in range(8)]
        wpc = [_bf16r(lanesum(jnp.where(iot == c, wpv, 0.0))) for c in range(8)]
        for j in range(K // L):
            sg16 = plsc.load_gather(ploc, [dbuf[pl.ds(j * L, L)]])
            acc = bp_s
            for c in range(8):
                acc = acc + _bf16r(sg16 * wgc[c] + bgc[c]) * wpc[c]
            pbuf[pl.ds(j * L, L)] = acc
        pltpu.sync_copy(wt, cb1)
        pltpu.sync_copy(tm, cb2)
        wait_l = lanesum(_bf16r(cb1[...]) * _bf16r(cb0[...])) + bp_s
        term_l = lanesum(_bf16r(cb2[...]) * _bf16r(cb0[...])) + bp_s
        pbuf[pl.ds(K, L)] = (jnp.where(iot == 0, wait_l, 0.0)
                             + jnp.where(iot == 1, term_l, 0.0))
        pltpu.sync_copy(pbuf, pol_out.at[pl.ds(gb * (K + L), K + L)])


@jax.jit
def _run(ei_pad, xp, dfi, wg, bg, wp, bp, wv, bv, wt, tm):
    f32, i32 = jnp.float32, jnp.int32
    kfn = pl.kernel(
        _body,
        out_type=[
            jax.ShapeDtypeStruct((B * (K + L),), f32),
            jax.ShapeDtypeStruct((B * L,), f32),
        ],
        mesh=plsc.VectorSubcoreMesh(core_axis_name="c", subcore_axis_name="s"),
        compiler_params=pltpu.CompilerParams(needs_layout_passes=False),
        scratch_types=[
            pltpu.VMEM_SHARED((NPAD2,), f32),
            pltpu.VMEM_SHARED((NPAD2,), f32),
            pltpu.VMEM_SHARED((NPAD2,), f32),
            pltpu.VMEM_SHARED((NS * NLOC,), f32),
            pltpu.VMEM((NLOC,), f32),
            pltpu.VMEM((NLOC,), f32),
            pltpu.VMEM((CH,), i32),
            pltpu.VMEM((CH,), i32),
            pltpu.VMEM((Q,), f32),
            pltpu.VMEM((Q,), f32),
            pltpu.VMEM((Q,), f32),
            pltpu.VMEM((L,), f32),
            pltpu.VMEM((L,), f32),
            pltpu.VMEM((L,), f32),
            pltpu.VMEM((L,), f32),
            pltpu.VMEM((K,), i32),
            pltpu.VMEM((K + L,), f32),
            pltpu.VMEM((L,), f32),
            pltpu.VMEM((L,), f32),
        ],
    )
    return kfn(ei_pad, xp, dfi, wg, bg, wp, bp, wv, bv, wt, tm)


def kernel(x, edge_index, defense_indices, W_gcn, b_gcn, wait_emb, term_emb,
           W_pol, b_pol, W_val, b_val):
    def pad16(a):
        a = a.reshape(-1).astype(jnp.float32)
        return jnp.pad(a, (0, L - a.shape[0]))

    wg, bg = pad16(W_gcn), pad16(b_gcn)
    wp, bp = pad16(W_pol), pad16(b_pol)
    wv, bv = pad16(W_val), pad16(b_val)
    wt, tm = pad16(wait_emb), pad16(term_emb)

    xp = jnp.pad(x.reshape(B, N), ((0, 0), (0, NLOC - N))).reshape(-1)
    ei_pad = edge_index.reshape(-1)

    pol_pad, val_pad = _run(ei_pad, xp, defense_indices.reshape(-1), wg, bg,
                            wp, bp, wv, bv, wt, tm)
    return pol_pad.reshape(B, K + L)[:, : K + 2], val_pad.reshape(B, L)[:, 0]

# --- scband reference (transcript-rebuilt; emitter-appended) ---
"""Pipeline reference for scband-gnnrlagent-46256797778298 (READ-ONLY COPY).

The authoritative reference and input builder live on the scoring server;
editing this copy changes nothing except your own understanding.
"""

import jax, jax.numpy as jnp
import numpy as np

B, N, E, K, C = 4, 25000, 800000, 64, 8


def setup_inputs(seed: int = 0) -> dict:
    key = jax.random.key(seed)
    ks = jax.random.split(key, 12)
    x = jax.random.normal(ks[0], (B, N, 1), dtype=jnp.float32)
    edge_index = jax.random.randint(ks[1], (B, 2, E), 0, N, dtype=jnp.int32)
    defense_indices = jax.random.randint(ks[2], (B, K), 0, N, dtype=jnp.int32)
    W_gcn = jax.random.normal(ks[3], (C, 1), dtype=jnp.float32) * 0.5
    b_gcn = jnp.zeros((C,), dtype=jnp.float32)
    wait_emb = jax.random.normal(ks[4], (1, C), dtype=jnp.float32)
    term_emb = jax.random.normal(ks[5], (1, C), dtype=jnp.float32)
    W_pol = jax.random.normal(ks[6], (1, C), dtype=jnp.float32) * 0.3
    b_pol = jnp.zeros((1,), dtype=jnp.float32)
    W_val = jax.random.normal(ks[7], (1, C), dtype=jnp.float32) * 0.3
    b_val = jnp.zeros((1,), dtype=jnp.float32)
    return {"x": x, "edge_index": edge_index, "defense_indices": defense_indices,
            "W_gcn": W_gcn, "b_gcn": b_gcn, "wait_emb": wait_emb, "term_emb": term_emb,
            "W_pol": W_pol, "b_pol": b_pol, "W_val": W_val, "b_val": b_val}


def reference(x, edge_index, defense_indices, W_gcn, b_gcn, wait_emb, term_emb, W_pol, b_pol, W_val, b_val):
    BN = B * N
    # construct_gnn_batch: offset each graph's edge_index by i*N and concatenate
    offsets = (jnp.arange(B, dtype=edge_index.dtype) * N)[:, None, None]
    ei = edge_index + offsets                      # [B, 2, E]
    ei = jnp.transpose(ei, (1, 0, 2)).reshape(2, B * E)
    # GCNConv.forward: add_self_loops(edge_index, num_nodes=x.size(1)) -- note
    # batch.x has shape [B*N, 1] so x.size(1) == 1 and exactly ONE self-loop (0,0)
    # is appended, faithfully reproducing the original module's behavior.
    self_loop = jnp.zeros((2, 1), dtype=ei.dtype)
    ei = jnp.concatenate([ei, self_loop], axis=1)
    x_flat = x.reshape(BN, 1)
    xl = x_flat @ W_gcn.T                          # Linear(1, 8, bias=False)
    row, col = ei[0], ei[1]
    # degree(col, num_nodes=B*N)
    deg = jnp.zeros((BN,), dtype=xl.dtype).at[col].add(1.0)
    deg_inv_sqrt = jnp.where(deg > 0, deg ** -0.5, 0.0)
    norm = deg_inv_sqrt[row] * deg_inv_sqrt[col]
    # message: norm * x_j ; aggregate 'add' at target (col)
    msg = norm[:, None] * xl[row]
    out = jax.ops.segment_sum(msg, col, num_segments=BN) + b_gcn
    emb = out.reshape(B, N, C)
    # gather defense embeddings
    idx = jnp.broadcast_to(defense_indices[:, :, None], (B, K, C))
    def_emb = jnp.take_along_axis(emb, idx, axis=1)
    wait_rep = jnp.broadcast_to(wait_emb[None, :, :], (B, 1, C))
    term_rep = jnp.broadcast_to(term_emb[None, :, :], (B, 1, C))
    policy_in = jnp.concatenate([def_emb, wait_rep, term_rep], axis=1)  # [B, K+2, C]
    policy_out = jnp.squeeze(policy_in @ W_pol.T + b_pol)               # [B, K+2]
    value_out = jnp.squeeze(emb.mean(axis=1) @ W_val.T + b_val)         # [B]
    return (policy_out, value_out)

if __name__ == "__main__":
    import jax
    _d = setup_inputs()
    print(jax.jit(kernel)(*tuple(_d.values())))

</pallas_src>

<mosaic_0001>
#map = affine_map<(d0, d1) -> (0)>
module attributes {stable_mosaic.version = 14 : i64} {
  func.func @_body(%arg0: i32, %arg1: i32, %arg2: memref<6400000xi32, #tpu.memory_space<hbm>>, %arg3: memref<100352xf32, #tpu.memory_space<hbm>>, %arg4: memref<256xi32, #tpu.memory_space<hbm>>, %arg5: memref<16xf32, #tpu.memory_space<hbm>>, %arg6: memref<16xf32, #tpu.memory_space<hbm>>, %arg7: memref<16xf32, #tpu.memory_space<hbm>>, %arg8: memref<16xf32, #tpu.memory_space<hbm>>, %arg9: memref<16xf32, #tpu.memory_space<hbm>>, %arg10: memref<16xf32, #tpu.memory_space<hbm>>, %arg11: memref<16xf32, #tpu.memory_space<hbm>>, %arg12: memref<16xf32, #tpu.memory_space<hbm>>, %arg13: memref<320xf32, #tpu.memory_space<hbm>>, %arg14: memref<64xf32, #tpu.memory_space<hbm>>, %arg15: memref<50176xf32, #tpu.memory_space<vmem_shared>>, %arg16: memref<50176xf32, #tpu.memory_space<vmem_shared>>, %arg17: memref<50176xf32, #tpu.memory_space<vmem_shared>>, %arg18: memref<401408xf32, #tpu.memory_space<vmem_shared>>, %arg19: memref<25088xf32, #tpu.memory_space<vmem>>, %arg20: memref<25088xf32, #tpu.memory_space<vmem>>, %arg21: memref<2048xi32, #tpu.memory_space<vmem>>, %arg22: memref<2048xi32, #tpu.memory_space<vmem>>, %arg23: memref<3136xf32, #tpu.memory_space<vmem>>, %arg24: memref<3136xf32, #tpu.memory_space<vmem>>, %arg25: memref<3136xf32, #tpu.memory_space<vmem>>, %arg26: memref<16xf32, #tpu.memory_space<vmem>>, %arg27: memref<16xf32, #tpu.memory_space<vmem>>, %arg28: memref<16xf32, #tpu.memory_space<vmem>>, %arg29: memref<16xf32, #tpu.memory_space<vmem>>, %arg30: memref<64xi32, #tpu.memory_space<vmem>>, %arg31: memref<80xf32, #tpu.memory_space<vmem>>, %arg32: memref<16xf32, #tpu.memory_space<vmem>>, %arg33: memref<16xf32, #tpu.memory_space<vmem>>) attributes {dimension_semantics = [#tpu.dimension_semantics<core_parallel>, #tpu.dimension_semantics<subcore_parallel>], iteration_bounds = array<i64: 2, 16>, scalar_prefetch = 0 : i64, scratch_operands = 19 : i64, tpu.core_type = #tpu.core_type<sc_vector_subcore>, window_params = [{transform_indices = #map}, {transform_indices = #map}, {transform_indices = #map}, {transform_indices = #map}, {transform_indices = #map}, {transform_indices = #map}, {transform_indices = #map}, {transform_indices = #map}, {transform_indices = #map}, {transform_indices = #map}, {transform_indices = #map}, {transform_indices = #map}, {transform_indices = #map}]} {
    %jit3A = arith.constant 8 : i32
    %div3A = arith.divsi %arg1, %jit3A : i32
    %sign3A = arith.constant 0 : i32
    %sign3A_0 = arith.cmpi sgt, %arg1, %sign3A : i32
    %sign3A_1 = arith.extui %sign3A_0 : i1 to i32
    %sign3A_2 = arith.constant 0 : i32
    %sign3A_3 = arith.cmpi slt, %arg1, %sign3A_2 : i32
    %sign3A_4 = arith.extui %sign3A_3 : i1 to i32
    %sign3A_5 = arith.subi %sign3A_1, %sign3A_4 : i32
    %sign3A_6 = arith.constant 0 : i32
    %sign3A_7 = arith.cmpi sgt, %jit3A, %sign3A_6 : i32
    %sign3A_8 = arith.extui %sign3A_7 : i1 to i32
    %sign3A_9 = arith.constant 0 : i32
    %sign3A_10 = arith.cmpi slt, %jit3A, %sign3A_9 : i32
    %sign3A_11 = arith.extui %sign3A_10 : i1 to i32
    %sign3A_12 = arith.subi %sign3A_8, %sign3A_11 : i32
    %ne3A = arith.cmpi ne, %sign3A_5, %sign3A_12 : i32
    %rem3A = arith.remsi %arg1, %jit3A : i32
    %ne3A_13 = arith.constant 0 : i32
    %ne3A_14 = arith.cmpi ne, %rem3A, %ne3A_13 : i32
    %and3A = arith.andi %ne3A, %ne3A_14 : i1
    %sub3A = arith.constant 1 : i32
    %sub3A_15 = arith.subi %div3A, %sub3A : i32
    %select_n3A = arith.select %and3A, %sub3A_15, %div3A : i32
    %mul3A = arith.constant 2 : i32
    %mul3A_16 = arith.muli %arg0, %mul3A : i32
    %add3A = arith.addi %mul3A_16, %select_n3A : i32
    %jit3A_17 = arith.constant 8 : i32
    %eq3A = arith.constant 0 : i32
    %eq3A_18 = arith.cmpi eq, %jit3A_17, %eq3A : i32
    %jit3A_19 = arith.constant 1 : i32
    %select_n3A_20 = arith.select %eq3A_18, %jit3A_19, %jit3A_17 : i32
    %rem3A_21 = arith.remsi %arg1, %select_n3A_20 : i32
    %ne3A_22 = arith.constant 0 : i32
    %ne3A_23 = arith.cmpi ne, %rem3A_21, %ne3A_22 : i32
    %lt3A = arith.constant 0 : i32
    %lt3A_24 = arith.cmpi slt, %rem3A_21, %lt3A : i32
    %lt3A_25 = arith.constant 0 : i32
    %lt3A_26 = arith.cmpi slt, %select_n3A_20, %lt3A_25 : i32
    %ne3A_27 = arith.xori %lt3A_24, %lt3A_26 : i1
    %and3A_28 = arith.andi %ne3A_27, %ne3A_23 : i1
    %add3A_29 = arith.addi %rem3A_21, %select_n3A_20 : i32
    %select_n3A_30 = arith.select %and3A_28, %add3A_29, %rem3A_21 : i32
    %iota3A = tpu.iota {dimensions = array<i32: 0>} : vector<16xi32>
    %broadcast_in_dim3A = arith.constant 1.000000e+00 : f32
    %broadcast_in_dim3A_31 = vector.broadcast %broadcast_in_dim3A : f32 to vector<16xf32>
    %mul3A_32 = arith.constant 2 : i32
    %mul3A_33 = arith.muli %add3A, %mul3A_32 : i32
    %add3A_34 = arith.constant 0 : i32
    %add3A_35 = arith.addi %mul3A_33, %add3A_34 : i32
    %mul3A_36 = arith.constant 800000 : i32
    %mul3A_37 = arith.muli %add3A_35, %mul3A_36 : i32
    %mul3A_38 = arith.constant 2 : i32
    %mul3A_39 = arith.muli %add3A, %mul3A_38 : i32
    %add3A_40 = arith.constant 1 : i32
    %add3A_41 = arith.addi %mul3A_39, %add3A_40 : i32
    %mul3A_42 = arith.constant 800000 : i32
    %mul3A_43 = arith.muli %add3A_41, %mul3A_42 : i32
    %mul3A_44 = arith.constant 100000 : i32
    %mul3A_45 = arith.muli %select_n3A_30, %mul3A_44 : i32
    %mul3A_46 = arith.constant 3136 : i32
    %mul3A_47 = arith.muli %arg1, %mul3A_46 : i32
    %scan3A = arith.constant 0 : i32
    %scan3A_48 = arith.constant 0 : i32
    %scan3A_49 = arith.constant 1568 : i32
    %scan3A_50 = arith.addi %scan3A_48, %scan3A_49 : i32
    %scan3A_51 = arith.constant 1 : i32
    %scan3A_52 = scf.for %scan3A_296 = %scan3A_48 to %scan3A_50 step %scan3A_51 iter_args(%scan3A_297 = %scan3A) -> (i32)  : i32 {
      %broadcast_in_dim3A_298 = arith.constant 0.000000e+00 : f32
      %broadcast_in_dim3A_299 = vector.broadcast %broadcast_in_dim3A_298 : f32 to vector<16xf32>
      %mul3A_300 = arith.constant 16 : i32
      %mul3A_301 = arith.muli %scan3A_296, %mul3A_300 : i32
      %swap3A_302 = arith.index_cast %mul3A_301 : i32 to index
      %swap3A_303 = tpu.vector_load %arg19[%swap3A_302] {strides = array<i32>} : memref<25088xf32, #tpu.memory_space<vmem>>, vector<16xf32>,
      tpu.vector_store %arg19[%swap3A_302], %broadcast_in_dim3A_299 {strides = array<i32>} : memref<25088xf32, #tpu.memory_space<vmem>>, vector<16xf32>,
      %scan3A_304 = arith.constant 0 : i32
      scf.yield %scan3A_304 : i32
    }
    %scan3A_53 = arith.constant 1568 : i32
    %scan3A_54 = arith.constant 0 : i32
    %scan3A_55 = arith.constant 0 : i32
    %scan3A_56 = arith.constant 48 : i32
    %scan3A_57 = arith.addi %scan3A_55, %scan3A_56 : i32
    %scan3A_58 = arith.constant 1 : i32
    %scan3A_59 = scf.for %scan3A_296 = %scan3A_55 to %scan3A_57 step %scan3A_58 iter_args(%scan3A_297 = %scan3A_54) -> (i32)  : i32 {
      %mul3A_298 = arith.constant 2048 : i32
      %mul3A_299 = arith.muli %scan3A_296, %mul3A_298 : i32
      %add3A_300 = arith.addi %mul3A_45, %mul3A_299 : i32
      %add3A_301 = arith.addi %mul3A_43, %add3A_300 : i32
      "tpu.region"() ({
        %run_scoped3A = tpu.sem_alloc : memref<!tpu.dma_semaphore, #tpu.memory_space<semaphore_mem>>
        %dma_start3A = arith.constant 0 : i32
        %dma_start3A_310 = tpu.memref_slice %arg21[%dma_start3A] : memref<2048xi32, #tpu.memory_space<vmem>> -> memref<2048xi32, #tpu.memory_space<vmem>>
        %dma_start3A_311 = tpu.memref_slice %arg2[%add3A_301] : memref<6400000xi32, #tpu.memory_space<hbm>> -> memref<2048xi32, #tpu.memory_space<hbm>>
        %dma_start3A_312 = arith.constant 0 : i32
        %dma_start3A_313 = tpu.memref_slice %arg21[%dma_start3A_312] : memref<2048xi32, #tpu.memory_space<vmem>> -> memref<2048xi32, #tpu.memory_space<vmem>>
        %dma_start3A_314 = tpu.memref_slice %arg2[%add3A_301] : memref<6400000xi32, #tpu.memory_space<hbm>> -> memref<2048xi32, #tpu.memory_space<hbm>>
        tpu.enqueue_dma source(%dma_start3A_314 : memref<2048xi32, #tpu.memory_space<hbm>>) target(%dma_start3A_313 : memref<2048xi32, #tpu.memory_space<vmem>>) target_semaphore(%run_scoped3A : memref<!tpu.dma_semaphore, #tpu.memory_space<semaphore_mem>>)
        %dma_wait3A = arith.constant 0 : i32
        %dma_wait3A_315 = tpu.memref_slice %arg21[%dma_wait3A] : memref<2048xi32, #tpu.memory_space<vmem>> -> memref<2048xi32, #tpu.memory_space<vmem>>
        %dma_wait3A_316 = tpu.memref_slice %arg2[%add3A_301] : memref<6400000xi32, #tpu.memory_space<hbm>> -> memref<2048xi32, #tpu.memory_space<hbm>>
        %dma_wait3A_317 = arith.constant 0 : i32
        %dma_wait3A_318 = tpu.memref_slice %arg21[%dma_wait3A_317] : memref<2048xi32, #tpu.memory_space<vmem>> -> memref<2048xi32, #tpu.memory_space<vmem>>
        %dma_wait3A_319 = tpu.memref_slice %arg2[%add3A_301] : memref<6400000xi32, #tpu.memory_space<hbm>> -> memref<2048xi32, #tpu.memory_space<hbm>>
        tpu.wait_dma2 semaphore(%run_scoped3A : memref<!tpu.dma_semaphore, #tpu.memory_space<semaphore_mem>>) src(%dma_wait3A_319 : memref<2048xi32, #tpu.memory_space<hbm>>) dst(%dma_wait3A_318 : memref<2048xi32, #tpu.memory_space<vmem>>)
        tpu.yield
      }) : () -> ()
      %scan3A_302 = arith.constant 0 : i32
      %scan3A_303 = arith.constant 0 : i32
      %scan3A_304 = arith.constant 32 : i32
      %scan3A_305 = arith.addi %scan3A_303, %scan3A_304 : i32
      %scan3A_306 = arith.constant 1 : i32
      %scan3A_307 = scf.for %scan3A_310 = %scan3A_303 to %scan3A_305 step %scan3A_306 iter_args(%scan3A_311 = %scan3A_302) -> (i32)  : i32 {
        %mul3A_312 = arith.constant 4 : i32
        %mul3A_313 = arith.muli %scan3A_310, %mul3A_312 : i32
        %add3A_314 = arith.constant 0 : i32
        %add3A_315 = arith.addi %mul3A_313, %add3A_314 : i32
        %mul3A_316 = arith.constant 16 : i32
        %mul3A_317 = arith.muli %add3A_315, %mul3A_316 : i32
        %get3A_318 = arith.index_cast %mul3A_317 : i32 to index
        %get3A_319 = tpu.vector_load %arg21[%get3A_318] {strides = array<i32>} : memref<2048xi32, #tpu.memory_space<vmem>>, vector<16xi32>,
        tpu.vector_store_idx %arg19[%get3A_319], %broadcast_in_dim3A_31 {add = true} : memref<25088xf32, #tpu.memory_space<vmem>>[vector<16xi32>], vector<16xf32>,
        %mul3A_320 = arith.constant 4 : i32
        %mul3A_321 = arith.muli %scan3A_310, %mul3A_320 : i32
        %add3A_322 = arith.constant 1 : i32
        %add3A_323 = arith.addi %mul3A_321, %add3A_322 : i32
        %mul3A_324 = arith.constant 16 : i32
        %mul3A_325 = arith.muli %add3A_323, %mul3A_324 : i32
        %get3A_326 = arith.index_cast %mul3A_325 : i32 to index
        %get3A_327 = tpu.vector_load %arg21[%get3A_326] {strides = array<i32>} : memref<2048xi32, #tpu.memory_space<vmem>>, vector<16xi32>,
        tpu.vector_store_idx %arg19[%get3A_327], %broadcast_in_dim3A_31 {add = true} : memref<25088xf32, #tpu.memory_space<vmem>>[vector<16xi32>], vector<16xf32>,
        %mul3A_328 = arith.constant 4 : i32
        %mul3A_329 = arith.muli %scan3A_310, %mul3A_328 : i32
        %add3A_330 = arith.constant 2 : i32
        %add3A_331 = arith.addi %mul3A_329, %add3A_330 : i32
        %mul3A_332 = arith.constant 16 : i32
        %mul3A_333 = arith.muli %add3A_331, %mul3A_332 : i32
        %get3A_334 = arith.index_cast %mul3A_333 : i32 to index
        %get3A_335 = tpu.vector_load %arg21[%get3A_334] {strides = array<i32>} : memref<2048xi32, #tpu.memory_space<vmem>>, vector<16xi32>,
        tpu.vector_store_idx %arg19[%get3A_335], %broadcast_in_dim3A_31 {add = true} : memref<25088xf32, #tpu.memory_space<vmem>>[vector<16xi32>], vector<16xf32>,
        %mul3A_336 = arith.constant 4 : i32
        %mul3A_337 = arith.muli %scan3A_310, %mul3A_336 : i32
        %add3A_338 = arith.constant 3 : i32
        %add3A_339 = arith.addi %mul3A_337, %add3A_338 : i32
        %mul3A_340 = arith.constant 16 : i32
        %mul3A_341 = arith.muli %add3A_339, %mul3A_340 : i32
        %get3A_342 = arith.index_cast %mul3A_341 : i32 to index
        %get3A_343 = tpu.vector_load %arg21[%get3A_342] {strides = array<i32>} : memref<2048xi32, #tpu.memory_space<vmem>>, vector<16xi32>,
        tpu.vector_store_idx %arg19[%get3A_343], %broadcast_in_dim3A_31 {add = true} : memref<25088xf32, #tpu.memory_space<vmem>>[vector<16xi32>], vector<16xf32>,
        %scan3A_344 = arith.constant 0 : i32
        scf.yield %scan3A_344 : i32
      }
      %scan3A_308 = arith.constant 32 : i32
      %scan3A_309 = arith.constant 0 : i32
      scf.yield %scan3A_309 : i32
    }
    %scan3A_60 = arith.constant 48 : i32
    %add3A_61 = arith.constant 98304 : i32
    %add3A_62 = arith.addi %mul3A_45, %add3A_61 : i32
    %add3A_63 = arith.addi %mul3A_43, %add3A_62 : i32
    "tpu.region"() ({
      %run_scoped3A = tpu.sem_alloc : memref<!tpu.dma_semaphore, #tpu.memory_space<semaphore_mem>>
      %dma_start3A = arith.constant 0 : i32
      %dma_start3A_296 = tpu.memref_slice %arg21[%dma_start3A] : memref<2048xi32, #tpu.memory_space<vmem>> -> memref<1696xi32, #tpu.memory_space<vmem>>
      %dma_start3A_297 = tpu.memref_slice %arg2[%add3A_63] : memref<6400000xi32, #tpu.memory_space<hbm>> -> memref<1696xi32, #tpu.memory_space<hbm>>
      %dma_start3A_298 = arith.constant 0 : i32
      %dma_start3A_299 = tpu.memref_slice %arg21[%dma_start3A_298] : memref<2048xi32, #tpu.memory_space<vmem>> -> memref<1696xi32, #tpu.memory_space<vmem>>
      %dma_start3A_300 = tpu.memref_slice %arg2[%add3A_63] : memref<6400000xi32, #tpu.memory_space<hbm>> -> memref<1696xi32, #tpu.memory_space<hbm>>
      tpu.enqueue_dma source(%dma_start3A_300 : memref<1696xi32, #tpu.memory_space<hbm>>) target(%dma_start3A_299 : memref<1696xi32, #tpu.memory_space<vmem>>) target_semaphore(%run_scoped3A : memref<!tpu.dma_semaphore, #tpu.memory_space<semaphore_mem>>)
      %dma_wait3A = arith.constant 0 : i32
      %dma_wait3A_301 = tpu.memref_slice %arg21[%dma_wait3A] : memref<2048xi32, #tpu.memory_space<vmem>> -> memref<1696xi32, #tpu.memory_space<vmem>>
      %dma_wait3A_302 = tpu.memref_slice %arg2[%add3A_63] : memref<6400000xi32, #tpu.memory_space<hbm>> -> memref<1696xi32, #tpu.memory_space<hbm>>
      %dma_wait3A_303 = arith.constant 0 : i32
      %dma_wait3A_304 = tpu.memref_slice %arg21[%dma_wait3A_303] : memref<2048xi32, #tpu.memory_space<vmem>> -> memref<1696xi32, #tpu.memory_space<vmem>>
      %dma_wait3A_305 = tpu.memref_slice %arg2[%add3A_63] : memref<6400000xi32, #tpu.memory_space<hbm>> -> memref<1696xi32, #tpu.memory_space<hbm>>
      tpu.wait_dma2 semaphore(%run_scoped3A : memref<!tpu.dma_semaphore, #tpu.memory_space<semaphore_mem>>) src(%dma_wait3A_305 : memref<1696xi32, #tpu.memory_space<hbm>>) dst(%dma_wait3A_304 : memref<1696xi32, #tpu.memory_space<vmem>>)
      tpu.yield
    }) : () -> ()
    %scan3A_64 = arith.constant 0 : i32
    %scan3A_65 = arith.constant 0 : i32
    %scan3A_66 = arith.constant 26 : i32
    %scan3A_67 = arith.addi %scan3A_65, %scan3A_66 : i32
    %scan3A_68 = arith.constant 1 : i32
    %scan3A_69 = scf.for %scan3A_296 = %scan3A_65 to %scan3A_67 step %scan3A_68 iter_args(%scan3A_297 = %scan3A_64) -> (i32)  : i32 {
      %mul3A_298 = arith.constant 4 : i32
      %mul3A_299 = arith.muli %scan3A_296, %mul3A_298 : i32
      %add3A_300 = arith.constant 0 : i32
      %add3A_301 = arith.addi %mul3A_299, %add3A_300 : i32
      %mul3A_302 = arith.constant 16 : i32
      %mul3A_303 = arith.muli %add3A_301, %mul3A_302 : i32
      %get3A_304 = arith.index_cast %mul3A_303 : i32 to index
      %get3A_305 = tpu.vector_load %arg21[%get3A_304] {strides = array<i32>} : memref<2048xi32, #tpu.memory_space<vmem>>, vector<16xi32>,
      tpu.vector_store_idx %arg19[%get3A_305], %broadcast_in_dim3A_31 {add = true} : memref<25088xf32, #tpu.memory_space<vmem>>[vector<16xi32>], vector<16xf32>,
      %mul3A_306 = arith.constant 4 : i32
      %mul3A_307 = arith.muli %scan3A_296, %mul3A_306 : i32
      %add3A_308 = arith.constant 1 : i32
      %add3A_309 = arith.addi %mul3A_307, %add3A_308 : i32
      %mul3A_310 = arith.constant 16 : i32
      %mul3A_311 = arith.muli %add3A_309, %mul3A_310 : i32
      %get3A_312 = arith.index_cast %mul3A_311 : i32 to index
      %get3A_313 = tpu.vector_load %arg21[%get3A_312] {strides = array<i32>} : memref<2048xi32, #tpu.memory_space<vmem>>, vector<16xi32>,
      tpu.vector_store_idx %arg19[%get3A_313], %broadcast_in_dim3A_31 {add = true} : memref<25088xf32, #tpu.memory_space<vmem>>[vector<16xi32>], vector<16xf32>,
      %mul3A_314 = arith.constant 4 : i32
      %mul3A_315 = arith.muli %scan3A_296, %mul3A_314 : i32
      %add3A_316 = arith.constant 2 : i32
      %add3A_317 = arith.addi %mul3A_315, %add3A_316 : i32
      %mul3A_318 = arith.constant 16 : i32
      %mul3A_319 = arith.muli %add3A_317, %mul3A_318 : i32
      %get3A_320 = arith.index_cast %mul3A_319 : i32 to index
      %get3A_321 = tpu.vector_load %arg21[%get3A_320] {strides = array<i32>} : memref<2048xi32, #tpu.memory_space<vmem>>, vector<16xi32>,
      tpu.vector_store_idx %arg19[%get3A_321], %broadcast_in_dim3A_31 {add = true} : memref<25088xf32, #tpu.memory_space<vmem>>[vector<16xi32>], vector<16xf32>,
      %mul3A_322 = arith.constant 4 : i32
      %mul3A_323 = arith.muli %scan3A_296, %mul3A_322 : i32
      %add3A_324 = arith.constant 3 : i32
      %add3A_325 = arith.addi %mul3A_323, %add3A_324 : i32
      %mul3A_326 = arith.constant 16 : i32
      %mul3A_327 = arith.muli %add3A_325, %mul3A_326 : i32
      %get3A_328 = arith.index_cast %mul3A_327 : i32 to index
      %get3A_329 = tpu.vector_load %arg21[%get3A_328] {strides = array<i32>} : memref<2048xi32, #tpu.memory_space<vmem>>, vector<16xi32>,
      tpu.vector_store_idx %arg19[%get3A_329], %broadcast_in_dim3A_31 {add = true} : memref<25088xf32, #tpu.memory_space<vmem>>[vector<16xi32>], vector<16xf32>,
      %scan3A_330 = arith.constant 0 : i32
      scf.yield %scan3A_330 : i32
    }
    %scan3A_70 = arith.constant 26 : i32
    %mul3A_71 = arith.constant 25088 : i32
    %mul3A_72 = arith.muli %arg1, %mul3A_71 : i32
    "tpu.region"() ({
      %run_scoped3A = tpu.sem_alloc : memref<!tpu.dma_semaphore, #tpu.memory_space<semaphore_mem>>
      %dma_start3A = tpu.memref_slice %arg18[%mul3A_72] : memref<401408xf32, #tpu.memory_space<vmem_shared>> -> memref<25088xf32, #tpu.memory_space<vmem_shared>>
      %dma_start3A_296 = tpu.memref_slice %arg18[%mul3A_72] : memref<401408xf32, #tpu.memory_space<vmem_shared>> -> memref<25088xf32, #tpu.memory_space<vmem_shared>>
      tpu.enqueue_dma source(%arg19 : memref<25088xf32, #tpu.memory_space<vmem>>) target(%dma_start3A_296 : memref<25088xf32, #tpu.memory_space<vmem_shared>>) target_semaphore(%run_scoped3A : memref<!tpu.dma_semaphore, #tpu.memory_space<semaphore_mem>>)
      %dma_wait3A = tpu.memref_slice %arg18[%mul3A_72] : memref<401408xf32, #tpu.memory_space<vmem_shared>> -> memref<25088xf32, #tpu.memory_space<vmem_shared>>
      %dma_wait3A_297 = tpu.memref_slice %arg18[%mul3A_72] : memref<401408xf32, #tpu.memory_space<vmem_shared>> -> memref<25088xf32, #tpu.memory_space<vmem_shared>>
      tpu.wait_dma2 semaphore(%run_scoped3A : memref<!tpu.dma_semaphore, #tpu.memory_space<semaphore_mem>>) src(%arg19 : memref<25088xf32, #tpu.memory_space<vmem>>) dst(%dma_wait3A_297 : memref<25088xf32, #tpu.memory_space<vmem_shared>>)
      tpu.yield
    }) : () -> ()
    %barrier3A = arith.constant 0 : index
    tpu.barrier barrier_id(%barrier3A)
    %mul3A_73 = arith.constant 8 : i32
    %mul3A_74 = arith.muli %select_n3A, %mul3A_73 : i32
    %mul3A_75 = arith.constant 25088 : i32
    %mul3A_76 = arith.muli %mul3A_74, %mul3A_75 : i32
    %mul3A_77 = arith.constant 3136 : i32
    %mul3A_78 = arith.muli %select_n3A_30, %mul3A_77 : i32
    %add3A_79 = arith.addi %mul3A_76, %mul3A_78 : i32
    "tpu.region"() ({
      %run_scoped3A = tpu.sem_alloc : memref<!tpu.dma_semaphore, #tpu.memory_space<semaphore_mem>>
      %dma_start3A = tpu.memref_slice %arg18[%add3A_79] : memref<401408xf32, #tpu.memory_space<vmem_shared>> -> memref<3136xf32, #tpu.memory_space<vmem_shared>>
      %dma_start3A_296 = tpu.memref_slice %arg18[%add3A_79] : memref<401408xf32, #tpu.memory_space<vmem_shared>> -> memref<3136xf32, #tpu.memory_space<vmem_shared>>
      tpu.enqueue_dma source(%dma_start3A_296 : memref<3136xf32, #tpu.memory_space<vmem_shared>>) target(%arg24 : memref<3136xf32, #tpu.memory_space<vmem>>) target_semaphore(%run_scoped3A : memref<!tpu.dma_semaphore, #tpu.memory_space<semaphore_mem>>)
      %dma_wait3A = tpu.memref_slice %arg18[%add3A_79] : memref<401408xf32, #tpu.memory_space<vmem_shared>> -> memref<3136xf32, #tpu.memory_space<vmem_shared>>
      %dma_wait3A_297 = tpu.memref_slice %arg18[%add3A_79] : memref<401408xf32, #tpu.memory_space<vmem_shared>> -> memref<3136xf32, #tpu.memory_space<vmem_shared>>
      tpu.wait_dma2 semaphore(%run_scoped3A : memref<!tpu.dma_semaphore, #tpu.memory_space<semaphore_mem>>) src(%dma_wait3A_297 : memref<3136xf32, #tpu.memory_space<vmem_shared>>) dst(%arg24 : memref<3136xf32, #tpu.memory_space<vmem>>)
      tpu.yield
    }) : () -> ()
    %add3A_80 = arith.constant 25088 : i32
    %add3A_81 = arith.addi %add3A_79, %add3A_80 : i32
    "tpu.region"() ({
      %run_scoped3A = tpu.sem_alloc : memref<!tpu.dma_semaphore, #tpu.memory_space<semaphore_mem>>
      %dma_start3A = tpu.memref_slice %arg18[%add3A_81] : memref<401408xf32, #tpu.memory_space<vmem_shared>> -> memref<3136xf32, #tpu.memory_space<vmem_shared>>
      %dma_start3A_296 = tpu.memref_slice %arg18[%add3A_81] : memref<401408xf32, #tpu.memory_space<vmem_shared>> -> memref<3136xf32, #tpu.memory_space<vmem_shared>>
      tpu.enqueue_dma source(%dma_start3A_296 : memref<3136xf32, #tpu.memory_space<vmem_shared>>) target(%arg23 : memref<3136xf32, #tpu.memory_space<vmem>>) target_semaphore(%run_scoped3A : memref<!tpu.dma_semaphore, #tpu.memory_space<semaphore_mem>>)
      %dma_wait3A = tpu.memref_slice %arg18[%add3A_81] : memref<401408xf32, #tpu.memory_space<vmem_shared>> -> memref<3136xf32, #tpu.memory_space<vmem_shared>>
      %dma_wait3A_297 = tpu.memref_slice %arg18[%add3A_81] : memref<401408xf32, #tpu.memory_space<vmem_shared>> -> memref<3136xf32, #tpu.memory_space<vmem_shared>>
      tpu.wait_dma2 semaphore(%run_scoped3A : memref<!tpu.dma_semaphore, #tpu.memory_space<semaphore_mem>>) src(%dma_wait3A_297 : memref<3136xf32, #tpu.memory_space<vmem_shared>>) dst(%arg23 : memref<3136xf32, #tpu.memory_space<vmem>>)
      tpu.yield
    }) : () -> ()
    %scan3A_82 = arith.constant 0 : i32
    %scan3A_83 = arith.constant 0 : i32
    %scan3A_84 = arith.constant 49 : i32
    %scan3A_85 = arith.addi %scan3A_83, %scan3A_84 : i32
    %scan3A_86 = arith.constant 1 : i32
    %scan3A_87 = scf.for %scan3A_296 = %scan3A_83 to %scan3A_85 step %scan3A_86 iter_args(%scan3A_297 = %scan3A_82) -> (i32)  : i32 {
      %mul3A_298 = arith.constant 4 : i32
      %mul3A_299 = arith.muli %scan3A_296, %mul3A_298 : i32
      %add3A_300 = arith.constant 0 : i32
      %add3A_301 = arith.addi %mul3A_299, %add3A_300 : i32
      %mul3A_302 = arith.constant 16 : i32
      %mul3A_303 = arith.muli %add3A_301, %mul3A_302 : i32
      %get3A_304 = arith.index_cast %mul3A_303 : i32 to index
      %get3A_305 = tpu.vector_load %arg24[%get3A_304] {strides = array<i32>} : memref<3136xf32, #tpu.memory_space<vmem>>, vector<16xf32>,
      %get3A_306 = arith.index_cast %mul3A_303 : i32 to index
      %get3A_307 = tpu.vector_load %arg23[%get3A_306] {strides = array<i32>} : memref<3136xf32, #tpu.memory_space<vmem>>, vector<16xf32>,
      %add3A_308 = arith.addf %get3A_305, %get3A_307 : vector<16xf32>
      %swap3A_309 = arith.index_cast %mul3A_303 : i32 to index
      %swap3A_310 = tpu.vector_load %arg24[%swap3A_309] {strides = array<i32>} : memref<3136xf32, #tpu.memory_space<vmem>>, vector<16xf32>,
      tpu.vector_store %arg24[%swap3A_309], %add3A_308 {strides = array<i32>} : memref<3136xf32, #tpu.memory_space<vmem>>, vector<16xf32>,
      %mul3A_311 = arith.constant 4 : i32
      %mul3A_312 = arith.muli %scan3A_296, %mul3A_311 : i32
      %add3A_313 = arith.constant 1 : i32
      %add3A_314 = arith.addi %mul3A_312, %add3A_313 : i32
      %mul3A_315 = arith.constant 16 : i32
      %mul3A_316 = arith.muli %add3A_314, %mul3A_315 : i32
      %get3A_317 = arith.index_cast %mul3A_316 : i32 to index
      %get3A_318 = tpu.vector_load %arg24[%get3A_317] {strides = array<i32>} : memref<3136xf32, #tpu.memory_space<vmem>>, vector<16xf32>,
      %get3A_319 = arith.index_cast %mul3A_316 : i32 to index
      %get3A_320 = tpu.vector_load %arg23[%get3A_319] {strides = array<i32>} : memref<3136xf32, #tpu.memory_space<vmem>>, vector<16xf32>,
      %add3A_321 = arith.addf %get3A_318, %get3A_320 : vector<16xf32>
      %swap3A_322 = arith.index_cast %mul3A_316 : i32 to index
      %swap3A_323 = tpu.vector_load %arg24[%swap3A_322] {strides = array<i32>} : memref<3136xf32, #tpu.memory_space<vmem>>, vector<16xf32>,
      tpu.vector_store %arg24[%swap3A_322], %add3A_321 {strides = array<i32>} : memref<3136xf32, #tpu.memory_space<vmem>>, vector<16xf32>,
      %mul3A_324 = arith.constant 4 : i32
      %mul3A_325 = arith.muli %scan3A_296, %mul3A_324 : i32
      %add3A_326 = arith.constant 2 : i32
      %add3A_327 = arith.addi %mul3A_325, %add3A_326 : i32
      %mul3A_328 = arith.constant 16 : i32
      %mul3A_329 = arith.muli %add3A_327, %mul3A_328 : i32
      %get3A_330 = arith.index_cast %mul3A_329 : i32 to index
      %get3A_331 = tpu.vector_load %arg24[%get3A_330] {strides = array<i32>} : memref<3136xf32, #tpu.memory_space<vmem>>, vector<16xf32>,
      %get3A_332 = arith.index_cast %mul3A_329 : i32 to index
      %get3A_333 = tpu.vector_load %arg23[%get3A_332] {strides = array<i32>} : memref<3136xf32, #tpu.memory_space<vmem>>, vector<16xf32>,
      %add3A_334 = arith.addf %get3A_331, %get3A_333 : vector<16xf32>
      %swap3A_335 = arith.index_cast %mul3A_329 : i32 to index
      %swap3A_336 = tpu.vector_load %arg24[%swap3A_335] {strides = array<i32>} : memref<3136xf32, #tpu.memory_space<vmem>>, vector<16xf32>,
      tpu.vector_store %arg24[%swap3A_335], %add3A_334 {strides = array<i32>} : memref<3136xf32, #tpu.memory_space<vmem>>, vector<16xf32>,
      %mul3A_337 = arith.constant 4 : i32
      %mul3A_338 = arith.muli %scan3A_296, %mul3A_337 : i32
      %add3A_339 = arith.constant 3 : i32
      %add3A_340 = arith.addi %mul3A_338, %add3A_339 : i32
      %mul3A_341 = arith.constant 16 : i32
      %mul3A_342 = arith.muli %add3A_340, %mul3A_341 : i32
      %get3A_343 = arith.index_cast %mul3A_342 : i32 to index
      %get3A_344 = tpu.vector_load %arg24[%get3A_343] {strides = array<i32>} : memref<3136xf32, #tpu.memory_space<vmem>>, vector<16xf32>,
      %get3A_345 = arith.index_cast %mul3A_342 : i32 to index
      %get3A_346 = tpu.vector_load %arg23[%get3A_345] {strides = array<i32>} : memref<3136xf32, #tpu.memory_space<vmem>>, vector<16xf32>,
      %add3A_347 = arith.addf %get3A_344, %get3A_346 : vector<16xf32>
      %swap3A_348 = arith.index_cast %mul3A_342 : i32 to index
      %swap3A_349 = tpu.vector_load %arg24[%swap3A_348] {strides = array<i32>} : memref<3136xf32, #tpu.memory_space<vmem>>, vector<16xf32>,
      tpu.vector_store %arg24[%swap3A_348], %add3A_347 {strides = array<i32>} : memref<3136xf32, #tpu.memory_space<vmem>>, vector<16xf32>,
      %scan3A_350 = arith.constant 0 : i32
      scf.yield %scan3A_350 : i32
    }
    %scan3A_88 = arith.constant 49 : i32
    %add3A_89 = arith.constant 50176 : i32
    %add3A_90 = arith.addi %add3A_79, %add3A_89 : i32
    "tpu.region"() ({
      %run_scoped3A = tpu.sem_alloc : memref<!tpu.dma_semaphore, #tpu.memory_space<semaphore_mem>>
      %dma_start3A = tpu.memref_slice %arg18[%add3A_90] : memref<401408xf32, #tpu.memory_space<vmem_shared>> -> memref<3136xf32, #tpu.memory_space<vmem_shared>>
      %dma_start3A_296 = tpu.memref_slice %arg18[%add3A_90] : memref<401408xf32, #tpu.memory_space<vmem_shared>> -> memref<3136xf32, #tpu.memory_space<vmem_shared>>
      tpu.enqueue_dma source(%dma_start3A_296 : memref<3136xf32, #tpu.memory_space<vmem_shared>>) target(%arg23 : memref<3136xf32, #tpu.memory_space<vmem>>) target_semaphore(%run_scoped3A : memref<!tpu.dma_semaphore, #tpu.memory_space<semaphore_mem>>)
      %dma_wait3A = tpu.memref_slice %arg18[%add3A_90] : memref<401408xf32, #tpu.memory_space<vmem_shared>> -> memref<3136xf32, #tpu.memory_space<vmem_shared>>
      %dma_wait3A_297 = tpu.memref_slice %arg18[%add3A_90] : memref<401408xf32, #tpu.memory_space<vmem_shared>> -> memref<3136xf32, #tpu.memory_space<vmem_shared>>
      tpu.wait_dma2 semaphore(%run_scoped3A : memref<!tpu.dma_semaphore, #tpu.memory_space<semaphore_mem>>) src(%dma_wait3A_297 : memref<3136xf32, #tpu.memory_space<vmem_shared>>) dst(%arg23 : memref<3136xf32, #tpu.memory_space<vmem>>)
      tpu.yield
    }) : () -> ()
    %scan3A_91 = arith.constant 0 : i32
    %scan3A_92 = arith.constant 0 : i32
    %scan3A_93 = arith.constant 49 : i32
    %scan3A_94 = arith.addi %scan3A_92, %scan3A_93 : i32
    %scan3A_95 = arith.constant 1 : i32
    %scan3A_96 = scf.for %scan3A_296 = %scan3A_92 to %scan3A_94 step %scan3A_95 iter_args(%scan3A_297 = %scan3A_91) -> (i32)  : i32 {
      %mul3A_298 = arith.constant 4 : i32
      %mul3A_299 = arith.muli %scan3A_296, %mul3A_298 : i32
      %add3A_300 = arith.constant 0 : i32
      %add3A_301 = arith.addi %mul3A_299, %add3A_300 : i32
      %mul3A_302 = arith.constant 16 : i32
      %mul3A_303 = arith.muli %add3A_301, %mul3A_302 : i32
      %get3A_304 = arith.index_cast %mul3A_303 : i32 to index
      %get3A_305 = tpu.vector_load %arg24[%get3A_304] {strides = array<i32>} : memref<3136xf32, #tpu.memory_space<vmem>>, vector<16xf32>,
      %get3A_306 = arith.index_cast %mul3A_303 : i32 to index
      %get3A_307 = tpu.vector_load %arg23[%get3A_306] {strides = array<i32>} : memref<3136xf32, #tpu.memory_space<vmem>>, vector<16xf32>,
      %add3A_308 = arith.addf %get3A_305, %get3A_307 : vector<16xf32>
      %swap3A_309 = arith.index_cast %mul3A_303 : i32 to index
      %swap3A_310 = tpu.vector_load %arg24[%swap3A_309] {strides = array<i32>} : memref<3136xf32, #tpu.memory_space<vmem>>, vector<16xf32>,
      tpu.vector_store %arg24[%swap3A_309], %add3A_308 {strides = array<i32>} : memref<3136xf32, #tpu.memory_space<vmem>>, vector<16xf32>,
      %mul3A_311 = arith.constant 4 : i32
      %mul3A_312 = arith.muli %scan3A_296, %mul3A_311 : i32
      %add3A_313 = arith.constant 1 : i32
      %add3A_314 = arith.addi %mul3A_312, %add3A_313 : i32
      %mul3A_315 = arith.constant 16 : i32
      %mul3A_316 = arith.muli %add3A_314, %mul3A_315 : i32
      %get3A_317 = arith.index_cast %mul3A_316 : i32 to index
      %get3A_318 = tpu.vector_load %arg24[%get3A_317] {strides = array<i32>} : memref<3136xf32, #tpu.memory_space<vmem>>, vector<16xf32>,
      %get3A_319 = arith.index_cast %mul3A_316 : i32 to index
      %get3A_320 = tpu.vector_load %arg23[%get3A_319] {strides = array<i32>} : memref<3136xf32, #tpu.memory_space<vmem>>, vector<16xf32>,
      %add3A_321 = arith.addf %get3A_318, %get3A_320 : vector<16xf32>
      %swap3A_322 = arith.index_cast %mul3A_316 : i32 to index
      %swap3A_323 = tpu.vector_load %arg24[%swap3A_322] {strides = array<i32>} : memref<3136xf32, #tpu.memory_space<vmem>>, vector<16xf32>,
      tpu.vector_store %arg24[%swap3A_322], %add3A_321 {strides = array<i32>} : memref<3136xf32, #tpu.memory_space<vmem>>, vector<16xf32>,
      %mul3A_324 = arith.constant 4 : i32
      %mul3A_325 = arith.muli %scan3A_296, %mul3A_324 : i32
      %add3A_326 = arith.constant 2 : i32
      %add3A_327 = arith.addi %mul3A_325, %add3A_326 : i32
      %mul3A_328 = arith.constant 16 : i32
      %mul3A_329 = arith.muli %add3A_327, %mul3A_328 : i32
      %get3A_330 = arith.index_cast %mul3A_329 : i32 to index
      %get3A_331 = tpu.vector_load %arg24[%get3A_330] {strides = array<i32>} : memref<3136xf32, #tpu.memory_space<vmem>>, vector<16xf32>,
      %get3A_332 = arith.index_cast %mul3A_329 : i32 to index
      %get3A_333 = tpu.vector_load %arg23[%get3A_332] {strides = array<i32>} : memref<3136xf32, #tpu.memory_space<vmem>>, vector<16xf32>,
      %add3A_334 = arith.addf %get3A_331, %get3A_333 : vector<16xf32>
      %swap3A_335 = arith.index_cast %mul3A_329 : i32 to index
      %swap3A_336 = tpu.vector_load %arg24[%swap3A_335] {strides = array<i32>} : memref<3136xf32, #tpu.memory_space<vmem>>, vector<16xf32>,
      tpu.vector_store %arg24[%swap3A_335], %add3A_334 {strides = array<i32>} : memref<3136xf32, #tpu.memory_space<vmem>>, vector<16xf32>,
      %mul3A_337 = arith.constant 4 : i32
      %mul3A_338 = arith.muli %scan3A_296, %mul3A_337 : i32
      %add3A_339 = arith.constant 3 : i32
      %add3A_340 = arith.addi %mul3A_338, %add3A_339 : i32
      %mul3A_341 = arith.constant 16 : i32
      %mul3A_342 = arith.muli %add3A_340, %mul3A_341 : i32
      %get3A_343 = arith.index_cast %mul3A_342 : i32 to index
      %get3A_344 = tpu.vector_load %arg24[%get3A_343] {strides = array<i32>} : memref<3136xf32, #tpu.memory_space<vmem>>, vector<16xf32>,
      %get3A_345 = arith.index_cast %mul3A_342 : i32 to index
      %get3A_346 = tpu.vector_load %arg23[%get3A_345] {strides = array<i32>} : memref<3136xf32, #tpu.memory_space<vmem>>, vector<16xf32>,
      %add3A_347 = arith.addf %get3A_344, %get3A_346 : vector<16xf32>
      %swap3A_348 = arith.index_cast %mul3A_342 : i32 to index
      %swap3A_349 = tpu.vector_load %arg24[%swap3A_348] {strides = array<i32>} : memref<3136xf32, #tpu.memory_space<vmem>>, vector<16xf32>,
      tpu.vector_store %arg24[%swap3A_348], %add3A_347 {strides = array<i32>} : memref<3136xf32, #tpu.memory_space<vmem>>, vector<16xf32>,
      %scan3A_350 = arith.constant 0 : i32
      scf.yield %scan3A_350 : i32
    }
    %scan3A_97 = arith.constant 49 : i32
    %add3A_98 = arith.constant 75264 : i32
    %add3A_99 = arith.addi %add3A_79, %add3A_98 : i32
    "tpu.region"() ({
      %run_scoped3A = tpu.sem_alloc : memref<!tpu.dma_semaphore, #tpu.memory_space<semaphore_mem>>
      %dma_start3A = tpu.memref_slice %arg18[%add3A_99] : memref<401408xf32, #tpu.memory_space<vmem_shared>> -> memref<3136xf32, #tpu.memory_space<vmem_shared>>
      %dma_start3A_296 = tpu.memref_slice %arg18[%add3A_99] : memref<401408xf32, #tpu.memory_space<vmem_shared>> -> memref<3136xf32, #tpu.memory_space<vmem_shared>>
      tpu.enqueue_dma source(%dma_start3A_296 : memref<3136xf32, #tpu.memory_space<vmem_shared>>) target(%arg23 : memref<3136xf32, #tpu.memory_space<vmem>>) target_semaphore(%run_scoped3A : memref<!tpu.dma_semaphore, #tpu.memory_space<semaphore_mem>>)
      %dma_wait3A = tpu.memref_slice %arg18[%add3A_99] : memref<401408xf32, #tpu.memory_space<vmem_shared>> -> memref<3136xf32, #tpu.memory_space<vmem_shared>>
      %dma_wait3A_297 = tpu.memref_slice %arg18[%add3A_99] : memref<401408xf32, #tpu.memory_space<vmem_shared>> -> memref<3136xf32, #tpu.memory_space<vmem_shared>>
      tpu.wait_dma2 semaphore(%run_scoped3A : memref<!tpu.dma_semaphore, #tpu.memory_space<semaphore_mem>>) src(%dma_wait3A_297 : memref<3136xf32, #tpu.memory_space<vmem_shared>>) dst(%arg23 : memref<3136xf32, #tpu.memory_space<vmem>>)
      tpu.yield
    }) : () -> ()
    %scan3A_100 = arith.constant 0 : i32
    %scan3A_101 = arith.constant 0 : i32
    %scan3A_102 = arith.constant 49 : i32
    %scan3A_103 = arith.addi %scan3A_101, %scan3A_102 : i32
    %scan3A_104 = arith.constant 1 : i32
    %scan3A_105 = scf.for %scan3A_296 = %scan3A_101 to %scan3A_103 step %scan3A_104 iter_args(%scan3A_297 = %scan3A_100) -> (i32)  : i32 {
      %mul3A_298 = arith.constant 4 : i32
      %mul3A_299 = arith.muli %scan3A_296, %mul3A_298 : i32
      %add3A_300 = arith.constant 0 : i32
      %add3A_301 = arith.addi %mul3A_299, %add3A_300 : i32
      %mul3A_302 = arith.constant 16 : i32
      %mul3A_303 = arith.muli %add3A_301, %mul3A_302 : i32
      %get3A_304 = arith.index_cast %mul3A_303 : i32 to index
      %get3A_305 = tpu.vector_load %arg24[%get3A_304] {strides = array<i32>} : memref<3136xf32, #tpu.memory_space<vmem>>, vector<16xf32>,
      %get3A_306 = arith.index_cast %mul3A_303 : i32 to index
      %get3A_307 = tpu.vector_load %arg23[%get3A_306] {strides = array<i32>} : memref<3136xf32, #tpu.memory_space<vmem>>, vector<16xf32>,
      %add3A_308 = arith.addf %get3A_305, %get3A_307 : vector<16xf32>
      %swap3A_309 = arith.index_cast %mul3A_303 : i32 to index
      %swap3A_310 = tpu.vector_load %arg24[%swap3A_309] {strides = array<i32>} : memref<3136xf32, #tpu.memory_space<vmem>>, vector<16xf32>,
      tpu.vector_store %arg24[%swap3A_309], %add3A_308 {strides = array<i32>} : memref<3136xf32, #tpu.memory_space<vmem>>, vector<16xf32>,
      %mul3A_311 = arith.constant 4 : i32
      %mul3A_312 = arith.muli %scan3A_296, %mul3A_311 : i32
      %add3A_313 = arith.constant 1 : i32
      %add3A_314 = arith.addi %mul3A_312, %add3A_313 : i32
      %mul3A_315 = arith.constant 16 : i32
      %mul3A_316 = arith.muli %add3A_314, %mul3A_315 : i32
      %get3A_317 = arith.index_cast %mul3A_316 : i32 to index
      %get3A_318 = tpu.vector_load %arg24[%get3A_317] {strides = array<i32>} : memref<3136xf32, #tpu.memory_space<vmem>>, vector<16xf32>,
      %get3A_319 = arith.index_cast %mul3A_316 : i32 to index
      %get3A_320 = tpu.vector_load %arg23[%get3A_319] {strides = array<i32>} : memref<3136xf32, #tpu.memory_space<vmem>>, vector<16xf32>,
      %add3A_321 = arith.addf %get3A_318, %get3A_320 : vector<16xf32>
      %swap3A_322 = arith.index_cast %mul3A_316 : i32 to index
      %swap3A_323 = tpu.vector_load %arg24[%swap3A_322] {strides = array<i32>} : memref<3136xf32, #tpu.memory_space<vmem>>, vector<16xf32>,
      tpu.vector_store %arg24[%swap3A_322], %add3A_321 {strides = array<i32>} : memref<3136xf32, #tpu.memory_space<vmem>>, vector<16xf32>,
      %mul3A_324 = arith.constant 4 : i32
      %mul3A_325 = arith.muli %scan3A_296, %mul3A_324 : i32
      %add3A_326 = arith.constant 2 : i32
      %add3A_327 = arith.addi %mul3A_325, %add3A_326 : i32
      %mul3A_328 = arith.constant 16 : i32
      %mul3A_329 = arith.muli %add3A_327, %mul3A_328 : i32
      %get3A_330 = arith.index_cast %mul3A_329 : i32 to index
      %get3A_331 = tpu.vector_load %arg24[%get3A_330] {strides = array<i32>} : memref<3136xf32, #tpu.memory_space<vmem>>, vector<16xf32>,
      %get3A_332 = arith.index_cast %mul3A_329 : i32 to index
      %get3A_333 = tpu.vector_load %arg23[%get3A_332] {strides = array<i32>} : memref<3136xf32, #tpu.memory_space<vmem>>, vector<16xf32>,
      %add3A_334 = arith.addf %get3A_331, %get3A_333 : vector<16xf32>
      %swap3A_335 = arith.index_cast %mul3A_329 : i32 to index
      %swap3A_336 = tpu.vector_load %arg24[%swap3A_335] {strides = array<i32>} : memref<3136xf32, #tpu.memory_space<vmem>>, vector<16xf32>,
      tpu.vector_store %arg24[%swap3A_335], %add3A_334 {strides = array<i32>} : memref<3136xf32, #tpu.memory_space<vmem>>, vector<16xf32>,
      %mul3A_337 = arith.constant 4 : i32
      %mul3A_338 = arith.muli %scan3A_296, %mul3A_337 : i32
      %add3A_339 = arith.constant 3 : i32
      %add3A_340 = arith.addi %mul3A_338, %add3A_339 : i32
      %mul3A_341 = arith.constant 16 : i32
      %mul3A_342 = arith.muli %add3A_340, %mul3A_341 : i32
      %get3A_343 = arith.index_cast %mul3A_342 : i32 to index
      %get3A_344 = tpu.vector_load %arg24[%get3A_343] {strides = array<i32>} : memref<3136xf32, #tpu.memory_space<vmem>>, vector<16xf32>,
      %get3A_345 = arith.index_cast %mul3A_342 : i32 to index
      %get3A_346 = tpu.vector_load %arg23[%get3A_345] {strides = array<i32>} : memref<3136xf32, #tpu.memory_space<vmem>>, vector<16xf32>,
      %add3A_347 = arith.addf %get3A_344, %get3A_346 : vector<16xf32>
      %swap3A_348 = arith.index_cast %mul3A_342 : i32 to index
      %swap3A_349 = tpu.vector_load %arg24[%swap3A_348] {strides = array<i32>} : memref<3136xf32, #tpu.memory_space<vmem>>, vector<16xf32>,
      tpu.vector_store %arg24[%swap3A_348], %add3A_347 {strides = array<i32>} : memref<3136xf32, #tpu.memory_space<vmem>>, vector<16xf32>,
      %scan3A_350 = arith.constant 0 : i32
      scf.yield %scan3A_350 : i32
    }
    %scan3A_106 = arith.constant 49 : i32
    %add3A_107 = arith.constant 100352 : i32
    %add3A_108 = arith.addi %add3A_79, %add3A_107 : i32
    "tpu.region"() ({
      %run_scoped3A = tpu.sem_alloc : memref<!tpu.dma_semaphore, #tpu.memory_space<semaphore_mem>>
      %dma_start3A = tpu.memref_slice %arg18[%add3A_108] : memref<401408xf32, #tpu.memory_space<vmem_shared>> -> memref<3136xf32, #tpu.memory_space<vmem_shared>>
      %dma_start3A_296 = tpu.memref_slice %arg18[%add3A_108] : memref<401408xf32, #tpu.memory_space<vmem_shared>> -> memref<3136xf32, #tpu.memory_space<vmem_shared>>
      tpu.enqueue_dma source(%dma_start3A_296 : memref<3136xf32, #tpu.memory_space<vmem_shared>>) target(%arg23 : memref<3136xf32, #tpu.memory_space<vmem>>) target_semaphore(%run_scoped3A : memref<!tpu.dma_semaphore, #tpu.memory_space<semaphore_mem>>)
      %dma_wait3A = tpu.memref_slice %arg18[%add3A_108] : memref<401408xf32, #tpu.memory_space<vmem_shared>> -> memref<3136xf32, #tpu.memory_space<vmem_shared>>
      %dma_wait3A_297 = tpu.memref_slice %arg18[%add3A_108] : memref<401408xf32, #tpu.memory_space<vmem_shared>> -> memref<3136xf32, #tpu.memory_space<vmem_shared>>
      tpu.wait_dma2 semaphore(%run_scoped3A : memref<!tpu.dma_semaphore, #tpu.memory_space<semaphore_mem>>) src(%dma_wait3A_297 : memref<3136xf32, #tpu.memory_space<vmem_shared>>) dst(%arg23 : memref<3136xf32, #tpu.memory_space<vmem>>)
      tpu.yield
    }) : () -> ()
    %scan3A_109 = arith.constant 0 : i32
    %scan3A_110 = arith.constant 0 : i32
    %scan3A_111 = arith.constant 49 : i32
    %scan3A_112 = arith.addi %scan3A_110, %scan3A_111 : i32
    %scan3A_113 = arith.constant 1 : i32
    %scan3A_114 = scf.for %scan3A_296 = %scan3A_110 to %scan3A_112 step %scan3A_113 iter_args(%scan3A_297 = %scan3A_109) -> (i32)  : i32 {
      %mul3A_298 = arith.constant 4 : i32
      %mul3A_299 = arith.muli %scan3A_296, %mul3A_298 : i32
      %add3A_300 = arith.constant 0 : i32
      %add3A_301 = arith.addi %mul3A_299, %add3A_300 : i32
      %mul3A_302 = arith.constant 16 : i32
      %mul3A_303 = arith.muli %add3A_301, %mul3A_302 : i32
      %get3A_304 = arith.index_cast %mul3A_303 : i32 to index
      %get3A_305 = tpu.vector_load %arg24[%get3A_304] {strides = array<i32>} : memref<3136xf32, #tpu.memory_space<vmem>>, vector<16xf32>,
      %get3A_306 = arith.index_cast %mul3A_303 : i32 to index
      %get3A_307 = tpu.vector_load %arg23[%get3A_306] {strides = array<i32>} : memref<3136xf32, #tpu.memory_space<vmem>>, vector<16xf32>,
      %add3A_308 = arith.addf %get3A_305, %get3A_307 : vector<16xf32>
      %swap3A_309 = arith.index_cast %mul3A_303 : i32 to index
      %swap3A_310 = tpu.vector_load %arg24[%swap3A_309] {strides = array<i32>} : memref<3136xf32, #tpu.memory_space<vmem>>, vector<16xf32>,
      tpu.vector_store %arg24[%swap3A_309], %add3A_308 {strides = array<i32>} : memref<3136xf32, #tpu.memory_space<vmem>>, vector<16xf32>,
      %mul3A_311 = arith.constant 4 : i32
      %mul3A_312 = arith.muli %scan3A_296, %mul3A_311 : i32
      %add3A_313 = arith.constant 1 : i32
      %add3A_314 = arith.addi %mul3A_312, %add3A_313 : i32
      %mul3A_315 = arith.constant 16 : i32
      %mul3A_316 = arith.muli %add3A_314, %mul3A_315 : i32
      %get3A_317 = arith.index_cast %mul3A_316 : i32 to index
      %get3A_318 = tpu.vector_load %arg24[%get3A_317] {strides = array<i32>} : memref<3136xf32, #tpu.memory_space<vmem>>, vector<16xf32>,
      %get3A_319 = arith.index_cast %mul3A_316 : i32 to index
      %get3A_320 = tpu.vector_load %arg23[%get3A_319] {strides = array<i32>} : memref<3136xf32, #tpu.memory_space<vmem>>, vector<16xf32>,
      %add3A_321 = arith.addf %get3A_318, %get3A_320 : vector<16xf32>
      %swap3A_322 = arith.index_cast %mul3A_316 : i32 to index
      %swap3A_323 = tpu.vector_load %arg24[%swap3A_322] {strides = array<i32>} : memref<3136xf32, #tpu.memory_space<vmem>>, vector<16xf32>,
      tpu.vector_store %arg24[%swap3A_322], %add3A_321 {strides = array<i32>} : memref<3136xf32, #tpu.memory_space<vmem>>, vector<16xf32>,
      %mul3A_324 = arith.constant 4 : i32
      %mul3A_325 = arith.muli %scan3A_296, %mul3A_324 : i32
      %add3A_326 = arith.constant 2 : i32
      %add3A_327 = arith.addi %mul3A_325, %add3A_326 : i32
      %mul3A_328 = arith.constant 16 : i32
      %mul3A_329 = arith.muli %add3A_327, %mul3A_328 : i32
      %get3A_330 = arith.index_cast %mul3A_329 : i32 to index
      %get3A_331 = tpu.vector_load %arg24[%get3A_330] {strides = array<i32>} : memref<3136xf32, #tpu.memory_space<vmem>>, vector<16xf32>,
      %get3A_332 = arith.index_cast %mul3A_329 : i32 to index
      %get3A_333 = tpu.vector_load %arg23[%get3A_332] {strides = array<i32>} : memref<3136xf32, #tpu.memory_space<vmem>>, vector<16xf32>,
      %add3A_334 = arith.addf %get3A_331, %get3A_333 : vector<16xf32>
      %swap3A_335 = arith.index_cast %mul3A_329 : i32 to index
      %swap3A_336 = tpu.vector_load %arg24[%swap3A_335] {strides = array<i32>} : memref<3136xf32, #tpu.memory_space<vmem>>, vector<16xf32>,
      tpu.vector_store %arg24[%swap3A_335], %add3A_334 {strides = array<i32>} : memref<3136xf32, #tpu.memory_space<vmem>>, vector<16xf32>,
      %mul3A_337 = arith.constant 4 : i32
      %mul3A_338 = arith.muli %scan3A_296, %mul3A_337 : i32
      %add3A_339 = arith.constant 3 : i32
      %add3A_340 = arith.addi %mul3A_338, %add3A_339 : i32
      %mul3A_341 = arith.constant 16 : i32
      %mul3A_342 = arith.muli %add3A_340, %mul3A_341 : i32
      %get3A_343 = arith.index_cast %mul3A_342 : i32 to index
      %get3A_344 = tpu.vector_load %arg24[%get3A_343] {strides = array<i32>} : memref<3136xf32, #tpu.memory_space<vmem>>, vector<16xf32>,
      %get3A_345 = arith.index_cast %mul3A_342 : i32 to index
      %get3A_346 = tpu.vector_load %arg23[%get3A_345] {strides = array<i32>} : memref<3136xf32, #tpu.memory_space<vmem>>, vector<16xf32>,
      %add3A_347 = arith.addf %get3A_344, %get3A_346 : vector<16xf32>
      %swap3A_348 = arith.index_cast %mul3A_342 : i32 to index
      %swap3A_349 = tpu.vector_load %arg24[%swap3A_348] {strides = array<i32>} : memref<3136xf32, #tpu.memory_space<vmem>>, vector<16xf32>,
      tpu.vector_store %arg24[%swap3A_348], %add3A_347 {strides = array<i32>} : memref<3136xf32, #tpu.memory_space<vmem>>, vector<16xf32>,
      %scan3A_350 = arith.constant 0 : i32
      scf.yield %scan3A_350 : i32
    }
    %scan3A_115 = arith.constant 49 : i32
    %add3A_116 = arith.constant 125440 : i32
    %add3A_117 = arith.addi %add3A_79, %add3A_116 : i32
    "tpu.region"() ({
      %run_scoped3A = tpu.sem_alloc : memref<!tpu.dma_semaphore, #tpu.memory_space<semaphore_mem>>
      %dma_start3A = tpu.memref_slice %arg18[%add3A_117] : memref<401408xf32, #tpu.memory_space<vmem_shared>> -> memref<3136xf32, #tpu.memory_space<vmem_shared>>
      %dma_start3A_296 = tpu.memref_slice %arg18[%add3A_117] : memref<401408xf32, #tpu.memory_space<vmem_shared>> -> memref<3136xf32, #tpu.memory_space<vmem_shared>>
      tpu.enqueue_dma source(%dma_start3A_296 : memref<3136xf32, #tpu.memory_space<vmem_shared>>) target(%arg23 : memref<3136xf32, #tpu.memory_space<vmem>>) target_semaphore(%run_scoped3A : memref<!tpu.dma_semaphore, #tpu.memory_space<semaphore_mem>>)
      %dma_wait3A = tpu.memref_slice %arg18[%add3A_117] : memref<401408xf32, #tpu.memory_space<vmem_shared>> -> memref<3136xf32, #tpu.memory_space<vmem_shared>>
      %dma_wait3A_297 = tpu.memref_slice %arg18[%add3A_117] : memref<401408xf32, #tpu.memory_space<vmem_shared>> -> memref<3136xf32, #tpu.memory_space<vmem_shared>>
      tpu.wait_dma2 semaphore(%run_scoped3A : memref<!tpu.dma_semaphore, #tpu.memory_space<semaphore_mem>>) src(%dma_wait3A_297 : memref<3136xf32, #tpu.memory_space<vmem_shared>>) dst(%arg23 : memref<3136xf32, #tpu.memory_space<vmem>>)
      tpu.yield
    }) : () -> ()
    %scan3A_118 = arith.constant 0 : i32
    %scan3A_119 = arith.constant 0 : i32
    %scan3A_120 = arith.constant 49 : i32
    %scan3A_121 = arith.addi %scan3A_119, %scan3A_120 : i32
    %scan3A_122 = arith.constant 1 : i32
    %scan3A_123 = scf.for %scan3A_296 = %scan3A_119 to %scan3A_121 step %scan3A_122 iter_args(%scan3A_297 = %scan3A_118) -> (i32)  : i32 {
      %mul3A_298 = arith.constant 4 : i32
      %mul3A_299 = arith.muli %scan3A_296, %mul3A_298 : i32
      %add3A_300 = arith.constant 0 : i32
      %add3A_301 = arith.addi %mul3A_299, %add3A_300 : i32
      %mul3A_302 = arith.constant 16 : i32
      %mul3A_303 = arith.muli %add3A_301, %mul3A_302 : i32
      %get3A_304 = arith.index_cast %mul3A_303 : i32 to index
      %get3A_305 = tpu.vector_load %arg24[%get3A_304] {strides = array<i32>} : memref<3136xf32, #tpu.memory_space<vmem>>, vector<16xf32>,
      %get3A_306 = arith.index_cast %mul3A_303 : i32 to index
      %get3A_307 = tpu.vector_load %arg23[%get3A_306] {strides = array<i32>} : memref<3136xf32, #tpu.memory_space<vmem>>, vector<16xf32>,
      %add3A_308 = arith.addf %get3A_305, %get3A_307 : vector<16xf32>
      %swap3A_309 = arith.index_cast %mul3A_303 : i32 to index
      %swap3A_310 = tpu.vector_load %arg24[%swap3A_309] {strides = array<i32>} : memref<3136xf32, #tpu.memory_space<vmem>>, vector<16xf32>,
      tpu.vector_store %arg24[%swap3A_309], %add3A_308 {strides = array<i32>} : memref<3136xf32, #tpu.memory_space<vmem>>, vector<16xf32>,
      %mul3A_311 = arith.constant 4 : i32
      %mul3A_312 = arith.muli %scan3A_296, %mul3A_311 : i32
      %add3A_313 = arith.constant 1 : i32
      %add3A_314 = arith.addi %mul3A_312, %add3A_313 : i32
      %mul3A_315 = arith.constant 16 : i32
      %mul3A_316 = arith.muli %add3A_314, %mul3A_315 : i32
      %get3A_317 = arith.index_cast %mul3A_316 : i32 to index
      %get3A_318 = tpu.vector_load %arg24[%get3A_317] {strides = array<i32>} : memref<3136xf32, #tpu.memory_space<vmem>>, vector<16xf32>,
      %get3A_319 = arith.index_cast %mul3A_316 : i32 to index
      %get3A_320 = tpu.vector_load %arg23[%get3A_319] {strides = array<i32>} : memref<3136xf32, #tpu.memory_space<vmem>>, vector<16xf32>,
      %add3A_321 = arith.addf %get3A_318, %get3A_320 : vector<16xf32>
      %swap3A_322 = arith.index_cast %mul3A_316 : i32 to index
      %swap3A_323 = tpu.vector_load %arg24[%swap3A_322] {strides = array<i32>} : memref<3136xf32, #tpu.memory_space<vmem>>, vector<16xf32>,
      tpu.vector_store %arg24[%swap3A_322], %add3A_321 {strides = array<i32>} : memref<3136xf32, #tpu.memory_space<vmem>>, vector<16xf32>,
      %mul3A_324 = arith.constant 4 : i32
      %mul3A_325 = arith.muli %scan3A_296, %mul3A_324 : i32
      %add3A_326 = arith.constant 2 : i32
      %add3A_327 = arith.addi %mul3A_325, %add3A_326 : i32
      %mul3A_328 = arith.constant 16 : i32
      %mul3A_329 = arith.muli %add3A_327, %mul3A_328 : i32
      %get3A_330 = arith.index_cast %mul3A_329 : i32 to index
      %get3A_331 = tpu.vector_load %arg24[%get3A_330] {strides = array<i32>} : memref<3136xf32, #tpu.memory_space<vmem>>, vector<16xf32>,
      %get3A_332 = arith.index_cast %mul3A_329 : i32 to index
      %get3A_333 = tpu.vector_load %arg23[%get3A_332] {strides = array<i32>} : memref<3136xf32, #tpu.memory_space<vmem>>, vector<16xf32>,
      %add3A_334 = arith.addf %get3A_331, %get3A_333 : vector<16xf32>
      %swap3A_335 = arith.index_cast %mul3A_329 : i32 to index
      %swap3A_336 = tpu.vector_load %arg24[%swap3A_335] {strides = array<i32>} : memref<3136xf32, #tpu.memory_space<vmem>>, vector<16xf32>,
      tpu.vector_store %arg24[%swap3A_335], %add3A_334 {strides = array<i32>} : memref<3136xf32, #tpu.memory_space<vmem>>, vector<16xf32>,
      %mul3A_337 = arith.constant 4 : i32
      %mul3A_338 = arith.muli %scan3A_296, %mul3A_337 : i32
      %add3A_339 = arith.constant 3 : i32
      %add3A_340 = arith.addi %mul3A_338, %add3A_339 : i32
      %mul3A_341 = arith.constant 16 : i32
      %mul3A_342 = arith.muli %add3A_340, %mul3A_341 : i32
      %get3A_343 = arith.index_cast %mul3A_342 : i32 to index
      %get3A_344 = tpu.vector_load %arg24[%get3A_343] {strides = array<i32>} : memref<3136xf32, #tpu.memory_space<vmem>>, vector<16xf32>,
      %get3A_345 = arith.index_cast %mul3A_342 : i32 to index
      %get3A_346 = tpu.vector_load %arg23[%get3A_345] {strides = array<i32>} : memref<3136xf32, #tpu.memory_space<vmem>>, vector<16xf32>,
      %add3A_347 = arith.addf %get3A_344, %get3A_346 : vector<16xf32>
      %swap3A_348 = arith.index_cast %mul3A_342 : i32 to index
      %swap3A_349 = tpu.vector_load %arg24[%swap3A_348] {strides = array<i32>} : memref<3136xf32, #tpu.memory_space<vmem>>, vector<16xf32>,
      tpu.vector_store %arg24[%swap3A_348], %add3A_347 {strides = array<i32>} : memref<3136xf32, #tpu.memory_space<vmem>>, vector<16xf32>,
      %scan3A_350 = arith.constant 0 : i32
      scf.yield %scan3A_350 : i32
    }
    %scan3A_124 = arith.constant 49 : i32
    %add3A_125 = arith.constant 150528 : i32
    %add3A_126 = arith.addi %add3A_79, %add3A_125 : i32
    "tpu.region"() ({
      %run_scoped3A = tpu.sem_alloc : memref<!tpu.dma_semaphore, #tpu.memory_space<semaphore_mem>>
      %dma_start3A = tpu.memref_slice %arg18[%add3A_126] : memref<401408xf32, #tpu.memory_space<vmem_shared>> -> memref<3136xf32, #tpu.memory_space<vmem_shared>>
      %dma_start3A_296 = tpu.memref_slice %arg18[%add3A_126] : memref<401408xf32, #tpu.memory_space<vmem_shared>> -> memref<3136xf32, #tpu.memory_space<vmem_shared>>
      tpu.enqueue_dma source(%dma_start3A_296 : memref<3136xf32, #tpu.memory_space<vmem_shared>>) target(%arg23 : memref<3136xf32, #tpu.memory_space<vmem>>) target_semaphore(%run_scoped3A : memref<!tpu.dma_semaphore, #tpu.memory_space<semaphore_mem>>)
      %dma_wait3A = tpu.memref_slice %arg18[%add3A_126] : memref<401408xf32, #tpu.memory_space<vmem_shared>> -> memref<3136xf32, #tpu.memory_space<vmem_shared>>
      %dma_wait3A_297 = tpu.memref_slice %arg18[%add3A_126] : memref<401408xf32, #tpu.memory_space<vmem_shared>> -> memref<3136xf32, #tpu.memory_space<vmem_shared>>
      tpu.wait_dma2 semaphore(%run_scoped3A : memref<!tpu.dma_semaphore, #tpu.memory_space<semaphore_mem>>) src(%dma_wait3A_297 : memref<3136xf32, #tpu.memory_space<vmem_shared>>) dst(%arg23 : memref<3136xf32, #tpu.memory_space<vmem>>)
      tpu.yield
    }) : () -> ()
    %scan3A_127 = arith.constant 0 : i32
    %scan3A_128 = arith.constant 0 : i32
    %scan3A_129 = arith.constant 49 : i32
    %scan3A_130 = arith.addi %scan3A_128, %scan3A_129 : i32
    %scan3A_131 = arith.constant 1 : i32
    %scan3A_132 = scf.for %scan3A_296 = %scan3A_128 to %scan3A_130 step %scan3A_131 iter_args(%scan3A_297 = %scan3A_127) -> (i32)  : i32 {
      %mul3A_298 = arith.constant 4 : i32
      %mul3A_299 = arith.muli %scan3A_296, %mul3A_298 : i32
      %add3A_300 = arith.constant 0 : i32
      %add3A_301 = arith.addi %mul3A_299, %add3A_300 : i32
      %mul3A_302 = arith.constant 16 : i32
      %mul3A_303 = arith.muli %add3A_301, %mul3A_302 : i32
      %get3A_304 = arith.index_cast %mul3A_303 : i32 to index
      %get3A_305 = tpu.vector_load %arg24[%get3A_304] {strides = array<i32>} : memref<3136xf32, #tpu.memory_space<vmem>>, vector<16xf32>,
      %get3A_306 = arith.index_cast %mul3A_303 : i32 to index
      %get3A_307 = tpu.vector_load %arg23[%get3A_306] {strides = array<i32>} : memref<3136xf32, #tpu.memory_space<vmem>>, vector<16xf32>,
      %add3A_308 = arith.addf %get3A_305, %get3A_307 : vector<16xf32>
      %swap3A_309 = arith.index_cast %mul3A_303 : i32 to index
      %swap3A_310 = tpu.vector_load %arg24[%swap3A_309] {strides = array<i32>} : memref<3136xf32, #tpu.memory_space<vmem>>, vector<16xf32>,
      tpu.vector_store %arg24[%swap3A_309], %add3A_308 {strides = array<i32>} : memref<3136xf32, #tpu.memory_space<vmem>>, vector<16xf32>,
      %mul3A_311 = arith.constant 4 : i32
      %mul3A_312 = arith.muli %scan3A_296, %mul3A_311 : i32
      %add3A_313 = arith.constant 1 : i32
      %add3A_314 = arith.addi %mul3A_312, %add3A_313 : i32
      %mul3A_315 = arith.constant 16 : i32
      %mul3A_316 = arith.muli %add3A_314, %mul3A_315 : i32
      %get3A_317 = arith.index_cast %mul3A_316 : i32 to index
      %get3A_318 = tpu.vector_load %arg24[%get3A_317] {strides = array<i32>} : memref<3136xf32, #tpu.memory_space<vmem>>, vector<16xf32>,
      %get3A_319 = arith.index_cast %mul3A_316 : i32 to index
      %get3A_320 = tpu.vector_load %arg23[%get3A_319] {strides = array<i32>} : memref<3136xf32, #tpu.memory_space<vmem>>, vector<16xf32>,
      %add3A_321 = arith.addf %get3A_318, %get3A_320 : vector<16xf32>
      %swap3A_322 = arith.index_cast %mul3A_316 : i32 to index
      %swap3A_323 = tpu.vector_load %arg24[%swap3A_322] {strides = array<i32>} : memref<3136xf32, #tpu.memory_space<vmem>>, vector<16xf32>,
      tpu.vector_store %arg24[%swap3A_322], %add3A_321 {strides = array<i32>} : memref<3136xf32, #tpu.memory_space<vmem>>, vector<16xf32>,
      %mul3A_324 = arith.constant 4 : i32
      %mul3A_325 = arith.muli %scan3A_296, %mul3A_324 : i32
      %add3A_326 = arith.constant 2 : i32
      %add3A_327 = arith.addi %mul3A_325, %add3A_326 : i32
      %mul3A_328 = arith.constant 16 : i32
      %mul3A_329 = arith.muli %add3A_327, %mul3A_328 : i32
      %get3A_330 = arith.index_cast %mul3A_329 : i32 to index
      %get3A_331 = tpu.vector_load %arg24[%get3A_330] {strides = array<i32>} : memref<3136xf32, #tpu.memory_space<vmem>>, vector<16xf32>,
      %get3A_332 = arith.index_cast %mul3A_329 : i32 to index
      %get3A_333 = tpu.vector_load %arg23[%get3A_332] {strides = array<i32>} : memref<3136xf32, #tpu.memory_space<vmem>>, vector<16xf32>,
      %add3A_334 = arith.addf %get3A_331, %get3A_333 : vector<16xf32>
      %swap3A_335 = arith.index_cast %mul3A_329 : i32 to index
      %swap3A_336 = tpu.vector_load %arg24[%swap3A_335] {strides = array<i32>} : memref<3136xf32, #tpu.memory_space<vmem>>, vector<16xf32>,
      tpu.vector_store %arg24[%swap3A_335], %add3A_334 {strides = array<i32>} : memref<3136xf32, #tpu.memory_space<vmem>>, vector<16xf32>,
      %mul3A_337 = arith.constant 4 : i32
      %mul3A_338 = arith.muli %scan3A_296, %mul3A_337 : i32
      %add3A_339 = arith.constant 3 : i32
      %add3A_340 = arith.addi %mul3A_338, %add3A_339 : i32
      %mul3A_341 = arith.constant 16 : i32
      %mul3A_342 = arith.muli %add3A_340, %mul3A_341 : i32
      %get3A_343 = arith.index_cast %mul3A_342 : i32 to index
      %get3A_344 = tpu.vector_load %arg24[%get3A_343] {strides = array<i32>} : memref<3136xf32, #tpu.memory_space<vmem>>, vector<16xf32>,
      %get3A_345 = arith.index_cast %mul3A_342 : i32 to index
      %get3A_346 = tpu.vector_load %arg23[%get3A_345] {strides = array<i32>} : memref<3136xf32, #tpu.memory_space<vmem>>, vector<16xf32>,
      %add3A_347 = arith.addf %get3A_344, %get3A_346 : vector<16xf32>
      %swap3A_348 = arith.index_cast %mul3A_342 : i32 to index
      %swap3A_349 = tpu.vector_load %arg24[%swap3A_348] {strides = array<i32>} : memref<3136xf32, #tpu.memory_space<vmem>>, vector<16xf32>,
      tpu.vector_store %arg24[%swap3A_348], %add3A_347 {strides = array<i32>} : memref<3136xf32, #tpu.memory_space<vmem>>, vector<16xf32>,
      %scan3A_350 = arith.constant 0 : i32
      scf.yield %scan3A_350 : i32
    }
    %scan3A_133 = arith.constant 49 : i32
    %add3A_134 = arith.constant 175616 : i32
    %add3A_135 = arith.addi %add3A_79, %add3A_134 : i32
    "tpu.region"() ({
      %run_scoped3A = tpu.sem_alloc : memref<!tpu.dma_semaphore, #tpu.memory_space<semaphore_mem>>
      %dma_start3A = tpu.memref_slice %arg18[%add3A_135] : memref<401408xf32, #tpu.memory_space<vmem_shared>> -> memref<3136xf32, #tpu.memory_space<vmem_shared>>
      %dma_start3A_296 = tpu.memref_slice %arg18[%add3A_135] : memref<401408xf32, #tpu.memory_space<vmem_shared>> -> memref<3136xf32, #tpu.memory_space<vmem_shared>>
      tpu.enqueue_dma source(%dma_start3A_296 : memref<3136xf32, #tpu.memory_space<vmem_shared>>) target(%arg23 : memref<3136xf32, #tpu.memory_space<vmem>>) target_semaphore(%run_scoped3A : memref<!tpu.dma_semaphore, #tpu.memory_space<semaphore_mem>>)
      %dma_wait3A = tpu.memref_slice %arg18[%add3A_135] : memref<401408xf32, #tpu.memory_space<vmem_shared>> -> memref<3136xf32, #tpu.memory_space<vmem_shared>>
      %dma_wait3A_297 = tpu.memref_slice %arg18[%add3A_135] : memref<401408xf32, #tpu.memory_space<vmem_shared>> -> memref<3136xf32, #tpu.memory_space<vmem_shared>>
      tpu.wait_dma2 semaphore(%run_scoped3A : memref<!tpu.dma_semaphore, #tpu.memory_space<semaphore_mem>>) src(%dma_wait3A_297 : memref<3136xf32, #tpu.memory_space<vmem_shared>>) dst(%arg23 : memref<3136xf32, #tpu.memory_space<vmem>>)
      tpu.yield
    }) : () -> ()
    %scan3A_136 = arith.constant 0 : i32
    %scan3A_137 = arith.constant 0 : i32
    %scan3A_138 = arith.constant 49 : i32
    %scan3A_139 = arith.addi %scan3A_137, %scan3A_138 : i32
    %scan3A_140 = arith.constant 1 : i32
    %scan3A_141 = scf.for %scan3A_296 = %scan3A_137 to %scan3A_139 step %scan3A_140 iter_args(%scan3A_297 = %scan3A_136) -> (i32)  : i32 {
      %mul3A_298 = arith.constant 4 : i32
      %mul3A_299 = arith.muli %scan3A_296, %mul3A_298 : i32
      %add3A_300 = arith.constant 0 : i32
      %add3A_301 = arith.addi %mul3A_299, %add3A_300 : i32
      %mul3A_302 = arith.constant 16 : i32
      %mul3A_303 = arith.muli %add3A_301, %mul3A_302 : i32
      %get3A_304 = arith.index_cast %mul3A_303 : i32 to index
      %get3A_305 = tpu.vector_load %arg24[%get3A_304] {strides = array<i32>} : memref<3136xf32, #tpu.memory_space<vmem>>, vector<16xf32>,
      %get3A_306 = arith.index_cast %mul3A_303 : i32 to index
      %get3A_307 = tpu.vector_load %arg23[%get3A_306] {strides = array<i32>} : memref<3136xf32, #tpu.memory_space<vmem>>, vector<16xf32>,
      %add3A_308 = arith.addf %get3A_305, %get3A_307 : vector<16xf32>
      %swap3A_309 = arith.index_cast %mul3A_303 : i32 to index
      %swap3A_310 = tpu.vector_load %arg24[%swap3A_309] {strides = array<i32>} : memref<3136xf32, #tpu.memory_space<vmem>>, vector<16xf32>,
      tpu.vector_store %arg24[%swap3A_309], %add3A_308 {strides = array<i32>} : memref<3136xf32, #tpu.memory_space<vmem>>, vector<16xf32>,
      %mul3A_311 = arith.constant 4 : i32
      %mul3A_312 = arith.muli %scan3A_296, %mul3A_311 : i32
      %add3A_313 = arith.constant 1 : i32
      %add3A_314 = arith.addi %mul3A_312, %add3A_313 : i32
      %mul3A_315 = arith.constant 16 : i32
      %mul3A_316 = arith.muli %add3A_314, %mul3A_315 : i32
      %get3A_317 = arith.index_cast %mul3A_316 : i32 to index
      %get3A_318 = tpu.vector_load %arg24[%get3A_317] {strides = array<i32>} : memref<3136xf32, #tpu.memory_space<vmem>>, vector<16xf32>,
      %get3A_319 = arith.index_cast %mul3A_316 : i32 to index
      %get3A_320 = tpu.vector_load %arg23[%get3A_319] {strides = array<i32>} : memref<3136xf32, #tpu.memory_space<vmem>>, vector<16xf32>,
      %add3A_321 = arith.addf %get3A_318, %get3A_320 : vector<16xf32>
      %swap3A_322 = arith.index_cast %mul3A_316 : i32 to index
      %swap3A_323 = tpu.vector_load %arg24[%swap3A_322] {strides = array<i32>} : memref<3136xf32, #tpu.memory_space<vmem>>, vector<16xf32>,
      tpu.vector_store %arg24[%swap3A_322], %add3A_321 {strides = array<i32>} : memref<3136xf32, #tpu.memory_space<vmem>>, vector<16xf32>,
      %mul3A_324 = arith.constant 4 : i32
      %mul3A_325 = arith.muli %scan3A_296, %mul3A_324 : i32
      %add3A_326 = arith.constant 2 : i32
      %add3A_327 = arith.addi %mul3A_325, %add3A_326 : i32
      %mul3A_328 = arith.constant 16 : i32
      %mul3A_329 = arith.muli %add3A_327, %mul3A_328 : i32
      %get3A_330 = arith.index_cast %mul3A_329 : i32 to index
      %get3A_331 = tpu.vector_load %arg24[%get3A_330] {strides = array<i32>} : memref<3136xf32, #tpu.memory_space<vmem>>, vector<16xf32>,
      %get3A_332 = arith.index_cast %mul3A_329 : i32 to index
      %get3A_333 = tpu.vector_load %arg23[%get3A_332] {strides = array<i32>} : memref<3136xf32, #tpu.memory_space<vmem>>, vector<16xf32>,
      %add3A_334 = arith.addf %get3A_331, %get3A_333 : vector<16xf32>
      %swap3A_335 = arith.index_cast %mul3A_329 : i32 to index
      %swap3A_336 = tpu.vector_load %arg24[%swap3A_335] {strides = array<i32>} : memref<3136xf32, #tpu.memory_space<vmem>>, vector<16xf32>,
      tpu.vector_store %arg24[%swap3A_335], %add3A_334 {strides = array<i32>} : memref<3136xf32, #tpu.memory_space<vmem>>, vector<16xf32>,
      %mul3A_337 = arith.constant 4 : i32
      %mul3A_338 = arith.muli %scan3A_296, %mul3A_337 : i32
      %add3A_339 = arith.constant 3 : i32
      %add3A_340 = arith.addi %mul3A_338, %add3A_339 : i32
      %mul3A_341 = arith.constant 16 : i32
      %mul3A_342 = arith.muli %add3A_340, %mul3A_341 : i32
      %get3A_343 = arith.index_cast %mul3A_342 : i32 to index
      %get3A_344 = tpu.vector_load %arg24[%get3A_343] {strides = array<i32>} : memref<3136xf32, #tpu.memory_space<vmem>>, vector<16xf32>,
      %get3A_345 = arith.index_cast %mul3A_342 : i32 to index
      %get3A_346 = tpu.vector_load %arg23[%get3A_345] {strides = array<i32>} : memref<3136xf32, #tpu.memory_space<vmem>>, vector<16xf32>,
      %add3A_347 = arith.addf %get3A_344, %get3A_346 : vector<16xf32>
      %swap3A_348 = arith.index_cast %mul3A_342 : i32 to index
      %swap3A_349 = tpu.vector_load %arg24[%swap3A_348] {strides = array<i32>} : memref<3136xf32, #tpu.memory_space<vmem>>, vector<16xf32>,
      tpu.vector_store %arg24[%swap3A_348], %add3A_347 {strides = array<i32>} : memref<3136xf32, #tpu.memory_space<vmem>>, vector<16xf32>,
      %scan3A_350 = arith.constant 0 : i32
      scf.yield %scan3A_350 : i32
    }
    %scan3A_142 = arith.constant 49 : i32
    %eq3A_143 = arith.constant 0 : i32
    %eq3A_144 = arith.cmpi eq, %arg0, %eq3A_143 : i32
    %eq3A_145 = arith.constant 0 : i32
    %eq3A_146 = arith.cmpi eq, %arg1, %eq3A_145 : i32
    %and3A_147 = arith.andi %eq3A_144, %eq3A_146 : i1
    %convert_element_type3A = arith.extui %and3A_147 : i1 to i32
    %cond3A = arith.constant 0 : i32
    %cond3A_148 = arith.cmpi ne, %convert_element_type3A, %cond3A : i32
    scf.if %cond3A_148 {
      %get3A_296 = arith.constant 0 : index
      %get3A_297 = tpu.vector_load %arg24[%get3A_296] {strides = array<i32>} : memref<3136xf32, #tpu.memory_space<vmem>>, vector<16xf32>,
      %eq3A_298 = arith.constant 0 : i32
      %eq3A_299 = vector.broadcast %eq3A_298 : i32 to vector<16xi32>
      %eq3A_300 = arith.cmpi eq, %iota3A, %eq3A_299 : vector<16xi32>
      %jit3A_301 = arith.constant 1.000000e+00 : f32
      %jit3A_302 = arith.constant 0.000000e+00 : f32
      %broadcast_in_dim3A_303 = vector.broadcast %jit3A_301 : f32 to vector<16xf32>
      %broadcast_in_dim3A_304 = vector.broadcast %jit3A_302 : f32 to vector<16xf32>
      %select_n3A_305 = arith.select %eq3A_300, %broadcast_in_dim3A_303, %broadcast_in_dim3A_304 : vector<16xi1>, vector<16xf32>
      %add3A_306 = arith.addf %get3A_297, %select_n3A_305 : vector<16xf32>
      %swap3A_307 = arith.constant 0 : index
      %swap3A_308 = tpu.vector_load %arg24[%swap3A_307] {strides = array<i32>} : memref<3136xf32, #tpu.memory_space<vmem>>, vector<16xf32>,
      tpu.vector_store %arg24[%swap3A_307], %add3A_306 {strides = array<i32>} : memref<3136xf32, #tpu.memory_space<vmem>>, vector<16xf32>,
    } else {
    }
    %mul3A_149 = arith.constant 50176 : i32
    %mul3A_150 = arith.muli %arg0, %mul3A_149 : i32
    %add3A_151 = arith.addi %mul3A_150, %mul3A_47 : i32
    "tpu.region"() ({
      %run_scoped3A = tpu.sem_alloc : memref<!tpu.dma_semaphore, #tpu.memory_space<semaphore_mem>>
      %dma_start3A = tpu.memref_slice %arg3[%add3A_151] : memref<100352xf32, #tpu.memory_space<hbm>> -> memref<3136xf32, #tpu.memory_space<hbm>>
      %dma_start3A_296 = tpu.memref_slice %arg3[%add3A_151] : memref<100352xf32, #tpu.memory_space<hbm>> -> memref<3136xf32, #tpu.memory_space<hbm>>
      tpu.enqueue_dma source(%dma_start3A_296 : memref<3136xf32, #tpu.memory_space<hbm>>) target(%arg23 : memref<3136xf32, #tpu.memory_space<vmem>>) target_semaphore(%run_scoped3A : memref<!tpu.dma_semaphore, #tpu.memory_space<semaphore_mem>>)
      %dma_wait3A = tpu.memref_slice %arg3[%add3A_151] : memref<100352xf32, #tpu.memory_space<hbm>> -> memref<3136xf32, #tpu.memory_space<hbm>>
      %dma_wait3A_297 = tpu.memref_slice %arg3[%add3A_151] : memref<100352xf32, #tpu.memory_space<hbm>> -> memref<3136xf32, #tpu.memory_space<hbm>>
      tpu.wait_dma2 semaphore(%run_scoped3A : memref<!tpu.dma_semaphore, #tpu.memory_space<semaphore_mem>>) src(%dma_wait3A_297 : memref<3136xf32, #tpu.memory_space<hbm>>) dst(%arg23 : memref<3136xf32, #tpu.memory_space<vmem>>)
      tpu.yield
    }) : () -> ()
    %scan3A_152 = arith.constant 0 : i32
    %scan3A_153 = arith.constant 0 : i32
    %scan3A_154 = arith.constant 196 : i32
    %scan3A_155 = arith.addi %scan3A_153, %scan3A_154 : i32
    %scan3A_156 = arith.constant 1 : i32
    %scan3A_157 = scf.for %scan3A_296 = %scan3A_153 to %scan3A_155 step %scan3A_156 iter_args(%scan3A_297 = %scan3A_152) -> (i32)  : i32 {
      %mul3A_298 = arith.constant 16 : i32
      %mul3A_299 = arith.muli %scan3A_296, %mul3A_298 : i32
      %get3A_300 = arith.index_cast %mul3A_299 : i32 to index
      %get3A_301 = tpu.vector_load %arg24[%get3A_300] {strides = array<i32>} : memref<3136xf32, #tpu.memory_space<vmem>>, vector<16xf32>,
      %bitcast_convert_type3A = tpu.bitcast %get3A_301 : vector<16xf32> -> vector<16xi32>
      %shift_right_arithmetic3A = arith.constant 1 : i32
      %shift_right_arithmetic3A_302 = vector.broadcast %shift_right_arithmetic3A : i32 to vector<16xi32>
      %shift_right_arithmetic3A_303 = arith.shrsi %bitcast_convert_type3A, %shift_right_arithmetic3A_302 : vector<16xi32>
      %sub3A_304 = arith.constant 1597463007 : i32
      %sub3A_305 = vector.broadcast %sub3A_304 : i32 to vector<16xi32>
      %sub3A_306 = arith.subi %sub3A_305, %shift_right_arithmetic3A_303 : vector<16xi32>
      %bitcast_convert_type3A_307 = tpu.bitcast %sub3A_306 : vector<16xi32> -> vector<16xf32>
      %mul3A_308 = arith.constant 5.000000e-01 : f32
      %mul3A_309 = vector.broadcast %mul3A_308 : f32 to vector<16xf32>
      %mul3A_310 = arith.mulf %get3A_301, %mul3A_309 : vector<16xf32>
      %mul3A_311 = arith.mulf %mul3A_310, %bitcast_convert_type3A_307 : vector<16xf32>
      %mul3A_312 = arith.mulf %mul3A_311, %bitcast_convert_type3A_307 : vector<16xf32>
      %sub3A_313 = arith.constant 1.500000e+00 : f32
      %sub3A_314 = vector.broadcast %sub3A_313 : f32 to vector<16xf32>
      %sub3A_315 = arith.subf %sub3A_314, %mul3A_312 : vector<16xf32>
      %mul3A_316 = arith.mulf %bitcast_convert_type3A_307, %sub3A_315 : vector<16xf32>
      %mul3A_317 = arith.mulf %mul3A_310, %mul3A_316 : vector<16xf32>
      %mul3A_318 = arith.mulf %mul3A_317, %mul3A_316 : vector<16xf32>
      %sub3A_319 = arith.constant 1.500000e+00 : f32
      %sub3A_320 = vector.broadcast %sub3A_319 : f32 to vector<16xf32>
      %sub3A_321 = arith.subf %sub3A_320, %mul3A_318 : vector<16xf32>
      %mul3A_322 = arith.mulf %mul3A_316, %sub3A_321 : vector<16xf32>
      %mul3A_323 = arith.mulf %mul3A_310, %mul3A_322 : vector<16xf32>
      %mul3A_324 = arith.mulf %mul3A_323, %mul3A_322 : vector<16xf32>
      %sub3A_325 = arith.constant 1.500000e+00 : f32
      %sub3A_326 = vector.broadcast %sub3A_325 : f32 to vector<16xf32>
      %sub3A_327 = arith.subf %sub3A_326, %mul3A_324 : vector<16xf32>
      %mul3A_328 = arith.mulf %mul3A_322, %sub3A_327 : vector<16xf32>
      %gt3A = arith.constant 5.000000e-01 : f32
      %gt3A_329 = vector.broadcast %gt3A : f32 to vector<16xf32>
      %gt3A_330 = arith.cmpf ogt, %get3A_301, %gt3A_329 : vector<16xf32>
      %jit3A_331 = arith.constant 0.000000e+00 : f32
      %broadcast_in_dim3A_332 = vector.broadcast %jit3A_331 : f32 to vector<16xf32>
      %select_n3A_333 = arith.select %gt3A_330, %mul3A_328, %broadcast_in_dim3A_332 : vector<16xi1>, vector<16xf32>
      %mul3A_334 = arith.constant 16 : i32
      %mul3A_335 = arith.muli %scan3A_296, %mul3A_334 : i32
      %swap3A_336 = arith.index_cast %mul3A_335 : i32 to index
      %swap3A_337 = tpu.vector_load %arg24[%swap3A_336] {strides = array<i32>} : memref<3136xf32, #tpu.memory_space<vmem>>, vector<16xf32>,
      tpu.vector_store %arg24[%swap3A_336], %select_n3A_333 {strides = array<i32>} : memref<3136xf32, #tpu.memory_space<vmem>>, vector<16xf32>,
      %mul3A_338 = arith.constant 16 : i32
      %mul3A_339 = arith.muli %scan3A_296, %mul3A_338 : i32
      %get3A_340 = arith.index_cast %mul3A_339 : i32 to index
      %get3A_341 = tpu.vector_load %arg23[%get3A_340] {strides = array<i32>} : memref<3136xf32, #tpu.memory_space<vmem>>, vector<16xf32>,
      %mul3A_342 = arith.mulf %select_n3A_333, %get3A_341 : vector<16xf32>
      %mul3A_343 = arith.constant 16 : i32
      %mul3A_344 = arith.muli %scan3A_296, %mul3A_343 : i32
      %swap3A_345 = arith.index_cast %mul3A_344 : i32 to index
      %swap3A_346 = tpu.vector_load %arg25[%swap3A_345] {strides = array<i32>} : memref<3136xf32, #tpu.memory_space<vmem>>, vector<16xf32>,
      tpu.vector_store %arg25[%swap3A_345], %mul3A_342 {strides = array<i32>} : memref<3136xf32, #tpu.memory_space<vmem>>, vector<16xf32>,
      %scan3A_347 = arith.constant 0 : i32
      scf.yield %scan3A_347 : i32
    }
    %scan3A_158 = arith.constant 196 : i32
    "tpu.region"() ({
      %run_scoped3A = tpu.sem_alloc : memref<!tpu.dma_semaphore, #tpu.memory_space<semaphore_mem>>
      %dma_start3A = tpu.memref_slice %arg15[%mul3A_47] : memref<50176xf32, #tpu.memory_space<vmem_shared>> -> memref<3136xf32, #tpu.memory_space<vmem_shared>>
      %dma_start3A_296 = tpu.memref_slice %arg15[%mul3A_47] : memref<50176xf32, #tpu.memory_space<vmem_shared>> -> memref<3136xf32, #tpu.memory_space<vmem_shared>>
      tpu.enqueue_dma source(%arg24 : memref<3136xf32, #tpu.memory_space<vmem>>) target(%dma_start3A_296 : memref<3136xf32, #tpu.memory_space<vmem_shared>>) target_semaphore(%run_scoped3A : memref<!tpu.dma_semaphore, #tpu.memory_space<semaphore_mem>>)
      %dma_wait3A = tpu.memref_slice %arg15[%mul3A_47] : memref<50176xf32, #tpu.memory_space<vmem_shared>> -> memref<3136xf32, #tpu.memory_space<vmem_shared>>
      %dma_wait3A_297 = tpu.memref_slice %arg15[%mul3A_47] : memref<50176xf32, #tpu.memory_space<vmem_shared>> -> memref<3136xf32, #tpu.memory_space<vmem_shared>>
      tpu.wait_dma2 semaphore(%run_scoped3A : memref<!tpu.dma_semaphore, #tpu.memory_space<semaphore_mem>>) src(%arg24 : memref<3136xf32, #tpu.memory_space<vmem>>) dst(%dma_wait3A_297 : memref<3136xf32, #tpu.memory_space<vmem_shared>>)
      tpu.yield
    }) : () -> ()
    "tpu.region"() ({
      %run_scoped3A = tpu.sem_alloc : memref<!tpu.dma_semaphore, #tpu.memory_space<semaphore_mem>>
      %dma_start3A = tpu.memref_slice %arg16[%mul3A_47] : memref<50176xf32, #tpu.memory_space<vmem_shared>> -> memref<3136xf32, #tpu.memory_space<vmem_shared>>
      %dma_start3A_296 = tpu.memref_slice %arg16[%mul3A_47] : memref<50176xf32, #tpu.memory_space<vmem_shared>> -> memref<3136xf32, #tpu.memory_space<vmem_shared>>
      tpu.enqueue_dma source(%arg25 : memref<3136xf32, #tpu.memory_space<vmem>>) target(%dma_start3A_296 : memref<3136xf32, #tpu.memory_space<vmem_shared>>) target_semaphore(%run_scoped3A : memref<!tpu.dma_semaphore, #tpu.memory_space<semaphore_mem>>)
      %dma_wait3A = tpu.memref_slice %arg16[%mul3A_47] : memref<50176xf32, #tpu.memory_space<vmem_shared>> -> memref<3136xf32, #tpu.memory_space<vmem_shared>>
      %dma_wait3A_297 = tpu.memref_slice %arg16[%mul3A_47] : memref<50176xf32, #tpu.memory_space<vmem_shared>> -> memref<3136xf32, #tpu.memory_space<vmem_shared>>
      tpu.wait_dma2 semaphore(%run_scoped3A : memref<!tpu.dma_semaphore, #tpu.memory_space<semaphore_mem>>) src(%arg25 : memref<3136xf32, #tpu.memory_space<vmem>>) dst(%dma_wait3A_297 : memref<3136xf32, #tpu.memory_space<vmem_shared>>)
      tpu.yield
    }) : () -> ()
    %eq3A_159 = arith.constant 0 : i32
    %eq3A_160 = vector.broadcast %eq3A_159 : i32 to vector<16xi32>
    %eq3A_161 = arith.cmpi eq, %iota3A, %eq3A_160 : vector<16xi32>
    %get3A = arith.constant 0 : index
    %get3A_162 = tpu.vector_load %arg25[%get3A] {strides = array<i32>} : memref<3136xf32, #tpu.memory_space<vmem>>, vector<16xf32>,
    %jit3A_163 = arith.constant 0.000000e+00 : f32
    %broadcast_in_dim3A_164 = vector.broadcast %jit3A_163 : f32 to vector<16xf32>
    %select_n3A_165 = arith.select %eq3A_161, %get3A_162, %broadcast_in_dim3A_164 : vector<16xi1>, vector<16xf32>
    %swap3A = arith.constant 0 : index
    %swap3A_166 = tpu.vector_load %arg32[%swap3A] {strides = array<i32>} : memref<16xf32, #tpu.memory_space<vmem>>, vector<16xf32>,
    tpu.vector_store %arg32[%swap3A], %select_n3A_165 {strides = array<i32>} : memref<16xf32, #tpu.memory_space<vmem>>, vector<16xf32>,
    %scan3A_167 = arith.constant 0 : i32
    %scan3A_168 = arith.constant 0 : i32
    %scan3A_169 = arith.constant 1568 : i32
    %scan3A_170 = arith.addi %scan3A_168, %scan3A_169 : i32
    %scan3A_171 = arith.constant 1 : i32
    %scan3A_172 = scf.for %scan3A_296 = %scan3A_168 to %scan3A_170 step %scan3A_171 iter_args(%scan3A_297 = %scan3A_167) -> (i32)  : i32 {
      %broadcast_in_dim3A_298 = arith.constant 0.000000e+00 : f32
      %broadcast_in_dim3A_299 = vector.broadcast %broadcast_in_dim3A_298 : f32 to vector<16xf32>
      %mul3A_300 = arith.constant 16 : i32
      %mul3A_301 = arith.muli %scan3A_296, %mul3A_300 : i32
      %swap3A_302 = arith.index_cast %mul3A_301 : i32 to index
      %swap3A_303 = tpu.vector_load %arg19[%swap3A_302] {strides = array<i32>} : memref<25088xf32, #tpu.memory_space<vmem>>, vector<16xf32>,
      tpu.vector_store %arg19[%swap3A_302], %broadcast_in_dim3A_299 {strides = array<i32>} : memref<25088xf32, #tpu.memory_space<vmem>>, vector<16xf32>,
      %scan3A_304 = arith.constant 0 : i32
      scf.yield %scan3A_304 : i32
    }
    %scan3A_173 = arith.constant 1568 : i32
    %barrier3A_174 = arith.constant 0 : index
    tpu.barrier barrier_id(%barrier3A_174)
    %mul3A_175 = arith.constant 25088 : i32
    %mul3A_176 = arith.muli %select_n3A, %mul3A_175 : i32
    "tpu.region"() ({
      %run_scoped3A = tpu.sem_alloc : memref<!tpu.dma_semaphore, #tpu.memory_space<semaphore_mem>>
      %dma_start3A = tpu.memref_slice %arg16[%mul3A_176] : memref<50176xf32, #tpu.memory_space<vmem_shared>> -> memref<25088xf32, #tpu.memory_space<vmem_shared>>
      %dma_start3A_296 = tpu.memref_slice %arg16[%mul3A_176] : memref<50176xf32, #tpu.memory_space<vmem_shared>> -> memref<25088xf32, #tpu.memory_space<vmem_shared>>
      tpu.enqueue_dma source(%dma_start3A_296 : memref<25088xf32, #tpu.memory_space<vmem_shared>>) target(%arg20 : memref<25088xf32, #tpu.memory_space<vmem>>) target_semaphore(%run_scoped3A : memref<!tpu.dma_semaphore, #tpu.memory_space<semaphore_mem>>)
      %dma_wait3A = tpu.memref_slice %arg16[%mul3A_176] : memref<50176xf32, #tpu.memory_space<vmem_shared>> -> memref<25088xf32, #tpu.memory_space<vmem_shared>>
      %dma_wait3A_297 = tpu.memref_slice %arg16[%mul3A_176] : memref<50176xf32, #tpu.memory_space<vmem_shared>> -> memref<25088xf32, #tpu.memory_space<vmem_shared>>
      tpu.wait_dma2 semaphore(%run_scoped3A : memref<!tpu.dma_semaphore, #tpu.memory_space<semaphore_mem>>) src(%dma_wait3A_297 : memref<25088xf32, #tpu.memory_space<vmem_shared>>) dst(%arg20 : memref<25088xf32, #tpu.memory_space<vmem>>)
      tpu.yield
    }) : () -> ()
    %scan3A_177 = arith.constant 0 : i32
    %scan3A_178 = arith.constant 0 : i32
    %scan3A_179 = arith.constant 48 : i32
    %scan3A_180 = arith.addi %scan3A_178, %scan3A_179 : i32
    %scan3A_181 = arith.constant 1 : i32
    %scan3A_182 = scf.for %scan3A_296 = %scan3A_178 to %scan3A_180 step %scan3A_181 iter_args(%scan3A_297 = %scan3A_177) -> (i32)  : i32 {
      %mul3A_298 = arith.constant 2048 : i32
      %mul3A_299 = arith.muli %scan3A_296, %mul3A_298 : i32
      %add3A_300 = arith.addi %mul3A_45, %mul3A_299 : i32
      %add3A_301 = arith.addi %mul3A_37, %add3A_300 : i32
      "tpu.region"() ({
        %run_scoped3A = tpu.sem_alloc : memref<!tpu.dma_semaphore, #tpu.memory_space<semaphore_mem>>
        %dma_start3A = arith.constant 0 : i32
        %dma_start3A_311 = tpu.memref_slice %arg22[%dma_start3A] : memref<2048xi32, #tpu.memory_space<vmem>> -> memref<2048xi32, #tpu.memory_space<vmem>>
        %dma_start3A_312 = tpu.memref_slice %arg2[%add3A_301] : memref<6400000xi32, #tpu.memory_space<hbm>> -> memref<2048xi32, #tpu.memory_space<hbm>>
        %dma_start3A_313 = arith.constant 0 : i32
        %dma_start3A_314 = tpu.memref_slice %arg22[%dma_start3A_313] : memref<2048xi32, #tpu.memory_space<vmem>> -> memref<2048xi32, #tpu.memory_space<vmem>>
        %dma_start3A_315 = tpu.memref_slice %arg2[%add3A_301] : memref<6400000xi32, #tpu.memory_space<hbm>> -> memref<2048xi32, #tpu.memory_space<hbm>>
        tpu.enqueue_dma source(%dma_start3A_315 : memref<2048xi32, #tpu.memory_space<hbm>>) target(%dma_start3A_314 : memref<2048xi32, #tpu.memory_space<vmem>>) target_semaphore(%run_scoped3A : memref<!tpu.dma_semaphore, #tpu.memory_space<semaphore_mem>>)
        %dma_wait3A = arith.constant 0 : i32
        %dma_wait3A_316 = tpu.memref_slice %arg22[%dma_wait3A] : memref<2048xi32, #tpu.memory_space<vmem>> -> memref<2048xi32, #tpu.memory_space<vmem>>
        %dma_wait3A_317 = tpu.memref_slice %arg2[%add3A_301] : memref<6400000xi32, #tpu.memory_space<hbm>> -> memref<2048xi32, #tpu.memory_space<hbm>>
        %dma_wait3A_318 = arith.constant 0 : i32
        %dma_wait3A_319 = tpu.memref_slice %arg22[%dma_wait3A_318] : memref<2048xi32, #tpu.memory_space<vmem>> -> memref<2048xi32, #tpu.memory_space<vmem>>
        %dma_wait3A_320 = tpu.memref_slice %arg2[%add3A_301] : memref<6400000xi32, #tpu.memory_space<hbm>> -> memref<2048xi32, #tpu.memory_space<hbm>>
        tpu.wait_dma2 semaphore(%run_scoped3A : memref<!tpu.dma_semaphore, #tpu.memory_space<semaphore_mem>>) src(%dma_wait3A_320 : memref<2048xi32, #tpu.memory_space<hbm>>) dst(%dma_wait3A_319 : memref<2048xi32, #tpu.memory_space<vmem>>)
        tpu.yield
      }) : () -> ()
      %add3A_302 = arith.addi %mul3A_43, %add3A_300 : i32
      "tpu.region"() ({
        %run_scoped3A = tpu.sem_alloc : memref<!tpu.dma_semaphore, #tpu.memory_space<semaphore_mem>>
        %dma_start3A = arith.constant 0 : i32
        %dma_start3A_311 = tpu.memref_slice %arg21[%dma_start3A] : memref<2048xi32, #tpu.memory_space<vmem>> -> memref<2048xi32, #tpu.memory_space<vmem>>
        %dma_start3A_312 = tpu.memref_slice %arg2[%add3A_302] : memref<6400000xi32, #tpu.memory_space<hbm>> -> memref<2048xi32, #tpu.memory_space<hbm>>
        %dma_start3A_313 = arith.constant 0 : i32
        %dma_start3A_314 = tpu.memref_slice %arg21[%dma_start3A_313] : memref<2048xi32, #tpu.memory_space<vmem>> -> memref<2048xi32, #tpu.memory_space<vmem>>
        %dma_start3A_315 = tpu.memref_slice %arg2[%add3A_302] : memref<6400000xi32, #tpu.memory_space<hbm>> -> memref<2048xi32, #tpu.memory_space<hbm>>
        tpu.enqueue_dma source(%dma_start3A_315 : memref<2048xi32, #tpu.memory_space<hbm>>) target(%dma_start3A_314 : memref<2048xi32, #tpu.memory_space<vmem>>) target_semaphore(%run_scoped3A : memref<!tpu.dma_semaphore, #tpu.memory_space<semaphore_mem>>)
        %dma_wait3A = arith.constant 0 : i32
        %dma_wait3A_316 = tpu.memref_slice %arg21[%dma_wait3A] : memref<2048xi32, #tpu.memory_space<vmem>> -> memref<2048xi32, #tpu.memory_space<vmem>>
        %dma_wait3A_317 = tpu.memref_slice %arg2[%add3A_302] : memref<6400000xi32, #tpu.memory_space<hbm>> -> memref<2048xi32, #tpu.memory_space<hbm>>
        %dma_wait3A_318 = arith.constant 0 : i32
        %dma_wait3A_319 = tpu.memref_slice %arg21[%dma_wait3A_318] : memref<2048xi32, #tpu.memory_space<vmem>> -> memref<2048xi32, #tpu.memory_space<vmem>>
        %dma_wait3A_320 = tpu.memref_slice %arg2[%add3A_302] : memref<6400000xi32, #tpu.memory_space<hbm>> -> memref<2048xi32, #tpu.memory_space<hbm>>
        tpu.wait_dma2 semaphore(%run_scoped3A : memref<!tpu.dma_semaphore, #tpu.memory_space<semaphore_mem>>) src(%dma_wait3A_320 : memref<2048xi32, #tpu.memory_space<hbm>>) dst(%dma_wait3A_319 : memref<2048xi32, #tpu.memory_space<vmem>>)
        tpu.yield
      }) : () -> ()
      %scan3A_303 = arith.constant 0 : i32
      %scan3A_304 = arith.constant 0 : i32
      %scan3A_305 = arith.constant 32 : i32
      %scan3A_306 = arith.addi %scan3A_304, %scan3A_305 : i32
      %scan3A_307 = arith.constant 1 : i32
      %scan3A_308 = scf.for %scan3A_311 = %scan3A_304 to %scan3A_306 step %scan3A_307 iter_args(%scan3A_312 = %scan3A_303) -> (i32)  : i32 {
        %mul3A_313 = arith.constant 4 : i32
        %mul3A_314 = arith.muli %scan3A_311, %mul3A_313 : i32
        %add3A_315 = arith.constant 0 : i32
        %add3A_316 = arith.addi %mul3A_314, %add3A_315 : i32
        %mul3A_317 = arith.constant 16 : i32
        %mul3A_318 = arith.muli %add3A_316, %mul3A_317 : i32
        %get3A_319 = arith.index_cast %mul3A_318 : i32 to index
        %get3A_320 = tpu.vector_load %arg22[%get3A_319] {strides = array<i32>} : memref<2048xi32, #tpu.memory_space<vmem>>, vector<16xi32>,
        %gather3A = tpu.vector_load_idx %arg20[%get3A_320] : memref<25088xf32, #tpu.memory_space<vmem>>[vector<16xi32>], vector<16xf32>,
        %mul3A_321 = arith.constant 4 : i32
        %mul3A_322 = arith.muli %scan3A_311, %mul3A_321 : i32
        %add3A_323 = arith.constant 0 : i32
        %add3A_324 = arith.addi %mul3A_322, %add3A_323 : i32
        %mul3A_325 = arith.constant 16 : i32
        %mul3A_326 = arith.muli %add3A_324, %mul3A_325 : i32
        %get3A_327 = arith.index_cast %mul3A_326 : i32 to index
        %get3A_328 = tpu.vector_load %arg21[%get3A_327] {strides = array<i32>} : memref<2048xi32, #tpu.memory_space<vmem>>, vector<16xi32>,
        tpu.vector_store_idx %arg19[%get3A_328], %gather3A {add = true} : memref<25088xf32, #tpu.memory_space<vmem>>[vector<16xi32>], vector<16xf32>,
        %mul3A_329 = arith.constant 4 : i32
        %mul3A_330 = arith.muli %scan3A_311, %mul3A_329 : i32
        %add3A_331 = arith.constant 1 : i32
        %add3A_332 = arith.addi %mul3A_330, %add3A_331 : i32
        %mul3A_333 = arith.constant 16 : i32
        %mul3A_334 = arith.muli %add3A_332, %mul3A_333 : i32
        %get3A_335 = arith.index_cast %mul3A_334 : i32 to index
        %get3A_336 = tpu.vector_load %arg22[%get3A_335] {strides = array<i32>} : memref<2048xi32, #tpu.memory_space<vmem>>, vector<16xi32>,
        %gather3A_337 = tpu.vector_load_idx %arg20[%get3A_336] : memref<25088xf32, #tpu.memory_space<vmem>>[vector<16xi32>], vector<16xf32>,
        %mul3A_338 = arith.constant 4 : i32
        %mul3A_339 = arith.muli %scan3A_311, %mul3A_338 : i32
        %add3A_340 = arith.constant 1 : i32
        %add3A_341 = arith.addi %mul3A_339, %add3A_340 : i32
        %mul3A_342 = arith.constant 16 : i32
        %mul3A_343 = arith.muli %add3A_341, %mul3A_342 : i32
        %get3A_344 = arith.index_cast %mul3A_343 : i32 to index
        %get3A_345 = tpu.vector_load %arg21[%get3A_344] {strides = array<i32>} : memref<2048xi32, #tpu.memory_space<vmem>>, vector<16xi32>,
        tpu.vector_store_idx %arg19[%get3A_345], %gather3A_337 {add = true} : memref<25088xf32, #tpu.memory_space<vmem>>[vector<16xi32>], vector<16xf32>,
        %mul3A_346 = arith.constant 4 : i32
        %mul3A_347 = arith.muli %scan3A_311, %mul3A_346 : i32
        %add3A_348 = arith.constant 2 : i32
        %add3A_349 = arith.addi %mul3A_347, %add3A_348 : i32
        %mul3A_350 = arith.constant 16 : i32
        %mul3A_351 = arith.muli %add3A_349, %mul3A_350 : i32
        %get3A_352 = arith.index_cast %mul3A_351 : i32 to index
        %get3A_353 = tpu.vector_load %arg22[%get3A_352] {strides = array<i32>} : memref<2048xi32, #tpu.memory_space<vmem>>, vector<16xi32>,
        %gather3A_354 = tpu.vector_load_idx %arg20[%get3A_353] : memref<25088xf32, #tpu.memory_space<vmem>>[vector<16xi32>], vector<16xf32>,
        %mul3A_355 = arith.constant 4 : i32
        %mul3A_356 = arith.muli %scan3A_311, %mul3A_355 : i32
        %add3A_357 = arith.constant 2 : i32
        %add3A_358 = arith.addi %mul3A_356, %add3A_357 : i32
        %mul3A_359 = arith.constant 16 : i32
        %mul3A_360 = arith.muli %add3A_358, %mul3A_359 : i32
        %get3A_361 = arith.index_cast %mul3A_360 : i32 to index
        %get3A_362 = tpu.vector_load %arg21[%get3A_361] {strides = array<i32>} : memref<2048xi32, #tpu.memory_space<vmem>>, vector<16xi32>,
        tpu.vector_store_idx %arg19[%get3A_362], %gather3A_354 {add = true} : memref<25088xf32, #tpu.memory_space<vmem>>[vector<16xi32>], vector<16xf32>,
        %mul3A_363 = arith.constant 4 : i32
        %mul3A_364 = arith.muli %scan3A_311, %mul3A_363 : i32
        %add3A_365 = arith.constant 3 : i32
        %add3A_366 = arith.addi %mul3A_364, %add3A_365 : i32
        %mul3A_367 = arith.constant 16 : i32
        %mul3A_368 = arith.muli %add3A_366, %mul3A_367 : i32
        %get3A_369 = arith.index_cast %mul3A_368 : i32 to index
        %get3A_370 = tpu.vector_load %arg22[%get3A_369] {strides = array<i32>} : memref<2048xi32, #tpu.memory_space<vmem>>, vector<16xi32>,
        %gather3A_371 = tpu.vector_load_idx %arg20[%get3A_370] : memref<25088xf32, #tpu.memory_space<vmem>>[vector<16xi32>], vector<16xf32>,
        %mul3A_372 = arith.constant 4 : i32
        %mul3A_373 = arith.muli %scan3A_311, %mul3A_372 : i32
        %add3A_374 = arith.constant 3 : i32
        %add3A_375 = arith.addi %mul3A_373, %add3A_374 : i32
        %mul3A_376 = arith.constant 16 : i32
        %mul3A_377 = arith.muli %add3A_375, %mul3A_376 : i32
        %get3A_378 = arith.index_cast %mul3A_377 : i32 to index
        %get3A_379 = tpu.vector_load %arg21[%get3A_378] {strides = array<i32>} : memref<2048xi32, #tpu.memory_space<vmem>>, vector<16xi32>,
        tpu.vector_store_idx %arg19[%get3A_379], %gather3A_371 {add = true} : memref<25088xf32, #tpu.memory_space<vmem>>[vector<16xi32>], vector<16xf32>,
        %scan3A_380 = arith.constant 0 : i32
        scf.yield %scan3A_380 : i32
      }
      %scan3A_309 = arith.constant 32 : i32
      %scan3A_310 = arith.constant 0 : i32
      scf.yield %scan3A_310 : i32
    }
    %scan3A_183 = arith.constant 48 : i32
    %add3A_184 = arith.constant 98304 : i32
    %add3A_185 = arith.addi %mul3A_45, %add3A_184 : i32
    %add3A_186 = arith.addi %mul3A_37, %add3A_185 : i32
    "tpu.region"() ({
      %run_scoped3A = tpu.sem_alloc : memref<!tpu.dma_semaphore, #tpu.memory_space<semaphore_mem>>
      %dma_start3A = arith.constant 0 : i32
      %dma_start3A_296 = tpu.memref_slice %arg22[%dma_start3A] : memref<2048xi32, #tpu.memory_space<vmem>> -> memref<1696xi32, #tpu.memory_space<vmem>>
      %dma_start3A_297 = tpu.memref_slice %arg2[%add3A_186] : memref<6400000xi32, #tpu.memory_space<hbm>> -> memref<1696xi32, #tpu.memory_space<hbm>>
      %dma_start3A_298 = arith.constant 0 : i32
      %dma_start3A_299 = tpu.memref_slice %arg22[%dma_start3A_298] : memref<2048xi32, #tpu.memory_space<vmem>> -> memref<1696xi32, #tpu.memory_space<vmem>>
      %dma_start3A_300 = tpu.memref_slice %arg2[%add3A_186] : memref<6400000xi32, #tpu.memory_space<hbm>> -> memref<1696xi32, #tpu.memory_space<hbm>>
      tpu.enqueue_dma source(%dma_start3A_300 : memref<1696xi32, #tpu.memory_space<hbm>>) target(%dma_start3A_299 : memref<1696xi32, #tpu.memory_space<vmem>>) target_semaphore(%run_scoped3A : memref<!tpu.dma_semaphore, #tpu.memory_space<semaphore_mem>>)
      %dma_wait3A = arith.constant 0 : i32
      %dma_wait3A_301 = tpu.memref_slice %arg22[%dma_wait3A] : memref<2048xi32, #tpu.memory_space<vmem>> -> memref<1696xi32, #tpu.memory_space<vmem>>
      %dma_wait3A_302 = tpu.memref_slice %arg2[%add3A_186] : memref<6400000xi32, #tpu.memory_space<hbm>> -> memref<1696xi32, #tpu.memory_space<hbm>>
      %dma_wait3A_303 = arith.constant 0 : i32
      %dma_wait3A_304 = tpu.memref_slice %arg22[%dma_wait3A_303] : memref<2048xi32, #tpu.memory_space<vmem>> -> memref<1696xi32, #tpu.memory_space<vmem>>
      %dma_wait3A_305 = tpu.memref_slice %arg2[%add3A_186] : memref<6400000xi32, #tpu.memory_space<hbm>> -> memref<1696xi32, #tpu.memory_space<hbm>>
      tpu.wait_dma2 semaphore(%run_scoped3A : memref<!tpu.dma_semaphore, #tpu.memory_space<semaphore_mem>>) src(%dma_wait3A_305 : memref<1696xi32, #tpu.memory_space<hbm>>) dst(%dma_wait3A_304 : memref<1696xi32, #tpu.memory_space<vmem>>)
      tpu.yield
    }) : () -> ()
    %add3A_187 = arith.addi %mul3A_43, %add3A_185 : i32
    "tpu.region"() ({
      %run_scoped3A = tpu.sem_alloc : memref<!tpu.dma_semaphore, #tpu.memory_space<semaphore_mem>>
      %dma_start3A = arith.constant 0 : i32
      %dma_start3A_296 = tpu.memref_slice %arg21[%dma_start3A] : memref<2048xi32, #tpu.memory_space<vmem>> -> memref<1696xi32, #tpu.memory_space<vmem>>
      %dma_start3A_297 = tpu.memref_slice %arg2[%add3A_187] : memref<6400000xi32, #tpu.memory_space<hbm>> -> memref<1696xi32, #tpu.memory_space<hbm>>
      %dma_start3A_298 = arith.constant 0 : i32
      %dma_start3A_299 = tpu.memref_slice %arg21[%dma_start3A_298] : memref<2048xi32, #tpu.memory_space<vmem>> -> memref<1696xi32, #tpu.memory_space<vmem>>
      %dma_start3A_300 = tpu.memref_slice %arg2[%add3A_187] : memref<6400000xi32, #tpu.memory_space<hbm>> -> memref<1696xi32, #tpu.memory_space<hbm>>
      tpu.enqueue_dma source(%dma_start3A_300 : memref<1696xi32, #tpu.memory_space<hbm>>) target(%dma_start3A_299 : memref<1696xi32, #tpu.memory_space<vmem>>) target_semaphore(%run_scoped3A : memref<!tpu.dma_semaphore, #tpu.memory_space<semaphore_mem>>)
      %dma_wait3A = arith.constant 0 : i32
      %dma_wait3A_301 = tpu.memref_slice %arg21[%dma_wait3A] : memref<2048xi32, #tpu.memory_space<vmem>> -> memref<1696xi32, #tpu.memory_space<vmem>>
      %dma_wait3A_302 = tpu.memref_slice %arg2[%add3A_187] : memref<6400000xi32, #tpu.memory_space<hbm>> -> memref<1696xi32, #tpu.memory_space<hbm>>
      %dma_wait3A_303 = arith.constant 0 : i32
      %dma_wait3A_304 = tpu.memref_slice %arg21[%dma_wait3A_303] : memref<2048xi32, #tpu.memory_space<vmem>> -> memref<1696xi32, #tpu.memory_space<vmem>>
      %dma_wait3A_305 = tpu.memref_slice %arg2[%add3A_187] : memref<6400000xi32, #tpu.memory_space<hbm>> -> memref<1696xi32, #tpu.memory_space<hbm>>
      tpu.wait_dma2 semaphore(%run_scoped3A : memref<!tpu.dma_semaphore, #tpu.memory_space<semaphore_mem>>) src(%dma_wait3A_305 : memref<1696xi32, #tpu.memory_space<hbm>>) dst(%dma_wait3A_304 : memref<1696xi32, #tpu.memory_space<vmem>>)
      tpu.yield
    }) : () -> ()
    %scan3A_188 = arith.constant 0 : i32
    %scan3A_189 = arith.constant 0 : i32
    %scan3A_190 = arith.constant 26 : i32
    %scan3A_191 = arith.addi %scan3A_189, %scan3A_190 : i32
    %scan3A_192 = arith.constant 1 : i32
    %scan3A_193 = scf.for %scan3A_296 = %scan3A_189 to %scan3A_191 step %scan3A_192 iter_args(%scan3A_297 = %scan3A_188) -> (i32)  : i32 {
      %mul3A_298 = arith.constant 4 : i32
      %mul3A_299 = arith.muli %scan3A_296, %mul3A_298 : i32
      %add3A_300 = arith.constant 0 : i32
      %add3A_301 = arith.addi %mul3A_299, %add3A_300 : i32
      %mul3A_302 = arith.constant 16 : i32
      %mul3A_303 = arith.muli %add3A_301, %mul3A_302 : i32
      %get3A_304 = arith.index_cast %mul3A_303 : i32 to index
      %get3A_305 = tpu.vector_load %arg22[%get3A_304] {strides = array<i32>} : memref<2048xi32, #tpu.memory_space<vmem>>, vector<16xi32>,
      %gather3A = tpu.vector_load_idx %arg20[%get3A_305] : memref<25088xf32, #tpu.memory_space<vmem>>[vector<16xi32>], vector<16xf32>,
      %mul3A_306 = arith.constant 4 : i32
      %mul3A_307 = arith.muli %scan3A_296, %mul3A_306 : i32
      %add3A_308 = arith.constant 0 : i32
      %add3A_309 = arith.addi %mul3A_307, %add3A_308 : i32
      %mul3A_310 = arith.constant 16 : i32
      %mul3A_311 = arith.muli %add3A_309, %mul3A_310 : i32
      %get3A_312 = arith.index_cast %mul3A_311 : i32 to index
      %get3A_313 = tpu.vector_load %arg21[%get3A_312] {strides = array<i32>} : memref<2048xi32, #tpu.memory_space<vmem>>, vector<16xi32>,
      tpu.vector_store_idx %arg19[%get3A_313], %gather3A {add = true} : memref<25088xf32, #tpu.memory_space<vmem>>[vector<16xi32>], vector<16xf32>,
      %mul3A_314 = arith.constant 4 : i32
      %mul3A_315 = arith.muli %scan3A_296, %mul3A_314 : i32
      %add3A_316 = arith.constant 1 : i32
      %add3A_317 = arith.addi %mul3A_315, %add3A_316 : i32
      %mul3A_318 = arith.constant 16 : i32
      %mul3A_319 = arith.muli %add3A_317, %mul3A_318 : i32
      %get3A_320 = arith.index_cast %mul3A_319 : i32 to index
      %get3A_321 = tpu.vector_load %arg22[%get3A_320] {strides = array<i32>} : memref<2048xi32, #tpu.memory_space<vmem>>, vector<16xi32>,
      %gather3A_322 = tpu.vector_load_idx %arg20[%get3A_321] : memref<25088xf32, #tpu.memory_space<vmem>>[vector<16xi32>], vector<16xf32>,
      %mul3A_323 = arith.constant 4 : i32
      %mul3A_324 = arith.muli %scan3A_296, %mul3A_323 : i32
      %add3A_325 = arith.constant 1 : i32
      %add3A_326 = arith.addi %mul3A_324, %add3A_325 : i32
      %mul3A_327 = arith.constant 16 : i32
      %mul3A_328 = arith.muli %add3A_326, %mul3A_327 : i32
      %get3A_329 = arith.index_cast %mul3A_328 : i32 to index
      %get3A_330 = tpu.vector_load %arg21[%get3A_329] {strides = array<i32>} : memref<2048xi32, #tpu.memory_space<vmem>>, vector<16xi32>,
      tpu.vector_store_idx %arg19[%get3A_330], %gather3A_322 {add = true} : memref<25088xf32, #tpu.memory_space<vmem>>[vector<16xi32>], vector<16xf32>,
      %mul3A_331 = arith.constant 4 : i32
      %mul3A_332 = arith.muli %scan3A_296, %mul3A_331 : i32
      %add3A_333 = arith.constant 2 : i32
      %add3A_334 = arith.addi %mul3A_332, %add3A_333 : i32
      %mul3A_335 = arith.constant 16 : i32
      %mul3A_336 = arith.muli %add3A_334, %mul3A_335 : i32
      %get3A_337 = arith.index_cast %mul3A_336 : i32 to index
      %get3A_338 = tpu.vector_load %arg22[%get3A_337] {strides = array<i32>} : memref<2048xi32, #tpu.memory_space<vmem>>, vector<16xi32>,
      %gather3A_339 = tpu.vector_load_idx %arg20[%get3A_338] : memref<25088xf32, #tpu.memory_space<vmem>>[vector<16xi32>], vector<16xf32>,
      %mul3A_340 = arith.constant 4 : i32
      %mul3A_341 = arith.muli %scan3A_296, %mul3A_340 : i32
      %add3A_342 = arith.constant 2 : i32
      %add3A_343 = arith.addi %mul3A_341, %add3A_342 : i32
      %mul3A_344 = arith.constant 16 : i32
      %mul3A_345 = arith.muli %add3A_343, %mul3A_344 : i32
      %get3A_346 = arith.index_cast %mul3A_345 : i32 to index
      %get3A_347 = tpu.vector_load %arg21[%get3A_346] {strides = array<i32>} : memref<2048xi32, #tpu.memory_space<vmem>>, vector<16xi32>,
      tpu.vector_store_idx %arg19[%get3A_347], %gather3A_339 {add = true} : memref<25088xf32, #tpu.memory_space<vmem>>[vector<16xi32>], vector<16xf32>,
      %mul3A_348 = arith.constant 4 : i32
      %mul3A_349 = arith.muli %scan3A_296, %mul3A_348 : i32
      %add3A_350 = arith.constant 3 : i32
      %add3A_351 = arith.addi %mul3A_349, %add3A_350 : i32
      %mul3A_352 = arith.constant 16 : i32
      %mul3A_353 = arith.muli %add3A_351, %mul3A_352 : i32
      %get3A_354 = arith.index_cast %mul3A_353 : i32 to index
      %get3A_355 = tpu.vector_load %arg22[%get3A_354] {strides = array<i32>} : memref<2048xi32, #tpu.memory_space<vmem>>, vector<16xi32>,
      %gather3A_356 = tpu.vector_load_idx %arg20[%get3A_355] : memref<25088xf32, #tpu.memory_space<vmem>>[vector<16xi32>], vector<16xf32>,
      %mul3A_357 = arith.constant 4 : i32
      %mul3A_358 = arith.muli %scan3A_296, %mul3A_357 : i32
      %add3A_359 = arith.constant 3 : i32
      %add3A_360 = arith.addi %mul3A_358, %add3A_359 : i32
      %mul3A_361 = arith.constant 16 : i32
      %mul3A_362 = arith.muli %add3A_360, %mul3A_361 : i32
      %get3A_363 = arith.index_cast %mul3A_362 : i32 to index
      %get3A_364 = tpu.vector_load %arg21[%get3A_363] {strides = array<i32>} : memref<2048xi32, #tpu.memory_space<vmem>>, vector<16xi32>,
      tpu.vector_store_idx %arg19[%get3A_364], %gather3A_356 {add = true} : memref<25088xf32, #tpu.memory_space<vmem>>[vector<16xi32>], vector<16xf32>,
      %scan3A_365 = arith.constant 0 : i32
      scf.yield %scan3A_365 : i32
    }
    %scan3A_194 = arith.constant 26 : i32
    %eq3A_195 = arith.constant 0 : i32
    %eq3A_196 = arith.cmpi eq, %arg0, %eq3A_195 : i32
    %eq3A_197 = arith.constant 0 : i32
    %eq3A_198 = arith.cmpi eq, %arg1, %eq3A_197 : i32
    %and3A_199 = arith.andi %eq3A_196, %eq3A_198 : i1
    %convert_element_type3A_200 = arith.extui %and3A_199 : i1 to i32
    %cond3A_201 = arith.constant 0 : i32
    %cond3A_202 = arith.cmpi ne, %convert_element_type3A_200, %cond3A_201 : i32
    scf.if %cond3A_202 {
      %get3A_296 = arith.constant 0 : index
      %get3A_297 = tpu.vector_load %arg19[%get3A_296] {strides = array<i32>} : memref<25088xf32, #tpu.memory_space<vmem>>, vector<16xf32>,
      %get3A_298 = arith.constant 0 : index
      %get3A_299 = tpu.vector_load %arg32[%get3A_298] {strides = array<i32>} : memref<16xf32, #tpu.memory_space<vmem>>, vector<16xf32>,
      %add3A_300 = arith.addf %get3A_297, %get3A_299 : vector<16xf32>
      %swap3A_301 = arith.constant 0 : index
      %swap3A_302 = tpu.vector_load %arg19[%swap3A_301] {strides = array<i32>} : memref<25088xf32, #tpu.memory_space<vmem>>, vector<16xf32>,
      tpu.vector_store %arg19[%swap3A_301], %add3A_300 {strides = array<i32>} : memref<25088xf32, #tpu.memory_space<vmem>>, vector<16xf32>,
    } else {
    }
    %mul3A_203 = arith.constant 25088 : i32
    %mul3A_204 = arith.muli %arg1, %mul3A_203 : i32
    "tpu.region"() ({
      %run_scoped3A = tpu.sem_alloc : memref<!tpu.dma_semaphore, #tpu.memory_space<semaphore_mem>>
      %dma_start3A = tpu.memref_slice %arg18[%mul3A_204] : memref<401408xf32, #tpu.memory_space<vmem_shared>> -> memref<25088xf32, #tpu.memory_space<vmem_shared>>
      %dma_start3A_296 = tpu.memref_slice %arg18[%mul3A_204] : memref<401408xf32, #tpu.memory_space<vmem_shared>> -> memref<25088xf32, #tpu.memory_space<vmem_shared>>
      tpu.enqueue_dma source(%arg19 : memref<25088xf32, #tpu.memory_space<vmem>>) target(%dma_start3A_296 : memref<25088xf32, #tpu.memory_space<vmem_shared>>) target_semaphore(%run_scoped3A : memref<!tpu.dma_semaphore, #tpu.memory_space<semaphore_mem>>)
      %dma_wait3A = tpu.memref_slice %arg18[%mul3A_204] : memref<401408xf32, #tpu.memory_space<vmem_shared>> -> memref<25088xf32, #tpu.memory_space<vmem_shared>>
      %dma_wait3A_297 = tpu.memref_slice %arg18[%mul3A_204] : memref<401408xf32, #tpu.memory_space<vmem_shared>> -> memref<25088xf32, #tpu.memory_space<vmem_shared>>
      tpu.wait_dma2 semaphore(%run_scoped3A : memref<!tpu.dma_semaphore, #tpu.memory_space<semaphore_mem>>) src(%arg19 : memref<25088xf32, #tpu.memory_space<vmem>>) dst(%dma_wait3A_297 : memref<25088xf32, #tpu.memory_space<vmem_shared>>)
      tpu.yield
    }) : () -> ()
    %barrier3A_205 = arith.constant 0 : index
    tpu.barrier barrier_id(%barrier3A_205)
    %mul3A_206 = arith.constant 8 : i32
    %mul3A_207 = arith.muli %select_n3A, %mul3A_206 : i32
    %mul3A_208 = arith.constant 25088 : i32
    %mul3A_209 = arith.muli %mul3A_207, %mul3A_208 : i32
    %mul3A_210 = arith.constant 3136 : i32
    %mul3A_211 = arith.muli %select_n3A_30, %mul3A_210 : i32
    %add3A_212 = arith.addi %mul3A_209, %mul3A_211 : i32
    "tpu.region"() ({
      %run_scoped3A = tpu.sem_alloc : memref<!tpu.dma_semaphore, #tpu.memory_space<semaphore_mem>>
      %dma_start3A = tpu.memref_slice %arg18[%add3A_212] : memref<401408xf32, #tpu.memory_space<vmem_shared>> -> memref<3136xf32, #tpu.memory_space<vmem_shared>>
      %dma_start3A_296 = tpu.memref_slice %arg18[%add3A_212] : memref<401408xf32, #tpu.memory_space<vmem_shared>> -> memref<3136xf32, #tpu.memory_space<vmem_shared>>
      tpu.enqueue_dma source(%dma_start3A_296 : memref<3136xf32, #tpu.memory_space<vmem_shared>>) target(%arg25 : memref<3136xf32, #tpu.memory_space<vmem>>) target_semaphore(%run_scoped3A : memref<!tpu.dma_semaphore, #tpu.memory_space<semaphore_mem>>)
      %dma_wait3A = tpu.memref_slice %arg18[%add3A_212] : memref<401408xf32, #tpu.memory_space<vmem_shared>> -> memref<3136xf32, #tpu.memory_space<vmem_shared>>
      %dma_wait3A_297 = tpu.memref_slice %arg18[%add3A_212] : memref<401408xf32, #tpu.memory_space<vmem_shared>> -> memref<3136xf32, #tpu.memory_space<vmem_shared>>
      tpu.wait_dma2 semaphore(%run_scoped3A : memref<!tpu.dma_semaphore, #tpu.memory_space<semaphore_mem>>) src(%dma_wait3A_297 : memref<3136xf32, #tpu.memory_space<vmem_shared>>) dst(%arg25 : memref<3136xf32, #tpu.memory_space<vmem>>)
      tpu.yield
    }) : () -> ()
    %add3A_213 = arith.constant 25088 : i32
    %add3A_214 = arith.addi %add3A_212, %add3A_213 : i32
    "tpu.region"() ({
      %run_scoped3A = tpu.sem_alloc : memref<!tpu.dma_semaphore, #tpu.memory_space<semaphore_mem>>
      %dma_start3A = tpu.memref_slice %arg18[%add3A_214] : memref<401408xf32, #tpu.memory_space<vmem_shared>> -> memref<3136xf32, #tpu.memory_space<vmem_shared>>
      %dma_start3A_296 = tpu.memref_slice %arg18[%add3A_214] : memref<401408xf32, #tpu.memory_space<vmem_shared>> -> memref<3136xf32, #tpu.memory_space<vmem_shared>>
      tpu.enqueue_dma source(%dma_start3A_296 : memref<3136xf32, #tpu.memory_space<vmem_shared>>) target(%arg23 : memref<3136xf32, #tpu.memory_space<vmem>>) target_semaphore(%run_scoped3A : memref<!tpu.dma_semaphore, #tpu.memory_space<semaphore_mem>>)
      %dma_wait3A = tpu.memref_slice %arg18[%add3A_214] : memref<401408xf32, #tpu.memory_space<vmem_shared>> -> memref<3136xf32, #tpu.memory_space<vmem_shared>>
      %dma_wait3A_297 = tpu.memref_slice %arg18[%add3A_214] : memref<401408xf32, #tpu.memory_space<vmem_shared>> -> memref<3136xf32, #tpu.memory_space<vmem_shared>>
      tpu.wait_dma2 semaphore(%run_scoped3A : memref<!tpu.dma_semaphore, #tpu.memory_space<semaphore_mem>>) src(%dma_wait3A_297 : memref<3136xf32, #tpu.memory_space<vmem_shared>>) dst(%arg23 : memref<3136xf32, #tpu.memory_space<vmem>>)
      tpu.yield
    }) : () -> ()
    %scan3A_215 = arith.constant 0 : i32
    %scan3A_216 = arith.constant 0 : i32
    %scan3A_217 = arith.constant 49 : i32
    %scan3A_218 = arith.addi %scan3A_216, %scan3A_217 : i32
    %scan3A_219 = arith.constant 1 : i32
    %scan3A_220 = scf.for %scan3A_296 = %scan3A_216 to %scan3A_218 step %scan3A_219 iter_args(%scan3A_297 = %scan3A_215) -> (i32)  : i32 {
      %mul3A_298 = arith.constant 4 : i32
      %mul3A_299 = arith.muli %scan3A_296, %mul3A_298 : i32
      %add3A_300 = arith.constant 0 : i32
      %add3A_301 = arith.addi %mul3A_299, %add3A_300 : i32
      %mul3A_302 = arith.constant 16 : i32
      %mul3A_303 = arith.muli %add3A_301, %mul3A_302 : i32
      %get3A_304 = arith.index_cast %mul3A_303 : i32 to index
      %get3A_305 = tpu.vector_load %arg25[%get3A_304] {strides = array<i32>} : memref<3136xf32, #tpu.memory_space<vmem>>, vector<16xf32>,
      %get3A_306 = arith.index_cast %mul3A_303 : i32 to index
      %get3A_307 = tpu.vector_load %arg23[%get3A_306] {strides = array<i32>} : memref<3136xf32, #tpu.memory_space<vmem>>, vector<16xf32>,
      %add3A_308 = arith.addf %get3A_305, %get3A_307 : vector<16xf32>
      %swap3A_309 = arith.index_cast %mul3A_303 : i32 to index
      %swap3A_310 = tpu.vector_load %arg25[%swap3A_309] {strides = array<i32>} : memref<3136xf32, #tpu.memory_space<vmem>>, vector<16xf32>,
      tpu.vector_store %arg25[%swap3A_309], %add3A_308 {strides = array<i32>} : memref<3136xf32, #tpu.memory_space<vmem>>, vector<16xf32>,
      %mul3A_311 = arith.constant 4 : i32
      %mul3A_312 = arith.muli %scan3A_296, %mul3A_311 : i32
      %add3A_313 = arith.constant 1 : i32
      %add3A_314 = arith.addi %mul3A_312, %add3A_313 : i32
      %mul3A_315 = arith.constant 16 : i32
      %mul3A_316 = arith.muli %add3A_314, %mul3A_315 : i32
      %get3A_317 = arith.index_cast %mul3A_316 : i32 to index
      %get3A_318 = tpu.vector_load %arg25[%get3A_317] {strides = array<i32>} : memref<3136xf32, #tpu.memory_space<vmem>>, vector<16xf32>,
      %get3A_319 = arith.index_cast %mul3A_316 : i32 to index
      %get3A_320 = tpu.vector_load %arg23[%get3A_319] {strides = array<i32>} : memref<3136xf32, #tpu.memory_space<vmem>>, vector<16xf32>,
      %add3A_321 = arith.addf %get3A_318, %get3A_320 : vector<16xf32>
      %swap3A_322 = arith.index_cast %mul3A_316 : i32 to index
      %swap3A_323 = tpu.vector_load %arg25[%swap3A_322] {strides = array<i32>} : memref<3136xf32, #tpu.memory_space<vmem>>, vector<16xf32>,
      tpu.vector_store %arg25[%swap3A_322], %add3A_321 {strides = array<i32>} : memref<3136xf32, #tpu.memory_space<vmem>>, vector<16xf32>,
      %mul3A_324 = arith.constant 4 : i32
      %mul3A_325 = arith.muli %scan3A_296, %mul3A_324 : i32
      %add3A_326 = arith.constant 2 : i32
      %add3A_327 = arith.addi %mul3A_325, %add3A_326 : i32
      %mul3A_328 = arith.constant 16 : i32
      %mul3A_329 = arith.muli %add3A_327, %mul3A_328 : i32
      %get3A_330 = arith.index_cast %mul3A_329 : i32 to index
      %get3A_331 = tpu.vector_load %arg25[%get3A_330] {strides = array<i32>} : memref<3136xf32, #tpu.memory_space<vmem>>, vector<16xf32>,
      %get3A_332 = arith.index_cast %mul3A_329 : i32 to index
      %get3A_333 = tpu.vector_load %arg23[%get3A_332] {strides = array<i32>} : memref<3136xf32, #tpu.memory_space<vmem>>, vector<16xf32>,
      %add3A_334 = arith.addf %get3A_331, %get3A_333 : vector<16xf32>
      %swap3A_335 = arith.index_cast %mul3A_329 : i32 to index
      %swap3A_336 = tpu.vector_load %arg25[%swap3A_335] {strides = array<i32>} : memref<3136xf32, #tpu.memory_space<vmem>>, vector<16xf32>,
      tpu.vector_store %arg25[%swap3A_335], %add3A_334 {strides = array<i32>} : memref<3136xf32, #tpu.memory_space<vmem>>, vector<16xf32>,
      %mul3A_337 = arith.constant 4 : i32
      %mul3A_338 = arith.muli %scan3A_296, %mul3A_337 : i32
      %add3A_339 = arith.constant 3 : i32
      %add3A_340 = arith.addi %mul3A_338, %add3A_339 : i32
      %mul3A_341 = arith.constant 16 : i32
      %mul3A_342 = arith.muli %add3A_340, %mul3A_341 : i32
      %get3A_343 = arith.index_cast %mul3A_342 : i32 to index
      %get3A_344 = tpu.vector_load %arg25[%get3A_343] {strides = array<i32>} : memref<3136xf32, #tpu.memory_space<vmem>>, vector<16xf32>,
      %get3A_345 = arith.index_cast %mul3A_342 : i32 to index
      %get3A_346 = tpu.vector_load %arg23[%get3A_345] {strides = array<i32>} : memref<3136xf32, #tpu.memory_space<vmem>>, vector<16xf32>,
      %add3A_347 = arith.addf %get3A_344, %get3A_346 : vector<16xf32>
      %swap3A_348 = arith.index_cast %mul3A_342 : i32 to index
      %swap3A_349 = tpu.vector_load %arg25[%swap3A_348] {strides = array<i32>} : memref<3136xf32, #tpu.memory_space<vmem>>, vector<16xf32>,
      tpu.vector_store %arg25[%swap3A_348], %add3A_347 {strides = array<i32>} : memref<3136xf32, #tpu.memory_space<vmem>>, vector<16xf32>,
      %scan3A_350 = arith.constant 0 : i32
      scf.yield %scan3A_350 : i32
    }
    %scan3A_221 = arith.constant 49 : i32
    %add3A_222 = arith.constant 50176 : i32
    %add3A_223 = arith.addi %add3A_212, %add3A_222 : i32
    "tpu.region"() ({
      %run_scoped3A = tpu.sem_alloc : memref<!tpu.dma_semaphore, #tpu.memory_space<semaphore_mem>>
      %dma_start3A = tpu.memref_slice %arg18[%add3A_223] : memref<401408xf32, #tpu.memory_space<vmem_shared>> -> memref<3136xf32, #tpu.memory_space<vmem_shared>>
      %dma_start3A_296 = tpu.memref_slice %arg18[%add3A_223] : memref<401408xf32, #tpu.memory_space<vmem_shared>> -> memref<3136xf32, #tpu.memory_space<vmem_shared>>
      tpu.enqueue_dma source(%dma_start3A_296 : memref<3136xf32, #tpu.memory_space<vmem_shared>>) target(%arg23 : memref<3136xf32, #tpu.memory_space<vmem>>) target_semaphore(%run_scoped3A : memref<!tpu.dma_semaphore, #tpu.memory_space<semaphore_mem>>)
      %dma_wait3A = tpu.memref_slice %arg18[%add3A_223] : memref<401408xf32, #tpu.memory_space<vmem_shared>> -> memref<3136xf32, #tpu.memory_space<vmem_shared>>
      %dma_wait3A_297 = tpu.memref_slice %arg18[%add3A_223] : memref<401408xf32, #tpu.memory_space<vmem_shared>> -> memref<3136xf32, #tpu.memory_space<vmem_shared>>
      tpu.wait_dma2 semaphore(%run_scoped3A : memref<!tpu.dma_semaphore, #tpu.memory_space<semaphore_mem>>) src(%dma_wait3A_297 : memref<3136xf32, #tpu.memory_space<vmem_shared>>) dst(%arg23 : memref<3136xf32, #tpu.memory_space<vmem>>)
      tpu.yield
    }) : () -> ()
    %scan3A_224 = arith.constant 0 : i32
    %scan3A_225 = arith.constant 0 : i32
    %scan3A_226 = arith.constant 49 : i32
    %scan3A_227 = arith.addi %scan3A_225, %scan3A_226 : i32
    %scan3A_228 = arith.constant 1 : i32
    %scan3A_229 = scf.for %scan3A_296 = %scan3A_225 to %scan3A_227 step %scan3A_228 iter_args(%scan3A_297 = %scan3A_224) -> (i32)  : i32 {
      %mul3A_298 = arith.constant 4 : i32
      %mul3A_299 = arith.muli %scan3A_296, %mul3A_298 : i32
      %add3A_300 = arith.constant 0 : i32
      %add3A_301 = arith.addi %mul3A_299, %add3A_300 : i32
      %mul3A_302 = arith.constant 16 : i32
      %mul3A_303 = arith.muli %add3A_301, %mul3A_302 : i32
      %get3A_304 = arith.index_cast %mul3A_303 : i32 to index
      %get3A_305 = tpu.vector_load %arg25[%get3A_304] {strides = array<i32>} : memref<3136xf32, #tpu.memory_space<vmem>>, vector<16xf32>,
      %get3A_306 = arith.index_cast %mul3A_303 : i32 to index
      %get3A_307 = tpu.vector_load %arg23[%get3A_306] {strides = array<i32>} : memref<3136xf32, #tpu.memory_space<vmem>>, vector<16xf32>,
      %add3A_308 = arith.addf %get3A_305, %get3A_307 : vector<16xf32>
      %swap3A_309 = arith.index_cast %mul3A_303 : i32 to index
      %swap3A_310 = tpu.vector_load %arg25[%swap3A_309] {strides = array<i32>} : memref<3136xf32, #tpu.memory_space<vmem>>, vector<16xf32>,
      tpu.vector_store %arg25[%swap3A_309], %add3A_308 {strides = array<i32>} : memref<3136xf32, #tpu.memory_space<vmem>>, vector<16xf32>,
      %mul3A_311 = arith.constant 4 : i32
      %mul3A_312 = arith.muli %scan3A_296, %mul3A_311 : i32
      %add3A_313 = arith.constant 1 : i32
      %add3A_314 = arith.addi %mul3A_312, %add3A_313 : i32
      %mul3A_315 = arith.constant 16 : i32
      %mul3A_316 = arith.muli %add3A_314, %mul3A_315 : i32
      %get3A_317 = arith.index_cast %mul3A_316 : i32 to index
      %get3A_318 = tpu.vector_load %arg25[%get3A_317] {strides = array<i32>} : memref<3136xf32, #tpu.memory_space<vmem>>, vector<16xf32>,
      %get3A_319 = arith.index_cast %mul3A_316 : i32 to index
      %get3A_320 = tpu.vector_load %arg23[%get3A_319] {strides = array<i32>} : memref<3136xf32, #tpu.memory_space<vmem>>, vector<16xf32>,
      %add3A_321 = arith.addf %get3A_318, %get3A_320 : vector<16xf32>
      %swap3A_322 = arith.index_cast %mul3A_316 : i32 to index
      %swap3A_323 = tpu.vector_load %arg25[%swap3A_322] {strides = array<i32>} : memref<3136xf32, #tpu.memory_space<vmem>>, vector<16xf32>,
      tpu.vector_store %arg25[%swap3A_322], %add3A_321 {strides = array<i32>} : memref<3136xf32, #tpu.memory_space<vmem>>, vector<16xf32>,
      %mul3A_324 = arith.constant 4 : i32
      %mul3A_325 = arith.muli %scan3A_296, %mul3A_324 : i32
      %add3A_326 = arith.constant 2 : i32
      %add3A_327 = arith.addi %mul3A_325, %add3A_326 : i32
      %mul3A_328 = arith.constant 16 : i32
      %mul3A_329 = arith.muli %add3A_327, %mul3A_328 : i32
      %get3A_330 = arith.index_cast %mul3A_329 : i32 to index
      %get3A_331 = tpu.vector_load %arg25[%get3A_330] {strides = array<i32>} : memref<3136xf32, #tpu.memory_space<vmem>>, vector<16xf32>,
      %get3A_332 = arith.index_cast %mul3A_329 : i32 to index
      %get3A_333 = tpu.vector_load %arg23[%get3A_332] {strides = array<i32>} : memref<3136xf32, #tpu.memory_space<vmem>>, vector<16xf32>,
      %add3A_334 = arith.addf %get3A_331, %get3A_333 : vector<16xf32>
      %swap3A_335 = arith.index_cast %mul3A_329 : i32 to index
      %swap3A_336 = tpu.vector_load %arg25[%swap3A_335] {strides = array<i32>} : memref<3136xf32, #tpu.memory_space<vmem>>, vector<16xf32>,
      tpu.vector_store %arg25[%swap3A_335], %add3A_334 {strides = array<i32>} : memref<3136xf32, #tpu.memory_space<vmem>>, vector<16xf32>,
      %mul3A_337 = arith.constant 4 : i32
      %mul3A_338 = arith.muli %scan3A_296, %mul3A_337 : i32
      %add3A_339 = arith.constant 3 : i32
      %add3A_340 = arith.addi %mul3A_338, %add3A_339 : i32
      %mul3A_341 = arith.constant 16 : i32
      %mul3A_342 = arith.muli %add3A_340, %mul3A_341 : i32
      %get3A_343 = arith.index_cast %mul3A_342 : i32 to index
      %get3A_344 = tpu.vector_load %arg25[%get3A_343] {strides = array<i32>} : memref<3136xf32, #tpu.memory_space<vmem>>, vector<16xf32>,
      %get3A_345 = arith.index_cast %mul3A_342 : i32 to index
      %get3A_346 = tpu.vector_load %arg23[%get3A_345] {strides = array<i32>} : memref<3136xf32, #tpu.memory_space<vmem>>, vector<16xf32>,
      %add3A_347 = arith.addf %get3A_344, %get3A_346 : vector<16xf32>
      %swap3A_348 = arith.index_cast %mul3A_342 : i32 to index
      %swap3A_349 = tpu.vector_load %arg25[%swap3A_348] {strides = array<i32>} : memref<3136xf32, #tpu.memory_space<vmem>>, vector<16xf32>,
      tpu.vector_store %arg25[%swap3A_348], %add3A_347 {strides = array<i32>} : memref<3136xf32, #tpu.memory_space<vmem>>, vector<16xf32>,
      %scan3A_350 = arith.constant 0 : i32
      scf.yield %scan3A_350 : i32
    }
    %scan3A_230 = arith.constant 49 : i32
    %add3A_231 = arith.constant 75264 : i32
    %add3A_232 = arith.addi %add3A_212, %add3A_231 : i32
    "tpu.region"() ({
      %run_scoped3A = tpu.sem_alloc : memref<!tpu.dma_semaphore, #tpu.memory_space<semaphore_mem>>
      %dma_start3A = tpu.memref_slice %arg18[%add3A_232] : memref<401408xf32, #tpu.memory_space<vmem_shared>> -> memref<3136xf32, #tpu.memory_space<vmem_shared>>
      %dma_start3A_296 = tpu.memref_slice %arg18[%add3A_232] : memref<401408xf32, #tpu.memory_space<vmem_shared>> -> memref<3136xf32, #tpu.memory_space<vmem_shared>>
      tpu.enqueue_dma source(%dma_start3A_296 : memref<3136xf32, #tpu.memory_space<vmem_shared>>) target(%arg23 : memref<3136xf32, #tpu.memory_space<vmem>>) target_semaphore(%run_scoped3A : memref<!tpu.dma_semaphore, #tpu.memory_space<semaphore_mem>>)
      %dma_wait3A = tpu.memref_slice %arg18[%add3A_232] : memref<401408xf32, #tpu.memory_space<vmem_shared>> -> memref<3136xf32, #tpu.memory_space<vmem_shared>>
      %dma_wait3A_297 = tpu.memref_slice %arg18[%add3A_232] : memref<401408xf32, #tpu.memory_space<vmem_shared>> -> memref<3136xf32, #tpu.memory_space<vmem_shared>>
      tpu.wait_dma2 semaphore(%run_scoped3A : memref<!tpu.dma_semaphore, #tpu.memory_space<semaphore_mem>>) src(%dma_wait3A_297 : memref<3136xf32, #tpu.memory_space<vmem_shared>>) dst(%arg23 : memref<3136xf32, #tpu.memory_space<vmem>>)
      tpu.yield
    }) : () -> ()
    %scan3A_233 = arith.constant 0 : i32
    %scan3A_234 = arith.constant 0 : i32
    %scan3A_235 = arith.constant 49 : i32
    %scan3A_236 = arith.addi %scan3A_234, %scan3A_235 : i32
    %scan3A_237 = arith.constant 1 : i32
    %scan3A_238 = scf.for %scan3A_296 = %scan3A_234 to %scan3A_236 step %scan3A_237 iter_args(%scan3A_297 = %scan3A_233) -> (i32)  : i32 {
      %mul3A_298 = arith.constant 4 : i32
      %mul3A_299 = arith.muli %scan3A_296, %mul3A_298 : i32
      %add3A_300 = arith.constant 0 : i32
      %add3A_301 = arith.addi %mul3A_299, %add3A_300 : i32
      %mul3A_302 = arith.constant 16 : i32
      %mul3A_303 = arith.muli %add3A_301, %mul3A_302 : i32
      %get3A_304 = arith.index_cast %mul3A_303 : i32 to index
      %get3A_305 = tpu.vector_load %arg25[%get3A_304] {strides = array<i32>} : memref<3136xf32, #tpu.memory_space<vmem>>, vector<16xf32>,
      %get3A_306 = arith.index_cast %mul3A_303 : i32 to index
      %get3A_307 = tpu.vector_load %arg23[%get3A_306] {strides = array<i32>} : memref<3136xf32, #tpu.memory_space<vmem>>, vector<16xf32>,
      %add3A_308 = arith.addf %get3A_305, %get3A_307 : vector<16xf32>
      %swap3A_309 = arith.index_cast %mul3A_303 : i32 to index
      %swap3A_310 = tpu.vector_load %arg25[%swap3A_309] {strides = array<i32>} : memref<3136xf32, #tpu.memory_space<vmem>>, vector<16xf32>,
      tpu.vector_store %arg25[%swap3A_309], %add3A_308 {strides = array<i32>} : memref<3136xf32, #tpu.memory_space<vmem>>, vector<16xf32>,
      %mul3A_311 = arith.constant 4 : i32
      %mul3A_312 = arith.muli %scan3A_296, %mul3A_311 : i32
      %add3A_313 = arith.constant 1 : i32
      %add3A_314 = arith.addi %mul3A_312, %add3A_313 : i32
      %mul3A_315 = arith.constant 16 : i32
      %mul3A_316 = arith.muli %add3A_314, %mul3A_315 : i32
      %get3A_317 = arith.index_cast %mul3A_316 : i32 to index
      %get3A_318 = tpu.vector_load %arg25[%get3A_317] {strides = array<i32>} : memref<3136xf32, #tpu.memory_space<vmem>>, vector<16xf32>,
      %get3A_319 = arith.index_cast %mul3A_316 : i32 to index
      %get3A_320 = tpu.vector_load %arg23[%get3A_319] {strides = array<i32>} : memref<3136xf32, #tpu.memory_space<vmem>>, vector<16xf32>,
      %add3A_321 = arith.addf %get3A_318, %get3A_320 : vector<16xf32>
      %swap3A_322 = arith.index_cast %mul3A_316 : i32 to index
      %swap3A_323 = tpu.vector_load %arg25[%swap3A_322] {strides = array<i32>} : memref<3136xf32, #tpu.memory_space<vmem>>, vector<16xf32>,
      tpu.vector_store %arg25[%swap3A_322], %add3A_321 {strides = array<i32>} : memref<3136xf32, #tpu.memory_space<vmem>>, vector<16xf32>,
      %mul3A_324 = arith.constant 4 : i32
      %mul3A_325 = arith.muli %scan3A_296, %mul3A_324 : i32
      %add3A_326 = arith.constant 2 : i32
      %add3A_327 = arith.addi %mul3A_325, %add3A_326 : i32
      %mul3A_328 = arith.constant 16 : i32
      %mul3A_329 = arith.muli %add3A_327, %mul3A_328 : i32
      %get3A_330 = arith.index_cast %mul3A_329 : i32 to index
      %get3A_331 = tpu.vector_load %arg25[%get3A_330] {strides = array<i32>} : memref<3136xf32, #tpu.memory_space<vmem>>, vector<16xf32>,
      %get3A_332 = arith.index_cast %mul3A_329 : i32 to index
      %get3A_333 = tpu.vector_load %arg23[%get3A_332] {strides = array<i32>} : memref<3136xf32, #tpu.memory_space<vmem>>, vector<16xf32>,
      %add3A_334 = arith.addf %get3A_331, %get3A_333 : vector<16xf32>
      %swap3A_335 = arith.index_cast %mul3A_329 : i32 to index
      %swap3A_336 = tpu.vector_load %arg25[%swap3A_335] {strides = array<i32>} : memref<3136xf32, #tpu.memory_space<vmem>>, vector<16xf32>,
      tpu.vector_store %arg25[%swap3A_335], %add3A_334 {strides = array<i32>} : memref<3136xf32, #tpu.memory_space<vmem>>, vector<16xf32>,
      %mul3A_337 = arith.constant 4 : i32
      %mul3A_338 = arith.muli %scan3A_296, %mul3A_337 : i32
      %add3A_339 = arith.constant 3 : i32
      %add3A_340 = arith.addi %mul3A_338, %add3A_339 : i32
      %mul3A_341 = arith.constant 16 : i32
      %mul3A_342 = arith.muli %add3A_340, %mul3A_341 : i32
      %get3A_343 = arith.index_cast %mul3A_342 : i32 to index
      %get3A_344 = tpu.vector_load %arg25[%get3A_343] {strides = array<i32>} : memref<3136xf32, #tpu.memory_space<vmem>>, vector<16xf32>,
      %get3A_345 = arith.index_cast %mul3A_342 : i32 to index
      %get3A_346 = tpu.vector_load %arg23[%get3A_345] {strides = array<i32>} : memref<3136xf32, #tpu.memory_space<vmem>>, vector<16xf32>,
      %add3A_347 = arith.addf %get3A_344, %get3A_346 : vector<16xf32>
      %swap3A_348 = arith.index_cast %mul3A_342 : i32 to index
      %swap3A_349 = tpu.vector_load %arg25[%swap3A_348] {strides = array<i32>} : memref<3136xf32, #tpu.memory_space<vmem>>, vector<16xf32>,
      tpu.vector_store %arg25[%swap3A_348], %add3A_347 {strides = array<i32>} : memref<3136xf32, #tpu.memory_space<vmem>>, vector<16xf32>,
      %scan3A_350 = arith.constant 0 : i32
      scf.yield %scan3A_350 : i32
    }
    %scan3A_239 = arith.constant 49 : i32
    %add3A_240 = arith.constant 100352 : i32
    %add3A_241 = arith.addi %add3A_212, %add3A_240 : i32
    "tpu.region"() ({
      %run_scoped3A = tpu.sem_alloc : memref<!tpu.dma_semaphore, #tpu.memory_space<semaphore_mem>>
      %dma_start3A = tpu.memref_slice %arg18[%add3A_241] : memref<401408xf32, #tpu.memory_space<vmem_shared>> -> memref<3136xf32, #tpu.memory_space<vmem_shared>>
      %dma_start3A_296 = tpu.memref_slice %arg18[%add3A_241] : memref<401408xf32, #tpu.memory_space<vmem_shared>> -> memref<3136xf32, #tpu.memory_space<vmem_shared>>
      tpu.enqueue_dma source(%dma_start3A_296 : memref<3136xf32, #tpu.memory_space<vmem_shared>>) target(%arg23 : memref<3136xf32, #tpu.memory_space<vmem>>) target_semaphore(%run_scoped3A : memref<!tpu.dma_semaphore, #tpu.memory_space<semaphore_mem>>)
      %dma_wait3A = tpu.memref_slice %arg18[%add3A_241] : memref<401408xf32, #tpu.memory_space<vmem_shared>> -> memref<3136xf32, #tpu.memory_space<vmem_shared>>
      %dma_wait3A_297 = tpu.memref_slice %arg18[%add3A_241] : memref<401408xf32, #tpu.memory_space<vmem_shared>> -> memref<3136xf32, #tpu.memory_space<vmem_shared>>
      tpu.wait_dma2 semaphore(%run_scoped3A : memref<!tpu.dma_semaphore, #tpu.memory_space<semaphore_mem>>) src(%dma_wait3A_297 : memref<3136xf32, #tpu.memory_space<vmem_shared>>) dst(%arg23 : memref<3136xf32, #tpu.memory_space<vmem>>)
      tpu.yield
    }) : () -> ()
    %scan3A_242 = arith.constant 0 : i32
    %scan3A_243 = arith.constant 0 : i32
    %scan3A_244 = arith.constant 49 : i32
    %scan3A_245 = arith.addi %scan3A_243, %scan3A_244 : i32
    %scan3A_246 = arith.constant 1 : i32
    %scan3A_247 = scf.for %scan3A_296 = %scan3A_243 to %scan3A_245 step %scan3A_246 iter_args(%scan3A_297 = %scan3A_242) -> (i32)  : i32 {
      %mul3A_298 = arith.constant 4 : i32
      %mul3A_299 = arith.muli %scan3A_296, %mul3A_298 : i32
      %add3A_300 = arith.constant 0 : i32
      %add3A_301 = arith.addi %mul3A_299, %add3A_300 : i32
      %mul3A_302 = arith.constant 16 : i32
      %mul3A_303 = arith.muli %add3A_301, %mul3A_302 : i32
      %get3A_304 = arith.index_cast %mul3A_303 : i32 to index
      %get3A_305 = tpu.vector_load %arg25[%get3A_304] {strides = array<i32>} : memref<3136xf32, #tpu.memory_space<vmem>>, vector<16xf32>,
      %get3A_306 = arith.index_cast %mul3A_303 : i32 to index
      %get3A_307 = tpu.vector_load %arg23[%get3A_306] {strides = array<i32>} : memref<3136xf32, #tpu.memory_space<vmem>>, vector<16xf32>,
      %add3A_308 = arith.addf %get3A_305, %get3A_307 : vector<16xf32>
      %swap3A_309 = arith.index_cast %mul3A_303 : i32 to index
      %swap3A_310 = tpu.vector_load %arg25[%swap3A_309] {strides = array<i32>} : memref<3136xf32, #tpu.memory_space<vmem>>, vector<16xf32>,
      tpu.vector_store %arg25[%swap3A_309], %add3A_308 {strides = array<i32>} : memref<3136xf32, #tpu.memory_space<vmem>>, vector<16xf32>,
      %mul3A_311 = arith.constant 4 : i32
      %mul3A_312 = arith.muli %scan3A_296, %mul3A_311 : i32
      %add3A_313 = arith.constant 1 : i32
      %add3A_314 = arith.addi %mul3A_312, %add3A_313 : i32
      %mul3A_315 = arith.constant 16 : i32
      %mul3A_316 = arith.muli %add3A_314, %mul3A_315 : i32
      %get3A_317 = arith.index_cast %mul3A_316 : i32 to index
      %get3A_318 = tpu.vector_load %arg25[%get3A_317] {strides = array<i32>} : memref<3136xf32, #tpu.memory_space<vmem>>, vector<16xf32>,
      %get3A_319 = arith.index_cast %mul3A_316 : i32 to index
      %get3A_320 = tpu.vector_load %arg23[%get3A_319] {strides = array<i32>} : memref<3136xf32, #tpu.memory_space<vmem>>, vector<16xf32>,
      %add3A_321 = arith.addf %get3A_318, %get3A_320 : vector<16xf32>
      %swap3A_322 = arith.index_cast %mul3A_316 : i32 to index
      %swap3A_323 = tpu.vector_load %arg25[%swap3A_322] {strides = array<i32>} : memref<3136xf32, #tpu.memory_space<vmem>>, vector<16xf32>,
      tpu.vector_store %arg25[%swap3A_322], %add3A_321 {strides = array<i32>} : memref<3136xf32, #tpu.memory_space<vmem>>, vector<16xf32>,
      %mul3A_324 = arith.constant 4 : i32
      %mul3A_325 = arith.muli %scan3A_296, %mul3A_324 : i32
      %add3A_326 = arith.constant 2 : i32
      %add3A_327 = arith.addi %mul3A_325, %add3A_326 : i32
      %mul3A_328 = arith.constant 16 : i32
      %mul3A_329 = arith.muli %add3A_327, %mul3A_328 : i32
      %get3A_330 = arith.index_cast %mul3A_329 : i32 to index
      %get3A_331 = tpu.vector_load %arg25[%get3A_330] {strides = array<i32>} : memref<3136xf32, #tpu.memory_space<vmem>>, vector<16xf32>,
      %get3A_332 = arith.index_cast %mul3A_329 : i32 to index
      %get3A_333 = tpu.vector_load %arg23[%get3A_332] {strides = array<i32>} : memref<3136xf32, #tpu.memory_space<vmem>>, vector<16xf32>,
      %add3A_334 = arith.addf %get3A_331, %get3A_333 : vector<16xf32>
      %swap3A_335 = arith.index_cast %mul3A_329 : i32 to index
      %swap3A_336 = tpu.vector_load %arg25[%swap3A_335] {strides = array<i32>} : memref<3136xf32, #tpu.memory_space<vmem>>, vector<16xf32>,
      tpu.vector_store %arg25[%swap3A_335], %add3A_334 {strides = array<i32>} : memref<3136xf32, #tpu.memory_space<vmem>>, vector<16xf32>,
      %mul3A_337 = arith.constant 4 : i32
      %mul3A_338 = arith.muli %scan3A_296, %mul3A_337 : i32
      %add3A_339 = arith.constant 3 : i32
      %add3A_340 = arith.addi %mul3A_338, %add3A_339 : i32
      %mul3A_341 = arith.constant 16 : i32
      %mul3A_342 = arith.muli %add3A_340, %mul3A_341 : i32
      %get3A_343 = arith.index_cast %mul3A_342 : i32 to index
      %get3A_344 = tpu.vector_load %arg25[%get3A_343] {strides = array<i32>} : memref<3136xf32, #tpu.memory_space<vmem>>, vector<16xf32>,
      %get3A_345 = arith.index_cast %mul3A_342 : i32 to index
      %get3A_346 = tpu.vector_load %arg23[%get3A_345] {strides = array<i32>} : memref<3136xf32, #tpu.memory_space<vmem>>, vector<16xf32>,
      %add3A_347 = arith.addf %get3A_344, %get3A_346 : vector<16xf32>
      %swap3A_348 = arith.index_cast %mul3A_342 : i32 to index
      %swap3A_349 = tpu.vector_load %arg25[%swap3A_348] {strides = array<i32>} : memref<3136xf32, #tpu.memory_space<vmem>>, vector<16xf32>,
      tpu.vector_store %arg25[%swap3A_348], %add3A_347 {strides = array<i32>} : memref<3136xf32, #tpu.memory_space<vmem>>, vector<16xf32>,
      %scan3A_350 = arith.constant 0 : i32
      scf.yield %scan3A_350 : i32
    }
    %scan3A_248 = arith.constant 49 : i32
    %add3A_249 = arith.constant 125440 : i32
    %add3A_250 = arith.addi %add3A_212, %add3A_249 : i32
    "tpu.region"() ({
      %run_scoped3A = tpu.sem_alloc : memref<!tpu.dma_semaphore, #tpu.memory_space<semaphore_mem>>
      %dma_start3A = tpu.memref_slice %arg18[%add3A_250] : memref<401408xf32, #tpu.memory_space<vmem_shared>> -> memref<3136xf32, #tpu.memory_space<vmem_shared>>
      %dma_start3A_296 = tpu.memref_slice %arg18[%add3A_250] : memref<401408xf32, #tpu.memory_space<vmem_shared>> -> memref<3136xf32, #tpu.memory_space<vmem_shared>>
      tpu.enqueue_dma source(%dma_start3A_296 : memref<3136xf32, #tpu.memory_space<vmem_shared>>) target(%arg23 : memref<3136xf32, #tpu.memory_space<vmem>>) target_semaphore(%run_scoped3A : memref<!tpu.dma_semaphore, #tpu.memory_space<semaphore_mem>>)
      %dma_wait3A = tpu.memref_slice %arg18[%add3A_250] : memref<401408xf32, #tpu.memory_space<vmem_shared>> -> memref<3136xf32, #tpu.memory_space<vmem_shared>>
      %dma_wait3A_297 = tpu.memref_slice %arg18[%add3A_250] : memref<401408xf32, #tpu.memory_space<vmem_shared>> -> memref<3136xf32, #tpu.memory_space<vmem_shared>>
      tpu.wait_dma2 semaphore(%run_scoped3A : memref<!tpu.dma_semaphore, #tpu.memory_space<semaphore_mem>>) src(%dma_wait3A_297 : memref<3136xf32, #tpu.memory_space<vmem_shared>>) dst(%arg23 : memref<3136xf32, #tpu.memory_space<vmem>>)
      tpu.yield
    }) : () -> ()
    %scan3A_251 = arith.constant 0 : i32
    %scan3A_252 = arith.constant 0 : i32
    %scan3A_253 = arith.constant 49 : i32
    %scan3A_254 = arith.addi %scan3A_252, %scan3A_253 : i32
    %scan3A_255 = arith.constant 1 : i32
    %scan3A_256 = scf.for %scan3A_296 = %scan3A_252 to %scan3A_254 step %scan3A_255 iter_args(%scan3A_297 = %scan3A_251) -> (i32)  : i32 {
      %mul3A_298 = arith.constant 4 : i32
      %mul3A_299 = arith.muli %scan3A_296, %mul3A_298 : i32
      %add3A_300 = arith.constant 0 : i32
      %add3A_301 = arith.addi %mul3A_299, %add3A_300 : i32
      %mul3A_302 = arith.constant 16 : i32
      %mul3A_303 = arith.muli %add3A_301, %mul3A_302 : i32
      %get3A_304 = arith.index_cast %mul3A_303 : i32 to index
      %get3A_305 = tpu.vector_load %arg25[%get3A_304] {strides = array<i32>} : memref<3136xf32, #tpu.memory_space<vmem>>, vector<16xf32>,
      %get3A_306 = arith.index_cast %mul3A_303 : i32 to index
      %get3A_307 = tpu.vector_load %arg23[%get3A_306] {strides = array<i32>} : memref<3136xf32, #tpu.memory_space<vmem>>, vector<16xf32>,
      %add3A_308 = arith.addf %get3A_305, %get3A_307 : vector<16xf32>
      %swap3A_309 = arith.index_cast %mul3A_303 : i32 to index
      %swap3A_310 = tpu.vector_load %arg25[%swap3A_309] {strides = array<i32>} : memref<3136xf32, #tpu.memory_space<vmem>>, vector<16xf32>,
      tpu.vector_store %arg25[%swap3A_309], %add3A_308 {strides = array<i32>} : memref<3136xf32, #tpu.memory_space<vmem>>, vector<16xf32>,
      %mul3A_311 = arith.constant 4 : i32
      %mul3A_312 = arith.muli %scan3A_296, %mul3A_311 : i32
      %add3A_313 = arith.constant 1 : i32
      %add3A_314 = arith.addi %mul3A_312, %add3A_313 : i32
      %mul3A_315 = arith.constant 16 : i32
      %mul3A_316 = arith.muli %add3A_314, %mul3A_315 : i32
      %get3A_317 = arith.index_cast %mul3A_316 : i32 to index
      %get3A_318 = tpu.vector_load %arg25[%get3A_317] {strides = array<i32>} : memref<3136xf32, #tpu.memory_space<vmem>>, vector<16xf32>,
      %get3A_319 = arith.index_cast %mul3A_316 : i32 to index
      %get3A_320 = tpu.vector_load %arg23[%get3A_319] {strides = array<i32>} : memref<3136xf32, #tpu.memory_space<vmem>>, vector<16xf32>,
      %add3A_321 = arith.addf %get3A_318, %get3A_320 : vector<16xf32>
      %swap3A_322 = arith.index_cast %mul3A_316 : i32 to index
      %swap3A_323 = tpu.vector_load %arg25[%swap3A_322] {strides = array<i32>} : memref<3136xf32, #tpu.memory_space<vmem>>, vector<16xf32>,
      tpu.vector_store %arg25[%swap3A_322], %add3A_321 {strides = array<i32>} : memref<3136xf32, #tpu.memory_space<vmem>>, vector<16xf32>,
      %mul3A_324 = arith.constant 4 : i32
      %mul3A_325 = arith.muli %scan3A_296, %mul3A_324 : i32
      %add3A_326 = arith.constant 2 : i32
      %add3A_327 = arith.addi %mul3A_325, %add3A_326 : i32
      %mul3A_328 = arith.constant 16 : i32
      %mul3A_329 = arith.muli %add3A_327, %mul3A_328 : i32
      %get3A_330 = arith.index_cast %mul3A_329 : i32 to index
      %get3A_331 = tpu.vector_load %arg25[%get3A_330] {strides = array<i32>} : memref<3136xf32, #tpu.memory_space<vmem>>, vector<16xf32>,
      %get3A_332 = arith.index_cast %mul3A_329 : i32 to index
      %get3A_333 = tpu.vector_load %arg23[%get3A_332] {strides = array<i32>} : memref<3136xf32, #tpu.memory_space<vmem>>, vector<16xf32>,
      %add3A_334 = arith.addf %get3A_331, %get3A_333 : vector<16xf32>
      %swap3A_335 = arith.index_cast %mul3A_329 : i32 to index
      %swap3A_336 = tpu.vector_load %arg25[%swap3A_335] {strides = array<i32>} : memref<3136xf32, #tpu.memory_space<vmem>>, vector<16xf32>,
      tpu.vector_store %arg25[%swap3A_335], %add3A_334 {strides = array<i32>} : memref<3136xf32, #tpu.memory_space<vmem>>, vector<16xf32>,
      %mul3A_337 = arith.constant 4 : i32
      %mul3A_338 = arith.muli %scan3A_296, %mul3A_337 : i32
      %add3A_339 = arith.constant 3 : i32
      %add3A_340 = arith.addi %mul3A_338, %add3A_339 : i32
      %mul3A_341 = arith.constant 16 : i32
      %mul3A_342 = arith.muli %add3A_340, %mul3A_341 : i32
      %get3A_343 = arith.index_cast %mul3A_342 : i32 to index
      %get3A_344 = tpu.vector_load %arg25[%get3A_343] {strides = array<i32>} : memref<3136xf32, #tpu.memory_space<vmem>>, vector<16xf32>,
      %get3A_345 = arith.index_cast %mul3A_342 : i32 to index
      %get3A_346 = tpu.vector_load %arg23[%get3A_345] {strides = array<i32>} : memref<3136xf32, #tpu.memory_space<vmem>>, vector<16xf32>,
      %add3A_347 = arith.addf %get3A_344, %get3A_346 : vector<16xf32>
      %swap3A_348 = arith.index_cast %mul3A_342 : i32 to index
      %swap3A_349 = tpu.vector_load %arg25[%swap3A_348] {strides = array<i32>} : memref<3136xf32, #tpu.memory_space<vmem>>, vector<16xf32>,
      tpu.vector_store %arg25[%swap3A_348], %add3A_347 {strides = array<i32>} : memref<3136xf32, #tpu.memory_space<vmem>>, vector<16xf32>,
      %scan3A_350 = arith.constant 0 : i32
      scf.yield %scan3A_350 : i32
    }
    %scan3A_257 = arith.constant 49 : i32
    %add3A_258 = arith.constant 150528 : i32
    %add3A_259 = arith.addi %add3A_212, %add3A_258 : i32
    "tpu.region"() ({
      %run_scoped3A = tpu.sem_alloc : memref<!tpu.dma_semaphore, #tpu.memory_space<semaphore_mem>>
      %dma_start3A = tpu.memref_slice %arg18[%add3A_259] : memref<401408xf32, #tpu.memory_space<vmem_shared>> -> memref<3136xf32, #tpu.memory_space<vmem_shared>>
      %dma_start3A_296 = tpu.memref_slice %arg18[%add3A_259] : memref<401408xf32, #tpu.memory_space<vmem_shared>> -> memref<3136xf32, #tpu.memory_space<vmem_shared>>
      tpu.enqueue_dma source(%dma_start3A_296 : memref<3136xf32, #tpu.memory_space<vmem_shared>>) target(%arg23 : memref<3136xf32, #tpu.memory_space<vmem>>) target_semaphore(%run_scoped3A : memref<!tpu.dma_semaphore, #tpu.memory_space<semaphore_mem>>)
      %dma_wait3A = tpu.memref_slice %arg18[%add3A_259] : memref<401408xf32, #tpu.memory_space<vmem_shared>> -> memref<3136xf32, #tpu.memory_space<vmem_shared>>
      %dma_wait3A_297 = tpu.memref_slice %arg18[%add3A_259] : memref<401408xf32, #tpu.memory_space<vmem_shared>> -> memref<3136xf32, #tpu.memory_space<vmem_shared>>
      tpu.wait_dma2 semaphore(%run_scoped3A : memref<!tpu.dma_semaphore, #tpu.memory_space<semaphore_mem>>) src(%dma_wait3A_297 : memref<3136xf32, #tpu.memory_space<vmem_shared>>) dst(%arg23 : memref<3136xf32, #tpu.memory_space<vmem>>)
      tpu.yield
    }) : () -> ()
    %scan3A_260 = arith.constant 0 : i32
    %scan3A_261 = arith.constant 0 : i32
    %scan3A_262 = arith.constant 49 : i32
    %scan3A_263 = arith.addi %scan3A_261, %scan3A_262 : i32
    %scan3A_264 = arith.constant 1 : i32
    %scan3A_265 = scf.for %scan3A_296 = %scan3A_261 to %scan3A_263 step %scan3A_264 iter_args(%scan3A_297 = %scan3A_260) -> (i32)  : i32 {
      %mul3A_298 = arith.constant 4 : i32
      %mul3A_299 = arith.muli %scan3A_296, %mul3A_298 : i32
      %add3A_300 = arith.constant 0 : i32
      %add3A_301 = arith.addi %mul3A_299, %add3A_300 : i32
      %mul3A_302 = arith.constant 16 : i32
      %mul3A_303 = arith.muli %add3A_301, %mul3A_302 : i32
      %get3A_304 = arith.index_cast %mul3A_303 : i32 to index
      %get3A_305 = tpu.vector_load %arg25[%get3A_304] {strides = array<i32>} : memref<3136xf32, #tpu.memory_space<vmem>>, vector<16xf32>,
      %get3A_306 = arith.index_cast %mul3A_303 : i32 to index
      %get3A_307 = tpu.vector_load %arg23[%get3A_306] {strides = array<i32>} : memref<3136xf32, #tpu.memory_space<vmem>>, vector<16xf32>,
      %add3A_308 = arith.addf %get3A_305, %get3A_307 : vector<16xf32>
      %swap3A_309 = arith.index_cast %mul3A_303 : i32 to index
      %swap3A_310 = tpu.vector_load %arg25[%swap3A_309] {strides = array<i32>} : memref<3136xf32, #tpu.memory_space<vmem>>, vector<16xf32>,
      tpu.vector_store %arg25[%swap3A_309], %add3A_308 {strides = array<i32>} : memref<3136xf32, #tpu.memory_space<vmem>>, vector<16xf32>,
      %mul3A_311 = arith.constant 4 : i32
      %mul3A_312 = arith.muli %scan3A_296, %mul3A_311 : i32
      %add3A_313 = arith.constant 1 : i32
      %add3A_314 = arith.addi %mul3A_312, %add3A_313 : i32
      %mul3A_315 = arith.constant 16 : i32
      %mul3A_316 = arith.muli %add3A_314, %mul3A_315 : i32
      %get3A_317 = arith.index_cast %mul3A_316 : i32 to index
      %get3A_318 = tpu.vector_load %arg25[%get3A_317] {strides = array<i32>} : memref<3136xf32, #tpu.memory_space<vmem>>, vector<16xf32>,
      %get3A_319 = arith.index_cast %mul3A_316 : i32 to index
      %get3A_320 = tpu.vector_load %arg23[%get3A_319] {strides = array<i32>} : memref<3136xf32, #tpu.memory_space<vmem>>, vector<16xf32>,
      %add3A_321 = arith.addf %get3A_318, %get3A_320 : vector<16xf32>
      %swap3A_322 = arith.index_cast %mul3A_316 : i32 to index
      %swap3A_323 = tpu.vector_load %arg25[%swap3A_322] {strides = array<i32>} : memref<3136xf32, #tpu.memory_space<vmem>>, vector<16xf32>,
      tpu.vector_store %arg25[%swap3A_322], %add3A_321 {strides = array<i32>} : memref<3136xf32, #tpu.memory_space<vmem>>, vector<16xf32>,
      %mul3A_324 = arith.constant 4 : i32
      %mul3A_325 = arith.muli %scan3A_296, %mul3A_324 : i32
      %add3A_326 = arith.constant 2 : i32
      %add3A_327 = arith.addi %mul3A_325, %add3A_326 : i32
      %mul3A_328 = arith.constant 16 : i32
      %mul3A_329 = arith.muli %add3A_327, %mul3A_328 : i32
      %get3A_330 = arith.index_cast %mul3A_329 : i32 to index
      %get3A_331 = tpu.vector_load %arg25[%get3A_330] {strides = array<i32>} : memref<3136xf32, #tpu.memory_space<vmem>>, vector<16xf32>,
      %get3A_332 = arith.index_cast %mul3A_329 : i32 to index
      %get3A_333 = tpu.vector_load %arg23[%get3A_332] {strides = array<i32>} : memref<3136xf32, #tpu.memory_space<vmem>>, vector<16xf32>,
      %add3A_334 = arith.addf %get3A_331, %get3A_333 : vector<16xf32>
      %swap3A_335 = arith.index_cast %mul3A_329 : i32 to index
      %swap3A_336 = tpu.vector_load %arg25[%swap3A_335] {strides = array<i32>} : memref<3136xf32, #tpu.memory_space<vmem>>, vector<16xf32>,
      tpu.vector_store %arg25[%swap3A_335], %add3A_334 {strides = array<i32>} : memref<3136xf32, #tpu.memory_space<vmem>>, vector<16xf32>,
      %mul3A_337 = arith.constant 4 : i32
      %mul3A_338 = arith.muli %scan3A_296, %mul3A_337 : i32
      %add3A_339 = arith.constant 3 : i32
      %add3A_340 = arith.addi %mul3A_338, %add3A_339 : i32
      %mul3A_341 = arith.constant 16 : i32
      %mul3A_342 = arith.muli %add3A_340, %mul3A_341 : i32
      %get3A_343 = arith.index_cast %mul3A_342 : i32 to index
      %get3A_344 = tpu.vector_load %arg25[%get3A_343] {strides = array<i32>} : memref<3136xf32, #tpu.memory_space<vmem>>, vector<16xf32>,
      %get3A_345 = arith.index_cast %mul3A_342 : i32 to index
      %get3A_346 = tpu.vector_load %arg23[%get3A_345] {strides = array<i32>} : memref<3136xf32, #tpu.memory_space<vmem>>, vector<16xf32>,
      %add3A_347 = arith.addf %get3A_344, %get3A_346 : vector<16xf32>
      %swap3A_348 = arith.index_cast %mul3A_342 : i32 to index
      %swap3A_349 = tpu.vector_load %arg25[%swap3A_348] {strides = array<i32>} : memref<3136xf32, #tpu.memory_space<vmem>>, vector<16xf32>,
      tpu.vector_store %arg25[%swap3A_348], %add3A_347 {strides = array<i32>} : memref<3136xf32, #tpu.memory_space<vmem>>, vector<16xf32>,
      %scan3A_350 = arith.constant 0 : i32
      scf.yield %scan3A_350 : i32
    }
    %scan3A_266 = arith.constant 49 : i32
    %add3A_267 = arith.constant 175616 : i32
    %add3A_268 = arith.addi %add3A_212, %add3A_267 : i32
    "tpu.region"() ({
      %run_scoped3A = tpu.sem_alloc : memref<!tpu.dma_semaphore, #tpu.memory_space<semaphore_mem>>
      %dma_start3A = tpu.memref_slice %arg18[%add3A_268] : memref<401408xf32, #tpu.memory_space<vmem_shared>> -> memref<3136xf32, #tpu.memory_space<vmem_shared>>
      %dma_start3A_296 = tpu.memref_slice %arg18[%add3A_268] : memref<401408xf32, #tpu.memory_space<vmem_shared>> -> memref<3136xf32, #tpu.memory_space<vmem_shared>>
      tpu.enqueue_dma source(%dma_start3A_296 : memref<3136xf32, #tpu.memory_space<vmem_shared>>) target(%arg23 : memref<3136xf32, #tpu.memory_space<vmem>>) target_semaphore(%run_scoped3A : memref<!tpu.dma_semaphore, #tpu.memory_space<semaphore_mem>>)
      %dma_wait3A = tpu.memref_slice %arg18[%add3A_268] : memref<401408xf32, #tpu.memory_space<vmem_shared>> -> memref<3136xf32, #tpu.memory_space<vmem_shared>>
      %dma_wait3A_297 = tpu.memref_slice %arg18[%add3A_268] : memref<401408xf32, #tpu.memory_space<vmem_shared>> -> memref<3136xf32, #tpu.memory_space<vmem_shared>>
      tpu.wait_dma2 semaphore(%run_scoped3A : memref<!tpu.dma_semaphore, #tpu.memory_space<semaphore_mem>>) src(%dma_wait3A_297 : memref<3136xf32, #tpu.memory_space<vmem_shared>>) dst(%arg23 : memref<3136xf32, #tpu.memory_space<vmem>>)
      tpu.yield
    }) : () -> ()
    %scan3A_269 = arith.constant 0 : i32
    %scan3A_270 = arith.constant 0 : i32
    %scan3A_271 = arith.constant 49 : i32
    %scan3A_272 = arith.addi %scan3A_270, %scan3A_271 : i32
    %scan3A_273 = arith.constant 1 : i32
    %scan3A_274 = scf.for %scan3A_296 = %scan3A_270 to %scan3A_272 step %scan3A_273 iter_args(%scan3A_297 = %scan3A_269) -> (i32)  : i32 {
      %mul3A_298 = arith.constant 4 : i32
      %mul3A_299 = arith.muli %scan3A_296, %mul3A_298 : i32
      %add3A_300 = arith.constant 0 : i32
      %add3A_301 = arith.addi %mul3A_299, %add3A_300 : i32
      %mul3A_302 = arith.constant 16 : i32
      %mul3A_303 = arith.muli %add3A_301, %mul3A_302 : i32
      %get3A_304 = arith.index_cast %mul3A_303 : i32 to index
      %get3A_305 = tpu.vector_load %arg25[%get3A_304] {strides = array<i32>} : memref<3136xf32, #tpu.memory_space<vmem>>, vector<16xf32>,
      %get3A_306 = arith.index_cast %mul3A_303 : i32 to index
      %get3A_307 = tpu.vector_load %arg23[%get3A_306] {strides = array<i32>} : memref<3136xf32, #tpu.memory_space<vmem>>, vector<16xf32>,
      %add3A_308 = arith.addf %get3A_305, %get3A_307 : vector<16xf32>
      %swap3A_309 = arith.index_cast %mul3A_303 : i32 to index
      %swap3A_310 = tpu.vector_load %arg25[%swap3A_309] {strides = array<i32>} : memref<3136xf32, #tpu.memory_space<vmem>>, vector<16xf32>,
      tpu.vector_store %arg25[%swap3A_309], %add3A_308 {strides = array<i32>} : memref<3136xf32, #tpu.memory_space<vmem>>, vector<16xf32>,
      %mul3A_311 = arith.constant 4 : i32
      %mul3A_312 = arith.muli %scan3A_296, %mul3A_311 : i32
      %add3A_313 = arith.constant 1 : i32
      %add3A_314 = arith.addi %mul3A_312, %add3A_313 : i32
      %mul3A_315 = arith.constant 16 : i32
      %mul3A_316 = arith.muli %add3A_314, %mul3A_315 : i32
      %get3A_317 = arith.index_cast %mul3A_316 : i32 to index
      %get3A_318 = tpu.vector_load %arg25[%get3A_317] {strides = array<i32>} : memref<3136xf32, #tpu.memory_space<vmem>>, vector<16xf32>,
      %get3A_319 = arith.index_cast %mul3A_316 : i32 to index
      %get3A_320 = tpu.vector_load %arg23[%get3A_319] {strides = array<i32>} : memref<3136xf32, #tpu.memory_space<vmem>>, vector<16xf32>,
      %add3A_321 = arith.addf %get3A_318, %get3A_320 : vector<16xf32>
      %swap3A_322 = arith.index_cast %mul3A_316 : i32 to index
      %swap3A_323 = tpu.vector_load %arg25[%swap3A_322] {strides = array<i32>} : memref<3136xf32, #tpu.memory_space<vmem>>, vector<16xf32>,
      tpu.vector_store %arg25[%swap3A_322], %add3A_321 {strides = array<i32>} : memref<3136xf32, #tpu.memory_space<vmem>>, vector<16xf32>,
      %mul3A_324 = arith.constant 4 : i32
      %mul3A_325 = arith.muli %scan3A_296, %mul3A_324 : i32
      %add3A_326 = arith.constant 2 : i32
      %add3A_327 = arith.addi %mul3A_325, %add3A_326 : i32
      %mul3A_328 = arith.constant 16 : i32
      %mul3A_329 = arith.muli %add3A_327, %mul3A_328 : i32
      %get3A_330 = arith.index_cast %mul3A_329 : i32 to index
      %get3A_331 = tpu.vector_load %arg25[%get3A_330] {strides = array<i32>} : memref<3136xf32, #tpu.memory_space<vmem>>, vector<16xf32>,
      %get3A_332 = arith.index_cast %mul3A_329 : i32 to index
      %get3A_333 = tpu.vector_load %arg23[%get3A_332] {strides = array<i32>} : memref<3136xf32, #tpu.memory_space<vmem>>, vector<16xf32>,
      %add3A_334 = arith.addf %get3A_331, %get3A_333 : vector<16xf32>
      %swap3A_335 = arith.index_cast %mul3A_329 : i32 to index
      %swap3A_336 = tpu.vector_load %arg25[%swap3A_335] {strides = array<i32>} : memref<3136xf32, #tpu.memory_space<vmem>>, vector<16xf32>,
      tpu.vector_store %arg25[%swap3A_335], %add3A_334 {strides = array<i32>} : memref<3136xf32, #tpu.memory_space<vmem>>, vector<16xf32>,
      %mul3A_337 = arith.constant 4 : i32
      %mul3A_338 = arith.muli %scan3A_296, %mul3A_337 : i32
      %add3A_339 = arith.constant 3 : i32
      %add3A_340 = arith.addi %mul3A_338, %add3A_339 : i32
      %mul3A_341 = arith.constant 16 : i32
      %mul3A_342 = arith.muli %add3A_340, %mul3A_341 : i32
      %get3A_343 = arith.index_cast %mul3A_342 : i32 to index
      %get3A_344 = tpu.vector_load %arg25[%get3A_343] {strides = array<i32>} : memref<3136xf32, #tpu.memory_space<vmem>>, vector<16xf32>,
      %get3A_345 = arith.index_cast %mul3A_342 : i32 to index
      %get3A_346 = tpu.vector_load %arg23[%get3A_345] {strides = array<i32>} : memref<3136xf32, #tpu.memory_space<vmem>>, vector<16xf32>,
      %add3A_347 = arith.addf %get3A_344, %get3A_346 : vector<16xf32>
      %swap3A_348 = arith.index_cast %mul3A_342 : i32 to index
      %swap3A_349 = tpu.vector_load %arg25[%swap3A_348] {strides = array<i32>} : memref<3136xf32, #tpu.memory_space<vmem>>, vector<16xf32>,
      tpu.vector_store %arg25[%swap3A_348], %add3A_347 {strides = array<i32>} : memref<3136xf32, #tpu.memory_space<vmem>>, vector<16xf32>,
      %scan3A_350 = arith.constant 0 : i32
      scf.yield %scan3A_350 : i32
    }
    %scan3A_275 = arith.constant 49 : i32
    "tpu.region"() ({
      %run_scoped3A = tpu.sem_alloc : memref<!tpu.dma_semaphore, #tpu.memory_space<semaphore_mem>>
      %dma_start3A = tpu.memref_slice %arg15[%mul3A_47] : memref<50176xf32, #tpu.memory_space<vmem_shared>> -> memref<3136xf32, #tpu.memory_space<vmem_shared>>
      %dma_start3A_296 = tpu.memref_slice %arg15[%mul3A_47] : memref<50176xf32, #tpu.memory_space<vmem_shared>> -> memref<3136xf32, #tpu.memory_space<vmem_shared>>
      tpu.enqueue_dma source(%dma_start3A_296 : memref<3136xf32, #tpu.memory_space<vmem_shared>>) target(%arg23 : memref<3136xf32, #tpu.memory_space<vmem>>) target_semaphore(%run_scoped3A : memref<!tpu.dma_semaphore, #tpu.memory_space<semaphore_mem>>)
      %dma_wait3A = tpu.memref_slice %arg15[%mul3A_47] : memref<50176xf32, #tpu.memory_space<vmem_shared>> -> memref<3136xf32, #tpu.memory_space<vmem_shared>>
      %dma_wait3A_297 = tpu.memref_slice %arg15[%mul3A_47] : memref<50176xf32, #tpu.memory_space<vmem_shared>> -> memref<3136xf32, #tpu.memory_space<vmem_shared>>
      tpu.wait_dma2 semaphore(%run_scoped3A : memref<!tpu.dma_semaphore, #tpu.memory_space<semaphore_mem>>) src(%dma_wait3A_297 : memref<3136xf32, #tpu.memory_space<vmem_shared>>) dst(%arg23 : memref<3136xf32, #tpu.memory_space<vmem>>)
      tpu.yield
    }) : () -> ()
    %scan3A_276 = arith.constant 0 : i32
    %scan3A_277 = arith.constant 0 : i32
    %scan3A_278 = arith.constant 196 : i32
    %scan3A_279 = arith.addi %scan3A_277, %scan3A_278 : i32
    %scan3A_280 = arith.constant 1 : i32
    %scan3A_281 = scf.for %scan3A_296 = %scan3A_277 to %scan3A_279 step %scan3A_280 iter_args(%scan3A_297 = %scan3A_276) -> (i32)  : i32 {
      %mul3A_298 = arith.constant 16 : i32
      %mul3A_299 = arith.muli %scan3A_296, %mul3A_298 : i32
      %get3A_300 = arith.index_cast %mul3A_299 : i32 to index
      %get3A_301 = tpu.vector_load %arg25[%get3A_300] {strides = array<i32>} : memref<3136xf32, #tpu.memory_space<vmem>>, vector<16xf32>,
      %mul3A_302 = arith.constant 16 : i32
      %mul3A_303 = arith.muli %scan3A_296, %mul3A_302 : i32
      %get3A_304 = arith.index_cast %mul3A_303 : i32 to index
      %get3A_305 = tpu.vector_load %arg23[%get3A_304] {strides = array<i32>} : memref<3136xf32, #tpu.memory_space<vmem>>, vector<16xf32>,
      %mul3A_306 = arith.mulf %get3A_301, %get3A_305 : vector<16xf32>
      %mul3A_307 = arith.constant 16 : i32
      %mul3A_308 = arith.muli %scan3A_296, %mul3A_307 : i32
      %swap3A_309 = arith.index_cast %mul3A_308 : i32 to index
      %swap3A_310 = tpu.vector_load %arg25[%swap3A_309] {strides = array<i32>} : memref<3136xf32, #tpu.memory_space<vmem>>, vector<16xf32>,
      tpu.vector_store %arg25[%swap3A_309], %mul3A_306 {strides = array<i32>} : memref<3136xf32, #tpu.memory_space<vmem>>, vector<16xf32>,
      %scan3A_311 = arith.constant 0 : i32
      scf.yield %scan3A_311 : i32
    }
    %scan3A_282 = arith.constant 196 : i32
    "tpu.region"() ({
      %run_scoped3A = tpu.sem_alloc : memref<!tpu.dma_semaphore, #tpu.memory_space<semaphore_mem>>
      %dma_start3A = tpu.memref_slice %arg17[%mul3A_47] : memref<50176xf32, #tpu.memory_space<vmem_shared>> -> memref<3136xf32, #tpu.memory_space<vmem_shared>>
      %dma_start3A_296 = tpu.memref_slice %arg17[%mul3A_47] : memref<50176xf32, #tpu.memory_space<vmem_shared>> -> memref<3136xf32, #tpu.memory_space<vmem_shared>>
      tpu.enqueue_dma source(%arg25 : memref<3136xf32, #tpu.memory_space<vmem>>) target(%dma_start3A_296 : memref<3136xf32, #tpu.memory_space<vmem_shared>>) target_semaphore(%run_scoped3A : memref<!tpu.dma_semaphore, #tpu.memory_space<semaphore_mem>>)
      %dma_wait3A = tpu.memref_slice %arg17[%mul3A_47] : memref<50176xf32, #tpu.memory_space<vmem_shared>> -> memref<3136xf32, #tpu.memory_space<vmem_shared>>
      %dma_wait3A_297 = tpu.memref_slice %arg17[%mul3A_47] : memref<50176xf32, #tpu.memory_space<vmem_shared>> -> memref<3136xf32, #tpu.memory_space<vmem_shared>>
      tpu.wait_dma2 semaphore(%run_scoped3A : memref<!tpu.dma_semaphore, #tpu.memory_space<semaphore_mem>>) src(%arg25 : memref<3136xf32, #tpu.memory_space<vmem>>) dst(%dma_wait3A_297 : memref<3136xf32, #tpu.memory_space<vmem_shared>>)
      tpu.yield
    }) : () -> ()
    %barrier3A_283 = arith.constant 0 : index
    tpu.barrier barrier_id(%barrier3A_283)
    %lt3A_284 = arith.constant 2 : i32
    %lt3A_285 = arith.cmpi slt, %arg1, %lt3A_284 : i32
    %convert_element_type3A_286 = arith.extui %lt3A_285 : i1 to i32
    %cond3A_287 = arith.constant 0 : i32
    %cond3A_288 = arith.cmpi ne, %convert_element_type3A_286, %cond3A_287 : i32
    scf.if %cond3A_288 {
      %mul3A_296 = arith.constant 25088 : i32
      %mul3A_297 = arith.muli %arg1, %mul3A_296 : i32
      %broadcast_in_dim3A_298 = arith.constant 0.000000e+00 : f32
      %broadcast_in_dim3A_299 = vector.broadcast %broadcast_in_dim3A_298 : f32 to vector<16xf32>
      %scan3A_300 = arith.constant 0 : i32
      %scan3A_301 = arith.constant 7 : i32
      %scan3A_302 = arith.addi %scan3A_300, %scan3A_301 : i32
      %scan3A_303 = arith.constant 1 : i32
      %scan3A_304 = scf.for %scan3A_498 = %scan3A_300 to %scan3A_302 step %scan3A_303 iter_args(%scan3A_499 = %broadcast_in_dim3A_299) -> (vector<16xf32>)  : i32 {
        %mul3A_500 = arith.constant 3136 : i32
        %mul3A_501 = arith.muli %scan3A_498, %mul3A_500 : i32
        %add3A_502 = arith.addi %mul3A_297, %mul3A_501 : i32
        "tpu.region"() ({
          %run_scoped3A = tpu.sem_alloc : memref<!tpu.dma_semaphore, #tpu.memory_space<semaphore_mem>>
          %dma_start3A = tpu.memref_slice %arg17[%add3A_502] : memref<50176xf32, #tpu.memory_space<vmem_shared>> -> memref<3136xf32, #tpu.memory_space<vmem_shared>>
          %dma_start3A_509 = tpu.memref_slice %arg17[%add3A_502] : memref<50176xf32, #tpu.memory_space<vmem_shared>> -> memref<3136xf32, #tpu.memory_space<vmem_shared>>
          tpu.enqueue_dma source(%dma_start3A_509 : memref<3136xf32, #tpu.memory_space<vmem_shared>>) target(%arg23 : memref<3136xf32, #tpu.memory_space<vmem>>) target_semaphore(%run_scoped3A : memref<!tpu.dma_semaphore, #tpu.memory_space<semaphore_mem>>)
          %dma_wait3A = tpu.memref_slice %arg17[%add3A_502] : memref<50176xf32, #tpu.memory_space<vmem_shared>> -> memref<3136xf32, #tpu.memory_space<vmem_shared>>
          %dma_wait3A_510 = tpu.memref_slice %arg17[%add3A_502] : memref<50176xf32, #tpu.memory_space<vmem_shared>> -> memref<3136xf32, #tpu.memory_space<vmem_shared>>
          tpu.wait_dma2 semaphore(%run_scoped3A : memref<!tpu.dma_semaphore, #tpu.memory_space<semaphore_mem>>) src(%dma_wait3A_510 : memref<3136xf32, #tpu.memory_space<vmem_shared>>) dst(%arg23 : memref<3136xf32, #tpu.memory_space<vmem>>)
          tpu.yield
        }) : () -> ()
        %scan3A_503 = arith.constant 0 : i32
        %scan3A_504 = arith.constant 196 : i32
        %scan3A_505 = arith.addi %scan3A_503, %scan3A_504 : i32
        %scan3A_506 = arith.constant 1 : i32
        %scan3A_507 = scf.for %scan3A_509 = %scan3A_503 to %scan3A_505 step %scan3A_506 iter_args(%scan3A_510 = %scan3A_499) -> (vector<16xf32>)  : i32 {
          %mul3A_511 = arith.constant 16 : i32
          %mul3A_512 = arith.muli %scan3A_509, %mul3A_511 : i32
          %get3A_513 = arith.index_cast %mul3A_512 : i32 to index
          %get3A_514 = tpu.vector_load %arg23[%get3A_513] {strides = array<i32>} : memref<3136xf32, #tpu.memory_space<vmem>>, vector<16xf32>,
          %add3A_515 = arith.addf %scan3A_510, %get3A_514 : vector<16xf32>
          scf.yield %add3A_515 : vector<16xf32>
        }
        %scan3A_508 = arith.constant 196 : i32
        scf.yield %scan3A_507 : vector<16xf32>
      }
      %scan3A_305 = arith.constant 7 : i32
      %add3A_306 = arith.constant 21952 : i32
      %add3A_307 = arith.addi %mul3A_297, %add3A_306 : i32
      "tpu.region"() ({
        %run_scoped3A = tpu.sem_alloc : memref<!tpu.dma_semaphore, #tpu.memory_space<semaphore_mem>>
        %dma_start3A = arith.constant 0 : i32
        %dma_start3A_498 = tpu.memref_slice %arg23[%dma_start3A] : memref<3136xf32, #tpu.memory_space<vmem>> -> memref<3048xf32, #tpu.memory_space<vmem>>
        %dma_start3A_499 = tpu.memref_slice %arg17[%add3A_307] : memref<50176xf32, #tpu.memory_space<vmem_shared>> -> memref<3048xf32, #tpu.memory_space<vmem_shared>>
        %dma_start3A_500 = arith.constant 0 : i32
        %dma_start3A_501 = tpu.memref_slice %arg23[%dma_start3A_500] : memref<3136xf32, #tpu.memory_space<vmem>> -> memref<3048xf32, #tpu.memory_space<vmem>>
        %dma_start3A_502 = tpu.memref_slice %arg17[%add3A_307] : memref<50176xf32, #tpu.memory_space<vmem_shared>> -> memref<3048xf32, #tpu.memory_space<vmem_shared>>
        tpu.enqueue_dma source(%dma_start3A_502 : memref<3048xf32, #tpu.memory_space<vmem_shared>>) target(%dma_start3A_501 : memref<3048xf32, #tpu.memory_space<vmem>>) target_semaphore(%run_scoped3A : memref<!tpu.dma_semaphore, #tpu.memory_space<semaphore_mem>>)
        %dma_wait3A = arith.constant 0 : i32
        %dma_wait3A_503 = tpu.memref_slice %arg23[%dma_wait3A] : memref<3136xf32, #tpu.memory_space<vmem>> -> memref<3048xf32, #tpu.memory_space<vmem>>
        %dma_wait3A_504 = tpu.memref_slice %arg17[%add3A_307] : memref<50176xf32, #tpu.memory_space<vmem_shared>> -> memref<3048xf32, #tpu.memory_space<vmem_shared>>
        %dma_wait3A_505 = arith.constant 0 : i32
        %dma_wait3A_506 = tpu.memref_slice %arg23[%dma_wait3A_505] : memref<3136xf32, #tpu.memory_space<vmem>> -> memref<3048xf32, #tpu.memory_space<vmem>>
        %dma_wait3A_507 = tpu.memref_slice %arg17[%add3A_307] : memref<50176xf32, #tpu.memory_space<vmem_shared>> -> memref<3048xf32, #tpu.memory_space<vmem_shared>>
        tpu.wait_dma2 semaphore(%run_scoped3A : memref<!tpu.dma_semaphore, #tpu.memory_space<semaphore_mem>>) src(%dma_wait3A_507 : memref<3048xf32, #tpu.memory_space<vmem_shared>>) dst(%dma_wait3A_506 : memref<3048xf32, #tpu.memory_space<vmem>>)
        tpu.yield
      }) : () -> ()
      %scan3A_308 = arith.constant 0 : i32
      %scan3A_309 = arith.constant 190 : i32
      %scan3A_310 = arith.addi %scan3A_308, %scan3A_309 : i32
      %scan3A_311 = arith.constant 1 : i32
      %scan3A_312 = scf.for %scan3A_498 = %scan3A_308 to %scan3A_310 step %scan3A_311 iter_args(%scan3A_499 = %scan3A_304) -> (vector<16xf32>)  : i32 {
        %mul3A_500 = arith.constant 16 : i32
        %mul3A_501 = arith.muli %scan3A_498, %mul3A_500 : i32
        %get3A_502 = arith.index_cast %mul3A_501 : i32 to index
        %get3A_503 = tpu.vector_load %arg23[%get3A_502] {strides = array<i32>} : memref<3136xf32, #tpu.memory_space<vmem>>, vector<16xf32>,
        %add3A_504 = arith.addf %scan3A_499, %get3A_503 : vector<16xf32>
        scf.yield %add3A_504 : vector<16xf32>
      }
      %scan3A_313 = arith.constant 190 : i32
      %lt3A_314 = arith.constant 8 : i32
      %lt3A_315 = vector.broadcast %lt3A_314 : i32 to vector<16xi32>
      %lt3A_316 = arith.cmpi slt, %iota3A, %lt3A_315 : vector<16xi32>
      %get3A_317 = arith.constant 3040 : index
      %get3A_318 = tpu.vector_load %arg23[%get3A_317] {strides = array<i32>} : memref<3136xf32, #tpu.memory_space<vmem>>, vector<16xf32>,
      %jit3A_319 = arith.constant 0.000000e+00 : f32
      %broadcast_in_dim3A_320 = vector.broadcast %jit3A_319 : f32 to vector<16xf32>
      %select_n3A_321 = arith.select %lt3A_316, %get3A_318, %broadcast_in_dim3A_320 : vector<16xi1>, vector<16xf32>
      %add3A_322 = arith.addf %scan3A_312, %select_n3A_321 : vector<16xf32>
      "tpu.region"() ({
        %run_scoped3A = tpu.sem_alloc : memref<!tpu.dma_semaphore, #tpu.memory_space<semaphore_mem>>
        tpu.enqueue_dma source(%arg9 : memref<16xf32, #tpu.memory_space<hbm>>) target(%arg26 : memref<16xf32, #tpu.memory_space<vmem>>) target_semaphore(%run_scoped3A : memref<!tpu.dma_semaphore, #tpu.memory_space<semaphore_mem>>)
        tpu.wait_dma2 semaphore(%run_scoped3A : memref<!tpu.dma_semaphore, #tpu.memory_space<semaphore_mem>>) src(%arg9 : memref<16xf32, #tpu.memory_space<hbm>>) dst(%arg26 : memref<16xf32, #tpu.memory_space<vmem>>)
        tpu.yield
      }) : () -> ()
      "tpu.region"() ({
        %run_scoped3A = tpu.sem_alloc : memref<!tpu.dma_semaphore, #tpu.memory_space<semaphore_mem>>
        tpu.enqueue_dma source(%arg5 : memref<16xf32, #tpu.memory_space<hbm>>) target(%arg27 : memref<16xf32, #tpu.memory_space<vmem>>) target_semaphore(%run_scoped3A : memref<!tpu.dma_semaphore, #tpu.memory_space<semaphore_mem>>)
        tpu.wait_dma2 semaphore(%run_scoped3A : memref<!tpu.dma_semaphore, #tpu.memory_space<semaphore_mem>>) src(%arg5 : memref<16xf32, #tpu.memory_space<hbm>>) dst(%arg27 : memref<16xf32, #tpu.memory_space<vmem>>)
        tpu.yield
      }) : () -> ()
      "tpu.region"() ({
        %run_scoped3A = tpu.sem_alloc : memref<!tpu.dma_semaphore, #tpu.memory_space<semaphore_mem>>
        tpu.enqueue_dma source(%arg6 : memref<16xf32, #tpu.memory_space<hbm>>) target(%arg28 : memref<16xf32, #tpu.memory_space<vmem>>) target_semaphore(%run_scoped3A : memref<!tpu.dma_semaphore, #tpu.memory_space<semaphore_mem>>)
        tpu.wait_dma2 semaphore(%run_scoped3A : memref<!tpu.dma_semaphore, #tpu.memory_space<semaphore_mem>>) src(%arg6 : memref<16xf32, #tpu.memory_space<hbm>>) dst(%arg28 : memref<16xf32, #tpu.memory_space<vmem>>)
        tpu.yield
      }) : () -> ()
      "tpu.region"() ({
        %run_scoped3A = tpu.sem_alloc : memref<!tpu.dma_semaphore, #tpu.memory_space<semaphore_mem>>
        tpu.enqueue_dma source(%arg10 : memref<16xf32, #tpu.memory_space<hbm>>) target(%arg29 : memref<16xf32, #tpu.memory_space<vmem>>) target_semaphore(%run_scoped3A : memref<!tpu.dma_semaphore, #tpu.memory_space<semaphore_mem>>)
        tpu.wait_dma2 semaphore(%run_scoped3A : memref<!tpu.dma_semaphore, #tpu.memory_space<semaphore_mem>>) src(%arg10 : memref<16xf32, #tpu.memory_space<hbm>>) dst(%arg29 : memref<16xf32, #tpu.memory_space<vmem>>)
        tpu.yield
      }) : () -> ()
      %swap3A_323 = arith.constant 0 : index
      %swap3A_324 = tpu.vector_load %arg33[%swap3A_323] {strides = array<i32>} : memref<16xf32, #tpu.memory_space<vmem>>, vector<16xf32>,
      tpu.vector_store %arg33[%swap3A_323], %add3A_322 {strides = array<i32>} : memref<16xf32, #tpu.memory_space<vmem>>, vector<16xf32>,
      %add3A_325 = arith.constant 8 : i32
      %add3A_326 = vector.broadcast %add3A_325 : i32 to vector<16xi32>
      %add3A_327 = arith.addi %iota3A, %add3A_326 : vector<16xi32>
      %and3A_328 = arith.constant 15 : i32
      %and3A_329 = vector.broadcast %and3A_328 : i32 to vector<16xi32>
      %and3A_330 = arith.andi %add3A_327, %and3A_329 : vector<16xi32>
      %gather3A = tpu.vector_load_idx %arg33[%and3A_330] : memref<16xf32, #tpu.memory_space<vmem>>[vector<16xi32>], vector<16xf32>,
      %add3A_331 = arith.addf %add3A_322, %gather3A : vector<16xf32>
      %swap3A_332 = arith.constant 0 : index
      %swap3A_333 = tpu.vector_load %arg33[%swap3A_332] {strides = array<i32>} : memref<16xf32, #tpu.memory_space<vmem>>, vector<16xf32>,
      tpu.vector_store %arg33[%swap3A_332], %add3A_331 {strides = array<i32>} : memref<16xf32, #tpu.memory_space<vmem>>, vector<16xf32>,
      %add3A_334 = arith.constant 4 : i32
      %add3A_335 = vector.broadcast %add3A_334 : i32 to vector<16xi32>
      %add3A_336 = arith.addi %iota3A, %add3A_335 : vector<16xi32>
      %and3A_337 = arith.constant 15 : i32
      %and3A_338 = vector.broadcast %and3A_337 : i32 to vector<16xi32>
      %and3A_339 = arith.andi %add3A_336, %and3A_338 : vector<16xi32>
      %gather3A_340 = tpu.vector_load_idx %arg33[%and3A_339] : memref<16xf32, #tpu.memory_space<vmem>>[vector<16xi32>], vector<16xf32>,
      %add3A_341 = arith.addf %add3A_331, %gather3A_340 : vector<16xf32>
      %swap3A_342 = arith.constant 0 : index
      %swap3A_343 = tpu.vector_load %arg33[%swap3A_342] {strides = array<i32>} : memref<16xf32, #tpu.memory_space<vmem>>, vector<16xf32>,
      tpu.vector_store %arg33[%swap3A_342], %add3A_341 {strides = array<i32>} : memref<16xf32, #tpu.memory_space<vmem>>, vector<16xf32>,
      %add3A_344 = arith.constant 2 : i32
      %add3A_345 = vector.broadcast %add3A_344 : i32 to vector<16xi32>
      %add3A_346 = arith.addi %iota3A, %add3A_345 : vector<16xi32>
      %and3A_347 = arith.constant 15 : i32
      %and3A_348 = vector.broadcast %and3A_347 : i32 to vector<16xi32>
      %and3A_349 = arith.andi %add3A_346, %and3A_348 : vector<16xi32>
      %gather3A_350 = tpu.vector_load_idx %arg33[%and3A_349] : memref<16xf32, #tpu.memory_space<vmem>>[vector<16xi32>], vector<16xf32>,
      %add3A_351 = arith.addf %add3A_341, %gather3A_350 : vector<16xf32>
      %swap3A_352 = arith.constant 0 : index
      %swap3A_353 = tpu.vector_load %arg33[%swap3A_352] {strides = array<i32>} : memref<16xf32, #tpu.memory_space<vmem>>, vector<16xf32>,
      tpu.vector_store %arg33[%swap3A_352], %add3A_351 {strides = array<i32>} : memref<16xf32, #tpu.memory_space<vmem>>, vector<16xf32>,
      %add3A_354 = arith.constant 1 : i32
      %add3A_355 = vector.broadcast %add3A_354 : i32 to vector<16xi32>
      %add3A_356 = arith.addi %iota3A, %add3A_355 : vector<16xi32>
      %and3A_357 = arith.constant 15 : i32
      %and3A_358 = vector.broadcast %and3A_357 : i32 to vector<16xi32>
      %and3A_359 = arith.andi %add3A_356, %and3A_358 : vector<16xi32>
      %gather3A_360 = tpu.vector_load_idx %arg33[%and3A_359] : memref<16xf32, #tpu.memory_space<vmem>>[vector<16xi32>], vector<16xf32>,
      %add3A_361 = arith.addf %add3A_351, %gather3A_360 : vector<16xf32>
      %div3A_362 = arith.constant 2.500000e+04 : f32
      %div3A_363 = vector.broadcast %div3A_362 : f32 to vector<16xf32>
      %div3A_364 = arith.divf %add3A_361, %div3A_363 : vector<16xf32>
      %get3A_365 = arith.constant 0 : index
      %get3A_366 = tpu.vector_load %arg27[%get3A_365] {strides = array<i32>} : memref<16xf32, #tpu.memory_space<vmem>>, vector<16xf32>,
      %mul3A_367 = arith.mulf %div3A_364, %get3A_366 : vector<16xf32>
      %get3A_368 = arith.constant 0 : index
      %get3A_369 = tpu.vector_load %arg28[%get3A_368] {strides = array<i32>} : memref<16xf32, #tpu.memory_space<vmem>>, vector<16xf32>,
      %add3A_370 = arith.addf %mul3A_367, %get3A_369 : vector<16xf32>
      %bitcast_convert_type3A = tpu.bitcast %add3A_370 : vector<16xf32> -> vector<16xi32>
      %add3A_371 = arith.constant 32767 : i32
      %add3A_372 = vector.broadcast %add3A_371 : i32 to vector<16xi32>
      %add3A_373 = arith.addi %bitcast_convert_type3A, %add3A_372 : vector<16xi32>
      %shift_right_arithmetic3A = arith.constant 16 : i32
      %shift_right_arithmetic3A_374 = vector.broadcast %shift_right_arithmetic3A : i32 to vector<16xi32>
      %shift_right_arithmetic3A_375 = arith.shrsi %bitcast_convert_type3A, %shift_right_arithmetic3A_374 : vector<16xi32>
      %and3A_376 = arith.constant 1 : i32
      %and3A_377 = vector.broadcast %and3A_376 : i32 to vector<16xi32>
      %and3A_378 = arith.andi %shift_right_arithmetic3A_375, %and3A_377 : vector<16xi32>
      %add3A_379 = arith.addi %add3A_373, %and3A_378 : vector<16xi32>
      %and3A_380 = arith.constant -65536 : i32
      %and3A_381 = vector.broadcast %and3A_380 : i32 to vector<16xi32>
      %and3A_382 = arith.andi %add3A_379, %and3A_381 : vector<16xi32>
      %bitcast_convert_type3A_383 = tpu.bitcast %and3A_382 : vector<16xi32> -> vector<16xf32>
      %get3A_384 = arith.constant 0 : index
      %get3A_385 = tpu.vector_load %arg26[%get3A_384] {strides = array<i32>} : memref<16xf32, #tpu.memory_space<vmem>>, vector<16xf32>,
      %bitcast_convert_type3A_386 = tpu.bitcast %get3A_385 : vector<16xf32> -> vector<16xi32>
      %add3A_387 = arith.constant 32767 : i32
      %add3A_388 = vector.broadcast %add3A_387 : i32 to vector<16xi32>
      %add3A_389 = arith.addi %bitcast_convert_type3A_386, %add3A_388 : vector<16xi32>
      %shift_right_arithmetic3A_390 = arith.constant 16 : i32
      %shift_right_arithmetic3A_391 = vector.broadcast %shift_right_arithmetic3A_390 : i32 to vector<16xi32>
      %shift_right_arithmetic3A_392 = arith.shrsi %bitcast_convert_type3A_386, %shift_right_arithmetic3A_391 : vector<16xi32>
      %and3A_393 = arith.constant 1 : i32
      %and3A_394 = vector.broadcast %and3A_393 : i32 to vector<16xi32>
      %and3A_395 = arith.andi %shift_right_arithmetic3A_392, %and3A_394 : vector<16xi32>
      %add3A_396 = arith.addi %add3A_389, %and3A_395 : vector<16xi32>
      %and3A_397 = arith.constant -65536 : i32
      %and3A_398 = vector.broadcast %and3A_397 : i32 to vector<16xi32>
      %and3A_399 = arith.andi %add3A_396, %and3A_398 : vector<16xi32>
      %bitcast_convert_type3A_400 = tpu.bitcast %and3A_399 : vector<16xi32> -> vector<16xf32>
      %mul3A_401 = arith.mulf %bitcast_convert_type3A_383, %bitcast_convert_type3A_400 : vector<16xf32>
      %swap3A_402 = arith.constant 0 : index
      %swap3A_403 = tpu.vector_load %arg33[%swap3A_402] {strides = array<i32>} : memref<16xf32, #tpu.memory_space<vmem>>, vector<16xf32>,
      tpu.vector_store %arg33[%swap3A_402], %mul3A_401 {strides = array<i32>} : memref<16xf32, #tpu.memory_space<vmem>>, vector<16xf32>,
      %add3A_404 = arith.constant 8 : i32
      %add3A_405 = vector.broadcast %add3A_404 : i32 to vector<16xi32>
      %add3A_406 = arith.addi %iota3A, %add3A_405 : vector<16xi32>
      %and3A_407 = arith.constant 15 : i32
      %and3A_408 = vector.broadcast %and3A_407 : i32 to vector<16xi32>
      %and3A_409 = arith.andi %add3A_406, %and3A_408 : vector<16xi32>
      %gather3A_410 = tpu.vector_load_idx %arg33[%and3A_409] : memref<16xf32, #tpu.memory_space<vmem>>[vector<16xi32>], vector<16xf32>,
      %add3A_411 = arith.addf %mul3A_401, %gather3A_410 : vector<16xf32>
      %swap3A_412 = arith.constant 0 : index
      %swap3A_413 = tpu.vector_load %arg33[%swap3A_412] {strides = array<i32>} : memref<16xf32, #tpu.memory_space<vmem>>, vector<16xf32>,
      tpu.vector_store %arg33[%swap3A_412], %add3A_411 {strides = array<i32>} : memref<16xf32, #tpu.memory_space<vmem>>, vector<16xf32>,
      %add3A_414 = arith.constant 4 : i32
      %add3A_415 = vector.broadcast %add3A_414 : i32 to vector<16xi32>
      %add3A_416 = arith.addi %iota3A, %add3A_415 : vector<16xi32>
      %and3A_417 = arith.constant 15 : i32
      %and3A_418 = vector.broadcast %and3A_417 : i32 to vector<16xi32>
      %and3A_419 = arith.andi %add3A_416, %and3A_418 : vector<16xi32>
      %gather3A_420 = tpu.vector_load_idx %arg33[%and3A_419] : memref<16xf32, #tpu.memory_space<vmem>>[vector<16xi32>], vector<16xf32>,
      %add3A_421 = arith.addf %add3A_411, %gather3A_420 : vector<16xf32>
      %swap3A_422 = arith.constant 0 : index
      %swap3A_423 = tpu.vector_load %arg33[%swap3A_422] {strides = array<i32>} : memref<16xf32, #tpu.memory_space<vmem>>, vector<16xf32>,
      tpu.vector_store %arg33[%swap3A_422], %add3A_421 {strides = array<i32>} : memref<16xf32, #tpu.memory_space<vmem>>, vector<16xf32>,
      %add3A_424 = arith.constant 2 : i32
      %add3A_425 = vector.broadcast %add3A_424 : i32 to vector<16xi32>
      %add3A_426 = arith.addi %iota3A, %add3A_425 : vector<16xi32>
      %and3A_427 = arith.constant 15 : i32
      %and3A_428 = vector.broadcast %and3A_427 : i32 to vector<16xi32>
      %and3A_429 = arith.andi %add3A_426, %and3A_428 : vector<16xi32>
      %gather3A_430 = tpu.vector_load_idx %arg33[%and3A_429] : memref<16xf32, #tpu.memory_space<vmem>>[vector<16xi32>], vector<16xf32>,
      %add3A_431 = arith.addf %add3A_421, %gather3A_430 : vector<16xf32>
      %swap3A_432 = arith.constant 0 : index
      %swap3A_433 = tpu.vector_load %arg33[%swap3A_432] {strides = array<i32>} : memref<16xf32, #tpu.memory_space<vmem>>, vector<16xf32>,
      tpu.vector_store %arg33[%swap3A_432], %add3A_431 {strides = array<i32>} : memref<16xf32, #tpu.memory_space<vmem>>, vector<16xf32>,
      %add3A_434 = arith.constant 1 : i32
      %add3A_435 = vector.broadcast %add3A_434 : i32 to vector<16xi32>
      %add3A_436 = arith.addi %iota3A, %add3A_435 : vector<16xi32>
      %and3A_437 = arith.constant 15 : i32
      %and3A_438 = vector.broadcast %and3A_437 : i32 to vector<16xi32>
      %and3A_439 = arith.andi %add3A_436, %and3A_438 : vector<16xi32>
      %gather3A_440 = tpu.vector_load_idx %arg33[%and3A_439] : memref<16xf32, #tpu.memory_space<vmem>>[vector<16xi32>], vector<16xf32>,
      %add3A_441 = arith.addf %add3A_431, %gather3A_440 : vector<16xf32>
      %get3A_442 = arith.constant 0 : index
      %get3A_443 = tpu.vector_load %arg29[%get3A_442] {strides = array<i32>} : memref<16xf32, #tpu.memory_space<vmem>>, vector<16xf32>,
      %swap3A_444 = arith.constant 0 : index
      %swap3A_445 = tpu.vector_load %arg33[%swap3A_444] {strides = array<i32>} : memref<16xf32, #tpu.memory_space<vmem>>, vector<16xf32>,
      tpu.vector_store %arg33[%swap3A_444], %get3A_443 {strides = array<i32>} : memref<16xf32, #tpu.memory_space<vmem>>, vector<16xf32>,
      %add3A_446 = arith.constant 8 : i32
      %add3A_447 = vector.broadcast %add3A_446 : i32 to vector<16xi32>
      %add3A_448 = arith.addi %iota3A, %add3A_447 : vector<16xi32>
      %and3A_449 = arith.constant 15 : i32
      %and3A_450 = vector.broadcast %and3A_449 : i32 to vector<16xi32>
      %and3A_451 = arith.andi %add3A_448, %and3A_450 : vector<16xi32>
      %gather3A_452 = tpu.vector_load_idx %arg33[%and3A_451] : memref<16xf32, #tpu.memory_space<vmem>>[vector<16xi32>], vector<16xf32>,
      %add3A_453 = arith.addf %get3A_443, %gather3A_452 : vector<16xf32>
      %swap3A_454 = arith.constant 0 : index
      %swap3A_455 = tpu.vector_load %arg33[%swap3A_454] {strides = array<i32>} : memref<16xf32, #tpu.memory_space<vmem>>, vector<16xf32>,
      tpu.vector_store %arg33[%swap3A_454], %add3A_453 {strides = array<i32>} : memref<16xf32, #tpu.memory_space<vmem>>, vector<16xf32>,
      %add3A_456 = arith.constant 4 : i32
      %add3A_457 = vector.broadcast %add3A_456 : i32 to vector<16xi32>
      %add3A_458 = arith.addi %iota3A, %add3A_457 : vector<16xi32>
      %and3A_459 = arith.constant 15 : i32
      %and3A_460 = vector.broadcast %and3A_459 : i32 to vector<16xi32>
      %and3A_461 = arith.andi %add3A_458, %and3A_460 : vector<16xi32>
      %gather3A_462 = tpu.vector_load_idx %arg33[%and3A_461] : memref<16xf32, #tpu.memory_space<vmem>>[vector<16xi32>], vector<16xf32>,
      %add3A_463 = arith.addf %add3A_453, %gather3A_462 : vector<16xf32>
      %swap3A_464 = arith.constant 0 : index
      %swap3A_465 = tpu.vector_load %arg33[%swap3A_464] {strides = array<i32>} : memref<16xf32, #tpu.memory_space<vmem>>, vector<16xf32>,
      tpu.vector_store %arg33[%swap3A_464], %add3A_463 {strides = array<i32>} : memref<16xf32, #tpu.memory_space<vmem>>, vector<16xf32>,
      %add3A_466 = arith.constant 2 : i32
      %add3A_467 = vector.broadcast %add3A_466 : i32 to vector<16xi32>
      %add3A_468 = arith.addi %iota3A, %add3A_467 : vector<16xi32>
      %and3A_469 = arith.constant 15 : i32
      %and3A_470 = vector.broadcast %and3A_469 : i32 to vector<16xi32>
      %and3A_471 = arith.andi %add3A_468, %and3A_470 : vector<16xi32>
      %gather3A_472 = tpu.vector_load_idx %arg33[%and3A_471] : memref<16xf32, #tpu.memory_space<vmem>>[vector<16xi32>], vector<16xf32>,
      %add3A_473 = arith.addf %add3A_463, %gather3A_472 : vector<16xf32>
      %swap3A_474 = arith.constant 0 : index
      %swap3A_475 = tpu.vector_load %arg33[%swap3A_474] {strides = array<i32>} : memref<16xf32, #tpu.memory_space<vmem>>, vector<16xf32>,
      tpu.vector_store %arg33[%swap3A_474], %add3A_473 {strides = array<i32>} : memref<16xf32, #tpu.memory_space<vmem>>, vector<16xf32>,
      %add3A_476 = arith.constant 1 : i32
      %add3A_477 = vector.broadcast %add3A_476 : i32 to vector<16xi32>
      %add3A_478 = arith.addi %iota3A, %add3A_477 : vector<16xi32>
      %and3A_479 = arith.constant 15 : i32
      %and3A_480 = vector.broadcast %and3A_479 : i32 to vector<16xi32>
      %and3A_481 = arith.andi %add3A_478, %and3A_480 : vector<16xi32>
      %gather3A_482 = tpu.vector_load_idx %arg33[%and3A_481] : memref<16xf32, #tpu.memory_space<vmem>>[vector<16xi32>], vector<16xf32>,
      %add3A_483 = arith.addf %add3A_473, %gather3A_482 : vector<16xf32>
      %add3A_484 = arith.addf %add3A_441, %add3A_483 : vector<16xf32>
      %eq3A_485 = arith.constant 0 : i32
      %eq3A_486 = vector.broadcast %eq3A_485 : i32 to vector<16xi32>
      %eq3A_487 = arith.cmpi eq, %iota3A, %eq3A_486 : vector<16xi32>
      %jit3A_488 = arith.constant 0.000000e+00 : f32
      %broadcast_in_dim3A_489 = vector.broadcast %jit3A_488 : f32 to vector<16xf32>
      %select_n3A_490 = arith.select %eq3A_487, %add3A_484, %broadcast_in_dim3A_489 : vector<16xi1>, vector<16xf32>
      %swap3A_491 = arith.constant 0 : index
      %swap3A_492 = tpu.vector_load %arg32[%swap3A_491] {strides = array<i32>} : memref<16xf32, #tpu.memory_space<vmem>>, vector<16xf32>,
      tpu.vector_store %arg32[%swap3A_491], %select_n3A_490 {strides = array<i32>} : memref<16xf32, #tpu.memory_space<vmem>>, vector<16xf32>,
      %mul3A_493 = arith.constant 2 : i32
      %mul3A_494 = arith.muli %arg0, %mul3A_493 : i32
      %add3A_495 = arith.addi %mul3A_494, %arg1 : i32
      %mul3A_496 = arith.constant 16 : i32
      %mul3A_497 = arith.muli %add3A_495, %mul3A_496 : i32
      "tpu.region"() ({
        %run_scoped3A = tpu.sem_alloc : memref<!tpu.dma_semaphore, #tpu.memory_space<semaphore_mem>>
        %dma_start3A = tpu.memref_slice %arg14[%mul3A_497] : memref<64xf32, #tpu.memory_space<hbm>> -> memref<16xf32, #tpu.memory_space<hbm>>
        %dma_start3A_498 = tpu.memref_slice %arg14[%mul3A_497] : memref<64xf32, #tpu.memory_space<hbm>> -> memref<16xf32, #tpu.memory_space<hbm>>
        tpu.enqueue_dma source(%arg32 : memref<16xf32, #tpu.memory_space<vmem>>) target(%dma_start3A_498 : memref<16xf32, #tpu.memory_space<hbm>>) target_semaphore(%run_scoped3A : memref<!tpu.dma_semaphore, #tpu.memory_space<semaphore_mem>>)
        %dma_wait3A = tpu.memref_slice %arg14[%mul3A_497] : memref<64xf32, #tpu.memory_space<hbm>> -> memref<16xf32, #tpu.memory_space<hbm>>
        %dma_wait3A_499 = tpu.memref_slice %arg14[%mul3A_497] : memref<64xf32, #tpu.memory_space<hbm>> -> memref<16xf32, #tpu.memory_space<hbm>>
        tpu.wait_dma2 semaphore(%run_scoped3A : memref<!tpu.dma_semaphore, #tpu.memory_space<semaphore_mem>>) src(%arg32 : memref<16xf32, #tpu.memory_space<vmem>>) dst(%dma_wait3A_499 : memref<16xf32, #tpu.memory_space<hbm>>)
        tpu.yield
      }) : () -> ()
    } else {
    }
    %ge3A = arith.constant 2 : i32
    %ge3A_289 = arith.cmpi sge, %arg1, %ge3A : i32
    %lt3A_290 = arith.constant 4 : i32
    %lt3A_291 = arith.cmpi slt, %arg1, %lt3A_290 : i32
    %and3A_292 = arith.andi %ge3A_289, %lt3A_291 : i1
    %convert_element_type3A_293 = arith.extui %and3A_292 : i1 to i32
    %cond3A_294 = arith.constant 0 : i32
    %cond3A_295 = arith.cmpi ne, %convert_element_type3A_293, %cond3A_294 : i32
    scf.if %cond3A_295 {
      %sub3A_296 = arith.constant 2 : i32
      %sub3A_297 = arith.subi %arg1, %sub3A_296 : i32
      %mul3A_298 = arith.constant 2 : i32
      %mul3A_299 = arith.muli %arg0, %mul3A_298 : i32
      %add3A_300 = arith.addi %mul3A_299, %sub3A_297 : i32
      %mul3A_301 = arith.constant 64 : i32
      %mul3A_302 = arith.muli %add3A_300, %mul3A_301 : i32
      "tpu.region"() ({
        %run_scoped3A = tpu.sem_alloc : memref<!tpu.dma_semaphore, #tpu.memory_space<semaphore_mem>>
        %dma_start3A = tpu.memref_slice %arg4[%mul3A_302] : memref<256xi32, #tpu.memory_space<hbm>> -> memref<64xi32, #tpu.memory_space<hbm>>
        %dma_start3A_2371 = tpu.memref_slice %arg4[%mul3A_302] : memref<256xi32, #tpu.memory_space<hbm>> -> memref<64xi32, #tpu.memory_space<hbm>>
        tpu.enqueue_dma source(%dma_start3A_2371 : memref<64xi32, #tpu.memory_space<hbm>>) target(%arg30 : memref<64xi32, #tpu.memory_space<vmem>>) target_semaphore(%run_scoped3A : memref<!tpu.dma_semaphore, #tpu.memory_space<semaphore_mem>>)
        %dma_wait3A = tpu.memref_slice %arg4[%mul3A_302] : memref<256xi32, #tpu.memory_space<hbm>> -> memref<64xi32, #tpu.memory_space<hbm>>
        %dma_wait3A_2372 = tpu.memref_slice %arg4[%mul3A_302] : memref<256xi32, #tpu.memory_space<hbm>> -> memref<64xi32, #tpu.memory_space<hbm>>
        tpu.wait_dma2 semaphore(%run_scoped3A : memref<!tpu.dma_semaphore, #tpu.memory_space<semaphore_mem>>) src(%dma_wait3A_2372 : memref<64xi32, #tpu.memory_space<hbm>>) dst(%arg30 : memref<64xi32, #tpu.memory_space<vmem>>)
        tpu.yield
      }) : () -> ()
      %mul3A_303 = arith.constant 25088 : i32
      %mul3A_304 = arith.muli %sub3A_297, %mul3A_303 : i32
      "tpu.region"() ({
        %run_scoped3A = tpu.sem_alloc : memref<!tpu.dma_semaphore, #tpu.memory_space<semaphore_mem>>
        %dma_start3A = tpu.memref_slice %arg17[%mul3A_304] : memref<50176xf32, #tpu.memory_space<vmem_shared>> -> memref<25088xf32, #tpu.memory_space<vmem_shared>>
        %dma_start3A_2371 = tpu.memref_slice %arg17[%mul3A_304] : memref<50176xf32, #tpu.memory_space<vmem_shared>> -> memref<25088xf32, #tpu.memory_space<vmem_shared>>
        tpu.enqueue_dma source(%dma_start3A_2371 : memref<25088xf32, #tpu.memory_space<vmem_shared>>) target(%arg20 : memref<25088xf32, #tpu.memory_space<vmem>>) target_semaphore(%run_scoped3A : memref<!tpu.dma_semaphore, #tpu.memory_space<semaphore_mem>>)
        %dma_wait3A = tpu.memref_slice %arg17[%mul3A_304] : memref<50176xf32, #tpu.memory_space<vmem_shared>> -> memref<25088xf32, #tpu.memory_space<vmem_shared>>
        %dma_wait3A_2372 = tpu.memref_slice %arg17[%mul3A_304] : memref<50176xf32, #tpu.memory_space<vmem_shared>> -> memref<25088xf32, #tpu.memory_space<vmem_shared>>
        tpu.wait_dma2 semaphore(%run_scoped3A : memref<!tpu.dma_semaphore, #tpu.memory_space<semaphore_mem>>) src(%dma_wait3A_2372 : memref<25088xf32, #tpu.memory_space<vmem_shared>>) dst(%arg20 : memref<25088xf32, #tpu.memory_space<vmem>>)
        tpu.yield
      }) : () -> ()
      "tpu.region"() ({
        %run_scoped3A = tpu.sem_alloc : memref<!tpu.dma_semaphore, #tpu.memory_space<semaphore_mem>>
        tpu.enqueue_dma source(%arg7 : memref<16xf32, #tpu.memory_space<hbm>>) target(%arg26 : memref<16xf32, #tpu.memory_space<vmem>>) target_semaphore(%run_scoped3A : memref<!tpu.dma_semaphore, #tpu.memory_space<semaphore_mem>>)
        tpu.wait_dma2 semaphore(%run_scoped3A : memref<!tpu.dma_semaphore, #tpu.memory_space<semaphore_mem>>) src(%arg7 : memref<16xf32, #tpu.memory_space<hbm>>) dst(%arg26 : memref<16xf32, #tpu.memory_space<vmem>>)
        tpu.yield
      }) : () -> ()
      "tpu.region"() ({
        %run_scoped3A = tpu.sem_alloc : memref<!tpu.dma_semaphore, #tpu.memory_space<semaphore_mem>>
        tpu.enqueue_dma source(%arg5 : memref<16xf32, #tpu.memory_space<hbm>>) target(%arg27 : memref<16xf32, #tpu.memory_space<vmem>>) target_semaphore(%run_scoped3A : memref<!tpu.dma_semaphore, #tpu.memory_space<semaphore_mem>>)
        tpu.wait_dma2 semaphore(%run_scoped3A : memref<!tpu.dma_semaphore, #tpu.memory_space<semaphore_mem>>) src(%arg5 : memref<16xf32, #tpu.memory_space<hbm>>) dst(%arg27 : memref<16xf32, #tpu.memory_space<vmem>>)
        tpu.yield
      }) : () -> ()
      "tpu.region"() ({
        %run_scoped3A = tpu.sem_alloc : memref<!tpu.dma_semaphore, #tpu.memory_space<semaphore_mem>>
        tpu.enqueue_dma source(%arg6 : memref<16xf32, #tpu.memory_space<hbm>>) target(%arg28 : memref<16xf32, #tpu.memory_space<vmem>>) target_semaphore(%run_scoped3A : memref<!tpu.dma_semaphore, #tpu.memory_space<semaphore_mem>>)
        tpu.wait_dma2 semaphore(%run_scoped3A : memref<!tpu.dma_semaphore, #tpu.memory_space<semaphore_mem>>) src(%arg6 : memref<16xf32, #tpu.memory_space<hbm>>) dst(%arg28 : memref<16xf32, #tpu.memory_space<vmem>>)
        tpu.yield
      }) : () -> ()
      "tpu.region"() ({
        %run_scoped3A = tpu.sem_alloc : memref<!tpu.dma_semaphore, #tpu.memory_space<semaphore_mem>>
        tpu.enqueue_dma source(%arg8 : memref<16xf32, #tpu.memory_space<hbm>>) target(%arg29 : memref<16xf32, #tpu.memory_space<vmem>>) target_semaphore(%run_scoped3A : memref<!tpu.dma_semaphore, #tpu.memory_space<semaphore_mem>>)
        tpu.wait_dma2 semaphore(%run_scoped3A : memref<!tpu.dma_semaphore, #tpu.memory_space<semaphore_mem>>) src(%arg8 : memref<16xf32, #tpu.memory_space<hbm>>) dst(%arg29 : memref<16xf32, #tpu.memory_space<vmem>>)
        tpu.yield
      }) : () -> ()
      %get3A_305 = arith.constant 0 : index
      %get3A_306 = tpu.vector_load %arg29[%get3A_305] {strides = array<i32>} : memref<16xf32, #tpu.memory_space<vmem>>, vector<16xf32>,
      %swap3A_307 = arith.constant 0 : index
      %swap3A_308 = tpu.vector_load %arg33[%swap3A_307] {strides = array<i32>} : memref<16xf32, #tpu.memory_space<vmem>>, vector<16xf32>,
      tpu.vector_store %arg33[%swap3A_307], %get3A_306 {strides = array<i32>} : memref<16xf32, #tpu.memory_space<vmem>>, vector<16xf32>,
      %add3A_309 = arith.constant 8 : i32
      %add3A_310 = vector.broadcast %add3A_309 : i32 to vector<16xi32>
      %add3A_311 = arith.addi %iota3A, %add3A_310 : vector<16xi32>
      %and3A_312 = arith.constant 15 : i32
      %and3A_313 = vector.broadcast %and3A_312 : i32 to vector<16xi32>
      %and3A_314 = arith.andi %add3A_311, %and3A_313 : vector<16xi32>
      %gather3A = tpu.vector_load_idx %arg33[%and3A_314] : memref<16xf32, #tpu.memory_space<vmem>>[vector<16xi32>], vector<16xf32>,
      %add3A_315 = arith.addf %get3A_306, %gather3A : vector<16xf32>
      %swap3A_316 = arith.constant 0 : index
      %swap3A_317 = tpu.vector_load %arg33[%swap3A_316] {strides = array<i32>} : memref<16xf32, #tpu.memory_space<vmem>>, vector<16xf32>,
      tpu.vector_store %arg33[%swap3A_316], %add3A_315 {strides = array<i32>} : memref<16xf32, #tpu.memory_space<vmem>>, vector<16xf32>,
      %add3A_318 = arith.constant 4 : i32
      %add3A_319 = vector.broadcast %add3A_318 : i32 to vector<16xi32>
      %add3A_320 = arith.addi %iota3A, %add3A_319 : vector<16xi32>
      %and3A_321 = arith.constant 15 : i32
      %and3A_322 = vector.broadcast %and3A_321 : i32 to vector<16xi32>
      %and3A_323 = arith.andi %add3A_320, %and3A_322 : vector<16xi32>
      %gather3A_324 = tpu.vector_load_idx %arg33[%and3A_323] : memref<16xf32, #tpu.memory_space<vmem>>[vector<16xi32>], vector<16xf32>,
      %add3A_325 = arith.addf %add3A_315, %gather3A_324 : vector<16xf32>
      %swap3A_326 = arith.constant 0 : index
      %swap3A_327 = tpu.vector_load %arg33[%swap3A_326] {strides = array<i32>} : memref<16xf32, #tpu.memory_space<vmem>>, vector<16xf32>,
      tpu.vector_store %arg33[%swap3A_326], %add3A_325 {strides = array<i32>} : memref<16xf32, #tpu.memory_space<vmem>>, vector<16xf32>,
      %add3A_328 = arith.constant 2 : i32
      %add3A_329 = vector.broadcast %add3A_328 : i32 to vector<16xi32>
      %add3A_330 = arith.addi %iota3A, %add3A_329 : vector<16xi32>
      %and3A_331 = arith.constant 15 : i32
      %and3A_332 = vector.broadcast %and3A_331 : i32 to vector<16xi32>
      %and3A_333 = arith.andi %add3A_330, %and3A_332 : vector<16xi32>
      %gather3A_334 = tpu.vector_load_idx %arg33[%and3A_333] : memref<16xf32, #tpu.memory_space<vmem>>[vector<16xi32>], vector<16xf32>,
      %add3A_335 = arith.addf %add3A_325, %gather3A_334 : vector<16xf32>
      %swap3A_336 = arith.constant 0 : index
      %swap3A_337 = tpu.vector_load %arg33[%swap3A_336] {strides = array<i32>} : memref<16xf32, #tpu.memory_space<vmem>>, vector<16xf32>,
      tpu.vector_store %arg33[%swap3A_336], %add3A_335 {strides = array<i32>} : memref<16xf32, #tpu.memory_space<vmem>>, vector<16xf32>,
      %add3A_338 = arith.constant 1 : i32
      %add3A_339 = vector.broadcast %add3A_338 : i32 to vector<16xi32>
      %add3A_340 = arith.addi %iota3A, %add3A_339 : vector<16xi32>
      %and3A_341 = arith.constant 15 : i32
      %and3A_342 = vector.broadcast %and3A_341 : i32 to vector<16xi32>
      %and3A_343 = arith.andi %add3A_340, %and3A_342 : vector<16xi32>
      %gather3A_344 = tpu.vector_load_idx %arg33[%and3A_343] : memref<16xf32, #tpu.memory_space<vmem>>[vector<16xi32>], vector<16xf32>,
      %add3A_345 = arith.addf %add3A_335, %gather3A_344 : vector<16xf32>
      %get3A_346 = arith.constant 0 : index
      %get3A_347 = tpu.vector_load %arg27[%get3A_346] {strides = array<i32>} : memref<16xf32, #tpu.memory_space<vmem>>, vector<16xf32>,
      %get3A_348 = arith.constant 0 : index
      %get3A_349 = tpu.vector_load %arg28[%get3A_348] {strides = array<i32>} : memref<16xf32, #tpu.memory_space<vmem>>, vector<16xf32>,
      %get3A_350 = arith.constant 0 : index
      %get3A_351 = tpu.vector_load %arg26[%get3A_350] {strides = array<i32>} : memref<16xf32, #tpu.memory_space<vmem>>, vector<16xf32>,
      %eq3A_352 = arith.constant 0 : i32
      %eq3A_353 = vector.broadcast %eq3A_352 : i32 to vector<16xi32>
      %eq3A_354 = arith.cmpi eq, %iota3A, %eq3A_353 : vector<16xi32>
      %jit3A_355 = arith.constant 0.000000e+00 : f32
      %broadcast_in_dim3A_356 = vector.broadcast %jit3A_355 : f32 to vector<16xf32>
      %select_n3A_357 = arith.select %eq3A_354, %get3A_347, %broadcast_in_dim3A_356 : vector<16xi1>, vector<16xf32>
      %swap3A_358 = arith.constant 0 : index
      %swap3A_359 = tpu.vector_load %arg33[%swap3A_358] {strides = array<i32>} : memref<16xf32, #tpu.memory_space<vmem>>, vector<16xf32>,
      tpu.vector_store %arg33[%swap3A_358], %select_n3A_357 {strides = array<i32>} : memref<16xf32, #tpu.memory_space<vmem>>, vector<16xf32>,
      %add3A_360 = arith.constant 8 : i32
      %add3A_361 = vector.broadcast %add3A_360 : i32 to vector<16xi32>
      %add3A_362 = arith.addi %iota3A, %add3A_361 : vector<16xi32>
      %and3A_363 = arith.constant 15 : i32
      %and3A_364 = vector.broadcast %and3A_363 : i32 to vector<16xi32>
      %and3A_365 = arith.andi %add3A_362, %and3A_364 : vector<16xi32>
      %gather3A_366 = tpu.vector_load_idx %arg33[%and3A_365] : memref<16xf32, #tpu.memory_space<vmem>>[vector<16xi32>], vector<16xf32>,
      %add3A_367 = arith.addf %select_n3A_357, %gather3A_366 : vector<16xf32>
      %swap3A_368 = arith.constant 0 : index
      %swap3A_369 = tpu.vector_load %arg33[%swap3A_368] {strides = array<i32>} : memref<16xf32, #tpu.memory_space<vmem>>, vector<16xf32>,
      tpu.vector_store %arg33[%swap3A_368], %add3A_367 {strides = array<i32>} : memref<16xf32, #tpu.memory_space<vmem>>, vector<16xf32>,
      %add3A_370 = arith.constant 4 : i32
      %add3A_371 = vector.broadcast %add3A_370 : i32 to vector<16xi32>
      %add3A_372 = arith.addi %iota3A, %add3A_371 : vector<16xi32>
      %and3A_373 = arith.constant 15 : i32
      %and3A_374 = vector.broadcast %and3A_373 : i32 to vector<16xi32>
      %and3A_375 = arith.andi %add3A_372, %and3A_374 : vector<16xi32>
      %gather3A_376 = tpu.vector_load_idx %arg33[%and3A_375] : memref<16xf32, #tpu.memory_space<vmem>>[vector<16xi32>], vector<16xf32>,
      %add3A_377 = arith.addf %add3A_367, %gather3A_376 : vector<16xf32>
      %swap3A_378 = arith.constant 0 : index
      %swap3A_379 = tpu.vector_load %arg33[%swap3A_378] {strides = array<i32>} : memref<16xf32, #tpu.memory_space<vmem>>, vector<16xf32>,
      tpu.vector_store %arg33[%swap3A_378], %add3A_377 {strides = array<i32>} : memref<16xf32, #tpu.memory_space<vmem>>, vector<16xf32>,
      %add3A_380 = arith.constant 2 : i32
      %add3A_381 = vector.broadcast %add3A_380 : i32 to vector<16xi32>
      %add3A_382 = arith.addi %iota3A, %add3A_381 : vector<16xi32>
      %and3A_383 = arith.constant 15 : i32
      %and3A_384 = vector.broadcast %and3A_383 : i32 to vector<16xi32>
      %and3A_385 = arith.andi %add3A_382, %and3A_384 : vector<16xi32>
      %gather3A_386 = tpu.vector_load_idx %arg33[%and3A_385] : memref<16xf32, #tpu.memory_space<vmem>>[vector<16xi32>], vector<16xf32>,
      %add3A_387 = arith.addf %add3A_377, %gather3A_386 : vector<16xf32>
      %swap3A_388 = arith.constant 0 : index
      %swap3A_389 = tpu.vector_load %arg33[%swap3A_388] {strides = array<i32>} : memref<16xf32, #tpu.memory_space<vmem>>, vector<16xf32>,
      tpu.vector_store %arg33[%swap3A_388], %add3A_387 {strides = array<i32>} : memref<16xf32, #tpu.memory_space<vmem>>, vector<16xf32>,
      %add3A_390 = arith.constant 1 : i32
      %add3A_391 = vector.broadcast %add3A_390 : i32 to vector<16xi32>
      %add3A_392 = arith.addi %iota3A, %add3A_391 : vector<16xi32>
      %and3A_393 = arith.constant 15 : i32
      %and3A_394 = vector.broadcast %and3A_393 : i32 to vector<16xi32>
      %and3A_395 = arith.andi %add3A_392, %and3A_394 : vector<16xi32>
      %gather3A_396 = tpu.vector_load_idx %arg33[%and3A_395] : memref<16xf32, #tpu.memory_space<vmem>>[vector<16xi32>], vector<16xf32>,
      %add3A_397 = arith.addf %add3A_387, %gather3A_396 : vector<16xf32>
      %eq3A_398 = arith.constant 1 : i32
      %eq3A_399 = vector.broadcast %eq3A_398 : i32 to vector<16xi32>
      %eq3A_400 = arith.cmpi eq, %iota3A, %eq3A_399 : vector<16xi32>
      %jit3A_401 = arith.constant 0.000000e+00 : f32
      %broadcast_in_dim3A_402 = vector.broadcast %jit3A_401 : f32 to vector<16xf32>
      %select_n3A_403 = arith.select %eq3A_400, %get3A_347, %broadcast_in_dim3A_402 : vector<16xi1>, vector<16xf32>
      %swap3A_404 = arith.constant 0 : index
      %swap3A_405 = tpu.vector_load %arg33[%swap3A_404] {strides = array<i32>} : memref<16xf32, #tpu.memory_space<vmem>>, vector<16xf32>,
      tpu.vector_store %arg33[%swap3A_404], %select_n3A_403 {strides = array<i32>} : memref<16xf32, #tpu.memory_space<vmem>>, vector<16xf32>,
      %add3A_406 = arith.constant 8 : i32
      %add3A_407 = vector.broadcast %add3A_406 : i32 to vector<16xi32>
      %add3A_408 = arith.addi %iota3A, %add3A_407 : vector<16xi32>
      %and3A_409 = arith.constant 15 : i32
      %and3A_410 = vector.broadcast %and3A_409 : i32 to vector<16xi32>
      %and3A_411 = arith.andi %add3A_408, %and3A_410 : vector<16xi32>
      %gather3A_412 = tpu.vector_load_idx %arg33[%and3A_411] : memref<16xf32, #tpu.memory_space<vmem>>[vector<16xi32>], vector<16xf32>,
      %add3A_413 = arith.addf %select_n3A_403, %gather3A_412 : vector<16xf32>
      %swap3A_414 = arith.constant 0 : index
      %swap3A_415 = tpu.vector_load %arg33[%swap3A_414] {strides = array<i32>} : memref<16xf32, #tpu.memory_space<vmem>>, vector<16xf32>,
      tpu.vector_store %arg33[%swap3A_414], %add3A_413 {strides = array<i32>} : memref<16xf32, #tpu.memory_space<vmem>>, vector<16xf32>,
      %add3A_416 = arith.constant 4 : i32
      %add3A_417 = vector.broadcast %add3A_416 : i32 to vector<16xi32>
      %add3A_418 = arith.addi %iota3A, %add3A_417 : vector<16xi32>
      %and3A_419 = arith.constant 15 : i32
      %and3A_420 = vector.broadcast %and3A_419 : i32 to vector<16xi32>
      %and3A_421 = arith.andi %add3A_418, %and3A_420 : vector<16xi32>
      %gather3A_422 = tpu.vector_load_idx %arg33[%and3A_421] : memref<16xf32, #tpu.memory_space<vmem>>[vector<16xi32>], vector<16xf32>,
      %add3A_423 = arith.addf %add3A_413, %gather3A_422 : vector<16xf32>
      %swap3A_424 = arith.constant 0 : index
      %swap3A_425 = tpu.vector_load %arg33[%swap3A_424] {strides = array<i32>} : memref<16xf32, #tpu.memory_space<vmem>>, vector<16xf32>,
      tpu.vector_store %arg33[%swap3A_424], %add3A_423 {strides = array<i32>} : memref<16xf32, #tpu.memory_space<vmem>>, vector<16xf32>,
      %add3A_426 = arith.constant 2 : i32
      %add3A_427 = vector.broadcast %add3A_426 : i32 to vector<16xi32>
      %add3A_428 = arith.addi %iota3A, %add3A_427 : vector<16xi32>
      %and3A_429 = arith.constant 15 : i32
      %and3A_430 = vector.broadcast %and3A_429 : i32 to vector<16xi32>
      %and3A_431 = arith.andi %add3A_428, %and3A_430 : vector<16xi32>
      %gather3A_432 = tpu.vector_load_idx %arg33[%and3A_431] : memref<16xf32, #tpu.memory_space<vmem>>[vector<16xi32>], vector<16xf32>,
      %add3A_433 = arith.addf %add3A_423, %gather3A_432 : vector<16xf32>
      %swap3A_434 = arith.constant 0 : index
      %swap3A_435 = tpu.vector_load %arg33[%swap3A_434] {strides = array<i32>} : memref<16xf32, #tpu.memory_space<vmem>>, vector<16xf32>,
      tpu.vector_store %arg33[%swap3A_434], %add3A_433 {strides = array<i32>} : memref<16xf32, #tpu.memory_space<vmem>>, vector<16xf32>,
      %add3A_436 = arith.constant 1 : i32
      %add3A_437 = vector.broadcast %add3A_436 : i32 to vector<16xi32>
      %add3A_438 = arith.addi %iota3A, %add3A_437 : vector<16xi32>
      %and3A_439 = arith.constant 15 : i32
      %and3A_440 = vector.broadcast %and3A_439 : i32 to vector<16xi32>
      %and3A_441 = arith.andi %add3A_438, %and3A_440 : vector<16xi32>
      %gather3A_442 = tpu.vector_load_idx %arg33[%and3A_441] : memref<16xf32, #tpu.memory_space<vmem>>[vector<16xi32>], vector<16xf32>,
      %add3A_443 = arith.addf %add3A_433, %gather3A_442 : vector<16xf32>
      %eq3A_444 = arith.constant 2 : i32
      %eq3A_445 = vector.broadcast %eq3A_444 : i32 to vector<16xi32>
      %eq3A_446 = arith.cmpi eq, %iota3A, %eq3A_445 : vector<16xi32>
      %jit3A_447 = arith.constant 0.000000e+00 : f32
      %broadcast_in_dim3A_448 = vector.broadcast %jit3A_447 : f32 to vector<16xf32>
      %select_n3A_449 = arith.select %eq3A_446, %get3A_347, %broadcast_in_dim3A_448 : vector<16xi1>, vector<16xf32>
      %swap3A_450 = arith.constant 0 : index
      %swap3A_451 = tpu.vector_load %arg33[%swap3A_450] {strides = array<i32>} : memref<16xf32, #tpu.memory_space<vmem>>, vector<16xf32>,
      tpu.vector_store %arg33[%swap3A_450], %select_n3A_449 {strides = array<i32>} : memref<16xf32, #tpu.memory_space<vmem>>, vector<16xf32>,
      %add3A_452 = arith.constant 8 : i32
      %add3A_453 = vector.broadcast %add3A_452 : i32 to vector<16xi32>
      %add3A_454 = arith.addi %iota3A, %add3A_453 : vector<16xi32>
      %and3A_455 = arith.constant 15 : i32
      %and3A_456 = vector.broadcast %and3A_455 : i32 to vector<16xi32>
      %and3A_457 = arith.andi %add3A_454, %and3A_456 : vector<16xi32>
      %gather3A_458 = tpu.vector_load_idx %arg33[%and3A_457] : memref<16xf32, #tpu.memory_space<vmem>>[vector<16xi32>], vector<16xf32>,
      %add3A_459 = arith.addf %select_n3A_449, %gather3A_458 : vector<16xf32>
      %swap3A_460 = arith.constant 0 : index
      %swap3A_461 = tpu.vector_load %arg33[%swap3A_460] {strides = array<i32>} : memref<16xf32, #tpu.memory_space<vmem>>, vector<16xf32>,
      tpu.vector_store %arg33[%swap3A_460], %add3A_459 {strides = array<i32>} : memref<16xf32, #tpu.memory_space<vmem>>, vector<16xf32>,
      %add3A_462 = arith.constant 4 : i32
      %add3A_463 = vector.broadcast %add3A_462 : i32 to vector<16xi32>
      %add3A_464 = arith.addi %iota3A, %add3A_463 : vector<16xi32>
      %and3A_465 = arith.constant 15 : i32
      %and3A_466 = vector.broadcast %and3A_465 : i32 to vector<16xi32>
      %and3A_467 = arith.andi %add3A_464, %and3A_466 : vector<16xi32>
      %gather3A_468 = tpu.vector_load_idx %arg33[%and3A_467] : memref<16xf32, #tpu.memory_space<vmem>>[vector<16xi32>], vector<16xf32>,
      %add3A_469 = arith.addf %add3A_459, %gather3A_468 : vector<16xf32>
      %swap3A_470 = arith.constant 0 : index
      %swap3A_471 = tpu.vector_load %arg33[%swap3A_470] {strides = array<i32>} : memref<16xf32, #tpu.memory_space<vmem>>, vector<16xf32>,
      tpu.vector_store %arg33[%swap3A_470], %add3A_469 {strides = array<i32>} : memref<16xf32, #tpu.memory_space<vmem>>, vector<16xf32>,
      %add3A_472 = arith.constant 2 : i32
      %add3A_473 = vector.broadcast %add3A_472 : i32 to vector<16xi32>
      %add3A_474 = arith.addi %iota3A, %add3A_473 : vector<16xi32>
      %and3A_475 = arith.constant 15 : i32
      %and3A_476 = vector.broadcast %and3A_475 : i32 to vector<16xi32>
      %and3A_477 = arith.andi %add3A_474, %and3A_476 : vector<16xi32>
      %gather3A_478 = tpu.vector_load_idx %arg33[%and3A_477] : memref<16xf32, #tpu.memory_space<vmem>>[vector<16xi32>], vector<16xf32>,
      %add3A_479 = arith.addf %add3A_469, %gather3A_478 : vector<16xf32>
      %swap3A_480 = arith.constant 0 : index
      %swap3A_481 = tpu.vector_load %arg33[%swap3A_480] {strides = array<i32>} : memref<16xf32, #tpu.memory_space<vmem>>, vector<16xf32>,
      tpu.vector_store %arg33[%swap3A_480], %add3A_479 {strides = array<i32>} : memref<16xf32, #tpu.memory_space<vmem>>, vector<16xf32>,
      %add3A_482 = arith.constant 1 : i32
      %add3A_483 = vector.broadcast %add3A_482 : i32 to vector<16xi32>
      %add3A_484 = arith.addi %iota3A, %add3A_483 : vector<16xi32>
      %and3A_485 = arith.constant 15 : i32
      %and3A_486 = vector.broadcast %and3A_485 : i32 to vector<16xi32>
      %and3A_487 = arith.andi %add3A_484, %and3A_486 : vector<16xi32>
      %gather3A_488 = tpu.vector_load_idx %arg33[%and3A_487] : memref<16xf32, #tpu.memory_space<vmem>>[vector<16xi32>], vector<16xf32>,
      %add3A_489 = arith.addf %add3A_479, %gather3A_488 : vector<16xf32>
      %eq3A_490 = arith.constant 3 : i32
      %eq3A_491 = vector.broadcast %eq3A_490 : i32 to vector<16xi32>
      %eq3A_492 = arith.cmpi eq, %iota3A, %eq3A_491 : vector<16xi32>
      %jit3A_493 = arith.constant 0.000000e+00 : f32
      %broadcast_in_dim3A_494 = vector.broadcast %jit3A_493 : f32 to vector<16xf32>
      %select_n3A_495 = arith.select %eq3A_492, %get3A_347, %broadcast_in_dim3A_494 : vector<16xi1>, vector<16xf32>
      %swap3A_496 = arith.constant 0 : index
      %swap3A_497 = tpu.vector_load %arg33[%swap3A_496] {strides = array<i32>} : memref<16xf32, #tpu.memory_space<vmem>>, vector<16xf32>,
      tpu.vector_store %arg33[%swap3A_496], %select_n3A_495 {strides = array<i32>} : memref<16xf32, #tpu.memory_space<vmem>>, vector<16xf32>,
      %add3A_498 = arith.constant 8 : i32
      %add3A_499 = vector.broadcast %add3A_498 : i32 to vector<16xi32>
      %add3A_500 = arith.addi %iota3A, %add3A_499 : vector<16xi32>
      %and3A_501 = arith.constant 15 : i32
      %and3A_502 = vector.broadcast %and3A_501 : i32 to vector<16xi32>
      %and3A_503 = arith.andi %add3A_500, %and3A_502 : vector<16xi32>
      %gather3A_504 = tpu.vector_load_idx %arg33[%and3A_503] : memref<16xf32, #tpu.memory_space<vmem>>[vector<16xi32>], vector<16xf32>,
      %add3A_505 = arith.addf %select_n3A_495, %gather3A_504 : vector<16xf32>
      %swap3A_506 = arith.constant 0 : index
      %swap3A_507 = tpu.vector_load %arg33[%swap3A_506] {strides = array<i32>} : memref<16xf32, #tpu.memory_space<vmem>>, vector<16xf32>,
      tpu.vector_store %arg33[%swap3A_506], %add3A_505 {strides = array<i32>} : memref<16xf32, #tpu.memory_space<vmem>>, vector<16xf32>,
      %add3A_508 = arith.constant 4 : i32
      %add3A_509 = vector.broadcast %add3A_508 : i32 to vector<16xi32>
      %add3A_510 = arith.addi %iota3A, %add3A_509 : vector<16xi32>
      %and3A_511 = arith.constant 15 : i32
      %and3A_512 = vector.broadcast %and3A_511 : i32 to vector<16xi32>
      %and3A_513 = arith.andi %add3A_510, %and3A_512 : vector<16xi32>
      %gather3A_514 = tpu.vector_load_idx %arg33[%and3A_513] : memref<16xf32, #tpu.memory_space<vmem>>[vector<16xi32>], vector<16xf32>,
      %add3A_515 = arith.addf %add3A_505, %gather3A_514 : vector<16xf32>
      %swap3A_516 = arith.constant 0 : index
      %swap3A_517 = tpu.vector_load %arg33[%swap3A_516] {strides = array<i32>} : memref<16xf32, #tpu.memory_space<vmem>>, vector<16xf32>,
      tpu.vector_store %arg33[%swap3A_516], %add3A_515 {strides = array<i32>} : memref<16xf32, #tpu.memory_space<vmem>>, vector<16xf32>,
      %add3A_518 = arith.constant 2 : i32
      %add3A_519 = vector.broadcast %add3A_518 : i32 to vector<16xi32>
      %add3A_520 = arith.addi %iota3A, %add3A_519 : vector<16xi32>
      %and3A_521 = arith.constant 15 : i32
      %and3A_522 = vector.broadcast %and3A_521 : i32 to vector<16xi32>
      %and3A_523 = arith.andi %add3A_520, %and3A_522 : vector<16xi32>
      %gather3A_524 = tpu.vector_load_idx %arg33[%and3A_523] : memref<16xf32, #tpu.memory_space<vmem>>[vector<16xi32>], vector<16xf32>,
      %add3A_525 = arith.addf %add3A_515, %gather3A_524 : vector<16xf32>
      %swap3A_526 = arith.constant 0 : index
      %swap3A_527 = tpu.vector_load %arg33[%swap3A_526] {strides = array<i32>} : memref<16xf32, #tpu.memory_space<vmem>>, vector<16xf32>,
      tpu.vector_store %arg33[%swap3A_526], %add3A_525 {strides = array<i32>} : memref<16xf32, #tpu.memory_space<vmem>>, vector<16xf32>,
      %add3A_528 = arith.constant 1 : i32
      %add3A_529 = vector.broadcast %add3A_528 : i32 to vector<16xi32>
      %add3A_530 = arith.addi %iota3A, %add3A_529 : vector<16xi32>
      %and3A_531 = arith.constant 15 : i32
      %and3A_532 = vector.broadcast %and3A_531 : i32 to vector<16xi32>
      %and3A_533 = arith.andi %add3A_530, %and3A_532 : vector<16xi32>
      %gather3A_534 = tpu.vector_load_idx %arg33[%and3A_533] : memref<16xf32, #tpu.memory_space<vmem>>[vector<16xi32>], vector<16xf32>,
      %add3A_535 = arith.addf %add3A_525, %gather3A_534 : vector<16xf32>
      %eq3A_536 = arith.constant 4 : i32
      %eq3A_537 = vector.broadcast %eq3A_536 : i32 to vector<16xi32>
      %eq3A_538 = arith.cmpi eq, %iota3A, %eq3A_537 : vector<16xi32>
      %jit3A_539 = arith.constant 0.000000e+00 : f32
      %broadcast_in_dim3A_540 = vector.broadcast %jit3A_539 : f32 to vector<16xf32>
      %select_n3A_541 = arith.select %eq3A_538, %get3A_347, %broadcast_in_dim3A_540 : vector<16xi1>, vector<16xf32>
      %swap3A_542 = arith.constant 0 : index
      %swap3A_543 = tpu.vector_load %arg33[%swap3A_542] {strides = array<i32>} : memref<16xf32, #tpu.memory_space<vmem>>, vector<16xf32>,
      tpu.vector_store %arg33[%swap3A_542], %select_n3A_541 {strides = array<i32>} : memref<16xf32, #tpu.memory_space<vmem>>, vector<16xf32>,
      %add3A_544 = arith.constant 8 : i32
      %add3A_545 = vector.broadcast %add3A_544 : i32 to vector<16xi32>
      %add3A_546 = arith.addi %iota3A, %add3A_545 : vector<16xi32>
      %and3A_547 = arith.constant 15 : i32
      %and3A_548 = vector.broadcast %and3A_547 : i32 to vector<16xi32>
      %and3A_549 = arith.andi %add3A_546, %and3A_548 : vector<16xi32>
      %gather3A_550 = tpu.vector_load_idx %arg33[%and3A_549] : memref<16xf32, #tpu.memory_space<vmem>>[vector<16xi32>], vector<16xf32>,
      %add3A_551 = arith.addf %select_n3A_541, %gather3A_550 : vector<16xf32>
      %swap3A_552 = arith.constant 0 : index
      %swap3A_553 = tpu.vector_load %arg33[%swap3A_552] {strides = array<i32>} : memref<16xf32, #tpu.memory_space<vmem>>, vector<16xf32>,
      tpu.vector_store %arg33[%swap3A_552], %add3A_551 {strides = array<i32>} : memref<16xf32, #tpu.memory_space<vmem>>, vector<16xf32>,
      %add3A_554 = arith.constant 4 : i32
      %add3A_555 = vector.broadcast %add3A_554 : i32 to vector<16xi32>
      %add3A_556 = arith.addi %iota3A, %add3A_555 : vector<16xi32>
      %and3A_557 = arith.constant 15 : i32
      %and3A_558 = vector.broadcast %and3A_557 : i32 to vector<16xi32>
      %and3A_559 = arith.andi %add3A_556, %and3A_558 : vector<16xi32>
      %gather3A_560 = tpu.vector_load_idx %arg33[%and3A_559] : memref<16xf32, #tpu.memory_space<vmem>>[vector<16xi32>], vector<16xf32>,
      %add3A_561 = arith.addf %add3A_551, %gather3A_560 : vector<16xf32>
      %swap3A_562 = arith.constant 0 : index
      %swap3A_563 = tpu.vector_load %arg33[%swap3A_562] {strides = array<i32>} : memref<16xf32, #tpu.memory_space<vmem>>, vector<16xf32>,
      tpu.vector_store %arg33[%swap3A_562], %add3A_561 {strides = array<i32>} : memref<16xf32, #tpu.memory_space<vmem>>, vector<16xf32>,
      %add3A_564 = arith.constant 2 : i32
      %add3A_565 = vector.broadcast %add3A_564 : i32 to vector<16xi32>
      %add3A_566 = arith.addi %iota3A, %add3A_565 : vector<16xi32>
      %and3A_567 = arith.constant 15 : i32
      %and3A_568 = vector.broadcast %and3A_567 : i32 to vector<16xi32>
      %and3A_569 = arith.andi %add3A_566, %and3A_568 : vector<16xi32>
      %gather3A_570 = tpu.vector_load_idx %arg33[%and3A_569] : memref<16xf32, #tpu.memory_space<vmem>>[vector<16xi32>], vector<16xf32>,
      %add3A_571 = arith.addf %add3A_561, %gather3A_570 : vector<16xf32>
      %swap3A_572 = arith.constant 0 : index
      %swap3A_573 = tpu.vector_load %arg33[%swap3A_572] {strides = array<i32>} : memref<16xf32, #tpu.memory_space<vmem>>, vector<16xf32>,
      tpu.vector_store %arg33[%swap3A_572], %add3A_571 {strides = array<i32>} : memref<16xf32, #tpu.memory_space<vmem>>, vector<16xf32>,
      %add3A_574 = arith.constant 1 : i32
      %add3A_575 = vector.broadcast %add3A_574 : i32 to vector<16xi32>
      %add3A_576 = arith.addi %iota3A, %add3A_575 : vector<16xi32>
      %and3A_577 = arith.constant 15 : i32
      %and3A_578 = vector.broadcast %and3A_577 : i32 to vector<16xi32>
      %and3A_579 = arith.andi %add3A_576, %and3A_578 : vector<16xi32>
      %gather3A_580 = tpu.vector_load_idx %arg33[%and3A_579] : memref<16xf32, #tpu.memory_space<vmem>>[vector<16xi32>], vector<16xf32>,
      %add3A_581 = arith.addf %add3A_571, %gather3A_580 : vector<16xf32>
      %eq3A_582 = arith.constant 5 : i32
      %eq3A_583 = vector.broadcast %eq3A_582 : i32 to vector<16xi32>
      %eq3A_584 = arith.cmpi eq, %iota3A, %eq3A_583 : vector<16xi32>
      %jit3A_585 = arith.constant 0.000000e+00 : f32
      %broadcast_in_dim3A_586 = vector.broadcast %jit3A_585 : f32 to vector<16xf32>
      %select_n3A_587 = arith.select %eq3A_584, %get3A_347, %broadcast_in_dim3A_586 : vector<16xi1>, vector<16xf32>
      %swap3A_588 = arith.constant 0 : index
      %swap3A_589 = tpu.vector_load %arg33[%swap3A_588] {strides = array<i32>} : memref<16xf32, #tpu.memory_space<vmem>>, vector<16xf32>,
      tpu.vector_store %arg33[%swap3A_588], %select_n3A_587 {strides = array<i32>} : memref<16xf32, #tpu.memory_space<vmem>>, vector<16xf32>,
      %add3A_590 = arith.constant 8 : i32
      %add3A_591 = vector.broadcast %add3A_590 : i32 to vector<16xi32>
      %add3A_592 = arith.addi %iota3A, %add3A_591 : vector<16xi32>
      %and3A_593 = arith.constant 15 : i32
      %and3A_594 = vector.broadcast %and3A_593 : i32 to vector<16xi32>
      %and3A_595 = arith.andi %add3A_592, %and3A_594 : vector<16xi32>
      %gather3A_596 = tpu.vector_load_idx %arg33[%and3A_595] : memref<16xf32, #tpu.memory_space<vmem>>[vector<16xi32>], vector<16xf32>,
      %add3A_597 = arith.addf %select_n3A_587, %gather3A_596 : vector<16xf32>
      %swap3A_598 = arith.constant 0 : index
      %swap3A_599 = tpu.vector_load %arg33[%swap3A_598] {strides = array<i32>} : memref<16xf32, #tpu.memory_space<vmem>>, vector<16xf32>,
      tpu.vector_store %arg33[%swap3A_598], %add3A_597 {strides = array<i32>} : memref<16xf32, #tpu.memory_space<vmem>>, vector<16xf32>,
      %add3A_600 = arith.constant 4 : i32
      %add3A_601 = vector.broadcast %add3A_600 : i32 to vector<16xi32>
      %add3A_602 = arith.addi %iota3A, %add3A_601 : vector<16xi32>
      %and3A_603 = arith.constant 15 : i32
      %and3A_604 = vector.broadcast %and3A_603 : i32 to vector<16xi32>
      %and3A_605 = arith.andi %add3A_602, %and3A_604 : vector<16xi32>
      %gather3A_606 = tpu.vector_load_idx %arg33[%and3A_605] : memref<16xf32, #tpu.memory_space<vmem>>[vector<16xi32>], vector<16xf32>,
      %add3A_607 = arith.addf %add3A_597, %gather3A_606 : vector<16xf32>
      %swap3A_608 = arith.constant 0 : index
      %swap3A_609 = tpu.vector_load %arg33[%swap3A_608] {strides = array<i32>} : memref<16xf32, #tpu.memory_space<vmem>>, vector<16xf32>,
      tpu.vector_store %arg33[%swap3A_608], %add3A_607 {strides = array<i32>} : memref<16xf32, #tpu.memory_space<vmem>>, vector<16xf32>,
      %add3A_610 = arith.constant 2 : i32
      %add3A_611 = vector.broadcast %add3A_610 : i32 to vector<16xi32>
      %add3A_612 = arith.addi %iota3A, %add3A_611 : vector<16xi32>
      %and3A_613 = arith.constant 15 : i32
      %and3A_614 = vector.broadcast %and3A_613 : i32 to vector<16xi32>
      %and3A_615 = arith.andi %add3A_612, %and3A_614 : vector<16xi32>
      %gather3A_616 = tpu.vector_load_idx %arg33[%and3A_615] : memref<16xf32, #tpu.memory_space<vmem>>[vector<16xi32>], vector<16xf32>,
      %add3A_617 = arith.addf %add3A_607, %gather3A_616 : vector<16xf32>
      %swap3A_618 = arith.constant 0 : index
      %swap3A_619 = tpu.vector_load %arg33[%swap3A_618] {strides = array<i32>} : memref<16xf32, #tpu.memory_space<vmem>>, vector<16xf32>,
      tpu.vector_store %arg33[%swap3A_618], %add3A_617 {strides = array<i32>} : memref<16xf32, #tpu.memory_space<vmem>>, vector<16xf32>,
      %add3A_620 = arith.constant 1 : i32
      %add3A_621 = vector.broadcast %add3A_620 : i32 to vector<16xi32>
      %add3A_622 = arith.addi %iota3A, %add3A_621 : vector<16xi32>
      %and3A_623 = arith.constant 15 : i32
      %and3A_624 = vector.broadcast %and3A_623 : i32 to vector<16xi32>
      %and3A_625 = arith.andi %add3A_622, %and3A_624 : vector<16xi32>
      %gather3A_626 = tpu.vector_load_idx %arg33[%and3A_625] : memref<16xf32, #tpu.memory_space<vmem>>[vector<16xi32>], vector<16xf32>,
      %add3A_627 = arith.addf %add3A_617, %gather3A_626 : vector<16xf32>
      %eq3A_628 = arith.constant 6 : i32
      %eq3A_629 = vector.broadcast %eq3A_628 : i32 to vector<16xi32>
      %eq3A_630 = arith.cmpi eq, %iota3A, %eq3A_629 : vector<16xi32>
      %jit3A_631 = arith.constant 0.000000e+00 : f32
      %broadcast_in_dim3A_632 = vector.broadcast %jit3A_631 : f32 to vector<16xf32>
      %select_n3A_633 = arith.select %eq3A_630, %get3A_347, %broadcast_in_dim3A_632 : vector<16xi1>, vector<16xf32>
      %swap3A_634 = arith.constant 0 : index
      %swap3A_635 = tpu.vector_load %arg33[%swap3A_634] {strides = array<i32>} : memref<16xf32, #tpu.memory_space<vmem>>, vector<16xf32>,
      tpu.vector_store %arg33[%swap3A_634], %select_n3A_633 {strides = array<i32>} : memref<16xf32, #tpu.memory_space<vmem>>, vector<16xf32>,
      %add3A_636 = arith.constant 8 : i32
      %add3A_637 = vector.broadcast %add3A_636 : i32 to vector<16xi32>
      %add3A_638 = arith.addi %iota3A, %add3A_637 : vector<16xi32>
      %and3A_639 = arith.constant 15 : i32
      %and3A_640 = vector.broadcast %and3A_639 : i32 to vector<16xi32>
      %and3A_641 = arith.andi %add3A_638, %and3A_640 : vector<16xi32>
      %gather3A_642 = tpu.vector_load_idx %arg33[%and3A_641] : memref<16xf32, #tpu.memory_space<vmem>>[vector<16xi32>], vector<16xf32>,
      %add3A_643 = arith.addf %select_n3A_633, %gather3A_642 : vector<16xf32>
      %swap3A_644 = arith.constant 0 : index
      %swap3A_645 = tpu.vector_load %arg33[%swap3A_644] {strides = array<i32>} : memref<16xf32, #tpu.memory_space<vmem>>, vector<16xf32>,
      tpu.vector_store %arg33[%swap3A_644], %add3A_643 {strides = array<i32>} : memref<16xf32, #tpu.memory_space<vmem>>, vector<16xf32>,
      %add3A_646 = arith.constant 4 : i32
      %add3A_647 = vector.broadcast %add3A_646 : i32 to vector<16xi32>
      %add3A_648 = arith.addi %iota3A, %add3A_647 : vector<16xi32>
      %and3A_649 = arith.constant 15 : i32
      %and3A_650 = vector.broadcast %and3A_649 : i32 to vector<16xi32>
      %and3A_651 = arith.andi %add3A_648, %and3A_650 : vector<16xi32>
      %gather3A_652 = tpu.vector_load_idx %arg33[%and3A_651] : memref<16xf32, #tpu.memory_space<vmem>>[vector<16xi32>], vector<16xf32>,
      %add3A_653 = arith.addf %add3A_643, %gather3A_652 : vector<16xf32>
      %swap3A_654 = arith.constant 0 : index
      %swap3A_655 = tpu.vector_load %arg33[%swap3A_654] {strides = array<i32>} : memref<16xf32, #tpu.memory_space<vmem>>, vector<16xf32>,
      tpu.vector_store %arg33[%swap3A_654], %add3A_653 {strides = array<i32>} : memref<16xf32, #tpu.memory_space<vmem>>, vector<16xf32>,
      %add3A_656 = arith.constant 2 : i32
      %add3A_657 = vector.broadcast %add3A_656 : i32 to vector<16xi32>
      %add3A_658 = arith.addi %iota3A, %add3A_657 : vector<16xi32>
      %and3A_659 = arith.constant 15 : i32
      %and3A_660 = vector.broadcast %and3A_659 : i32 to vector<16xi32>
      %and3A_661 = arith.andi %add3A_658, %and3A_660 : vector<16xi32>
      %gather3A_662 = tpu.vector_load_idx %arg33[%and3A_661] : memref<16xf32, #tpu.memory_space<vmem>>[vector<16xi32>], vector<16xf32>,
      %add3A_663 = arith.addf %add3A_653, %gather3A_662 : vector<16xf32>
      %swap3A_664 = arith.constant 0 : index
      %swap3A_665 = tpu.vector_load %arg33[%swap3A_664] {strides = array<i32>} : memref<16xf32, #tpu.memory_space<vmem>>, vector<16xf32>,
      tpu.vector_store %arg33[%swap3A_664], %add3A_663 {strides = array<i32>} : memref<16xf32, #tpu.memory_space<vmem>>, vector<16xf32>,
      %add3A_666 = arith.constant 1 : i32
      %add3A_667 = vector.broadcast %add3A_666 : i32 to vector<16xi32>
      %add3A_668 = arith.addi %iota3A, %add3A_667 : vector<16xi32>
      %and3A_669 = arith.constant 15 : i32
      %and3A_670 = vector.broadcast %and3A_669 : i32 to vector<16xi32>
      %and3A_671 = arith.andi %add3A_668, %and3A_670 : vector<16xi32>
      %gather3A_672 = tpu.vector_load_idx %arg33[%and3A_671] : memref<16xf32, #tpu.memory_space<vmem>>[vector<16xi32>], vector<16xf32>,
      %add3A_673 = arith.addf %add3A_663, %gather3A_672 : vector<16xf32>
      %eq3A_674 = arith.constant 7 : i32
      %eq3A_675 = vector.broadcast %eq3A_674 : i32 to vector<16xi32>
      %eq3A_676 = arith.cmpi eq, %iota3A, %eq3A_675 : vector<16xi32>
      %jit3A_677 = arith.constant 0.000000e+00 : f32
      %broadcast_in_dim3A_678 = vector.broadcast %jit3A_677 : f32 to vector<16xf32>
      %select_n3A_679 = arith.select %eq3A_676, %get3A_347, %broadcast_in_dim3A_678 : vector<16xi1>, vector<16xf32>
      %swap3A_680 = arith.constant 0 : index
      %swap3A_681 = tpu.vector_load %arg33[%swap3A_680] {strides = array<i32>} : memref<16xf32, #tpu.memory_space<vmem>>, vector<16xf32>,
      tpu.vector_store %arg33[%swap3A_680], %select_n3A_679 {strides = array<i32>} : memref<16xf32, #tpu.memory_space<vmem>>, vector<16xf32>,
      %add3A_682 = arith.constant 8 : i32
      %add3A_683 = vector.broadcast %add3A_682 : i32 to vector<16xi32>
      %add3A_684 = arith.addi %iota3A, %add3A_683 : vector<16xi32>
      %and3A_685 = arith.constant 15 : i32
      %and3A_686 = vector.broadcast %and3A_685 : i32 to vector<16xi32>
      %and3A_687 = arith.andi %add3A_684, %and3A_686 : vector<16xi32>
      %gather3A_688 = tpu.vector_load_idx %arg33[%and3A_687] : memref<16xf32, #tpu.memory_space<vmem>>[vector<16xi32>], vector<16xf32>,
      %add3A_689 = arith.addf %select_n3A_679, %gather3A_688 : vector<16xf32>
      %swap3A_690 = arith.constant 0 : index
      %swap3A_691 = tpu.vector_load %arg33[%swap3A_690] {strides = array<i32>} : memref<16xf32, #tpu.memory_space<vmem>>, vector<16xf32>,
      tpu.vector_store %arg33[%swap3A_690], %add3A_689 {strides = array<i32>} : memref<16xf32, #tpu.memory_space<vmem>>, vector<16xf32>,
      %add3A_692 = arith.constant 4 : i32
      %add3A_693 = vector.broadcast %add3A_692 : i32 to vector<16xi32>
      %add3A_694 = arith.addi %iota3A, %add3A_693 : vector<16xi32>
      %and3A_695 = arith.constant 15 : i32
      %and3A_696 = vector.broadcast %and3A_695 : i32 to vector<16xi32>
      %and3A_697 = arith.andi %add3A_694, %and3A_696 : vector<16xi32>
      %gather3A_698 = tpu.vector_load_idx %arg33[%and3A_697] : memref<16xf32, #tpu.memory_space<vmem>>[vector<16xi32>], vector<16xf32>,
      %add3A_699 = arith.addf %add3A_689, %gather3A_698 : vector<16xf32>
      %swap3A_700 = arith.constant 0 : index
      %swap3A_701 = tpu.vector_load %arg33[%swap3A_700] {strides = array<i32>} : memref<16xf32, #tpu.memory_space<vmem>>, vector<16xf32>,
      tpu.vector_store %arg33[%swap3A_700], %add3A_699 {strides = array<i32>} : memref<16xf32, #tpu.memory_space<vmem>>, vector<16xf32>,
      %add3A_702 = arith.constant 2 : i32
      %add3A_703 = vector.broadcast %add3A_702 : i32 to vector<16xi32>
      %add3A_704 = arith.addi %iota3A, %add3A_703 : vector<16xi32>
      %and3A_705 = arith.constant 15 : i32
      %and3A_706 = vector.broadcast %and3A_705 : i32 to vector<16xi32>
      %and3A_707 = arith.andi %add3A_704, %and3A_706 : vector<16xi32>
      %gather3A_708 = tpu.vector_load_idx %arg33[%and3A_707] : memref<16xf32, #tpu.memory_space<vmem>>[vector<16xi32>], vector<16xf32>,
      %add3A_709 = arith.addf %add3A_699, %gather3A_708 : vector<16xf32>
      %swap3A_710 = arith.constant 0 : index
      %swap3A_711 = tpu.vector_load %arg33[%swap3A_710] {strides = array<i32>} : memref<16xf32, #tpu.memory_space<vmem>>, vector<16xf32>,
      tpu.vector_store %arg33[%swap3A_710], %add3A_709 {strides = array<i32>} : memref<16xf32, #tpu.memory_space<vmem>>, vector<16xf32>,
      %add3A_712 = arith.constant 1 : i32
      %add3A_713 = vector.broadcast %add3A_712 : i32 to vector<16xi32>
      %add3A_714 = arith.addi %iota3A, %add3A_713 : vector<16xi32>
      %and3A_715 = arith.constant 15 : i32
      %and3A_716 = vector.broadcast %and3A_715 : i32 to vector<16xi32>
      %and3A_717 = arith.andi %add3A_714, %and3A_716 : vector<16xi32>
      %gather3A_718 = tpu.vector_load_idx %arg33[%and3A_717] : memref<16xf32, #tpu.memory_space<vmem>>[vector<16xi32>], vector<16xf32>,
      %add3A_719 = arith.addf %add3A_709, %gather3A_718 : vector<16xf32>
      %eq3A_720 = arith.constant 0 : i32
      %eq3A_721 = vector.broadcast %eq3A_720 : i32 to vector<16xi32>
      %eq3A_722 = arith.cmpi eq, %iota3A, %eq3A_721 : vector<16xi32>
      %jit3A_723 = arith.constant 0.000000e+00 : f32
      %broadcast_in_dim3A_724 = vector.broadcast %jit3A_723 : f32 to vector<16xf32>
      %select_n3A_725 = arith.select %eq3A_722, %get3A_349, %broadcast_in_dim3A_724 : vector<16xi1>, vector<16xf32>
      %swap3A_726 = arith.constant 0 : index
      %swap3A_727 = tpu.vector_load %arg33[%swap3A_726] {strides = array<i32>} : memref<16xf32, #tpu.memory_space<vmem>>, vector<16xf32>,
      tpu.vector_store %arg33[%swap3A_726], %select_n3A_725 {strides = array<i32>} : memref<16xf32, #tpu.memory_space<vmem>>, vector<16xf32>,
      %add3A_728 = arith.constant 8 : i32
      %add3A_729 = vector.broadcast %add3A_728 : i32 to vector<16xi32>
      %add3A_730 = arith.addi %iota3A, %add3A_729 : vector<16xi32>
      %and3A_731 = arith.constant 15 : i32
      %and3A_732 = vector.broadcast %and3A_731 : i32 to vector<16xi32>
      %and3A_733 = arith.andi %add3A_730, %and3A_732 : vector<16xi32>
      %gather3A_734 = tpu.vector_load_idx %arg33[%and3A_733] : memref<16xf32, #tpu.memory_space<vmem>>[vector<16xi32>], vector<16xf32>,
      %add3A_735 = arith.addf %select_n3A_725, %gather3A_734 : vector<16xf32>
      %swap3A_736 = arith.constant 0 : index
      %swap3A_737 = tpu.vector_load %arg33[%swap3A_736] {strides = array<i32>} : memref<16xf32, #tpu.memory_space<vmem>>, vector<16xf32>,
      tpu.vector_store %arg33[%swap3A_736], %add3A_735 {strides = array<i32>} : memref<16xf32, #tpu.memory_space<vmem>>, vector<16xf32>,
      %add3A_738 = arith.constant 4 : i32
      %add3A_739 = vector.broadcast %add3A_738 : i32 to vector<16xi32>
      %add3A_740 = arith.addi %iota3A, %add3A_739 : vector<16xi32>
      %and3A_741 = arith.constant 15 : i32
      %and3A_742 = vector.broadcast %and3A_741 : i32 to vector<16xi32>
      %and3A_743 = arith.andi %add3A_740, %and3A_742 : vector<16xi32>
      %gather3A_744 = tpu.vector_load_idx %arg33[%and3A_743] : memref<16xf32, #tpu.memory_space<vmem>>[vector<16xi32>], vector<16xf32>,
      %add3A_745 = arith.addf %add3A_735, %gather3A_744 : vector<16xf32>
      %swap3A_746 = arith.constant 0 : index
      %swap3A_747 = tpu.vector_load %arg33[%swap3A_746] {strides = array<i32>} : memref<16xf32, #tpu.memory_space<vmem>>, vector<16xf32>,
      tpu.vector_store %arg33[%swap3A_746], %add3A_745 {strides = array<i32>} : memref<16xf32, #tpu.memory_space<vmem>>, vector<16xf32>,
      %add3A_748 = arith.constant 2 : i32
      %add3A_749 = vector.broadcast %add3A_748 : i32 to vector<16xi32>
      %add3A_750 = arith.addi %iota3A, %add3A_749 : vector<16xi32>
      %and3A_751 = arith.constant 15 : i32
      %and3A_752 = vector.broadcast %and3A_751 : i32 to vector<16xi32>
      %and3A_753 = arith.andi %add3A_750, %and3A_752 : vector<16xi32>
      %gather3A_754 = tpu.vector_load_idx %arg33[%and3A_753] : memref<16xf32, #tpu.memory_space<vmem>>[vector<16xi32>], vector<16xf32>,
      %add3A_755 = arith.addf %add3A_745, %gather3A_754 : vector<16xf32>
      %swap3A_756 = arith.constant 0 : index
      %swap3A_757 = tpu.vector_load %arg33[%swap3A_756] {strides = array<i32>} : memref<16xf32, #tpu.memory_space<vmem>>, vector<16xf32>,
      tpu.vector_store %arg33[%swap3A_756], %add3A_755 {strides = array<i32>} : memref<16xf32, #tpu.memory_space<vmem>>, vector<16xf32>,
      %add3A_758 = arith.constant 1 : i32
      %add3A_759 = vector.broadcast %add3A_758 : i32 to vector<16xi32>
      %add3A_760 = arith.addi %iota3A, %add3A_759 : vector<16xi32>
      %and3A_761 = arith.constant 15 : i32
      %and3A_762 = vector.broadcast %and3A_761 : i32 to vector<16xi32>
      %and3A_763 = arith.andi %add3A_760, %and3A_762 : vector<16xi32>
      %gather3A_764 = tpu.vector_load_idx %arg33[%and3A_763] : memref<16xf32, #tpu.memory_space<vmem>>[vector<16xi32>], vector<16xf32>,
      %add3A_765 = arith.addf %add3A_755, %gather3A_764 : vector<16xf32>
      %eq3A_766 = arith.constant 1 : i32
      %eq3A_767 = vector.broadcast %eq3A_766 : i32 to vector<16xi32>
      %eq3A_768 = arith.cmpi eq, %iota3A, %eq3A_767 : vector<16xi32>
      %jit3A_769 = arith.constant 0.000000e+00 : f32
      %broadcast_in_dim3A_770 = vector.broadcast %jit3A_769 : f32 to vector<16xf32>
      %select_n3A_771 = arith.select %eq3A_768, %get3A_349, %broadcast_in_dim3A_770 : vector<16xi1>, vector<16xf32>
      %swap3A_772 = arith.constant 0 : index
      %swap3A_773 = tpu.vector_load %arg33[%swap3A_772] {strides = array<i32>} : memref<16xf32, #tpu.memory_space<vmem>>, vector<16xf32>,
      tpu.vector_store %arg33[%swap3A_772], %select_n3A_771 {strides = array<i32>} : memref<16xf32, #tpu.memory_space<vmem>>, vector<16xf32>,
      %add3A_774 = arith.constant 8 : i32
      %add3A_775 = vector.broadcast %add3A_774 : i32 to vector<16xi32>
      %add3A_776 = arith.addi %iota3A, %add3A_775 : vector<16xi32>
      %and3A_777 = arith.constant 15 : i32
      %and3A_778 = vector.broadcast %and3A_777 : i32 to vector<16xi32>
      %and3A_779 = arith.andi %add3A_776, %and3A_778 : vector<16xi32>
      %gather3A_780 = tpu.vector_load_idx %arg33[%and3A_779] : memref<16xf32, #tpu.memory_space<vmem>>[vector<16xi32>], vector<16xf32>,
      %add3A_781 = arith.addf %select_n3A_771, %gather3A_780 : vector<16xf32>
      %swap3A_782 = arith.constant 0 : index
      %swap3A_783 = tpu.vector_load %arg33[%swap3A_782] {strides = array<i32>} : memref<16xf32, #tpu.memory_space<vmem>>, vector<16xf32>,
      tpu.vector_store %arg33[%swap3A_782], %add3A_781 {strides = array<i32>} : memref<16xf32, #tpu.memory_space<vmem>>, vector<16xf32>,
      %add3A_784 = arith.constant 4 : i32
      %add3A_785 = vector.broadcast %add3A_784 : i32 to vector<16xi32>
      %add3A_786 = arith.addi %iota3A, %add3A_785 : vector<16xi32>
      %and3A_787 = arith.constant 15 : i32
      %and3A_788 = vector.broadcast %and3A_787 : i32 to vector<16xi32>
      %and3A_789 = arith.andi %add3A_786, %and3A_788 : vector<16xi32>
      %gather3A_790 = tpu.vector_load_idx %arg33[%and3A_789] : memref<16xf32, #tpu.memory_space<vmem>>[vector<16xi32>], vector<16xf32>,
      %add3A_791 = arith.addf %add3A_781, %gather3A_790 : vector<16xf32>
      %swap3A_792 = arith.constant 0 : index
      %swap3A_793 = tpu.vector_load %arg33[%swap3A_792] {strides = array<i32>} : memref<16xf32, #tpu.memory_space<vmem>>, vector<16xf32>,
      tpu.vector_store %arg33[%swap3A_792], %add3A_791 {strides = array<i32>} : memref<16xf32, #tpu.memory_space<vmem>>, vector<16xf32>,
      %add3A_794 = arith.constant 2 : i32
      %add3A_795 = vector.broadcast %add3A_794 : i32 to vector<16xi32>
      %add3A_796 = arith.addi %iota3A, %add3A_795 : vector<16xi32>
      %and3A_797 = arith.constant 15 : i32
      %and3A_798 = vector.broadcast %and3A_797 : i32 to vector<16xi32>
      %and3A_799 = arith.andi %add3A_796, %and3A_798 : vector<16xi32>
      %gather3A_800 = tpu.vector_load_idx %arg33[%and3A_799] : memref<16xf32, #tpu.memory_space<vmem>>[vector<16xi32>], vector<16xf32>,
      %add3A_801 = arith.addf %add3A_791, %gather3A_800 : vector<16xf32>
      %swap3A_802 = arith.constant 0 : index
      %swap3A_803 = tpu.vector_load %arg33[%swap3A_802] {strides = array<i32>} : memref<16xf32, #tpu.memory_space<vmem>>, vector<16xf32>,
      tpu.vector_store %arg33[%swap3A_802], %add3A_801 {strides = array<i32>} : memref<16xf32, #tpu.memory_space<vmem>>, vector<16xf32>,
      %add3A_804 = arith.constant 1 : i32
      %add3A_805 = vector.broadcast %add3A_804 : i32 to vector<16xi32>
      %add3A_806 = arith.addi %iota3A, %add3A_805 : vector<16xi32>
      %and3A_807 = arith.constant 15 : i32
      %and3A_808 = vector.broadcast %and3A_807 : i32 to vector<16xi32>
      %and3A_809 = arith.andi %add3A_806, %and3A_808 : vector<16xi32>
      %gather3A_810 = tpu.vector_load_idx %arg33[%and3A_809] : memref<16xf32, #tpu.memory_space<vmem>>[vector<16xi32>], vector<16xf32>,
      %add3A_811 = arith.addf %add3A_801, %gather3A_810 : vector<16xf32>
      %eq3A_812 = arith.constant 2 : i32
      %eq3A_813 = vector.broadcast %eq3A_812 : i32 to vector<16xi32>
      %eq3A_814 = arith.cmpi eq, %iota3A, %eq3A_813 : vector<16xi32>
      %jit3A_815 = arith.constant 0.000000e+00 : f32
      %broadcast_in_dim3A_816 = vector.broadcast %jit3A_815 : f32 to vector<16xf32>
      %select_n3A_817 = arith.select %eq3A_814, %get3A_349, %broadcast_in_dim3A_816 : vector<16xi1>, vector<16xf32>
      %swap3A_818 = arith.constant 0 : index
      %swap3A_819 = tpu.vector_load %arg33[%swap3A_818] {strides = array<i32>} : memref<16xf32, #tpu.memory_space<vmem>>, vector<16xf32>,
      tpu.vector_store %arg33[%swap3A_818], %select_n3A_817 {strides = array<i32>} : memref<16xf32, #tpu.memory_space<vmem>>, vector<16xf32>,
      %add3A_820 = arith.constant 8 : i32
      %add3A_821 = vector.broadcast %add3A_820 : i32 to vector<16xi32>
      %add3A_822 = arith.addi %iota3A, %add3A_821 : vector<16xi32>
      %and3A_823 = arith.constant 15 : i32
      %and3A_824 = vector.broadcast %and3A_823 : i32 to vector<16xi32>
      %and3A_825 = arith.andi %add3A_822, %and3A_824 : vector<16xi32>
      %gather3A_826 = tpu.vector_load_idx %arg33[%and3A_825] : memref<16xf32, #tpu.memory_space<vmem>>[vector<16xi32>], vector<16xf32>,
      %add3A_827 = arith.addf %select_n3A_817, %gather3A_826 : vector<16xf32>
      %swap3A_828 = arith.constant 0 : index
      %swap3A_829 = tpu.vector_load %arg33[%swap3A_828] {strides = array<i32>} : memref<16xf32, #tpu.memory_space<vmem>>, vector<16xf32>,
      tpu.vector_store %arg33[%swap3A_828], %add3A_827 {strides = array<i32>} : memref<16xf32, #tpu.memory_space<vmem>>, vector<16xf32>,
      %add3A_830 = arith.constant 4 : i32
      %add3A_831 = vector.broadcast %add3A_830 : i32 to vector<16xi32>
      %add3A_832 = arith.addi %iota3A, %add3A_831 : vector<16xi32>
      %and3A_833 = arith.constant 15 : i32
      %and3A_834 = vector.broadcast %and3A_833 : i32 to vector<16xi32>
      %and3A_835 = arith.andi %add3A_832, %and3A_834 : vector<16xi32>
      %gather3A_836 = tpu.vector_load_idx %arg33[%and3A_835] : memref<16xf32, #tpu.memory_space<vmem>>[vector<16xi32>], vector<16xf32>,
      %add3A_837 = arith.addf %add3A_827, %gather3A_836 : vector<16xf32>
      %swap3A_838 = arith.constant 0 : index
      %swap3A_839 = tpu.vector_load %arg33[%swap3A_838] {strides = array<i32>} : memref<16xf32, #tpu.memory_space<vmem>>, vector<16xf32>,
      tpu.vector_store %arg33[%swap3A_838], %add3A_837 {strides = array<i32>} : memref<16xf32, #tpu.memory_space<vmem>>, vector<16xf32>,
      %add3A_840 = arith.constant 2 : i32
      %add3A_841 = vector.broadcast %add3A_840 : i32 to vector<16xi32>
      %add3A_842 = arith.addi %iota3A, %add3A_841 : vector<16xi32>
      %and3A_843 = arith.constant 15 : i32
      %and3A_844 = vector.broadcast %and3A_843 : i32 to vector<16xi32>
      %and3A_845 = arith.andi %add3A_842, %and3A_844 : vector<16xi32>
      %gather3A_846 = tpu.vector_load_idx %arg33[%and3A_845] : memref<16xf32, #tpu.memory_space<vmem>>[vector<16xi32>], vector<16xf32>,
      %add3A_847 = arith.addf %add3A_837, %gather3A_846 : vector<16xf32>
      %swap3A_848 = arith.constant 0 : index
      %swap3A_849 = tpu.vector_load %arg33[%swap3A_848] {strides = array<i32>} : memref<16xf32, #tpu.memory_space<vmem>>, vector<16xf32>,
      tpu.vector_store %arg33[%swap3A_848], %add3A_847 {strides = array<i32>} : memref<16xf32, #tpu.memory_space<vmem>>, vector<16xf32>,
      %add3A_850 = arith.constant 1 : i32
      %add3A_851 = vector.broadcast %add3A_850 : i32 to vector<16xi32>
      %add3A_852 = arith.addi %iota3A, %add3A_851 : vector<16xi32>
      %and3A_853 = arith.constant 15 : i32
      %and3A_854 = vector.broadcast %and3A_853 : i32 to vector<16xi32>
      %and3A_855 = arith.andi %add3A_852, %and3A_854 : vector<16xi32>
      %gather3A_856 = tpu.vector_load_idx %arg33[%and3A_855] : memref<16xf32, #tpu.memory_space<vmem>>[vector<16xi32>], vector<16xf32>,
      %add3A_857 = arith.addf %add3A_847, %gather3A_856 : vector<16xf32>
      %eq3A_858 = arith.constant 3 : i32
      %eq3A_859 = vector.broadcast %eq3A_858 : i32 to vector<16xi32>
      %eq3A_860 = arith.cmpi eq, %iota3A, %eq3A_859 : vector<16xi32>
      %jit3A_861 = arith.constant 0.000000e+00 : f32
      %broadcast_in_dim3A_862 = vector.broadcast %jit3A_861 : f32 to vector<16xf32>
      %select_n3A_863 = arith.select %eq3A_860, %get3A_349, %broadcast_in_dim3A_862 : vector<16xi1>, vector<16xf32>
      %swap3A_864 = arith.constant 0 : index
      %swap3A_865 = tpu.vector_load %arg33[%swap3A_864] {strides = array<i32>} : memref<16xf32, #tpu.memory_space<vmem>>, vector<16xf32>,
      tpu.vector_store %arg33[%swap3A_864], %select_n3A_863 {strides = array<i32>} : memref<16xf32, #tpu.memory_space<vmem>>, vector<16xf32>,
      %add3A_866 = arith.constant 8 : i32
      %add3A_867 = vector.broadcast %add3A_866 : i32 to vector<16xi32>
      %add3A_868 = arith.addi %iota3A, %add3A_867 : vector<16xi32>
      %and3A_869 = arith.constant 15 : i32
      %and3A_870 = vector.broadcast %and3A_869 : i32 to vector<16xi32>
      %and3A_871 = arith.andi %add3A_868, %and3A_870 : vector<16xi32>
      %gather3A_872 = tpu.vector_load_idx %arg33[%and3A_871] : memref<16xf32, #tpu.memory_space<vmem>>[vector<16xi32>], vector<16xf32>,
      %add3A_873 = arith.addf %select_n3A_863, %gather3A_872 : vector<16xf32>
      %swap3A_874 = arith.constant 0 : index
      %swap3A_875 = tpu.vector_load %arg33[%swap3A_874] {strides = array<i32>} : memref<16xf32, #tpu.memory_space<vmem>>, vector<16xf32>,
      tpu.vector_store %arg33[%swap3A_874], %add3A_873 {strides = array<i32>} : memref<16xf32, #tpu.memory_space<vmem>>, vector<16xf32>,
      %add3A_876 = arith.constant 4 : i32
      %add3A_877 = vector.broadcast %add3A_876 : i32 to vector<16xi32>
      %add3A_878 = arith.addi %iota3A, %add3A_877 : vector<16xi32>
      %and3A_879 = arith.constant 15 : i32
      %and3A_880 = vector.broadcast %and3A_879 : i32 to vector<16xi32>
      %and3A_881 = arith.andi %add3A_878, %and3A_880 : vector<16xi32>
      %gather3A_882 = tpu.vector_load_idx %arg33[%and3A_881] : memref<16xf32, #tpu.memory_space<vmem>>[vector<16xi32>], vector<16xf32>,
      %add3A_883 = arith.addf %add3A_873, %gather3A_882 : vector<16xf32>
      %swap3A_884 = arith.constant 0 : index
      %swap3A_885 = tpu.vector_load %arg33[%swap3A_884] {strides = array<i32>} : memref<16xf32, #tpu.memory_space<vmem>>, vector<16xf32>,
      tpu.vector_store %arg33[%swap3A_884], %add3A_883 {strides = array<i32>} : memref<16xf32, #tpu.memory_space<vmem>>, vector<16xf32>,
      %add3A_886 = arith.constant 2 : i32
      %add3A_887 = vector.broadcast %add3A_886 : i32 to vector<16xi32>
      %add3A_888 = arith.addi %iota3A, %add3A_887 : vector<16xi32>
      %and3A_889 = arith.constant 15 : i32
      %and3A_890 = vector.broadcast %and3A_889 : i32 to vector<16xi32>
      %and3A_891 = arith.andi %add3A_888, %and3A_890 : vector<16xi32>
      %gather3A_892 = tpu.vector_load_idx %arg33[%and3A_891] : memref<16xf32, #tpu.memory_space<vmem>>[vector<16xi32>], vector<16xf32>,
      %add3A_893 = arith.addf %add3A_883, %gather3A_892 : vector<16xf32>
      %swap3A_894 = arith.constant 0 : index
      %swap3A_895 = tpu.vector_load %arg33[%swap3A_894] {strides = array<i32>} : memref<16xf32, #tpu.memory_space<vmem>>, vector<16xf32>,
      tpu.vector_store %arg33[%swap3A_894], %add3A_893 {strides = array<i32>} : memref<16xf32, #tpu.memory_space<vmem>>, vector<16xf32>,
      %add3A_896 = arith.constant 1 : i32
      %add3A_897 = vector.broadcast %add3A_896 : i32 to vector<16xi32>
      %add3A_898 = arith.addi %iota3A, %add3A_897 : vector<16xi32>
      %and3A_899 = arith.constant 15 : i32
      %and3A_900 = vector.broadcast %and3A_899 : i32 to vector<16xi32>
      %and3A_901 = arith.andi %add3A_898, %and3A_900 : vector<16xi32>
      %gather3A_902 = tpu.vector_load_idx %arg33[%and3A_901] : memref<16xf32, #tpu.memory_space<vmem>>[vector<16xi32>], vector<16xf32>,
      %add3A_903 = arith.addf %add3A_893, %gather3A_902 : vector<16xf32>
      %eq3A_904 = arith.constant 4 : i32
      %eq3A_905 = vector.broadcast %eq3A_904 : i32 to vector<16xi32>
      %eq3A_906 = arith.cmpi eq, %iota3A, %eq3A_905 : vector<16xi32>
      %jit3A_907 = arith.constant 0.000000e+00 : f32
      %broadcast_in_dim3A_908 = vector.broadcast %jit3A_907 : f32 to vector<16xf32>
      %select_n3A_909 = arith.select %eq3A_906, %get3A_349, %broadcast_in_dim3A_908 : vector<16xi1>, vector<16xf32>
      %swap3A_910 = arith.constant 0 : index
      %swap3A_911 = tpu.vector_load %arg33[%swap3A_910] {strides = array<i32>} : memref<16xf32, #tpu.memory_space<vmem>>, vector<16xf32>,
      tpu.vector_store %arg33[%swap3A_910], %select_n3A_909 {strides = array<i32>} : memref<16xf32, #tpu.memory_space<vmem>>, vector<16xf32>,
      %add3A_912 = arith.constant 8 : i32
      %add3A_913 = vector.broadcast %add3A_912 : i32 to vector<16xi32>
      %add3A_914 = arith.addi %iota3A, %add3A_913 : vector<16xi32>
      %and3A_915 = arith.constant 15 : i32
      %and3A_916 = vector.broadcast %and3A_915 : i32 to vector<16xi32>
      %and3A_917 = arith.andi %add3A_914, %and3A_916 : vector<16xi32>
      %gather3A_918 = tpu.vector_load_idx %arg33[%and3A_917] : memref<16xf32, #tpu.memory_space<vmem>>[vector<16xi32>], vector<16xf32>,
      %add3A_919 = arith.addf %select_n3A_909, %gather3A_918 : vector<16xf32>
      %swap3A_920 = arith.constant 0 : index
      %swap3A_921 = tpu.vector_load %arg33[%swap3A_920] {strides = array<i32>} : memref<16xf32, #tpu.memory_space<vmem>>, vector<16xf32>,
      tpu.vector_store %arg33[%swap3A_920], %add3A_919 {strides = array<i32>} : memref<16xf32, #tpu.memory_space<vmem>>, vector<16xf32>,
      %add3A_922 = arith.constant 4 : i32
      %add3A_923 = vector.broadcast %add3A_922 : i32 to vector<16xi32>
      %add3A_924 = arith.addi %iota3A, %add3A_923 : vector<16xi32>
      %and3A_925 = arith.constant 15 : i32
      %and3A_926 = vector.broadcast %and3A_925 : i32 to vector<16xi32>
      %and3A_927 = arith.andi %add3A_924, %and3A_926 : vector<16xi32>
      %gather3A_928 = tpu.vector_load_idx %arg33[%and3A_927] : memref<16xf32, #tpu.memory_space<vmem>>[vector<16xi32>], vector<16xf32>,
      %add3A_929 = arith.addf %add3A_919, %gather3A_928 : vector<16xf32>
      %swap3A_930 = arith.constant 0 : index
      %swap3A_931 = tpu.vector_load %arg33[%swap3A_930] {strides = array<i32>} : memref<16xf32, #tpu.memory_space<vmem>>, vector<16xf32>,
      tpu.vector_store %arg33[%swap3A_930], %add3A_929 {strides = array<i32>} : memref<16xf32, #tpu.memory_space<vmem>>, vector<16xf32>,
      %add3A_932 = arith.constant 2 : i32
      %add3A_933 = vector.broadcast %add3A_932 : i32 to vector<16xi32>
      %add3A_934 = arith.addi %iota3A, %add3A_933 : vector<16xi32>
      %and3A_935 = arith.constant 15 : i32
      %and3A_936 = vector.broadcast %and3A_935 : i32 to vector<16xi32>
      %and3A_937 = arith.andi %add3A_934, %and3A_936 : vector<16xi32>
      %gather3A_938 = tpu.vector_load_idx %arg33[%and3A_937] : memref<16xf32, #tpu.memory_space<vmem>>[vector<16xi32>], vector<16xf32>,
      %add3A_939 = arith.addf %add3A_929, %gather3A_938 : vector<16xf32>
      %swap3A_940 = arith.constant 0 : index
      %swap3A_941 = tpu.vector_load %arg33[%swap3A_940] {strides = array<i32>} : memref<16xf32, #tpu.memory_space<vmem>>, vector<16xf32>,
      tpu.vector_store %arg33[%swap3A_940], %add3A_939 {strides = array<i32>} : memref<16xf32, #tpu.memory_space<vmem>>, vector<16xf32>,
      %add3A_942 = arith.constant 1 : i32
      %add3A_943 = vector.broadcast %add3A_942 : i32 to vector<16xi32>
      %add3A_944 = arith.addi %iota3A, %add3A_943 : vector<16xi32>
      %and3A_945 = arith.constant 15 : i32
      %and3A_946 = vector.broadcast %and3A_945 : i32 to vector<16xi32>
      %and3A_947 = arith.andi %add3A_944, %and3A_946 : vector<16xi32>
      %gather3A_948 = tpu.vector_load_idx %arg33[%and3A_947] : memref<16xf32, #tpu.memory_space<vmem>>[vector<16xi32>], vector<16xf32>,
      %add3A_949 = arith.addf %add3A_939, %gather3A_948 : vector<16xf32>
      %eq3A_950 = arith.constant 5 : i32
      %eq3A_951 = vector.broadcast %eq3A_950 : i32 to vector<16xi32>
      %eq3A_952 = arith.cmpi eq, %iota3A, %eq3A_951 : vector<16xi32>
      %jit3A_953 = arith.constant 0.000000e+00 : f32
      %broadcast_in_dim3A_954 = vector.broadcast %jit3A_953 : f32 to vector<16xf32>
      %select_n3A_955 = arith.select %eq3A_952, %get3A_349, %broadcast_in_dim3A_954 : vector<16xi1>, vector<16xf32>
      %swap3A_956 = arith.constant 0 : index
      %swap3A_957 = tpu.vector_load %arg33[%swap3A_956] {strides = array<i32>} : memref<16xf32, #tpu.memory_space<vmem>>, vector<16xf32>,
      tpu.vector_store %arg33[%swap3A_956], %select_n3A_955 {strides = array<i32>} : memref<16xf32, #tpu.memory_space<vmem>>, vector<16xf32>,
      %add3A_958 = arith.constant 8 : i32
      %add3A_959 = vector.broadcast %add3A_958 : i32 to vector<16xi32>
      %add3A_960 = arith.addi %iota3A, %add3A_959 : vector<16xi32>
      %and3A_961 = arith.constant 15 : i32
      %and3A_962 = vector.broadcast %and3A_961 : i32 to vector<16xi32>
      %and3A_963 = arith.andi %add3A_960, %and3A_962 : vector<16xi32>
      %gather3A_964 = tpu.vector_load_idx %arg33[%and3A_963] : memref<16xf32, #tpu.memory_space<vmem>>[vector<16xi32>], vector<16xf32>,
      %add3A_965 = arith.addf %select_n3A_955, %gather3A_964 : vector<16xf32>
      %swap3A_966 = arith.constant 0 : index
      %swap3A_967 = tpu.vector_load %arg33[%swap3A_966] {strides = array<i32>} : memref<16xf32, #tpu.memory_space<vmem>>, vector<16xf32>,
      tpu.vector_store %arg33[%swap3A_966], %add3A_965 {strides = array<i32>} : memref<16xf32, #tpu.memory_space<vmem>>, vector<16xf32>,
      %add3A_968 = arith.constant 4 : i32
      %add3A_969 = vector.broadcast %add3A_968 : i32 to vector<16xi32>
      %add3A_970 = arith.addi %iota3A, %add3A_969 : vector<16xi32>
      %and3A_971 = arith.constant 15 : i32
      %and3A_972 = vector.broadcast %and3A_971 : i32 to vector<16xi32>
      %and3A_973 = arith.andi %add3A_970, %and3A_972 : vector<16xi32>
      %gather3A_974 = tpu.vector_load_idx %arg33[%and3A_973] : memref<16xf32, #tpu.memory_space<vmem>>[vector<16xi32>], vector<16xf32>,
      %add3A_975 = arith.addf %add3A_965, %gather3A_974 : vector<16xf32>
      %swap3A_976 = arith.constant 0 : index
      %swap3A_977 = tpu.vector_load %arg33[%swap3A_976] {strides = array<i32>} : memref<16xf32, #tpu.memory_space<vmem>>, vector<16xf32>,
      tpu.vector_store %arg33[%swap3A_976], %add3A_975 {strides = array<i32>} : memref<16xf32, #tpu.memory_space<vmem>>, vector<16xf32>,
      %add3A_978 = arith.constant 2 : i32
      %add3A_979 = vector.broadcast %add3A_978 : i32 to vector<16xi32>
      %add3A_980 = arith.addi %iota3A, %add3A_979 : vector<16xi32>
      %and3A_981 = arith.constant 15 : i32
      %and3A_982 = vector.broadcast %and3A_981 : i32 to vector<16xi32>
      %and3A_983 = arith.andi %add3A_980, %and3A_982 : vector<16xi32>
      %gather3A_984 = tpu.vector_load_idx %arg33[%and3A_983] : memref<16xf32, #tpu.memory_space<vmem>>[vector<16xi32>], vector<16xf32>,
      %add3A_985 = arith.addf %add3A_975, %gather3A_984 : vector<16xf32>
      %swap3A_986 = arith.constant 0 : index
      %swap3A_987 = tpu.vector_load %arg33[%swap3A_986] {strides = array<i32>} : memref<16xf32, #tpu.memory_space<vmem>>, vector<16xf32>,
      tpu.vector_store %arg33[%swap3A_986], %add3A_985 {strides = array<i32>} : memref<16xf32, #tpu.memory_space<vmem>>, vector<16xf32>,
      %add3A_988 = arith.constant 1 : i32
      %add3A_989 = vector.broadcast %add3A_988 : i32 to vector<16xi32>
      %add3A_990 = arith.addi %iota3A, %add3A_989 : vector<16xi32>
      %and3A_991 = arith.constant 15 : i32
      %and3A_992 = vector.broadcast %and3A_991 : i32 to vector<16xi32>
      %and3A_993 = arith.andi %add3A_990, %and3A_992 : vector<16xi32>
      %gather3A_994 = tpu.vector_load_idx %arg33[%and3A_993] : memref<16xf32, #tpu.memory_space<vmem>>[vector<16xi32>], vector<16xf32>,
      %add3A_995 = arith.addf %add3A_985, %gather3A_994 : vector<16xf32>
      %eq3A_996 = arith.constant 6 : i32
      %eq3A_997 = vector.broadcast %eq3A_996 : i32 to vector<16xi32>
      %eq3A_998 = arith.cmpi eq, %iota3A, %eq3A_997 : vector<16xi32>
      %jit3A_999 = arith.constant 0.000000e+00 : f32
      %broadcast_in_dim3A_1000 = vector.broadcast %jit3A_999 : f32 to vector<16xf32>
      %select_n3A_1001 = arith.select %eq3A_998, %get3A_349, %broadcast_in_dim3A_1000 : vector<16xi1>, vector<16xf32>
      %swap3A_1002 = arith.constant 0 : index
      %swap3A_1003 = tpu.vector_load %arg33[%swap3A_1002] {strides = array<i32>} : memref<16xf32, #tpu.memory_space<vmem>>, vector<16xf32>,
      tpu.vector_store %arg33[%swap3A_1002], %select_n3A_1001 {strides = array<i32>} : memref<16xf32, #tpu.memory_space<vmem>>, vector<16xf32>,
      %add3A_1004 = arith.constant 8 : i32
      %add3A_1005 = vector.broadcast %add3A_1004 : i32 to vector<16xi32>
      %add3A_1006 = arith.addi %iota3A, %add3A_1005 : vector<16xi32>
      %and3A_1007 = arith.constant 15 : i32
      %and3A_1008 = vector.broadcast %and3A_1007 : i32 to vector<16xi32>
      %and3A_1009 = arith.andi %add3A_1006, %and3A_1008 : vector<16xi32>
      %gather3A_1010 = tpu.vector_load_idx %arg33[%and3A_1009] : memref<16xf32, #tpu.memory_space<vmem>>[vector<16xi32>], vector<16xf32>,
      %add3A_1011 = arith.addf %select_n3A_1001, %gather3A_1010 : vector<16xf32>
      %swap3A_1012 = arith.constant 0 : index
      %swap3A_1013 = tpu.vector_load %arg33[%swap3A_1012] {strides = array<i32>} : memref<16xf32, #tpu.memory_space<vmem>>, vector<16xf32>,
      tpu.vector_store %arg33[%swap3A_1012], %add3A_1011 {strides = array<i32>} : memref<16xf32, #tpu.memory_space<vmem>>, vector<16xf32>,
      %add3A_1014 = arith.constant 4 : i32
      %add3A_1015 = vector.broadcast %add3A_1014 : i32 to vector<16xi32>
      %add3A_1016 = arith.addi %iota3A, %add3A_1015 : vector<16xi32>
      %and3A_1017 = arith.constant 15 : i32
      %and3A_1018 = vector.broadcast %and3A_1017 : i32 to vector<16xi32>
      %and3A_1019 = arith.andi %add3A_1016, %and3A_1018 : vector<16xi32>
      %gather3A_1020 = tpu.vector_load_idx %arg33[%and3A_1019] : memref<16xf32, #tpu.memory_space<vmem>>[vector<16xi32>], vector<16xf32>,
      %add3A_1021 = arith.addf %add3A_1011, %gather3A_1020 : vector<16xf32>
      %swap3A_1022 = arith.constant 0 : index
      %swap3A_1023 = tpu.vector_load %arg33[%swap3A_1022] {strides = array<i32>} : memref<16xf32, #tpu.memory_space<vmem>>, vector<16xf32>,
      tpu.vector_store %arg33[%swap3A_1022], %add3A_1021 {strides = array<i32>} : memref<16xf32, #tpu.memory_space<vmem>>, vector<16xf32>,
      %add3A_1024 = arith.constant 2 : i32
      %add3A_1025 = vector.broadcast %add3A_1024 : i32 to vector<16xi32>
      %add3A_1026 = arith.addi %iota3A, %add3A_1025 : vector<16xi32>
      %and3A_1027 = arith.constant 15 : i32
      %and3A_1028 = vector.broadcast %and3A_1027 : i32 to vector<16xi32>
      %and3A_1029 = arith.andi %add3A_1026, %and3A_1028 : vector<16xi32>
      %gather3A_1030 = tpu.vector_load_idx %arg33[%and3A_1029] : memref<16xf32, #tpu.memory_space<vmem>>[vector<16xi32>], vector<16xf32>,
      %add3A_1031 = arith.addf %add3A_1021, %gather3A_1030 : vector<16xf32>
      %swap3A_1032 = arith.constant 0 : index
      %swap3A_1033 = tpu.vector_load %arg33[%swap3A_1032] {strides = array<i32>} : memref<16xf32, #tpu.memory_space<vmem>>, vector<16xf32>,
      tpu.vector_store %arg33[%swap3A_1032], %add3A_1031 {strides = array<i32>} : memref<16xf32, #tpu.memory_space<vmem>>, vector<16xf32>,
      %add3A_1034 = arith.constant 1 : i32
      %add3A_1035 = vector.broadcast %add3A_1034 : i32 to vector<16xi32>
      %add3A_1036 = arith.addi %iota3A, %add3A_1035 : vector<16xi32>
      %and3A_1037 = arith.constant 15 : i32
      %and3A_1038 = vector.broadcast %and3A_1037 : i32 to vector<16xi32>
      %and3A_1039 = arith.andi %add3A_1036, %and3A_1038 : vector<16xi32>
      %gather3A_1040 = tpu.vector_load_idx %arg33[%and3A_1039] : memref<16xf32, #tpu.memory_space<vmem>>[vector<16xi32>], vector<16xf32>,
      %add3A_1041 = arith.addf %add3A_1031, %gather3A_1040 : vector<16xf32>
      %eq3A_1042 = arith.constant 7 : i32
      %eq3A_1043 = vector.broadcast %eq3A_1042 : i32 to vector<16xi32>
      %eq3A_1044 = arith.cmpi eq, %iota3A, %eq3A_1043 : vector<16xi32>
      %jit3A_1045 = arith.constant 0.000000e+00 : f32
      %broadcast_in_dim3A_1046 = vector.broadcast %jit3A_1045 : f32 to vector<16xf32>
      %select_n3A_1047 = arith.select %eq3A_1044, %get3A_349, %broadcast_in_dim3A_1046 : vector<16xi1>, vector<16xf32>
      %swap3A_1048 = arith.constant 0 : index
      %swap3A_1049 = tpu.vector_load %arg33[%swap3A_1048] {strides = array<i32>} : memref<16xf32, #tpu.memory_space<vmem>>, vector<16xf32>,
      tpu.vector_store %arg33[%swap3A_1048], %select_n3A_1047 {strides = array<i32>} : memref<16xf32, #tpu.memory_space<vmem>>, vector<16xf32>,
      %add3A_1050 = arith.constant 8 : i32
      %add3A_1051 = vector.broadcast %add3A_1050 : i32 to vector<16xi32>
      %add3A_1052 = arith.addi %iota3A, %add3A_1051 : vector<16xi32>
      %and3A_1053 = arith.constant 15 : i32
      %and3A_1054 = vector.broadcast %and3A_1053 : i32 to vector<16xi32>
      %and3A_1055 = arith.andi %add3A_1052, %and3A_1054 : vector<16xi32>
      %gather3A_1056 = tpu.vector_load_idx %arg33[%and3A_1055] : memref<16xf32, #tpu.memory_space<vmem>>[vector<16xi32>], vector<16xf32>,
      %add3A_1057 = arith.addf %select_n3A_1047, %gather3A_1056 : vector<16xf32>
      %swap3A_1058 = arith.constant 0 : index
      %swap3A_1059 = tpu.vector_load %arg33[%swap3A_1058] {strides = array<i32>} : memref<16xf32, #tpu.memory_space<vmem>>, vector<16xf32>,
      tpu.vector_store %arg33[%swap3A_1058], %add3A_1057 {strides = array<i32>} : memref<16xf32, #tpu.memory_space<vmem>>, vector<16xf32>,
      %add3A_1060 = arith.constant 4 : i32
      %add3A_1061 = vector.broadcast %add3A_1060 : i32 to vector<16xi32>
      %add3A_1062 = arith.addi %iota3A, %add3A_1061 : vector<16xi32>
      %and3A_1063 = arith.constant 15 : i32
      %and3A_1064 = vector.broadcast %and3A_1063 : i32 to vector<16xi32>
      %and3A_1065 = arith.andi %add3A_1062, %and3A_1064 : vector<16xi32>
      %gather3A_1066 = tpu.vector_load_idx %arg33[%and3A_1065] : memref<16xf32, #tpu.memory_space<vmem>>[vector<16xi32>], vector<16xf32>,
      %add3A_1067 = arith.addf %add3A_1057, %gather3A_1066 : vector<16xf32>
      %swap3A_1068 = arith.constant 0 : index
      %swap3A_1069 = tpu.vector_load %arg33[%swap3A_1068] {strides = array<i32>} : memref<16xf32, #tpu.memory_space<vmem>>, vector<16xf32>,
      tpu.vector_store %arg33[%swap3A_1068], %add3A_1067 {strides = array<i32>} : memref<16xf32, #tpu.memory_space<vmem>>, vector<16xf32>,
      %add3A_1070 = arith.constant 2 : i32
      %add3A_1071 = vector.broadcast %add3A_1070 : i32 to vector<16xi32>
      %add3A_1072 = arith.addi %iota3A, %add3A_1071 : vector<16xi32>
      %and3A_1073 = arith.constant 15 : i32
      %and3A_1074 = vector.broadcast %and3A_1073 : i32 to vector<16xi32>
      %and3A_1075 = arith.andi %add3A_1072, %and3A_1074 : vector<16xi32>
      %gather3A_1076 = tpu.vector_load_idx %arg33[%and3A_1075] : memref<16xf32, #tpu.memory_space<vmem>>[vector<16xi32>], vector<16xf32>,
      %add3A_1077 = arith.addf %add3A_1067, %gather3A_1076 : vector<16xf32>
      %swap3A_1078 = arith.constant 0 : index
      %swap3A_1079 = tpu.vector_load %arg33[%swap3A_1078] {strides = array<i32>} : memref<16xf32, #tpu.memory_space<vmem>>, vector<16xf32>,
      tpu.vector_store %arg33[%swap3A_1078], %add3A_1077 {strides = array<i32>} : memref<16xf32, #tpu.memory_space<vmem>>, vector<16xf32>,
      %add3A_1080 = arith.constant 1 : i32
      %add3A_1081 = vector.broadcast %add3A_1080 : i32 to vector<16xi32>
      %add3A_1082 = arith.addi %iota3A, %add3A_1081 : vector<16xi32>
      %and3A_1083 = arith.constant 15 : i32
      %and3A_1084 = vector.broadcast %and3A_1083 : i32 to vector<16xi32>
      %and3A_1085 = arith.andi %add3A_1082, %and3A_1084 : vector<16xi32>
      %gather3A_1086 = tpu.vector_load_idx %arg33[%and3A_1085] : memref<16xf32, #tpu.memory_space<vmem>>[vector<16xi32>], vector<16xf32>,
      %add3A_1087 = arith.addf %add3A_1077, %gather3A_1086 : vector<16xf32>
      %eq3A_1088 = arith.constant 0 : i32
      %eq3A_1089 = vector.broadcast %eq3A_1088 : i32 to vector<16xi32>
      %eq3A_1090 = arith.cmpi eq, %iota3A, %eq3A_1089 : vector<16xi32>
      %jit3A_1091 = arith.constant 0.000000e+00 : f32
      %broadcast_in_dim3A_1092 = vector.broadcast %jit3A_1091 : f32 to vector<16xf32>
      %select_n3A_1093 = arith.select %eq3A_1090, %get3A_351, %broadcast_in_dim3A_1092 : vector<16xi1>, vector<16xf32>
      %swap3A_1094 = arith.constant 0 : index
      %swap3A_1095 = tpu.vector_load %arg33[%swap3A_1094] {strides = array<i32>} : memref<16xf32, #tpu.memory_space<vmem>>, vector<16xf32>,
      tpu.vector_store %arg33[%swap3A_1094], %select_n3A_1093 {strides = array<i32>} : memref<16xf32, #tpu.memory_space<vmem>>, vector<16xf32>,
      %add3A_1096 = arith.constant 8 : i32
      %add3A_1097 = vector.broadcast %add3A_1096 : i32 to vector<16xi32>
      %add3A_1098 = arith.addi %iota3A, %add3A_1097 : vector<16xi32>
      %and3A_1099 = arith.constant 15 : i32
      %and3A_1100 = vector.broadcast %and3A_1099 : i32 to vector<16xi32>
      %and3A_1101 = arith.andi %add3A_1098, %and3A_1100 : vector<16xi32>
      %gather3A_1102 = tpu.vector_load_idx %arg33[%and3A_1101] : memref<16xf32, #tpu.memory_space<vmem>>[vector<16xi32>], vector<16xf32>,
      %add3A_1103 = arith.addf %select_n3A_1093, %gather3A_1102 : vector<16xf32>
      %swap3A_1104 = arith.constant 0 : index
      %swap3A_1105 = tpu.vector_load %arg33[%swap3A_1104] {strides = array<i32>} : memref<16xf32, #tpu.memory_space<vmem>>, vector<16xf32>,
      tpu.vector_store %arg33[%swap3A_1104], %add3A_1103 {strides = array<i32>} : memref<16xf32, #tpu.memory_space<vmem>>, vector<16xf32>,
      %add3A_1106 = arith.constant 4 : i32
      %add3A_1107 = vector.broadcast %add3A_1106 : i32 to vector<16xi32>
      %add3A_1108 = arith.addi %iota3A, %add3A_1107 : vector<16xi32>
      %and3A_1109 = arith.constant 15 : i32
      %and3A_1110 = vector.broadcast %and3A_1109 : i32 to vector<16xi32>
      %and3A_1111 = arith.andi %add3A_1108, %and3A_1110 : vector<16xi32>
      %gather3A_1112 = tpu.vector_load_idx %arg33[%and3A_1111] : memref<16xf32, #tpu.memory_space<vmem>>[vector<16xi32>], vector<16xf32>,
      %add3A_1113 = arith.addf %add3A_1103, %gather3A_1112 : vector<16xf32>
      %swap3A_1114 = arith.constant 0 : index
      %swap3A_1115 = tpu.vector_load %arg33[%swap3A_1114] {strides = array<i32>} : memref<16xf32, #tpu.memory_space<vmem>>, vector<16xf32>,
      tpu.vector_store %arg33[%swap3A_1114], %add3A_1113 {strides = array<i32>} : memref<16xf32, #tpu.memory_space<vmem>>, vector<16xf32>,
      %add3A_1116 = arith.constant 2 : i32
      %add3A_1117 = vector.broadcast %add3A_1116 : i32 to vector<16xi32>
      %add3A_1118 = arith.addi %iota3A, %add3A_1117 : vector<16xi32>
      %and3A_1119 = arith.constant 15 : i32
      %and3A_1120 = vector.broadcast %and3A_1119 : i32 to vector<16xi32>
      %and3A_1121 = arith.andi %add3A_1118, %and3A_1120 : vector<16xi32>
      %gather3A_1122 = tpu.vector_load_idx %arg33[%and3A_1121] : memref<16xf32, #tpu.memory_space<vmem>>[vector<16xi32>], vector<16xf32>,
      %add3A_1123 = arith.addf %add3A_1113, %gather3A_1122 : vector<16xf32>
      %swap3A_1124 = arith.constant 0 : index
      %swap3A_1125 = tpu.vector_load %arg33[%swap3A_1124] {strides = array<i32>} : memref<16xf32, #tpu.memory_space<vmem>>, vector<16xf32>,
      tpu.vector_store %arg33[%swap3A_1124], %add3A_1123 {strides = array<i32>} : memref<16xf32, #tpu.memory_space<vmem>>, vector<16xf32>,
      %add3A_1126 = arith.constant 1 : i32
      %add3A_1127 = vector.broadcast %add3A_1126 : i32 to vector<16xi32>
      %add3A_1128 = arith.addi %iota3A, %add3A_1127 : vector<16xi32>
      %and3A_1129 = arith.constant 15 : i32
      %and3A_1130 = vector.broadcast %and3A_1129 : i32 to vector<16xi32>
      %and3A_1131 = arith.andi %add3A_1128, %and3A_1130 : vector<16xi32>
      %gather3A_1132 = tpu.vector_load_idx %arg33[%and3A_1131] : memref<16xf32, #tpu.memory_space<vmem>>[vector<16xi32>], vector<16xf32>,
      %add3A_1133 = arith.addf %add3A_1123, %gather3A_1132 : vector<16xf32>
      %bitcast_convert_type3A = tpu.bitcast %add3A_1133 : vector<16xf32> -> vector<16xi32>
      %add3A_1134 = arith.constant 32767 : i32
      %add3A_1135 = vector.broadcast %add3A_1134 : i32 to vector<16xi32>
      %add3A_1136 = arith.addi %bitcast_convert_type3A, %add3A_1135 : vector<16xi32>
      %shift_right_arithmetic3A = arith.constant 16 : i32
      %shift_right_arithmetic3A_1137 = vector.broadcast %shift_right_arithmetic3A : i32 to vector<16xi32>
      %shift_right_arithmetic3A_1138 = arith.shrsi %bitcast_convert_type3A, %shift_right_arithmetic3A_1137 : vector<16xi32>
      %and3A_1139 = arith.constant 1 : i32
      %and3A_1140 = vector.broadcast %and3A_1139 : i32 to vector<16xi32>
      %and3A_1141 = arith.andi %shift_right_arithmetic3A_1138, %and3A_1140 : vector<16xi32>
      %add3A_1142 = arith.addi %add3A_1136, %and3A_1141 : vector<16xi32>
      %and3A_1143 = arith.constant -65536 : i32
      %and3A_1144 = vector.broadcast %and3A_1143 : i32 to vector<16xi32>
      %and3A_1145 = arith.andi %add3A_1142, %and3A_1144 : vector<16xi32>
      %bitcast_convert_type3A_1146 = tpu.bitcast %and3A_1145 : vector<16xi32> -> vector<16xf32>
      %eq3A_1147 = arith.constant 1 : i32
      %eq3A_1148 = vector.broadcast %eq3A_1147 : i32 to vector<16xi32>
      %eq3A_1149 = arith.cmpi eq, %iota3A, %eq3A_1148 : vector<16xi32>
      %jit3A_1150 = arith.constant 0.000000e+00 : f32
      %broadcast_in_dim3A_1151 = vector.broadcast %jit3A_1150 : f32 to vector<16xf32>
      %select_n3A_1152 = arith.select %eq3A_1149, %get3A_351, %broadcast_in_dim3A_1151 : vector<16xi1>, vector<16xf32>
      %swap3A_1153 = arith.constant 0 : index
      %swap3A_1154 = tpu.vector_load %arg33[%swap3A_1153] {strides = array<i32>} : memref<16xf32, #tpu.memory_space<vmem>>, vector<16xf32>,
      tpu.vector_store %arg33[%swap3A_1153], %select_n3A_1152 {strides = array<i32>} : memref<16xf32, #tpu.memory_space<vmem>>, vector<16xf32>,
      %add3A_1155 = arith.constant 8 : i32
      %add3A_1156 = vector.broadcast %add3A_1155 : i32 to vector<16xi32>
      %add3A_1157 = arith.addi %iota3A, %add3A_1156 : vector<16xi32>
      %and3A_1158 = arith.constant 15 : i32
      %and3A_1159 = vector.broadcast %and3A_1158 : i32 to vector<16xi32>
      %and3A_1160 = arith.andi %add3A_1157, %and3A_1159 : vector<16xi32>
      %gather3A_1161 = tpu.vector_load_idx %arg33[%and3A_1160] : memref<16xf32, #tpu.memory_space<vmem>>[vector<16xi32>], vector<16xf32>,
      %add3A_1162 = arith.addf %select_n3A_1152, %gather3A_1161 : vector<16xf32>
      %swap3A_1163 = arith.constant 0 : index
      %swap3A_1164 = tpu.vector_load %arg33[%swap3A_1163] {strides = array<i32>} : memref<16xf32, #tpu.memory_space<vmem>>, vector<16xf32>,
      tpu.vector_store %arg33[%swap3A_1163], %add3A_1162 {strides = array<i32>} : memref<16xf32, #tpu.memory_space<vmem>>, vector<16xf32>,
      %add3A_1165 = arith.constant 4 : i32
      %add3A_1166 = vector.broadcast %add3A_1165 : i32 to vector<16xi32>
      %add3A_1167 = arith.addi %iota3A, %add3A_1166 : vector<16xi32>
      %and3A_1168 = arith.constant 15 : i32
      %and3A_1169 = vector.broadcast %and3A_1168 : i32 to vector<16xi32>
      %and3A_1170 = arith.andi %add3A_1167, %and3A_1169 : vector<16xi32>
      %gather3A_1171 = tpu.vector_load_idx %arg33[%and3A_1170] : memref<16xf32, #tpu.memory_space<vmem>>[vector<16xi32>], vector<16xf32>,
      %add3A_1172 = arith.addf %add3A_1162, %gather3A_1171 : vector<16xf32>
      %swap3A_1173 = arith.constant 0 : index
      %swap3A_1174 = tpu.vector_load %arg33[%swap3A_1173] {strides = array<i32>} : memref<16xf32, #tpu.memory_space<vmem>>, vector<16xf32>,
      tpu.vector_store %arg33[%swap3A_1173], %add3A_1172 {strides = array<i32>} : memref<16xf32, #tpu.memory_space<vmem>>, vector<16xf32>,
      %add3A_1175 = arith.constant 2 : i32
      %add3A_1176 = vector.broadcast %add3A_1175 : i32 to vector<16xi32>
      %add3A_1177 = arith.addi %iota3A, %add3A_1176 : vector<16xi32>
      %and3A_1178 = arith.constant 15 : i32
      %and3A_1179 = vector.broadcast %and3A_1178 : i32 to vector<16xi32>
      %and3A_1180 = arith.andi %add3A_1177, %and3A_1179 : vector<16xi32>
      %gather3A_1181 = tpu.vector_load_idx %arg33[%and3A_1180] : memref<16xf32, #tpu.memory_space<vmem>>[vector<16xi32>], vector<16xf32>,
      %add3A_1182 = arith.addf %add3A_1172, %gather3A_1181 : vector<16xf32>
      %swap3A_1183 = arith.constant 0 : index
      %swap3A_1184 = tpu.vector_load %arg33[%swap3A_1183] {strides = array<i32>} : memref<16xf32, #tpu.memory_space<vmem>>, vector<16xf32>,
      tpu.vector_store %arg33[%swap3A_1183], %add3A_1182 {strides = array<i32>} : memref<16xf32, #tpu.memory_space<vmem>>, vector<16xf32>,
      %add3A_1185 = arith.constant 1 : i32
      %add3A_1186 = vector.broadcast %add3A_1185 : i32 to vector<16xi32>
      %add3A_1187 = arith.addi %iota3A, %add3A_1186 : vector<16xi32>
      %and3A_1188 = arith.constant 15 : i32
      %and3A_1189 = vector.broadcast %and3A_1188 : i32 to vector<16xi32>
      %and3A_1190 = arith.andi %add3A_1187, %and3A_1189 : vector<16xi32>
      %gather3A_1191 = tpu.vector_load_idx %arg33[%and3A_1190] : memref<16xf32, #tpu.memory_space<vmem>>[vector<16xi32>], vector<16xf32>,
      %add3A_1192 = arith.addf %add3A_1182, %gather3A_1191 : vector<16xf32>
      %bitcast_convert_type3A_1193 = tpu.bitcast %add3A_1192 : vector<16xf32> -> vector<16xi32>
      %add3A_1194 = arith.constant 32767 : i32
      %add3A_1195 = vector.broadcast %add3A_1194 : i32 to vector<16xi32>
      %add3A_1196 = arith.addi %bitcast_convert_type3A_1193, %add3A_1195 : vector<16xi32>
      %shift_right_arithmetic3A_1197 = arith.constant 16 : i32
      %shift_right_arithmetic3A_1198 = vector.broadcast %shift_right_arithmetic3A_1197 : i32 to vector<16xi32>
      %shift_right_arithmetic3A_1199 = arith.shrsi %bitcast_convert_type3A_1193, %shift_right_arithmetic3A_1198 : vector<16xi32>
      %and3A_1200 = arith.constant 1 : i32
      %and3A_1201 = vector.broadcast %and3A_1200 : i32 to vector<16xi32>
      %and3A_1202 = arith.andi %shift_right_arithmetic3A_1199, %and3A_1201 : vector<16xi32>
      %add3A_1203 = arith.addi %add3A_1196, %and3A_1202 : vector<16xi32>
      %and3A_1204 = arith.constant -65536 : i32
      %and3A_1205 = vector.broadcast %and3A_1204 : i32 to vector<16xi32>
      %and3A_1206 = arith.andi %add3A_1203, %and3A_1205 : vector<16xi32>
      %bitcast_convert_type3A_1207 = tpu.bitcast %and3A_1206 : vector<16xi32> -> vector<16xf32>
      %eq3A_1208 = arith.constant 2 : i32
      %eq3A_1209 = vector.broadcast %eq3A_1208 : i32 to vector<16xi32>
      %eq3A_1210 = arith.cmpi eq, %iota3A, %eq3A_1209 : vector<16xi32>
      %jit3A_1211 = arith.constant 0.000000e+00 : f32
      %broadcast_in_dim3A_1212 = vector.broadcast %jit3A_1211 : f32 to vector<16xf32>
      %select_n3A_1213 = arith.select %eq3A_1210, %get3A_351, %broadcast_in_dim3A_1212 : vector<16xi1>, vector<16xf32>
      %swap3A_1214 = arith.constant 0 : index
      %swap3A_1215 = tpu.vector_load %arg33[%swap3A_1214] {strides = array<i32>} : memref<16xf32, #tpu.memory_space<vmem>>, vector<16xf32>,
      tpu.vector_store %arg33[%swap3A_1214], %select_n3A_1213 {strides = array<i32>} : memref<16xf32, #tpu.memory_space<vmem>>, vector<16xf32>,
      %add3A_1216 = arith.constant 8 : i32
      %add3A_1217 = vector.broadcast %add3A_1216 : i32 to vector<16xi32>
      %add3A_1218 = arith.addi %iota3A, %add3A_1217 : vector<16xi32>
      %and3A_1219 = arith.constant 15 : i32
      %and3A_1220 = vector.broadcast %and3A_1219 : i32 to vector<16xi32>
      %and3A_1221 = arith.andi %add3A_1218, %and3A_1220 : vector<16xi32>
      %gather3A_1222 = tpu.vector_load_idx %arg33[%and3A_1221] : memref<16xf32, #tpu.memory_space<vmem>>[vector<16xi32>], vector<16xf32>,
      %add3A_1223 = arith.addf %select_n3A_1213, %gather3A_1222 : vector<16xf32>
      %swap3A_1224 = arith.constant 0 : index
      %swap3A_1225 = tpu.vector_load %arg33[%swap3A_1224] {strides = array<i32>} : memref<16xf32, #tpu.memory_space<vmem>>, vector<16xf32>,
      tpu.vector_store %arg33[%swap3A_1224], %add3A_1223 {strides = array<i32>} : memref<16xf32, #tpu.memory_space<vmem>>, vector<16xf32>,
      %add3A_1226 = arith.constant 4 : i32
      %add3A_1227 = vector.broadcast %add3A_1226 : i32 to vector<16xi32>
      %add3A_1228 = arith.addi %iota3A, %add3A_1227 : vector<16xi32>
      %and3A_1229 = arith.constant 15 : i32
      %and3A_1230 = vector.broadcast %and3A_1229 : i32 to vector<16xi32>
      %and3A_1231 = arith.andi %add3A_1228, %and3A_1230 : vector<16xi32>
      %gather3A_1232 = tpu.vector_load_idx %arg33[%and3A_1231] : memref<16xf32, #tpu.memory_space<vmem>>[vector<16xi32>], vector<16xf32>,
      %add3A_1233 = arith.addf %add3A_1223, %gather3A_1232 : vector<16xf32>
      %swap3A_1234 = arith.constant 0 : index
      %swap3A_1235 = tpu.vector_load %arg33[%swap3A_1234] {strides = array<i32>} : memref<16xf32, #tpu.memory_space<vmem>>, vector<16xf32>,
      tpu.vector_store %arg33[%swap3A_1234], %add3A_1233 {strides = array<i32>} : memref<16xf32, #tpu.memory_space<vmem>>, vector<16xf32>,
      %add3A_1236 = arith.constant 2 : i32
      %add3A_1237 = vector.broadcast %add3A_1236 : i32 to vector<16xi32>
      %add3A_1238 = arith.addi %iota3A, %add3A_1237 : vector<16xi32>
      %and3A_1239 = arith.constant 15 : i32
      %and3A_1240 = vector.broadcast %and3A_1239 : i32 to vector<16xi32>
      %and3A_1241 = arith.andi %add3A_1238, %and3A_1240 : vector<16xi32>
      %gather3A_1242 = tpu.vector_load_idx %arg33[%and3A_1241] : memref<16xf32, #tpu.memory_space<vmem>>[vector<16xi32>], vector<16xf32>,
      %add3A_1243 = arith.addf %add3A_1233, %gather3A_1242 : vector<16xf32>
      %swap3A_1244 = arith.constant 0 : index
      %swap3A_1245 = tpu.vector_load %arg33[%swap3A_1244] {strides = array<i32>} : memref<16xf32, #tpu.memory_space<vmem>>, vector<16xf32>,
      tpu.vector_store %arg33[%swap3A_1244], %add3A_1243 {strides = array<i32>} : memref<16xf32, #tpu.memory_space<vmem>>, vector<16xf32>,
      %add3A_1246 = arith.constant 1 : i32
      %add3A_1247 = vector.broadcast %add3A_1246 : i32 to vector<16xi32>
      %add3A_1248 = arith.addi %iota3A, %add3A_1247 : vector<16xi32>
      %and3A_1249 = arith.constant 15 : i32
      %and3A_1250 = vector.broadcast %and3A_1249 : i32 to vector<16xi32>
      %and3A_1251 = arith.andi %add3A_1248, %and3A_1250 : vector<16xi32>
      %gather3A_1252 = tpu.vector_load_idx %arg33[%and3A_1251] : memref<16xf32, #tpu.memory_space<vmem>>[vector<16xi32>], vector<16xf32>,
      %add3A_1253 = arith.addf %add3A_1243, %gather3A_1252 : vector<16xf32>
      %bitcast_convert_type3A_1254 = tpu.bitcast %add3A_1253 : vector<16xf32> -> vector<16xi32>
      %add3A_1255 = arith.constant 32767 : i32
      %add3A_1256 = vector.broadcast %add3A_1255 : i32 to vector<16xi32>
      %add3A_1257 = arith.addi %bitcast_convert_type3A_1254, %add3A_1256 : vector<16xi32>
      %shift_right_arithmetic3A_1258 = arith.constant 16 : i32
      %shift_right_arithmetic3A_1259 = vector.broadcast %shift_right_arithmetic3A_1258 : i32 to vector<16xi32>
      %shift_right_arithmetic3A_1260 = arith.shrsi %bitcast_convert_type3A_1254, %shift_right_arithmetic3A_1259 : vector<16xi32>
      %and3A_1261 = arith.constant 1 : i32
      %and3A_1262 = vector.broadcast %and3A_1261 : i32 to vector<16xi32>
      %and3A_1263 = arith.andi %shift_right_arithmetic3A_1260, %and3A_1262 : vector<16xi32>
      %add3A_1264 = arith.addi %add3A_1257, %and3A_1263 : vector<16xi32>
      %and3A_1265 = arith.constant -65536 : i32
      %and3A_1266 = vector.broadcast %and3A_1265 : i32 to vector<16xi32>
      %and3A_1267 = arith.andi %add3A_1264, %and3A_1266 : vector<16xi32>
      %bitcast_convert_type3A_1268 = tpu.bitcast %and3A_1267 : vector<16xi32> -> vector<16xf32>
      %eq3A_1269 = arith.constant 3 : i32
      %eq3A_1270 = vector.broadcast %eq3A_1269 : i32 to vector<16xi32>
      %eq3A_1271 = arith.cmpi eq, %iota3A, %eq3A_1270 : vector<16xi32>
      %jit3A_1272 = arith.constant 0.000000e+00 : f32
      %broadcast_in_dim3A_1273 = vector.broadcast %jit3A_1272 : f32 to vector<16xf32>
      %select_n3A_1274 = arith.select %eq3A_1271, %get3A_351, %broadcast_in_dim3A_1273 : vector<16xi1>, vector<16xf32>
      %swap3A_1275 = arith.constant 0 : index
      %swap3A_1276 = tpu.vector_load %arg33[%swap3A_1275] {strides = array<i32>} : memref<16xf32, #tpu.memory_space<vmem>>, vector<16xf32>,
      tpu.vector_store %arg33[%swap3A_1275], %select_n3A_1274 {strides = array<i32>} : memref<16xf32, #tpu.memory_space<vmem>>, vector<16xf32>,
      %add3A_1277 = arith.constant 8 : i32
      %add3A_1278 = vector.broadcast %add3A_1277 : i32 to vector<16xi32>
      %add3A_1279 = arith.addi %iota3A, %add3A_1278 : vector<16xi32>
      %and3A_1280 = arith.constant 15 : i32
      %and3A_1281 = vector.broadcast %and3A_1280 : i32 to vector<16xi32>
      %and3A_1282 = arith.andi %add3A_1279, %and3A_1281 : vector<16xi32>
      %gather3A_1283 = tpu.vector_load_idx %arg33[%and3A_1282] : memref<16xf32, #tpu.memory_space<vmem>>[vector<16xi32>], vector<16xf32>,
      %add3A_1284 = arith.addf %select_n3A_1274, %gather3A_1283 : vector<16xf32>
      %swap3A_1285 = arith.constant 0 : index
      %swap3A_1286 = tpu.vector_load %arg33[%swap3A_1285] {strides = array<i32>} : memref<16xf32, #tpu.memory_space<vmem>>, vector<16xf32>,
      tpu.vector_store %arg33[%swap3A_1285], %add3A_1284 {strides = array<i32>} : memref<16xf32, #tpu.memory_space<vmem>>, vector<16xf32>,
      %add3A_1287 = arith.constant 4 : i32
      %add3A_1288 = vector.broadcast %add3A_1287 : i32 to vector<16xi32>
      %add3A_1289 = arith.addi %iota3A, %add3A_1288 : vector<16xi32>
      %and3A_1290 = arith.constant 15 : i32
      %and3A_1291 = vector.broadcast %and3A_1290 : i32 to vector<16xi32>
      %and3A_1292 = arith.andi %add3A_1289, %and3A_1291 : vector<16xi32>
      %gather3A_1293 = tpu.vector_load_idx %arg33[%and3A_1292] : memref<16xf32, #tpu.memory_space<vmem>>[vector<16xi32>], vector<16xf32>,
      %add3A_1294 = arith.addf %add3A_1284, %gather3A_1293 : vector<16xf32>
      %swap3A_1295 = arith.constant 0 : index
      %swap3A_1296 = tpu.vector_load %arg33[%swap3A_1295] {strides = array<i32>} : memref<16xf32, #tpu.memory_space<vmem>>, vector<16xf32>,
      tpu.vector_store %arg33[%swap3A_1295], %add3A_1294 {strides = array<i32>} : memref<16xf32, #tpu.memory_space<vmem>>, vector<16xf32>,
      %add3A_1297 = arith.constant 2 : i32
      %add3A_1298 = vector.broadcast %add3A_1297 : i32 to vector<16xi32>
      %add3A_1299 = arith.addi %iota3A, %add3A_1298 : vector<16xi32>
      %and3A_1300 = arith.constant 15 : i32
      %and3A_1301 = vector.broadcast %and3A_1300 : i32 to vector<16xi32>
      %and3A_1302 = arith.andi %add3A_1299, %and3A_1301 : vector<16xi32>
      %gather3A_1303 = tpu.vector_load_idx %arg33[%and3A_1302] : memref<16xf32, #tpu.memory_space<vmem>>[vector<16xi32>], vector<16xf32>,
      %add3A_1304 = arith.addf %add3A_1294, %gather3A_1303 : vector<16xf32>
      %swap3A_1305 = arith.constant 0 : index
      %swap3A_1306 = tpu.vector_load %arg33[%swap3A_1305] {strides = array<i32>} : memref<16xf32, #tpu.memory_space<vmem>>, vector<16xf32>,
      tpu.vector_store %arg33[%swap3A_1305], %add3A_1304 {strides = array<i32>} : memref<16xf32, #tpu.memory_space<vmem>>, vector<16xf32>,
      %add3A_1307 = arith.constant 1 : i32
      %add3A_1308 = vector.broadcast %add3A_1307 : i32 to vector<16xi32>
      %add3A_1309 = arith.addi %iota3A, %add3A_1308 : vector<16xi32>
      %and3A_1310 = arith.constant 15 : i32
      %and3A_1311 = vector.broadcast %and3A_1310 : i32 to vector<16xi32>
      %and3A_1312 = arith.andi %add3A_1309, %and3A_1311 : vector<16xi32>
      %gather3A_1313 = tpu.vector_load_idx %arg33[%and3A_1312] : memref<16xf32, #tpu.memory_space<vmem>>[vector<16xi32>], vector<16xf32>,
      %add3A_1314 = arith.addf %add3A_1304, %gather3A_1313 : vector<16xf32>
      %bitcast_convert_type3A_1315 = tpu.bitcast %add3A_1314 : vector<16xf32> -> vector<16xi32>
      %add3A_1316 = arith.constant 32767 : i32
      %add3A_1317 = vector.broadcast %add3A_1316 : i32 to vector<16xi32>
      %add3A_1318 = arith.addi %bitcast_convert_type3A_1315, %add3A_1317 : vector<16xi32>
      %shift_right_arithmetic3A_1319 = arith.constant 16 : i32
      %shift_right_arithmetic3A_1320 = vector.broadcast %shift_right_arithmetic3A_1319 : i32 to vector<16xi32>
      %shift_right_arithmetic3A_1321 = arith.shrsi %bitcast_convert_type3A_1315, %shift_right_arithmetic3A_1320 : vector<16xi32>
      %and3A_1322 = arith.constant 1 : i32
      %and3A_1323 = vector.broadcast %and3A_1322 : i32 to vector<16xi32>
      %and3A_1324 = arith.andi %shift_right_arithmetic3A_1321, %and3A_1323 : vector<16xi32>
      %add3A_1325 = arith.addi %add3A_1318, %and3A_1324 : vector<16xi32>
      %and3A_1326 = arith.constant -65536 : i32
      %and3A_1327 = vector.broadcast %and3A_1326 : i32 to vector<16xi32>
      %and3A_1328 = arith.andi %add3A_1325, %and3A_1327 : vector<16xi32>
      %bitcast_convert_type3A_1329 = tpu.bitcast %and3A_1328 : vector<16xi32> -> vector<16xf32>
      %eq3A_1330 = arith.constant 4 : i32
      %eq3A_1331 = vector.broadcast %eq3A_1330 : i32 to vector<16xi32>
      %eq3A_1332 = arith.cmpi eq, %iota3A, %eq3A_1331 : vector<16xi32>
      %jit3A_1333 = arith.constant 0.000000e+00 : f32
      %broadcast_in_dim3A_1334 = vector.broadcast %jit3A_1333 : f32 to vector<16xf32>
      %select_n3A_1335 = arith.select %eq3A_1332, %get3A_351, %broadcast_in_dim3A_1334 : vector<16xi1>, vector<16xf32>
      %swap3A_1336 = arith.constant 0 : index
      %swap3A_1337 = tpu.vector_load %arg33[%swap3A_1336] {strides = array<i32>} : memref<16xf32, #tpu.memory_space<vmem>>, vector<16xf32>,
      tpu.vector_store %arg33[%swap3A_1336], %select_n3A_1335 {strides = array<i32>} : memref<16xf32, #tpu.memory_space<vmem>>, vector<16xf32>,
      %add3A_1338 = arith.constant 8 : i32
      %add3A_1339 = vector.broadcast %add3A_1338 : i32 to vector<16xi32>
      %add3A_1340 = arith.addi %iota3A, %add3A_1339 : vector<16xi32>
      %and3A_1341 = arith.constant 15 : i32
      %and3A_1342 = vector.broadcast %and3A_1341 : i32 to vector<16xi32>
      %and3A_1343 = arith.andi %add3A_1340, %and3A_1342 : vector<16xi32>
      %gather3A_1344 = tpu.vector_load_idx %arg33[%and3A_1343] : memref<16xf32, #tpu.memory_space<vmem>>[vector<16xi32>], vector<16xf32>,
      %add3A_1345 = arith.addf %select_n3A_1335, %gather3A_1344 : vector<16xf32>
      %swap3A_1346 = arith.constant 0 : index
      %swap3A_1347 = tpu.vector_load %arg33[%swap3A_1346] {strides = array<i32>} : memref<16xf32, #tpu.memory_space<vmem>>, vector<16xf32>,
      tpu.vector_store %arg33[%swap3A_1346], %add3A_1345 {strides = array<i32>} : memref<16xf32, #tpu.memory_space<vmem>>, vector<16xf32>,
      %add3A_1348 = arith.constant 4 : i32
      %add3A_1349 = vector.broadcast %add3A_1348 : i32 to vector<16xi32>
      %add3A_1350 = arith.addi %iota3A, %add3A_1349 : vector<16xi32>
      %and3A_1351 = arith.constant 15 : i32
      %and3A_1352 = vector.broadcast %and3A_1351 : i32 to vector<16xi32>
      %and3A_1353 = arith.andi %add3A_1350, %and3A_1352 : vector<16xi32>
      %gather3A_1354 = tpu.vector_load_idx %arg33[%and3A_1353] : memref<16xf32, #tpu.memory_space<vmem>>[vector<16xi32>], vector<16xf32>,
      %add3A_1355 = arith.addf %add3A_1345, %gather3A_1354 : vector<16xf32>
      %swap3A_1356 = arith.constant 0 : index
      %swap3A_1357 = tpu.vector_load %arg33[%swap3A_1356] {strides = array<i32>} : memref<16xf32, #tpu.memory_space<vmem>>, vector<16xf32>,
      tpu.vector_store %arg33[%swap3A_1356], %add3A_1355 {strides = array<i32>} : memref<16xf32, #tpu.memory_space<vmem>>, vector<16xf32>,
      %add3A_1358 = arith.constant 2 : i32
      %add3A_1359 = vector.broadcast %add3A_1358 : i32 to vector<16xi32>
      %add3A_1360 = arith.addi %iota3A, %add3A_1359 : vector<16xi32>
      %and3A_1361 = arith.constant 15 : i32
      %and3A_1362 = vector.broadcast %and3A_1361 : i32 to vector<16xi32>
      %and3A_1363 = arith.andi %add3A_1360, %and3A_1362 : vector<16xi32>
      %gather3A_1364 = tpu.vector_load_idx %arg33[%and3A_1363] : memref<16xf32, #tpu.memory_space<vmem>>[vector<16xi32>], vector<16xf32>,
      %add3A_1365 = arith.addf %add3A_1355, %gather3A_1364 : vector<16xf32>
      %swap3A_1366 = arith.constant 0 : index
      %swap3A_1367 = tpu.vector_load %arg33[%swap3A_1366] {strides = array<i32>} : memref<16xf32, #tpu.memory_space<vmem>>, vector<16xf32>,
      tpu.vector_store %arg33[%swap3A_1366], %add3A_1365 {strides = array<i32>} : memref<16xf32, #tpu.memory_space<vmem>>, vector<16xf32>,
      %add3A_1368 = arith.constant 1 : i32
      %add3A_1369 = vector.broadcast %add3A_1368 : i32 to vector<16xi32>
      %add3A_1370 = arith.addi %iota3A, %add3A_1369 : vector<16xi32>
      %and3A_1371 = arith.constant 15 : i32
      %and3A_1372 = vector.broadcast %and3A_1371 : i32 to vector<16xi32>
      %and3A_1373 = arith.andi %add3A_1370, %and3A_1372 : vector<16xi32>
      %gather3A_1374 = tpu.vector_load_idx %arg33[%and3A_1373] : memref<16xf32, #tpu.memory_space<vmem>>[vector<16xi32>], vector<16xf32>,
      %add3A_1375 = arith.addf %add3A_1365, %gather3A_1374 : vector<16xf32>
      %bitcast_convert_type3A_1376 = tpu.bitcast %add3A_1375 : vector<16xf32> -> vector<16xi32>
      %add3A_1377 = arith.constant 32767 : i32
      %add3A_1378 = vector.broadcast %add3A_1377 : i32 to vector<16xi32>
      %add3A_1379 = arith.addi %bitcast_convert_type3A_1376, %add3A_1378 : vector<16xi32>
      %shift_right_arithmetic3A_1380 = arith.constant 16 : i32
      %shift_right_arithmetic3A_1381 = vector.broadcast %shift_right_arithmetic3A_1380 : i32 to vector<16xi32>
      %shift_right_arithmetic3A_1382 = arith.shrsi %bitcast_convert_type3A_1376, %shift_right_arithmetic3A_1381 : vector<16xi32>
      %and3A_1383 = arith.constant 1 : i32
      %and3A_1384 = vector.broadcast %and3A_1383 : i32 to vector<16xi32>
      %and3A_1385 = arith.andi %shift_right_arithmetic3A_1382, %and3A_1384 : vector<16xi32>
      %add3A_1386 = arith.addi %add3A_1379, %and3A_1385 : vector<16xi32>
      %and3A_1387 = arith.constant -65536 : i32
      %and3A_1388 = vector.broadcast %and3A_1387 : i32 to vector<16xi32>
      %and3A_1389 = arith.andi %add3A_1386, %and3A_1388 : vector<16xi32>
      %bitcast_convert_type3A_1390 = tpu.bitcast %and3A_1389 : vector<16xi32> -> vector<16xf32>
      %eq3A_1391 = arith.constant 5 : i32
      %eq3A_1392 = vector.broadcast %eq3A_1391 : i32 to vector<16xi32>
      %eq3A_1393 = arith.cmpi eq, %iota3A, %eq3A_1392 : vector<16xi32>
      %jit3A_1394 = arith.constant 0.000000e+00 : f32
      %broadcast_in_dim3A_1395 = vector.broadcast %jit3A_1394 : f32 to vector<16xf32>
      %select_n3A_1396 = arith.select %eq3A_1393, %get3A_351, %broadcast_in_dim3A_1395 : vector<16xi1>, vector<16xf32>
      %swap3A_1397 = arith.constant 0 : index
      %swap3A_1398 = tpu.vector_load %arg33[%swap3A_1397] {strides = array<i32>} : memref<16xf32, #tpu.memory_space<vmem>>, vector<16xf32>,
      tpu.vector_store %arg33[%swap3A_1397], %select_n3A_1396 {strides = array<i32>} : memref<16xf32, #tpu.memory_space<vmem>>, vector<16xf32>,
      %add3A_1399 = arith.constant 8 : i32
      %add3A_1400 = vector.broadcast %add3A_1399 : i32 to vector<16xi32>
      %add3A_1401 = arith.addi %iota3A, %add3A_1400 : vector<16xi32>
      %and3A_1402 = arith.constant 15 : i32
      %and3A_1403 = vector.broadcast %and3A_1402 : i32 to vector<16xi32>
      %and3A_1404 = arith.andi %add3A_1401, %and3A_1403 : vector<16xi32>
      %gather3A_1405 = tpu.vector_load_idx %arg33[%and3A_1404] : memref<16xf32, #tpu.memory_space<vmem>>[vector<16xi32>], vector<16xf32>,
      %add3A_1406 = arith.addf %select_n3A_1396, %gather3A_1405 : vector<16xf32>
      %swap3A_1407 = arith.constant 0 : index
      %swap3A_1408 = tpu.vector_load %arg33[%swap3A_1407] {strides = array<i32>} : memref<16xf32, #tpu.memory_space<vmem>>, vector<16xf32>,
      tpu.vector_store %arg33[%swap3A_1407], %add3A_1406 {strides = array<i32>} : memref<16xf32, #tpu.memory_space<vmem>>, vector<16xf32>,
      %add3A_1409 = arith.constant 4 : i32
      %add3A_1410 = vector.broadcast %add3A_1409 : i32 to vector<16xi32>
      %add3A_1411 = arith.addi %iota3A, %add3A_1410 : vector<16xi32>
      %and3A_1412 = arith.constant 15 : i32
      %and3A_1413 = vector.broadcast %and3A_1412 : i32 to vector<16xi32>
      %and3A_1414 = arith.andi %add3A_1411, %and3A_1413 : vector<16xi32>
      %gather3A_1415 = tpu.vector_load_idx %arg33[%and3A_1414] : memref<16xf32, #tpu.memory_space<vmem>>[vector<16xi32>], vector<16xf32>,
      %add3A_1416 = arith.addf %add3A_1406, %gather3A_1415 : vector<16xf32>
      %swap3A_1417 = arith.constant 0 : index
      %swap3A_1418 = tpu.vector_load %arg33[%swap3A_1417] {strides = array<i32>} : memref<16xf32, #tpu.memory_space<vmem>>, vector<16xf32>,
      tpu.vector_store %arg33[%swap3A_1417], %add3A_1416 {strides = array<i32>} : memref<16xf32, #tpu.memory_space<vmem>>, vector<16xf32>,
      %add3A_1419 = arith.constant 2 : i32
      %add3A_1420 = vector.broadcast %add3A_1419 : i32 to vector<16xi32>
      %add3A_1421 = arith.addi %iota3A, %add3A_1420 : vector<16xi32>
      %and3A_1422 = arith.constant 15 : i32
      %and3A_1423 = vector.broadcast %and3A_1422 : i32 to vector<16xi32>
      %and3A_1424 = arith.andi %add3A_1421, %and3A_1423 : vector<16xi32>
      %gather3A_1425 = tpu.vector_load_idx %arg33[%and3A_1424] : memref<16xf32, #tpu.memory_space<vmem>>[vector<16xi32>], vector<16xf32>,
      %add3A_1426 = arith.addf %add3A_1416, %gather3A_1425 : vector<16xf32>
      %swap3A_1427 = arith.constant 0 : index
      %swap3A_1428 = tpu.vector_load %arg33[%swap3A_1427] {strides = array<i32>} : memref<16xf32, #tpu.memory_space<vmem>>, vector<16xf32>,
      tpu.vector_store %arg33[%swap3A_1427], %add3A_1426 {strides = array<i32>} : memref<16xf32, #tpu.memory_space<vmem>>, vector<16xf32>,
      %add3A_1429 = arith.constant 1 : i32
      %add3A_1430 = vector.broadcast %add3A_1429 : i32 to vector<16xi32>
      %add3A_1431 = arith.addi %iota3A, %add3A_1430 : vector<16xi32>
      %and3A_1432 = arith.constant 15 : i32
      %and3A_1433 = vector.broadcast %and3A_1432 : i32 to vector<16xi32>
      %and3A_1434 = arith.andi %add3A_1431, %and3A_1433 : vector<16xi32>
      %gather3A_1435 = tpu.vector_load_idx %arg33[%and3A_1434] : memref<16xf32, #tpu.memory_space<vmem>>[vector<16xi32>], vector<16xf32>,
      %add3A_1436 = arith.addf %add3A_1426, %gather3A_1435 : vector<16xf32>
      %bitcast_convert_type3A_1437 = tpu.bitcast %add3A_1436 : vector<16xf32> -> vector<16xi32>
      %add3A_1438 = arith.constant 32767 : i32
      %add3A_1439 = vector.broadcast %add3A_1438 : i32 to vector<16xi32>
      %add3A_1440 = arith.addi %bitcast_convert_type3A_1437, %add3A_1439 : vector<16xi32>
      %shift_right_arithmetic3A_1441 = arith.constant 16 : i32
      %shift_right_arithmetic3A_1442 = vector.broadcast %shift_right_arithmetic3A_1441 : i32 to vector<16xi32>
      %shift_right_arithmetic3A_1443 = arith.shrsi %bitcast_convert_type3A_1437, %shift_right_arithmetic3A_1442 : vector<16xi32>
      %and3A_1444 = arith.constant 1 : i32
      %and3A_1445 = vector.broadcast %and3A_1444 : i32 to vector<16xi32>
      %and3A_1446 = arith.andi %shift_right_arithmetic3A_1443, %and3A_1445 : vector<16xi32>
      %add3A_1447 = arith.addi %add3A_1440, %and3A_1446 : vector<16xi32>
      %and3A_1448 = arith.constant -65536 : i32
      %and3A_1449 = vector.broadcast %and3A_1448 : i32 to vector<16xi32>
      %and3A_1450 = arith.andi %add3A_1447, %and3A_1449 : vector<16xi32>
      %bitcast_convert_type3A_1451 = tpu.bitcast %and3A_1450 : vector<16xi32> -> vector<16xf32>
      %eq3A_1452 = arith.constant 6 : i32
      %eq3A_1453 = vector.broadcast %eq3A_1452 : i32 to vector<16xi32>
      %eq3A_1454 = arith.cmpi eq, %iota3A, %eq3A_1453 : vector<16xi32>
      %jit3A_1455 = arith.constant 0.000000e+00 : f32
      %broadcast_in_dim3A_1456 = vector.broadcast %jit3A_1455 : f32 to vector<16xf32>
      %select_n3A_1457 = arith.select %eq3A_1454, %get3A_351, %broadcast_in_dim3A_1456 : vector<16xi1>, vector<16xf32>
      %swap3A_1458 = arith.constant 0 : index
      %swap3A_1459 = tpu.vector_load %arg33[%swap3A_1458] {strides = array<i32>} : memref<16xf32, #tpu.memory_space<vmem>>, vector<16xf32>,
      tpu.vector_store %arg33[%swap3A_1458], %select_n3A_1457 {strides = array<i32>} : memref<16xf32, #tpu.memory_space<vmem>>, vector<16xf32>,
      %add3A_1460 = arith.constant 8 : i32
      %add3A_1461 = vector.broadcast %add3A_1460 : i32 to vector<16xi32>
      %add3A_1462 = arith.addi %iota3A, %add3A_1461 : vector<16xi32>
      %and3A_1463 = arith.constant 15 : i32
      %and3A_1464 = vector.broadcast %and3A_1463 : i32 to vector<16xi32>
      %and3A_1465 = arith.andi %add3A_1462, %and3A_1464 : vector<16xi32>
      %gather3A_1466 = tpu.vector_load_idx %arg33[%and3A_1465] : memref<16xf32, #tpu.memory_space<vmem>>[vector<16xi32>], vector<16xf32>,
      %add3A_1467 = arith.addf %select_n3A_1457, %gather3A_1466 : vector<16xf32>
      %swap3A_1468 = arith.constant 0 : index
      %swap3A_1469 = tpu.vector_load %arg33[%swap3A_1468] {strides = array<i32>} : memref<16xf32, #tpu.memory_space<vmem>>, vector<16xf32>,
      tpu.vector_store %arg33[%swap3A_1468], %add3A_1467 {strides = array<i32>} : memref<16xf32, #tpu.memory_space<vmem>>, vector<16xf32>,
      %add3A_1470 = arith.constant 4 : i32
      %add3A_1471 = vector.broadcast %add3A_1470 : i32 to vector<16xi32>
      %add3A_1472 = arith.addi %iota3A, %add3A_1471 : vector<16xi32>
      %and3A_1473 = arith.constant 15 : i32
      %and3A_1474 = vector.broadcast %and3A_1473 : i32 to vector<16xi32>
      %and3A_1475 = arith.andi %add3A_1472, %and3A_1474 : vector<16xi32>
      %gather3A_1476 = tpu.vector_load_idx %arg33[%and3A_1475] : memref<16xf32, #tpu.memory_space<vmem>>[vector<16xi32>], vector<16xf32>,
      %add3A_1477 = arith.addf %add3A_1467, %gather3A_1476 : vector<16xf32>
      %swap3A_1478 = arith.constant 0 : index
      %swap3A_1479 = tpu.vector_load %arg33[%swap3A_1478] {strides = array<i32>} : memref<16xf32, #tpu.memory_space<vmem>>, vector<16xf32>,
      tpu.vector_store %arg33[%swap3A_1478], %add3A_1477 {strides = array<i32>} : memref<16xf32, #tpu.memory_space<vmem>>, vector<16xf32>,
      %add3A_1480 = arith.constant 2 : i32
      %add3A_1481 = vector.broadcast %add3A_1480 : i32 to vector<16xi32>
      %add3A_1482 = arith.addi %iota3A, %add3A_1481 : vector<16xi32>
      %and3A_1483 = arith.constant 15 : i32
      %and3A_1484 = vector.broadcast %and3A_1483 : i32 to vector<16xi32>
      %and3A_1485 = arith.andi %add3A_1482, %and3A_1484 : vector<16xi32>
      %gather3A_1486 = tpu.vector_load_idx %arg33[%and3A_1485] : memref<16xf32, #tpu.memory_space<vmem>>[vector<16xi32>], vector<16xf32>,
      %add3A_1487 = arith.addf %add3A_1477, %gather3A_1486 : vector<16xf32>
      %swap3A_1488 = arith.constant 0 : index
      %swap3A_1489 = tpu.vector_load %arg33[%swap3A_1488] {strides = array<i32>} : memref<16xf32, #tpu.memory_space<vmem>>, vector<16xf32>,
      tpu.vector_store %arg33[%swap3A_1488], %add3A_1487 {strides = array<i32>} : memref<16xf32, #tpu.memory_space<vmem>>, vector<16xf32>,
      %add3A_1490 = arith.constant 1 : i32
      %add3A_1491 = vector.broadcast %add3A_1490 : i32 to vector<16xi32>
      %add3A_1492 = arith.addi %iota3A, %add3A_1491 : vector<16xi32>
      %and3A_1493 = arith.constant 15 : i32
      %and3A_1494 = vector.broadcast %and3A_1493 : i32 to vector<16xi32>
      %and3A_1495 = arith.andi %add3A_1492, %and3A_1494 : vector<16xi32>
      %gather3A_1496 = tpu.vector_load_idx %arg33[%and3A_1495] : memref<16xf32, #tpu.memory_space<vmem>>[vector<16xi32>], vector<16xf32>,
      %add3A_1497 = arith.addf %add3A_1487, %gather3A_1496 : vector<16xf32>
      %bitcast_convert_type3A_1498 = tpu.bitcast %add3A_1497 : vector<16xf32> -> vector<16xi32>
      %add3A_1499 = arith.constant 32767 : i32
      %add3A_1500 = vector.broadcast %add3A_1499 : i32 to vector<16xi32>
      %add3A_1501 = arith.addi %bitcast_convert_type3A_1498, %add3A_1500 : vector<16xi32>
      %shift_right_arithmetic3A_1502 = arith.constant 16 : i32
      %shift_right_arithmetic3A_1503 = vector.broadcast %shift_right_arithmetic3A_1502 : i32 to vector<16xi32>
      %shift_right_arithmetic3A_1504 = arith.shrsi %bitcast_convert_type3A_1498, %shift_right_arithmetic3A_1503 : vector<16xi32>
      %and3A_1505 = arith.constant 1 : i32
      %and3A_1506 = vector.broadcast %and3A_1505 : i32 to vector<16xi32>
      %and3A_1507 = arith.andi %shift_right_arithmetic3A_1504, %and3A_1506 : vector<16xi32>
      %add3A_1508 = arith.addi %add3A_1501, %and3A_1507 : vector<16xi32>
      %and3A_1509 = arith.constant -65536 : i32
      %and3A_1510 = vector.broadcast %and3A_1509 : i32 to vector<16xi32>
      %and3A_1511 = arith.andi %add3A_1508, %and3A_1510 : vector<16xi32>
      %bitcast_convert_type3A_1512 = tpu.bitcast %and3A_1511 : vector<16xi32> -> vector<16xf32>
      %eq3A_1513 = arith.constant 7 : i32
      %eq3A_1514 = vector.broadcast %eq3A_1513 : i32 to vector<16xi32>
      %eq3A_1515 = arith.cmpi eq, %iota3A, %eq3A_1514 : vector<16xi32>
      %jit3A_1516 = arith.constant 0.000000e+00 : f32
      %broadcast_in_dim3A_1517 = vector.broadcast %jit3A_1516 : f32 to vector<16xf32>
      %select_n3A_1518 = arith.select %eq3A_1515, %get3A_351, %broadcast_in_dim3A_1517 : vector<16xi1>, vector<16xf32>
      %swap3A_1519 = arith.constant 0 : index
      %swap3A_1520 = tpu.vector_load %arg33[%swap3A_1519] {strides = array<i32>} : memref<16xf32, #tpu.memory_space<vmem>>, vector<16xf32>,
      tpu.vector_store %arg33[%swap3A_1519], %select_n3A_1518 {strides = array<i32>} : memref<16xf32, #tpu.memory_space<vmem>>, vector<16xf32>,
      %add3A_1521 = arith.constant 8 : i32
      %add3A_1522 = vector.broadcast %add3A_1521 : i32 to vector<16xi32>
      %add3A_1523 = arith.addi %iota3A, %add3A_1522 : vector<16xi32>
      %and3A_1524 = arith.constant 15 : i32
      %and3A_1525 = vector.broadcast %and3A_1524 : i32 to vector<16xi32>
      %and3A_1526 = arith.andi %add3A_1523, %and3A_1525 : vector<16xi32>
      %gather3A_1527 = tpu.vector_load_idx %arg33[%and3A_1526] : memref<16xf32, #tpu.memory_space<vmem>>[vector<16xi32>], vector<16xf32>,
      %add3A_1528 = arith.addf %select_n3A_1518, %gather3A_1527 : vector<16xf32>
      %swap3A_1529 = arith.constant 0 : index
      %swap3A_1530 = tpu.vector_load %arg33[%swap3A_1529] {strides = array<i32>} : memref<16xf32, #tpu.memory_space<vmem>>, vector<16xf32>,
      tpu.vector_store %arg33[%swap3A_1529], %add3A_1528 {strides = array<i32>} : memref<16xf32, #tpu.memory_space<vmem>>, vector<16xf32>,
      %add3A_1531 = arith.constant 4 : i32
      %add3A_1532 = vector.broadcast %add3A_1531 : i32 to vector<16xi32>
      %add3A_1533 = arith.addi %iota3A, %add3A_1532 : vector<16xi32>
      %and3A_1534 = arith.constant 15 : i32
      %and3A_1535 = vector.broadcast %and3A_1534 : i32 to vector<16xi32>
      %and3A_1536 = arith.andi %add3A_1533, %and3A_1535 : vector<16xi32>
      %gather3A_1537 = tpu.vector_load_idx %arg33[%and3A_1536] : memref<16xf32, #tpu.memory_space<vmem>>[vector<16xi32>], vector<16xf32>,
      %add3A_1538 = arith.addf %add3A_1528, %gather3A_1537 : vector<16xf32>
      %swap3A_1539 = arith.constant 0 : index
      %swap3A_1540 = tpu.vector_load %arg33[%swap3A_1539] {strides = array<i32>} : memref<16xf32, #tpu.memory_space<vmem>>, vector<16xf32>,
      tpu.vector_store %arg33[%swap3A_1539], %add3A_1538 {strides = array<i32>} : memref<16xf32, #tpu.memory_space<vmem>>, vector<16xf32>,
      %add3A_1541 = arith.constant 2 : i32
      %add3A_1542 = vector.broadcast %add3A_1541 : i32 to vector<16xi32>
      %add3A_1543 = arith.addi %iota3A, %add3A_1542 : vector<16xi32>
      %and3A_1544 = arith.constant 15 : i32
      %and3A_1545 = vector.broadcast %and3A_1544 : i32 to vector<16xi32>
      %and3A_1546 = arith.andi %add3A_1543, %and3A_1545 : vector<16xi32>
      %gather3A_1547 = tpu.vector_load_idx %arg33[%and3A_1546] : memref<16xf32, #tpu.memory_space<vmem>>[vector<16xi32>], vector<16xf32>,
      %add3A_1548 = arith.addf %add3A_1538, %gather3A_1547 : vector<16xf32>
      %swap3A_1549 = arith.constant 0 : index
      %swap3A_1550 = tpu.vector_load %arg33[%swap3A_1549] {strides = array<i32>} : memref<16xf32, #tpu.memory_space<vmem>>, vector<16xf32>,
      tpu.vector_store %arg33[%swap3A_1549], %add3A_1548 {strides = array<i32>} : memref<16xf32, #tpu.memory_space<vmem>>, vector<16xf32>,
      %add3A_1551 = arith.constant 1 : i32
      %add3A_1552 = vector.broadcast %add3A_1551 : i32 to vector<16xi32>
      %add3A_1553 = arith.addi %iota3A, %add3A_1552 : vector<16xi32>
      %and3A_1554 = arith.constant 15 : i32
      %and3A_1555 = vector.broadcast %and3A_1554 : i32 to vector<16xi32>
      %and3A_1556 = arith.andi %add3A_1553, %and3A_1555 : vector<16xi32>
      %gather3A_1557 = tpu.vector_load_idx %arg33[%and3A_1556] : memref<16xf32, #tpu.memory_space<vmem>>[vector<16xi32>], vector<16xf32>,
      %add3A_1558 = arith.addf %add3A_1548, %gather3A_1557 : vector<16xf32>
      %bitcast_convert_type3A_1559 = tpu.bitcast %add3A_1558 : vector<16xf32> -> vector<16xi32>
      %add3A_1560 = arith.constant 32767 : i32
      %add3A_1561 = vector.broadcast %add3A_1560 : i32 to vector<16xi32>
      %add3A_1562 = arith.addi %bitcast_convert_type3A_1559, %add3A_1561 : vector<16xi32>
      %shift_right_arithmetic3A_1563 = arith.constant 16 : i32
      %shift_right_arithmetic3A_1564 = vector.broadcast %shift_right_arithmetic3A_1563 : i32 to vector<16xi32>
      %shift_right_arithmetic3A_1565 = arith.shrsi %bitcast_convert_type3A_1559, %shift_right_arithmetic3A_1564 : vector<16xi32>
      %and3A_1566 = arith.constant 1 : i32
      %and3A_1567 = vector.broadcast %and3A_1566 : i32 to vector<16xi32>
      %and3A_1568 = arith.andi %shift_right_arithmetic3A_1565, %and3A_1567 : vector<16xi32>
      %add3A_1569 = arith.addi %add3A_1562, %and3A_1568 : vector<16xi32>
      %and3A_1570 = arith.constant -65536 : i32
      %and3A_1571 = vector.broadcast %and3A_1570 : i32 to vector<16xi32>
      %and3A_1572 = arith.andi %add3A_1569, %and3A_1571 : vector<16xi32>
      %bitcast_convert_type3A_1573 = tpu.bitcast %and3A_1572 : vector<16xi32> -> vector<16xf32>
      %get3A_1574 = arith.constant 0 : index
      %get3A_1575 = tpu.vector_load %arg30[%get3A_1574] {strides = array<i32>} : memref<64xi32, #tpu.memory_space<vmem>>, vector<16xi32>,
      %gather3A_1576 = tpu.vector_load_idx %arg20[%get3A_1575] : memref<25088xf32, #tpu.memory_space<vmem>>[vector<16xi32>], vector<16xf32>,
      %mul3A_1577 = arith.mulf %gather3A_1576, %add3A_397 : vector<16xf32>
      %add3A_1578 = arith.addf %mul3A_1577, %add3A_765 : vector<16xf32>
      %bitcast_convert_type3A_1579 = tpu.bitcast %add3A_1578 : vector<16xf32> -> vector<16xi32>
      %add3A_1580 = arith.constant 32767 : i32
      %add3A_1581 = vector.broadcast %add3A_1580 : i32 to vector<16xi32>
      %add3A_1582 = arith.addi %bitcast_convert_type3A_1579, %add3A_1581 : vector<16xi32>
      %shift_right_arithmetic3A_1583 = arith.constant 16 : i32
      %shift_right_arithmetic3A_1584 = vector.broadcast %shift_right_arithmetic3A_1583 : i32 to vector<16xi32>
      %shift_right_arithmetic3A_1585 = arith.shrsi %bitcast_convert_type3A_1579, %shift_right_arithmetic3A_1584 : vector<16xi32>
      %and3A_1586 = arith.constant 1 : i32
      %and3A_1587 = vector.broadcast %and3A_1586 : i32 to vector<16xi32>
      %and3A_1588 = arith.andi %shift_right_arithmetic3A_1585, %and3A_1587 : vector<16xi32>
      %add3A_1589 = arith.addi %add3A_1582, %and3A_1588 : vector<16xi32>
      %and3A_1590 = arith.constant -65536 : i32
      %and3A_1591 = vector.broadcast %and3A_1590 : i32 to vector<16xi32>
      %and3A_1592 = arith.andi %add3A_1589, %and3A_1591 : vector<16xi32>
      %bitcast_convert_type3A_1593 = tpu.bitcast %and3A_1592 : vector<16xi32> -> vector<16xf32>
      %mul3A_1594 = arith.mulf %bitcast_convert_type3A_1593, %bitcast_convert_type3A_1146 : vector<16xf32>
      %add3A_1595 = arith.addf %add3A_345, %mul3A_1594 : vector<16xf32>
      %mul3A_1596 = arith.mulf %gather3A_1576, %add3A_443 : vector<16xf32>
      %add3A_1597 = arith.addf %mul3A_1596, %add3A_811 : vector<16xf32>
      %bitcast_convert_type3A_1598 = tpu.bitcast %add3A_1597 : vector<16xf32> -> vector<16xi32>
      %add3A_1599 = arith.constant 32767 : i32
      %add3A_1600 = vector.broadcast %add3A_1599 : i32 to vector<16xi32>
      %add3A_1601 = arith.addi %bitcast_convert_type3A_1598, %add3A_1600 : vector<16xi32>
      %shift_right_arithmetic3A_1602 = arith.constant 16 : i32
      %shift_right_arithmetic3A_1603 = vector.broadcast %shift_right_arithmetic3A_1602 : i32 to vector<16xi32>
      %shift_right_arithmetic3A_1604 = arith.shrsi %bitcast_convert_type3A_1598, %shift_right_arithmetic3A_1603 : vector<16xi32>
      %and3A_1605 = arith.constant 1 : i32
      %and3A_1606 = vector.broadcast %and3A_1605 : i32 to vector<16xi32>
      %and3A_1607 = arith.andi %shift_right_arithmetic3A_1604, %and3A_1606 : vector<16xi32>
      %add3A_1608 = arith.addi %add3A_1601, %and3A_1607 : vector<16xi32>
      %and3A_1609 = arith.constant -65536 : i32
      %and3A_1610 = vector.broadcast %and3A_1609 : i32 to vector<16xi32>
      %and3A_1611 = arith.andi %add3A_1608, %and3A_1610 : vector<16xi32>
      %bitcast_convert_type3A_1612 = tpu.bitcast %and3A_1611 : vector<16xi32> -> vector<16xf32>
      %mul3A_1613 = arith.mulf %bitcast_convert_type3A_1612, %bitcast_convert_type3A_1207 : vector<16xf32>
      %add3A_1614 = arith.addf %add3A_1595, %mul3A_1613 : vector<16xf32>
      %mul3A_1615 = arith.mulf %gather3A_1576, %add3A_489 : vector<16xf32>
      %add3A_1616 = arith.addf %mul3A_1615, %add3A_857 : vector<16xf32>
      %bitcast_convert_type3A_1617 = tpu.bitcast %add3A_1616 : vector<16xf32> -> vector<16xi32>
      %add3A_1618 = arith.constant 32767 : i32
      %add3A_1619 = vector.broadcast %add3A_1618 : i32 to vector<16xi32>
      %add3A_1620 = arith.addi %bitcast_convert_type3A_1617, %add3A_1619 : vector<16xi32>
      %shift_right_arithmetic3A_1621 = arith.constant 16 : i32
      %shift_right_arithmetic3A_1622 = vector.broadcast %shift_right_arithmetic3A_1621 : i32 to vector<16xi32>
      %shift_right_arithmetic3A_1623 = arith.shrsi %bitcast_convert_type3A_1617, %shift_right_arithmetic3A_1622 : vector<16xi32>
      %and3A_1624 = arith.constant 1 : i32
      %and3A_1625 = vector.broadcast %and3A_1624 : i32 to vector<16xi32>
      %and3A_1626 = arith.andi %shift_right_arithmetic3A_1623, %and3A_1625 : vector<16xi32>
      %add3A_1627 = arith.addi %add3A_1620, %and3A_1626 : vector<16xi32>
      %and3A_1628 = arith.constant -65536 : i32
      %and3A_1629 = vector.broadcast %and3A_1628 : i32 to vector<16xi32>
      %and3A_1630 = arith.andi %add3A_1627, %and3A_1629 : vector<16xi32>
      %bitcast_convert_type3A_1631 = tpu.bitcast %and3A_1630 : vector<16xi32> -> vector<16xf32>
      %mul3A_1632 = arith.mulf %bitcast_convert_type3A_1631, %bitcast_convert_type3A_1268 : vector<16xf32>
      %add3A_1633 = arith.addf %add3A_1614, %mul3A_1632 : vector<16xf32>
      %mul3A_1634 = arith.mulf %gather3A_1576, %add3A_535 : vector<16xf32>
      %add3A_1635 = arith.addf %mul3A_1634, %add3A_903 : vector<16xf32>
      %bitcast_convert_type3A_1636 = tpu.bitcast %add3A_1635 : vector<16xf32> -> vector<16xi32>
      %add3A_1637 = arith.constant 32767 : i32
      %add3A_1638 = vector.broadcast %add3A_1637 : i32 to vector<16xi32>
      %add3A_1639 = arith.addi %bitcast_convert_type3A_1636, %add3A_1638 : vector<16xi32>
      %shift_right_arithmetic3A_1640 = arith.constant 16 : i32
      %shift_right_arithmetic3A_1641 = vector.broadcast %shift_right_arithmetic3A_1640 : i32 to vector<16xi32>
      %shift_right_arithmetic3A_1642 = arith.shrsi %bitcast_convert_type3A_1636, %shift_right_arithmetic3A_1641 : vector<16xi32>
      %and3A_1643 = arith.constant 1 : i32
      %and3A_1644 = vector.broadcast %and3A_1643 : i32 to vector<16xi32>
      %and3A_1645 = arith.andi %shift_right_arithmetic3A_1642, %and3A_1644 : vector<16xi32>
      %add3A_1646 = arith.addi %add3A_1639, %and3A_1645 : vector<16xi32>
      %and3A_1647 = arith.constant -65536 : i32
      %and3A_1648 = vector.broadcast %and3A_1647 : i32 to vector<16xi32>
      %and3A_1649 = arith.andi %add3A_1646, %and3A_1648 : vector<16xi32>
      %bitcast_convert_type3A_1650 = tpu.bitcast %and3A_1649 : vector<16xi32> -> vector<16xf32>
      %mul3A_1651 = arith.mulf %bitcast_convert_type3A_1650, %bitcast_convert_type3A_1329 : vector<16xf32>
      %add3A_1652 = arith.addf %add3A_1633, %mul3A_1651 : vector<16xf32>
      %mul3A_1653 = arith.mulf %gather3A_1576, %add3A_581 : vector<16xf32>
      %add3A_1654 = arith.addf %mul3A_1653, %add3A_949 : vector<16xf32>
      %bitcast_convert_type3A_1655 = tpu.bitcast %add3A_1654 : vector<16xf32> -> vector<16xi32>
      %add3A_1656 = arith.constant 32767 : i32
      %add3A_1657 = vector.broadcast %add3A_1656 : i32 to vector<16xi32>
      %add3A_1658 = arith.addi %bitcast_convert_type3A_1655, %add3A_1657 : vector<16xi32>
      %shift_right_arithmetic3A_1659 = arith.constant 16 : i32
      %shift_right_arithmetic3A_1660 = vector.broadcast %shift_right_arithmetic3A_1659 : i32 to vector<16xi32>
      %shift_right_arithmetic3A_1661 = arith.shrsi %bitcast_convert_type3A_1655, %shift_right_arithmetic3A_1660 : vector<16xi32>
      %and3A_1662 = arith.constant 1 : i32
      %and3A_1663 = vector.broadcast %and3A_1662 : i32 to vector<16xi32>
      %and3A_1664 = arith.andi %shift_right_arithmetic3A_1661, %and3A_1663 : vector<16xi32>
      %add3A_1665 = arith.addi %add3A_1658, %and3A_1664 : vector<16xi32>
      %and3A_1666 = arith.constant -65536 : i32
      %and3A_1667 = vector.broadcast %and3A_1666 : i32 to vector<16xi32>
      %and3A_1668 = arith.andi %add3A_1665, %and3A_1667 : vector<16xi32>
      %bitcast_convert_type3A_1669 = tpu.bitcast %and3A_1668 : vector<16xi32> -> vector<16xf32>
      %mul3A_1670 = arith.mulf %bitcast_convert_type3A_1669, %bitcast_convert_type3A_1390 : vector<16xf32>
      %add3A_1671 = arith.addf %add3A_1652, %mul3A_1670 : vector<16xf32>
      %mul3A_1672 = arith.mulf %gather3A_1576, %add3A_627 : vector<16xf32>
      %add3A_1673 = arith.addf %mul3A_1672, %add3A_995 : vector<16xf32>
      %bitcast_convert_type3A_1674 = tpu.bitcast %add3A_1673 : vector<16xf32> -> vector<16xi32>
      %add3A_1675 = arith.constant 32767 : i32
      %add3A_1676 = vector.broadcast %add3A_1675 : i32 to vector<16xi32>
      %add3A_1677 = arith.addi %bitcast_convert_type3A_1674, %add3A_1676 : vector<16xi32>
      %shift_right_arithmetic3A_1678 = arith.constant 16 : i32
      %shift_right_arithmetic3A_1679 = vector.broadcast %shift_right_arithmetic3A_1678 : i32 to vector<16xi32>
      %shift_right_arithmetic3A_1680 = arith.shrsi %bitcast_convert_type3A_1674, %shift_right_arithmetic3A_1679 : vector<16xi32>
      %and3A_1681 = arith.constant 1 : i32
      %and3A_1682 = vector.broadcast %and3A_1681 : i32 to vector<16xi32>
      %and3A_1683 = arith.andi %shift_right_arithmetic3A_1680, %and3A_1682 : vector<16xi32>
      %add3A_1684 = arith.addi %add3A_1677, %and3A_1683 : vector<16xi32>
      %and3A_1685 = arith.constant -65536 : i32
      %and3A_1686 = vector.broadcast %and3A_1685 : i32 to vector<16xi32>
      %and3A_1687 = arith.andi %add3A_1684, %and3A_1686 : vector<16xi32>
      %bitcast_convert_type3A_1688 = tpu.bitcast %and3A_1687 : vector<16xi32> -> vector<16xf32>
      %mul3A_1689 = arith.mulf %bitcast_convert_type3A_1688, %bitcast_convert_type3A_1451 : vector<16xf32>
      %add3A_1690 = arith.addf %add3A_1671, %mul3A_1689 : vector<16xf32>
      %mul3A_1691 = arith.mulf %gather3A_1576, %add3A_673 : vector<16xf32>
      %add3A_1692 = arith.addf %mul3A_1691, %add3A_1041 : vector<16xf32>
      %bitcast_convert_type3A_1693 = tpu.bitcast %add3A_1692 : vector<16xf32> -> vector<16xi32>
      %add3A_1694 = arith.constant 32767 : i32
      %add3A_1695 = vector.broadcast %add3A_1694 : i32 to vector<16xi32>
      %add3A_1696 = arith.addi %bitcast_convert_type3A_1693, %add3A_1695 : vector<16xi32>
      %shift_right_arithmetic3A_1697 = arith.constant 16 : i32
      %shift_right_arithmetic3A_1698 = vector.broadcast %shift_right_arithmetic3A_1697 : i32 to vector<16xi32>
      %shift_right_arithmetic3A_1699 = arith.shrsi %bitcast_convert_type3A_1693, %shift_right_arithmetic3A_1698 : vector<16xi32>
      %and3A_1700 = arith.constant 1 : i32
      %and3A_1701 = vector.broadcast %and3A_1700 : i32 to vector<16xi32>
      %and3A_1702 = arith.andi %shift_right_arithmetic3A_1699, %and3A_1701 : vector<16xi32>
      %add3A_1703 = arith.addi %add3A_1696, %and3A_1702 : vector<16xi32>
      %and3A_1704 = arith.constant -65536 : i32
      %and3A_1705 = vector.broadcast %and3A_1704 : i32 to vector<16xi32>
      %and3A_1706 = arith.andi %add3A_1703, %and3A_1705 : vector<16xi32>
      %bitcast_convert_type3A_1707 = tpu.bitcast %and3A_1706 : vector<16xi32> -> vector<16xf32>
      %mul3A_1708 = arith.mulf %bitcast_convert_type3A_1707, %bitcast_convert_type3A_1512 : vector<16xf32>
      %add3A_1709 = arith.addf %add3A_1690, %mul3A_1708 : vector<16xf32>
      %mul3A_1710 = arith.mulf %gather3A_1576, %add3A_719 : vector<16xf32>
      %add3A_1711 = arith.addf %mul3A_1710, %add3A_1087 : vector<16xf32>
      %bitcast_convert_type3A_1712 = tpu.bitcast %add3A_1711 : vector<16xf32> -> vector<16xi32>
      %add3A_1713 = arith.constant 32767 : i32
      %add3A_1714 = vector.broadcast %add3A_1713 : i32 to vector<16xi32>
      %add3A_1715 = arith.addi %bitcast_convert_type3A_1712, %add3A_1714 : vector<16xi32>
      %shift_right_arithmetic3A_1716 = arith.constant 16 : i32
      %shift_right_arithmetic3A_1717 = vector.broadcast %shift_right_arithmetic3A_1716 : i32 to vector<16xi32>
      %shift_right_arithmetic3A_1718 = arith.shrsi %bitcast_convert_type3A_1712, %shift_right_arithmetic3A_1717 : vector<16xi32>
      %and3A_1719 = arith.constant 1 : i32
      %and3A_1720 = vector.broadcast %and3A_1719 : i32 to vector<16xi32>
      %and3A_1721 = arith.andi %shift_right_arithmetic3A_1718, %and3A_1720 : vector<16xi32>
      %add3A_1722 = arith.addi %add3A_1715, %and3A_1721 : vector<16xi32>
      %and3A_1723 = arith.constant -65536 : i32
      %and3A_1724 = vector.broadcast %and3A_1723 : i32 to vector<16xi32>
      %and3A_1725 = arith.andi %add3A_1722, %and3A_1724 : vector<16xi32>
      %bitcast_convert_type3A_1726 = tpu.bitcast %and3A_1725 : vector<16xi32> -> vector<16xf32>
      %mul3A_1727 = arith.mulf %bitcast_convert_type3A_1726, %bitcast_convert_type3A_1573 : vector<16xf32>
      %add3A_1728 = arith.addf %add3A_1709, %mul3A_1727 : vector<16xf32>
      %swap3A_1729 = arith.constant 0 : index
      %swap3A_1730 = tpu.vector_load %arg31[%swap3A_1729] {strides = array<i32>} : memref<80xf32, #tpu.memory_space<vmem>>, vector<16xf32>,
      tpu.vector_store %arg31[%swap3A_1729], %add3A_1728 {strides = array<i32>} : memref<80xf32, #tpu.memory_space<vmem>>, vector<16xf32>,
      %get3A_1731 = arith.constant 16 : index
      %get3A_1732 = tpu.vector_load %arg30[%get3A_1731] {strides = array<i32>} : memref<64xi32, #tpu.memory_space<vmem>>, vector<16xi32>,
      %gather3A_1733 = tpu.vector_load_idx %arg20[%get3A_1732] : memref<25088xf32, #tpu.memory_space<vmem>>[vector<16xi32>], vector<16xf32>,
      %mul3A_1734 = arith.mulf %gather3A_1733, %add3A_397 : vector<16xf32>
      %add3A_1735 = arith.addf %mul3A_1734, %add3A_765 : vector<16xf32>
      %bitcast_convert_type3A_1736 = tpu.bitcast %add3A_1735 : vector<16xf32> -> vector<16xi32>
      %add3A_1737 = arith.constant 32767 : i32
      %add3A_1738 = vector.broadcast %add3A_1737 : i32 to vector<16xi32>
      %add3A_1739 = arith.addi %bitcast_convert_type3A_1736, %add3A_1738 : vector<16xi32>
      %shift_right_arithmetic3A_1740 = arith.constant 16 : i32
      %shift_right_arithmetic3A_1741 = vector.broadcast %shift_right_arithmetic3A_1740 : i32 to vector<16xi32>
      %shift_right_arithmetic3A_1742 = arith.shrsi %bitcast_convert_type3A_1736, %shift_right_arithmetic3A_1741 : vector<16xi32>
      %and3A_1743 = arith.constant 1 : i32
      %and3A_1744 = vector.broadcast %and3A_1743 : i32 to vector<16xi32>
      %and3A_1745 = arith.andi %shift_right_arithmetic3A_1742, %and3A_1744 : vector<16xi32>
      %add3A_1746 = arith.addi %add3A_1739, %and3A_1745 : vector<16xi32>
      %and3A_1747 = arith.constant -65536 : i32
      %and3A_1748 = vector.broadcast %and3A_1747 : i32 to vector<16xi32>
      %and3A_1749 = arith.andi %add3A_1746, %and3A_1748 : vector<16xi32>
      %bitcast_convert_type3A_1750 = tpu.bitcast %and3A_1749 : vector<16xi32> -> vector<16xf32>
      %mul3A_1751 = arith.mulf %bitcast_convert_type3A_1750, %bitcast_convert_type3A_1146 : vector<16xf32>
      %add3A_1752 = arith.addf %add3A_345, %mul3A_1751 : vector<16xf32>
      %mul3A_1753 = arith.mulf %gather3A_1733, %add3A_443 : vector<16xf32>
      %add3A_1754 = arith.addf %mul3A_1753, %add3A_811 : vector<16xf32>
      %bitcast_convert_type3A_1755 = tpu.bitcast %add3A_1754 : vector<16xf32> -> vector<16xi32>
      %add3A_1756 = arith.constant 32767 : i32
      %add3A_1757 = vector.broadcast %add3A_1756 : i32 to vector<16xi32>
      %add3A_1758 = arith.addi %bitcast_convert_type3A_1755, %add3A_1757 : vector<16xi32>
      %shift_right_arithmetic3A_1759 = arith.constant 16 : i32
      %shift_right_arithmetic3A_1760 = vector.broadcast %shift_right_arithmetic3A_1759 : i32 to vector<16xi32>
      %shift_right_arithmetic3A_1761 = arith.shrsi %bitcast_convert_type3A_1755, %shift_right_arithmetic3A_1760 : vector<16xi32>
      %and3A_1762 = arith.constant 1 : i32
      %and3A_1763 = vector.broadcast %and3A_1762 : i32 to vector<16xi32>
      %and3A_1764 = arith.andi %shift_right_arithmetic3A_1761, %and3A_1763 : vector<16xi32>
      %add3A_1765 = arith.addi %add3A_1758, %and3A_1764 : vector<16xi32>
      %and3A_1766 = arith.constant -65536 : i32
      %and3A_1767 = vector.broadcast %and3A_1766 : i32 to vector<16xi32>
      %and3A_1768 = arith.andi %add3A_1765, %and3A_1767 : vector<16xi32>
      %bitcast_convert_type3A_1769 = tpu.bitcast %and3A_1768 : vector<16xi32> -> vector<16xf32>
      %mul3A_1770 = arith.mulf %bitcast_convert_type3A_1769, %bitcast_convert_type3A_1207 : vector<16xf32>
      %add3A_1771 = arith.addf %add3A_1752, %mul3A_1770 : vector<16xf32>
      %mul3A_1772 = arith.mulf %gather3A_1733, %add3A_489 : vector<16xf32>
      %add3A_1773 = arith.addf %mul3A_1772, %add3A_857 : vector<16xf32>
      %bitcast_convert_type3A_1774 = tpu.bitcast %add3A_1773 : vector<16xf32> -> vector<16xi32>
      %add3A_1775 = arith.constant 32767 : i32
      %add3A_1776 = vector.broadcast %add3A_1775 : i32 to vector<16xi32>
      %add3A_1777 = arith.addi %bitcast_convert_type3A_1774, %add3A_1776 : vector<16xi32>
      %shift_right_arithmetic3A_1778 = arith.constant 16 : i32
      %shift_right_arithmetic3A_1779 = vector.broadcast %shift_right_arithmetic3A_1778 : i32 to vector<16xi32>
      %shift_right_arithmetic3A_1780 = arith.shrsi %bitcast_convert_type3A_1774, %shift_right_arithmetic3A_1779 : vector<16xi32>
      %and3A_1781 = arith.constant 1 : i32
      %and3A_1782 = vector.broadcast %and3A_1781 : i32 to vector<16xi32>
      %and3A_1783 = arith.andi %shift_right_arithmetic3A_1780, %and3A_1782 : vector<16xi32>
      %add3A_1784 = arith.addi %add3A_1777, %and3A_1783 : vector<16xi32>
      %and3A_1785 = arith.constant -65536 : i32
      %and3A_1786 = vector.broadcast %and3A_1785 : i32 to vector<16xi32>
      %and3A_1787 = arith.andi %add3A_1784, %and3A_1786 : vector<16xi32>
      %bitcast_convert_type3A_1788 = tpu.bitcast %and3A_1787 : vector<16xi32> -> vector<16xf32>
      %mul3A_1789 = arith.mulf %bitcast_convert_type3A_1788, %bitcast_convert_type3A_1268 : vector<16xf32>
      %add3A_1790 = arith.addf %add3A_1771, %mul3A_1789 : vector<16xf32>
      %mul3A_1791 = arith.mulf %gather3A_1733, %add3A_535 : vector<16xf32>
      %add3A_1792 = arith.addf %mul3A_1791, %add3A_903 : vector<16xf32>
      %bitcast_convert_type3A_1793 = tpu.bitcast %add3A_1792 : vector<16xf32> -> vector<16xi32>
      %add3A_1794 = arith.constant 32767 : i32
      %add3A_1795 = vector.broadcast %add3A_1794 : i32 to vector<16xi32>
      %add3A_1796 = arith.addi %bitcast_convert_type3A_1793, %add3A_1795 : vector<16xi32>
      %shift_right_arithmetic3A_1797 = arith.constant 16 : i32
      %shift_right_arithmetic3A_1798 = vector.broadcast %shift_right_arithmetic3A_1797 : i32 to vector<16xi32>
      %shift_right_arithmetic3A_1799 = arith.shrsi %bitcast_convert_type3A_1793, %shift_right_arithmetic3A_1798 : vector<16xi32>
      %and3A_1800 = arith.constant 1 : i32
      %and3A_1801 = vector.broadcast %and3A_1800 : i32 to vector<16xi32>
      %and3A_1802 = arith.andi %shift_right_arithmetic3A_1799, %and3A_1801 : vector<16xi32>
      %add3A_1803 = arith.addi %add3A_1796, %and3A_1802 : vector<16xi32>
      %and3A_1804 = arith.constant -65536 : i32
      %and3A_1805 = vector.broadcast %and3A_1804 : i32 to vector<16xi32>
      %and3A_1806 = arith.andi %add3A_1803, %and3A_1805 : vector<16xi32>
      %bitcast_convert_type3A_1807 = tpu.bitcast %and3A_1806 : vector<16xi32> -> vector<16xf32>
      %mul3A_1808 = arith.mulf %bitcast_convert_type3A_1807, %bitcast_convert_type3A_1329 : vector<16xf32>
      %add3A_1809 = arith.addf %add3A_1790, %mul3A_1808 : vector<16xf32>
      %mul3A_1810 = arith.mulf %gather3A_1733, %add3A_581 : vector<16xf32>
      %add3A_1811 = arith.addf %mul3A_1810, %add3A_949 : vector<16xf32>
      %bitcast_convert_type3A_1812 = tpu.bitcast %add3A_1811 : vector<16xf32> -> vector<16xi32>
      %add3A_1813 = arith.constant 32767 : i32
      %add3A_1814 = vector.broadcast %add3A_1813 : i32 to vector<16xi32>
      %add3A_1815 = arith.addi %bitcast_convert_type3A_1812, %add3A_1814 : vector<16xi32>
      %shift_right_arithmetic3A_1816 = arith.constant 16 : i32
      %shift_right_arithmetic3A_1817 = vector.broadcast %shift_right_arithmetic3A_1816 : i32 to vector<16xi32>
      %shift_right_arithmetic3A_1818 = arith.shrsi %bitcast_convert_type3A_1812, %shift_right_arithmetic3A_1817 : vector<16xi32>
      %and3A_1819 = arith.constant 1 : i32
      %and3A_1820 = vector.broadcast %and3A_1819 : i32 to vector<16xi32>
      %and3A_1821 = arith.andi %shift_right_arithmetic3A_1818, %and3A_1820 : vector<16xi32>
      %add3A_1822 = arith.addi %add3A_1815, %and3A_1821 : vector<16xi32>
      %and3A_1823 = arith.constant -65536 : i32
      %and3A_1824 = vector.broadcast %and3A_1823 : i32 to vector<16xi32>
      %and3A_1825 = arith.andi %add3A_1822, %and3A_1824 : vector<16xi32>
      %bitcast_convert_type3A_1826 = tpu.bitcast %and3A_1825 : vector<16xi32> -> vector<16xf32>
      %mul3A_1827 = arith.mulf %bitcast_convert_type3A_1826, %bitcast_convert_type3A_1390 : vector<16xf32>
      %add3A_1828 = arith.addf %add3A_1809, %mul3A_1827 : vector<16xf32>
      %mul3A_1829 = arith.mulf %gather3A_1733, %add3A_627 : vector<16xf32>
      %add3A_1830 = arith.addf %mul3A_1829, %add3A_995 : vector<16xf32>
      %bitcast_convert_type3A_1831 = tpu.bitcast %add3A_1830 : vector<16xf32> -> vector<16xi32>
      %add3A_1832 = arith.constant 32767 : i32
      %add3A_1833 = vector.broadcast %add3A_1832 : i32 to vector<16xi32>
      %add3A_1834 = arith.addi %bitcast_convert_type3A_1831, %add3A_1833 : vector<16xi32>
      %shift_right_arithmetic3A_1835 = arith.constant 16 : i32
      %shift_right_arithmetic3A_1836 = vector.broadcast %shift_right_arithmetic3A_1835 : i32 to vector<16xi32>
      %shift_right_arithmetic3A_1837 = arith.shrsi %bitcast_convert_type3A_1831, %shift_right_arithmetic3A_1836 : vector<16xi32>
      %and3A_1838 = arith.constant 1 : i32
      %and3A_1839 = vector.broadcast %and3A_1838 : i32 to vector<16xi32>
      %and3A_1840 = arith.andi %shift_right_arithmetic3A_1837, %and3A_1839 : vector<16xi32>
      %add3A_1841 = arith.addi %add3A_1834, %and3A_1840 : vector<16xi32>
      %and3A_1842 = arith.constant -65536 : i32
      %and3A_1843 = vector.broadcast %and3A_1842 : i32 to vector<16xi32>
      %and3A_1844 = arith.andi %add3A_1841, %and3A_1843 : vector<16xi32>
      %bitcast_convert_type3A_1845 = tpu.bitcast %and3A_1844 : vector<16xi32> -> vector<16xf32>
      %mul3A_1846 = arith.mulf %bitcast_convert_type3A_1845, %bitcast_convert_type3A_1451 : vector<16xf32>
      %add3A_1847 = arith.addf %add3A_1828, %mul3A_1846 : vector<16xf32>
      %mul3A_1848 = arith.mulf %gather3A_1733, %add3A_673 : vector<16xf32>
      %add3A_1849 = arith.addf %mul3A_1848, %add3A_1041 : vector<16xf32>
      %bitcast_convert_type3A_1850 = tpu.bitcast %add3A_1849 : vector<16xf32> -> vector<16xi32>
      %add3A_1851 = arith.constant 32767 : i32
      %add3A_1852 = vector.broadcast %add3A_1851 : i32 to vector<16xi32>
      %add3A_1853 = arith.addi %bitcast_convert_type3A_1850, %add3A_1852 : vector<16xi32>
      %shift_right_arithmetic3A_1854 = arith.constant 16 : i32
      %shift_right_arithmetic3A_1855 = vector.broadcast %shift_right_arithmetic3A_1854 : i32 to vector<16xi32>
      %shift_right_arithmetic3A_1856 = arith.shrsi %bitcast_convert_type3A_1850, %shift_right_arithmetic3A_1855 : vector<16xi32>
      %and3A_1857 = arith.constant 1 : i32
      %and3A_1858 = vector.broadcast %and3A_1857 : i32 to vector<16xi32>
      %and3A_1859 = arith.andi %shift_right_arithmetic3A_1856, %and3A_1858 : vector<16xi32>
      %add3A_1860 = arith.addi %add3A_1853, %and3A_1859 : vector<16xi32>
      %and3A_1861 = arith.constant -65536 : i32
      %and3A_1862 = vector.broadcast %and3A_1861 : i32 to vector<16xi32>
      %and3A_1863 = arith.andi %add3A_1860, %and3A_1862 : vector<16xi32>
      %bitcast_convert_type3A_1864 = tpu.bitcast %and3A_1863 : vector<16xi32> -> vector<16xf32>
      %mul3A_1865 = arith.mulf %bitcast_convert_type3A_1864, %bitcast_convert_type3A_1512 : vector<16xf32>
      %add3A_1866 = arith.addf %add3A_1847, %mul3A_1865 : vector<16xf32>
      %mul3A_1867 = arith.mulf %gather3A_1733, %add3A_719 : vector<16xf32>
      %add3A_1868 = arith.addf %mul3A_1867, %add3A_1087 : vector<16xf32>
      %bitcast_convert_type3A_1869 = tpu.bitcast %add3A_1868 : vector<16xf32> -> vector<16xi32>
      %add3A_1870 = arith.constant 32767 : i32
      %add3A_1871 = vector.broadcast %add3A_1870 : i32 to vector<16xi32>
      %add3A_1872 = arith.addi %bitcast_convert_type3A_1869, %add3A_1871 : vector<16xi32>
      %shift_right_arithmetic3A_1873 = arith.constant 16 : i32
      %shift_right_arithmetic3A_1874 = vector.broadcast %shift_right_arithmetic3A_1873 : i32 to vector<16xi32>
      %shift_right_arithmetic3A_1875 = arith.shrsi %bitcast_convert_type3A_1869, %shift_right_arithmetic3A_1874 : vector<16xi32>
      %and3A_1876 = arith.constant 1 : i32
      %and3A_1877 = vector.broadcast %and3A_1876 : i32 to vector<16xi32>
      %and3A_1878 = arith.andi %shift_right_arithmetic3A_1875, %and3A_1877 : vector<16xi32>
      %add3A_1879 = arith.addi %add3A_1872, %and3A_1878 : vector<16xi32>
      %and3A_1880 = arith.constant -65536 : i32
      %and3A_1881 = vector.broadcast %and3A_1880 : i32 to vector<16xi32>
      %and3A_1882 = arith.andi %add3A_1879, %and3A_1881 : vector<16xi32>
      %bitcast_convert_type3A_1883 = tpu.bitcast %and3A_1882 : vector<16xi32> -> vector<16xf32>
      %mul3A_1884 = arith.mulf %bitcast_convert_type3A_1883, %bitcast_convert_type3A_1573 : vector<16xf32>
      %add3A_1885 = arith.addf %add3A_1866, %mul3A_1884 : vector<16xf32>
      %swap3A_1886 = arith.constant 16 : index
      %swap3A_1887 = tpu.vector_load %arg31[%swap3A_1886] {strides = array<i32>} : memref<80xf32, #tpu.memory_space<vmem>>, vector<16xf32>,
      tpu.vector_store %arg31[%swap3A_1886], %add3A_1885 {strides = array<i32>} : memref<80xf32, #tpu.memory_space<vmem>>, vector<16xf32>,
      %get3A_1888 = arith.constant 32 : index
      %get3A_1889 = tpu.vector_load %arg30[%get3A_1888] {strides = array<i32>} : memref<64xi32, #tpu.memory_space<vmem>>, vector<16xi32>,
      %gather3A_1890 = tpu.vector_load_idx %arg20[%get3A_1889] : memref<25088xf32, #tpu.memory_space<vmem>>[vector<16xi32>], vector<16xf32>,
      %mul3A_1891 = arith.mulf %gather3A_1890, %add3A_397 : vector<16xf32>
      %add3A_1892 = arith.addf %mul3A_1891, %add3A_765 : vector<16xf32>
      %bitcast_convert_type3A_1893 = tpu.bitcast %add3A_1892 : vector<16xf32> -> vector<16xi32>
      %add3A_1894 = arith.constant 32767 : i32
      %add3A_1895 = vector.broadcast %add3A_1894 : i32 to vector<16xi32>
      %add3A_1896 = arith.addi %bitcast_convert_type3A_1893, %add3A_1895 : vector<16xi32>
      %shift_right_arithmetic3A_1897 = arith.constant 16 : i32
      %shift_right_arithmetic3A_1898 = vector.broadcast %shift_right_arithmetic3A_1897 : i32 to vector<16xi32>
      %shift_right_arithmetic3A_1899 = arith.shrsi %bitcast_convert_type3A_1893, %shift_right_arithmetic3A_1898 : vector<16xi32>
      %and3A_1900 = arith.constant 1 : i32
      %and3A_1901 = vector.broadcast %and3A_1900 : i32 to vector<16xi32>
      %and3A_1902 = arith.andi %shift_right_arithmetic3A_1899, %and3A_1901 : vector<16xi32>
      %add3A_1903 = arith.addi %add3A_1896, %and3A_1902 : vector<16xi32>
      %and3A_1904 = arith.constant -65536 : i32
      %and3A_1905 = vector.broadcast %and3A_1904 : i32 to vector<16xi32>
      %and3A_1906 = arith.andi %add3A_1903, %and3A_1905 : vector<16xi32>
      %bitcast_convert_type3A_1907 = tpu.bitcast %and3A_1906 : vector<16xi32> -> vector<16xf32>
      %mul3A_1908 = arith.mulf %bitcast_convert_type3A_1907, %bitcast_convert_type3A_1146 : vector<16xf32>
      %add3A_1909 = arith.addf %add3A_345, %mul3A_1908 : vector<16xf32>
      %mul3A_1910 = arith.mulf %gather3A_1890, %add3A_443 : vector<16xf32>
      %add3A_1911 = arith.addf %mul3A_1910, %add3A_811 : vector<16xf32>
      %bitcast_convert_type3A_1912 = tpu.bitcast %add3A_1911 : vector<16xf32> -> vector<16xi32>
      %add3A_1913 = arith.constant 32767 : i32
      %add3A_1914 = vector.broadcast %add3A_1913 : i32 to vector<16xi32>
      %add3A_1915 = arith.addi %bitcast_convert_type3A_1912, %add3A_1914 : vector<16xi32>
      %shift_right_arithmetic3A_1916 = arith.constant 16 : i32
      %shift_right_arithmetic3A_1917 = vector.broadcast %shift_right_arithmetic3A_1916 : i32 to vector<16xi32>
      %shift_right_arithmetic3A_1918 = arith.shrsi %bitcast_convert_type3A_1912, %shift_right_arithmetic3A_1917 : vector<16xi32>
      %and3A_1919 = arith.constant 1 : i32
      %and3A_1920 = vector.broadcast %and3A_1919 : i32 to vector<16xi32>
      %and3A_1921 = arith.andi %shift_right_arithmetic3A_1918, %and3A_1920 : vector<16xi32>
      %add3A_1922 = arith.addi %add3A_1915, %and3A_1921 : vector<16xi32>
      %and3A_1923 = arith.constant -65536 : i32
      %and3A_1924 = vector.broadcast %and3A_1923 : i32 to vector<16xi32>
      %and3A_1925 = arith.andi %add3A_1922, %and3A_1924 : vector<16xi32>
      %bitcast_convert_type3A_1926 = tpu.bitcast %and3A_1925 : vector<16xi32> -> vector<16xf32>
      %mul3A_1927 = arith.mulf %bitcast_convert_type3A_1926, %bitcast_convert_type3A_1207 : vector<16xf32>
      %add3A_1928 = arith.addf %add3A_1909, %mul3A_1927 : vector<16xf32>
      %mul3A_1929 = arith.mulf %gather3A_1890, %add3A_489 : vector<16xf32>
      %add3A_1930 = arith.addf %mul3A_1929, %add3A_857 : vector<16xf32>
      %bitcast_convert_type3A_1931 = tpu.bitcast %add3A_1930 : vector<16xf32> -> vector<16xi32>
      %add3A_1932 = arith.constant 32767 : i32
      %add3A_1933 = vector.broadcast %add3A_1932 : i32 to vector<16xi32>
      %add3A_1934 = arith.addi %bitcast_convert_type3A_1931, %add3A_1933 : vector<16xi32>
      %shift_right_arithmetic3A_1935 = arith.constant 16 : i32
      %shift_right_arithmetic3A_1936 = vector.broadcast %shift_right_arithmetic3A_1935 : i32 to vector<16xi32>
      %shift_right_arithmetic3A_1937 = arith.shrsi %bitcast_convert_type3A_1931, %shift_right_arithmetic3A_1936 : vector<16xi32>
      %and3A_1938 = arith.constant 1 : i32
      %and3A_1939 = vector.broadcast %and3A_1938 : i32 to vector<16xi32>
      %and3A_1940 = arith.andi %shift_right_arithmetic3A_1937, %and3A_1939 : vector<16xi32>
      %add3A_1941 = arith.addi %add3A_1934, %and3A_1940 : vector<16xi32>
      %and3A_1942 = arith.constant -65536 : i32
      %and3A_1943 = vector.broadcast %and3A_1942 : i32 to vector<16xi32>
      %and3A_1944 = arith.andi %add3A_1941, %and3A_1943 : vector<16xi32>
      %bitcast_convert_type3A_1945 = tpu.bitcast %and3A_1944 : vector<16xi32> -> vector<16xf32>
      %mul3A_1946 = arith.mulf %bitcast_convert_type3A_1945, %bitcast_convert_type3A_1268 : vector<16xf32>
      %add3A_1947 = arith.addf %add3A_1928, %mul3A_1946 : vector<16xf32>
      %mul3A_1948 = arith.mulf %gather3A_1890, %add3A_535 : vector<16xf32>
      %add3A_1949 = arith.addf %mul3A_1948, %add3A_903 : vector<16xf32>
      %bitcast_convert_type3A_1950 = tpu.bitcast %add3A_1949 : vector<16xf32> -> vector<16xi32>
      %add3A_1951 = arith.constant 32767 : i32
      %add3A_1952 = vector.broadcast %add3A_1951 : i32 to vector<16xi32>
      %add3A_1953 = arith.addi %bitcast_convert_type3A_1950, %add3A_1952 : vector<16xi32>
      %shift_right_arithmetic3A_1954 = arith.constant 16 : i32
      %shift_right_arithmetic3A_1955 = vector.broadcast %shift_right_arithmetic3A_1954 : i32 to vector<16xi32>
      %shift_right_arithmetic3A_1956 = arith.shrsi %bitcast_convert_type3A_1950, %shift_right_arithmetic3A_1955 : vector<16xi32>
      %and3A_1957 = arith.constant 1 : i32
      %and3A_1958 = vector.broadcast %and3A_1957 : i32 to vector<16xi32>
      %and3A_1959 = arith.andi %shift_right_arithmetic3A_1956, %and3A_1958 : vector<16xi32>
      %add3A_1960 = arith.addi %add3A_1953, %and3A_1959 : vector<16xi32>
      %and3A_1961 = arith.constant -65536 : i32
      %and3A_1962 = vector.broadcast %and3A_1961 : i32 to vector<16xi32>
      %and3A_1963 = arith.andi %add3A_1960, %and3A_1962 : vector<16xi32>
      %bitcast_convert_type3A_1964 = tpu.bitcast %and3A_1963 : vector<16xi32> -> vector<16xf32>
      %mul3A_1965 = arith.mulf %bitcast_convert_type3A_1964, %bitcast_convert_type3A_1329 : vector<16xf32>
      %add3A_1966 = arith.addf %add3A_1947, %mul3A_1965 : vector<16xf32>
      %mul3A_1967 = arith.mulf %gather3A_1890, %add3A_581 : vector<16xf32>
      %add3A_1968 = arith.addf %mul3A_1967, %add3A_949 : vector<16xf32>
      %bitcast_convert_type3A_1969 = tpu.bitcast %add3A_1968 : vector<16xf32> -> vector<16xi32>
      %add3A_1970 = arith.constant 32767 : i32
      %add3A_1971 = vector.broadcast %add3A_1970 : i32 to vector<16xi32>
      %add3A_1972 = arith.addi %bitcast_convert_type3A_1969, %add3A_1971 : vector<16xi32>
      %shift_right_arithmetic3A_1973 = arith.constant 16 : i32
      %shift_right_arithmetic3A_1974 = vector.broadcast %shift_right_arithmetic3A_1973 : i32 to vector<16xi32>
      %shift_right_arithmetic3A_1975 = arith.shrsi %bitcast_convert_type3A_1969, %shift_right_arithmetic3A_1974 : vector<16xi32>
      %and3A_1976 = arith.constant 1 : i32
      %and3A_1977 = vector.broadcast %and3A_1976 : i32 to vector<16xi32>
      %and3A_1978 = arith.andi %shift_right_arithmetic3A_1975, %and3A_1977 : vector<16xi32>
      %add3A_1979 = arith.addi %add3A_1972, %and3A_1978 : vector<16xi32>
      %and3A_1980 = arith.constant -65536 : i32
      %and3A_1981 = vector.broadcast %and3A_1980 : i32 to vector<16xi32>
      %and3A_1982 = arith.andi %add3A_1979, %and3A_1981 : vector<16xi32>
      %bitcast_convert_type3A_1983 = tpu.bitcast %and3A_1982 : vector<16xi32> -> vector<16xf32>
      %mul3A_1984 = arith.mulf %bitcast_convert_type3A_1983, %bitcast_convert_type3A_1390 : vector<16xf32>
      %add3A_1985 = arith.addf %add3A_1966, %mul3A_1984 : vector<16xf32>
      %mul3A_1986 = arith.mulf %gather3A_1890, %add3A_627 : vector<16xf32>
      %add3A_1987 = arith.addf %mul3A_1986, %add3A_995 : vector<16xf32>
      %bitcast_convert_type3A_1988 = tpu.bitcast %add3A_1987 : vector<16xf32> -> vector<16xi32>
      %add3A_1989 = arith.constant 32767 : i32
      %add3A_1990 = vector.broadcast %add3A_1989 : i32 to vector<16xi32>
      %add3A_1991 = arith.addi %bitcast_convert_type3A_1988, %add3A_1990 : vector<16xi32>
      %shift_right_arithmetic3A_1992 = arith.constant 16 : i32
      %shift_right_arithmetic3A_1993 = vector.broadcast %shift_right_arithmetic3A_1992 : i32 to vector<16xi32>
      %shift_right_arithmetic3A_1994 = arith.shrsi %bitcast_convert_type3A_1988, %shift_right_arithmetic3A_1993 : vector<16xi32>
      %and3A_1995 = arith.constant 1 : i32
      %and3A_1996 = vector.broadcast %and3A_1995 : i32 to vector<16xi32>
      %and3A_1997 = arith.andi %shift_right_arithmetic3A_1994, %and3A_1996 : vector<16xi32>
      %add3A_1998 = arith.addi %add3A_1991, %and3A_1997 : vector<16xi32>
      %and3A_1999 = arith.constant -65536 : i32
      %and3A_2000 = vector.broadcast %and3A_1999 : i32 to vector<16xi32>
      %and3A_2001 = arith.andi %add3A_1998, %and3A_2000 : vector<16xi32>
      %bitcast_convert_type3A_2002 = tpu.bitcast %and3A_2001 : vector<16xi32> -> vector<16xf32>
      %mul3A_2003 = arith.mulf %bitcast_convert_type3A_2002, %bitcast_convert_type3A_1451 : vector<16xf32>
      %add3A_2004 = arith.addf %add3A_1985, %mul3A_2003 : vector<16xf32>
      %mul3A_2005 = arith.mulf %gather3A_1890, %add3A_673 : vector<16xf32>
      %add3A_2006 = arith.addf %mul3A_2005, %add3A_1041 : vector<16xf32>
      %bitcast_convert_type3A_2007 = tpu.bitcast %add3A_2006 : vector<16xf32> -> vector<16xi32>
      %add3A_2008 = arith.constant 32767 : i32
      %add3A_2009 = vector.broadcast %add3A_2008 : i32 to vector<16xi32>
      %add3A_2010 = arith.addi %bitcast_convert_type3A_2007, %add3A_2009 : vector<16xi32>
      %shift_right_arithmetic3A_2011 = arith.constant 16 : i32
      %shift_right_arithmetic3A_2012 = vector.broadcast %shift_right_arithmetic3A_2011 : i32 to vector<16xi32>
      %shift_right_arithmetic3A_2013 = arith.shrsi %bitcast_convert_type3A_2007, %shift_right_arithmetic3A_2012 : vector<16xi32>
      %and3A_2014 = arith.constant 1 : i32
      %and3A_2015 = vector.broadcast %and3A_2014 : i32 to vector<16xi32>
      %and3A_2016 = arith.andi %shift_right_arithmetic3A_2013, %and3A_2015 : vector<16xi32>
      %add3A_2017 = arith.addi %add3A_2010, %and3A_2016 : vector<16xi32>
      %and3A_2018 = arith.constant -65536 : i32
      %and3A_2019 = vector.broadcast %and3A_2018 : i32 to vector<16xi32>
      %and3A_2020 = arith.andi %add3A_2017, %and3A_2019 : vector<16xi32>
      %bitcast_convert_type3A_2021 = tpu.bitcast %and3A_2020 : vector<16xi32> -> vector<16xf32>
      %mul3A_2022 = arith.mulf %bitcast_convert_type3A_2021, %bitcast_convert_type3A_1512 : vector<16xf32>
      %add3A_2023 = arith.addf %add3A_2004, %mul3A_2022 : vector<16xf32>
      %mul3A_2024 = arith.mulf %gather3A_1890, %add3A_719 : vector<16xf32>
      %add3A_2025 = arith.addf %mul3A_2024, %add3A_1087 : vector<16xf32>
      %bitcast_convert_type3A_2026 = tpu.bitcast %add3A_2025 : vector<16xf32> -> vector<16xi32>
      %add3A_2027 = arith.constant 32767 : i32
      %add3A_2028 = vector.broadcast %add3A_2027 : i32 to vector<16xi32>
      %add3A_2029 = arith.addi %bitcast_convert_type3A_2026, %add3A_2028 : vector<16xi32>
      %shift_right_arithmetic3A_2030 = arith.constant 16 : i32
      %shift_right_arithmetic3A_2031 = vector.broadcast %shift_right_arithmetic3A_2030 : i32 to vector<16xi32>
      %shift_right_arithmetic3A_2032 = arith.shrsi %bitcast_convert_type3A_2026, %shift_right_arithmetic3A_2031 : vector<16xi32>
      %and3A_2033 = arith.constant 1 : i32
      %and3A_2034 = vector.broadcast %and3A_2033 : i32 to vector<16xi32>
      %and3A_2035 = arith.andi %shift_right_arithmetic3A_2032, %and3A_2034 : vector<16xi32>
      %add3A_2036 = arith.addi %add3A_2029, %and3A_2035 : vector<16xi32>
      %and3A_2037 = arith.constant -65536 : i32
      %and3A_2038 = vector.broadcast %and3A_2037 : i32 to vector<16xi32>
      %and3A_2039 = arith.andi %add3A_2036, %and3A_2038 : vector<16xi32>
      %bitcast_convert_type3A_2040 = tpu.bitcast %and3A_2039 : vector<16xi32> -> vector<16xf32>
      %mul3A_2041 = arith.mulf %bitcast_convert_type3A_2040, %bitcast_convert_type3A_1573 : vector<16xf32>
      %add3A_2042 = arith.addf %add3A_2023, %mul3A_2041 : vector<16xf32>
      %swap3A_2043 = arith.constant 32 : index
      %swap3A_2044 = tpu.vector_load %arg31[%swap3A_2043] {strides = array<i32>} : memref<80xf32, #tpu.memory_space<vmem>>, vector<16xf32>,
      tpu.vector_store %arg31[%swap3A_2043], %add3A_2042 {strides = array<i32>} : memref<80xf32, #tpu.memory_space<vmem>>, vector<16xf32>,
      %get3A_2045 = arith.constant 48 : index
      %get3A_2046 = tpu.vector_load %arg30[%get3A_2045] {strides = array<i32>} : memref<64xi32, #tpu.memory_space<vmem>>, vector<16xi32>,
      %gather3A_2047 = tpu.vector_load_idx %arg20[%get3A_2046] : memref<25088xf32, #tpu.memory_space<vmem>>[vector<16xi32>], vector<16xf32>,
      %mul3A_2048 = arith.mulf %gather3A_2047, %add3A_397 : vector<16xf32>
      %add3A_2049 = arith.addf %mul3A_2048, %add3A_765 : vector<16xf32>
      %bitcast_convert_type3A_2050 = tpu.bitcast %add3A_2049 : vector<16xf32> -> vector<16xi32>
      %add3A_2051 = arith.constant 32767 : i32
      %add3A_2052 = vector.broadcast %add3A_2051 : i32 to vector<16xi32>
      %add3A_2053 = arith.addi %bitcast_convert_type3A_2050, %add3A_2052 : vector<16xi32>
      %shift_right_arithmetic3A_2054 = arith.constant 16 : i32
      %shift_right_arithmetic3A_2055 = vector.broadcast %shift_right_arithmetic3A_2054 : i32 to vector<16xi32>
      %shift_right_arithmetic3A_2056 = arith.shrsi %bitcast_convert_type3A_2050, %shift_right_arithmetic3A_2055 : vector<16xi32>
      %and3A_2057 = arith.constant 1 : i32
      %and3A_2058 = vector.broadcast %and3A_2057 : i32 to vector<16xi32>
      %and3A_2059 = arith.andi %shift_right_arithmetic3A_2056, %and3A_2058 : vector<16xi32>
      %add3A_2060 = arith.addi %add3A_2053, %and3A_2059 : vector<16xi32>
      %and3A_2061 = arith.constant -65536 : i32
      %and3A_2062 = vector.broadcast %and3A_2061 : i32 to vector<16xi32>
      %and3A_2063 = arith.andi %add3A_2060, %and3A_2062 : vector<16xi32>
      %bitcast_convert_type3A_2064 = tpu.bitcast %and3A_2063 : vector<16xi32> -> vector<16xf32>
      %mul3A_2065 = arith.mulf %bitcast_convert_type3A_2064, %bitcast_convert_type3A_1146 : vector<16xf32>
      %add3A_2066 = arith.addf %add3A_345, %mul3A_2065 : vector<16xf32>
      %mul3A_2067 = arith.mulf %gather3A_2047, %add3A_443 : vector<16xf32>
      %add3A_2068 = arith.addf %mul3A_2067, %add3A_811 : vector<16xf32>
      %bitcast_convert_type3A_2069 = tpu.bitcast %add3A_2068 : vector<16xf32> -> vector<16xi32>
      %add3A_2070 = arith.constant 32767 : i32
      %add3A_2071 = vector.broadcast %add3A_2070 : i32 to vector<16xi32>
      %add3A_2072 = arith.addi %bitcast_convert_type3A_2069, %add3A_2071 : vector<16xi32>
      %shift_right_arithmetic3A_2073 = arith.constant 16 : i32
      %shift_right_arithmetic3A_2074 = vector.broadcast %shift_right_arithmetic3A_2073 : i32 to vector<16xi32>
      %shift_right_arithmetic3A_2075 = arith.shrsi %bitcast_convert_type3A_2069, %shift_right_arithmetic3A_2074 : vector<16xi32>
      %and3A_2076 = arith.constant 1 : i32
      %and3A_2077 = vector.broadcast %and3A_2076 : i32 to vector<16xi32>
      %and3A_2078 = arith.andi %shift_right_arithmetic3A_2075, %and3A_2077 : vector<16xi32>
      %add3A_2079 = arith.addi %add3A_2072, %and3A_2078 : vector<16xi32>
      %and3A_2080 = arith.constant -65536 : i32
      %and3A_2081 = vector.broadcast %and3A_2080 : i32 to vector<16xi32>
      %and3A_2082 = arith.andi %add3A_2079, %and3A_2081 : vector<16xi32>
      %bitcast_convert_type3A_2083 = tpu.bitcast %and3A_2082 : vector<16xi32> -> vector<16xf32>
      %mul3A_2084 = arith.mulf %bitcast_convert_type3A_2083, %bitcast_convert_type3A_1207 : vector<16xf32>
      %add3A_2085 = arith.addf %add3A_2066, %mul3A_2084 : vector<16xf32>
      %mul3A_2086 = arith.mulf %gather3A_2047, %add3A_489 : vector<16xf32>
      %add3A_2087 = arith.addf %mul3A_2086, %add3A_857 : vector<16xf32>
      %bitcast_convert_type3A_2088 = tpu.bitcast %add3A_2087 : vector<16xf32> -> vector<16xi32>
      %add3A_2089 = arith.constant 32767 : i32
      %add3A_2090 = vector.broadcast %add3A_2089 : i32 to vector<16xi32>
      %add3A_2091 = arith.addi %bitcast_convert_type3A_2088, %add3A_2090 : vector<16xi32>
      %shift_right_arithmetic3A_2092 = arith.constant 16 : i32
      %shift_right_arithmetic3A_2093 = vector.broadcast %shift_right_arithmetic3A_2092 : i32 to vector<16xi32>
      %shift_right_arithmetic3A_2094 = arith.shrsi %bitcast_convert_type3A_2088, %shift_right_arithmetic3A_2093 : vector<16xi32>
      %and3A_2095 = arith.constant 1 : i32
      %and3A_2096 = vector.broadcast %and3A_2095 : i32 to vector<16xi32>
      %and3A_2097 = arith.andi %shift_right_arithmetic3A_2094, %and3A_2096 : vector<16xi32>
      %add3A_2098 = arith.addi %add3A_2091, %and3A_2097 : vector<16xi32>
      %and3A_2099 = arith.constant -65536 : i32
      %and3A_2100 = vector.broadcast %and3A_2099 : i32 to vector<16xi32>
      %and3A_2101 = arith.andi %add3A_2098, %and3A_2100 : vector<16xi32>
      %bitcast_convert_type3A_2102 = tpu.bitcast %and3A_2101 : vector<16xi32> -> vector<16xf32>
      %mul3A_2103 = arith.mulf %bitcast_convert_type3A_2102, %bitcast_convert_type3A_1268 : vector<16xf32>
      %add3A_2104 = arith.addf %add3A_2085, %mul3A_2103 : vector<16xf32>
      %mul3A_2105 = arith.mulf %gather3A_2047, %add3A_535 : vector<16xf32>
      %add3A_2106 = arith.addf %mul3A_2105, %add3A_903 : vector<16xf32>
      %bitcast_convert_type3A_2107 = tpu.bitcast %add3A_2106 : vector<16xf32> -> vector<16xi32>
      %add3A_2108 = arith.constant 32767 : i32
      %add3A_2109 = vector.broadcast %add3A_2108 : i32 to vector<16xi32>
      %add3A_2110 = arith.addi %bitcast_convert_type3A_2107, %add3A_2109 : vector<16xi32>
      %shift_right_arithmetic3A_2111 = arith.constant 16 : i32
      %shift_right_arithmetic3A_2112 = vector.broadcast %shift_right_arithmetic3A_2111 : i32 to vector<16xi32>
      %shift_right_arithmetic3A_2113 = arith.shrsi %bitcast_convert_type3A_2107, %shift_right_arithmetic3A_2112 : vector<16xi32>
      %and3A_2114 = arith.constant 1 : i32
      %and3A_2115 = vector.broadcast %and3A_2114 : i32 to vector<16xi32>
      %and3A_2116 = arith.andi %shift_right_arithmetic3A_2113, %and3A_2115 : vector<16xi32>
      %add3A_2117 = arith.addi %add3A_2110, %and3A_2116 : vector<16xi32>
      %and3A_2118 = arith.constant -65536 : i32
      %and3A_2119 = vector.broadcast %and3A_2118 : i32 to vector<16xi32>
      %and3A_2120 = arith.andi %add3A_2117, %and3A_2119 : vector<16xi32>
      %bitcast_convert_type3A_2121 = tpu.bitcast %and3A_2120 : vector<16xi32> -> vector<16xf32>
      %mul3A_2122 = arith.mulf %bitcast_convert_type3A_2121, %bitcast_convert_type3A_1329 : vector<16xf32>
      %add3A_2123 = arith.addf %add3A_2104, %mul3A_2122 : vector<16xf32>
      %mul3A_2124 = arith.mulf %gather3A_2047, %add3A_581 : vector<16xf32>
      %add3A_2125 = arith.addf %mul3A_2124, %add3A_949 : vector<16xf32>
      %bitcast_convert_type3A_2126 = tpu.bitcast %add3A_2125 : vector<16xf32> -> vector<16xi32>
      %add3A_2127 = arith.constant 32767 : i32
      %add3A_2128 = vector.broadcast %add3A_2127 : i32 to vector<16xi32>
      %add3A_2129 = arith.addi %bitcast_convert_type3A_2126, %add3A_2128 : vector<16xi32>
      %shift_right_arithmetic3A_2130 = arith.constant 16 : i32
      %shift_right_arithmetic3A_2131 = vector.broadcast %shift_right_arithmetic3A_2130 : i32 to vector<16xi32>
      %shift_right_arithmetic3A_2132 = arith.shrsi %bitcast_convert_type3A_2126, %shift_right_arithmetic3A_2131 : vector<16xi32>
      %and3A_2133 = arith.constant 1 : i32
      %and3A_2134 = vector.broadcast %and3A_2133 : i32 to vector<16xi32>
      %and3A_2135 = arith.andi %shift_right_arithmetic3A_2132, %and3A_2134 : vector<16xi32>
      %add3A_2136 = arith.addi %add3A_2129, %and3A_2135 : vector<16xi32>
      %and3A_2137 = arith.constant -65536 : i32
      %and3A_2138 = vector.broadcast %and3A_2137 : i32 to vector<16xi32>
      %and3A_2139 = arith.andi %add3A_2136, %and3A_2138 : vector<16xi32>
      %bitcast_convert_type3A_2140 = tpu.bitcast %and3A_2139 : vector<16xi32> -> vector<16xf32>
      %mul3A_2141 = arith.mulf %bitcast_convert_type3A_2140, %bitcast_convert_type3A_1390 : vector<16xf32>
      %add3A_2142 = arith.addf %add3A_2123, %mul3A_2141 : vector<16xf32>
      %mul3A_2143 = arith.mulf %gather3A_2047, %add3A_627 : vector<16xf32>
      %add3A_2144 = arith.addf %mul3A_2143, %add3A_995 : vector<16xf32>
      %bitcast_convert_type3A_2145 = tpu.bitcast %add3A_2144 : vector<16xf32> -> vector<16xi32>
      %add3A_2146 = arith.constant 32767 : i32
      %add3A_2147 = vector.broadcast %add3A_2146 : i32 to vector<16xi32>
      %add3A_2148 = arith.addi %bitcast_convert_type3A_2145, %add3A_2147 : vector<16xi32>
      %shift_right_arithmetic3A_2149 = arith.constant 16 : i32
      %shift_right_arithmetic3A_2150 = vector.broadcast %shift_right_arithmetic3A_2149 : i32 to vector<16xi32>
      %shift_right_arithmetic3A_2151 = arith.shrsi %bitcast_convert_type3A_2145, %shift_right_arithmetic3A_2150 : vector<16xi32>
      %and3A_2152 = arith.constant 1 : i32
      %and3A_2153 = vector.broadcast %and3A_2152 : i32 to vector<16xi32>
      %and3A_2154 = arith.andi %shift_right_arithmetic3A_2151, %and3A_2153 : vector<16xi32>
      %add3A_2155 = arith.addi %add3A_2148, %and3A_2154 : vector<16xi32>
      %and3A_2156 = arith.constant -65536 : i32
      %and3A_2157 = vector.broadcast %and3A_2156 : i32 to vector<16xi32>
      %and3A_2158 = arith.andi %add3A_2155, %and3A_2157 : vector<16xi32>
      %bitcast_convert_type3A_2159 = tpu.bitcast %and3A_2158 : vector<16xi32> -> vector<16xf32>
      %mul3A_2160 = arith.mulf %bitcast_convert_type3A_2159, %bitcast_convert_type3A_1451 : vector<16xf32>
      %add3A_2161 = arith.addf %add3A_2142, %mul3A_2160 : vector<16xf32>
      %mul3A_2162 = arith.mulf %gather3A_2047, %add3A_673 : vector<16xf32>
      %add3A_2163 = arith.addf %mul3A_2162, %add3A_1041 : vector<16xf32>
      %bitcast_convert_type3A_2164 = tpu.bitcast %add3A_2163 : vector<16xf32> -> vector<16xi32>
      %add3A_2165 = arith.constant 32767 : i32
      %add3A_2166 = vector.broadcast %add3A_2165 : i32 to vector<16xi32>
      %add3A_2167 = arith.addi %bitcast_convert_type3A_2164, %add3A_2166 : vector<16xi32>
      %shift_right_arithmetic3A_2168 = arith.constant 16 : i32
      %shift_right_arithmetic3A_2169 = vector.broadcast %shift_right_arithmetic3A_2168 : i32 to vector<16xi32>
      %shift_right_arithmetic3A_2170 = arith.shrsi %bitcast_convert_type3A_2164, %shift_right_arithmetic3A_2169 : vector<16xi32>
      %and3A_2171 = arith.constant 1 : i32
      %and3A_2172 = vector.broadcast %and3A_2171 : i32 to vector<16xi32>
      %and3A_2173 = arith.andi %shift_right_arithmetic3A_2170, %and3A_2172 : vector<16xi32>
      %add3A_2174 = arith.addi %add3A_2167, %and3A_2173 : vector<16xi32>
      %and3A_2175 = arith.constant -65536 : i32
      %and3A_2176 = vector.broadcast %and3A_2175 : i32 to vector<16xi32>
      %and3A_2177 = arith.andi %add3A_2174, %and3A_2176 : vector<16xi32>
      %bitcast_convert_type3A_2178 = tpu.bitcast %and3A_2177 : vector<16xi32> -> vector<16xf32>
      %mul3A_2179 = arith.mulf %bitcast_convert_type3A_2178, %bitcast_convert_type3A_1512 : vector<16xf32>
      %add3A_2180 = arith.addf %add3A_2161, %mul3A_2179 : vector<16xf32>
      %mul3A_2181 = arith.mulf %gather3A_2047, %add3A_719 : vector<16xf32>
      %add3A_2182 = arith.addf %mul3A_2181, %add3A_1087 : vector<16xf32>
      %bitcast_convert_type3A_2183 = tpu.bitcast %add3A_2182 : vector<16xf32> -> vector<16xi32>
      %add3A_2184 = arith.constant 32767 : i32
      %add3A_2185 = vector.broadcast %add3A_2184 : i32 to vector<16xi32>
      %add3A_2186 = arith.addi %bitcast_convert_type3A_2183, %add3A_2185 : vector<16xi32>
      %shift_right_arithmetic3A_2187 = arith.constant 16 : i32
      %shift_right_arithmetic3A_2188 = vector.broadcast %shift_right_arithmetic3A_2187 : i32 to vector<16xi32>
      %shift_right_arithmetic3A_2189 = arith.shrsi %bitcast_convert_type3A_2183, %shift_right_arithmetic3A_2188 : vector<16xi32>
      %and3A_2190 = arith.constant 1 : i32
      %and3A_2191 = vector.broadcast %and3A_2190 : i32 to vector<16xi32>
      %and3A_2192 = arith.andi %shift_right_arithmetic3A_2189, %and3A_2191 : vector<16xi32>
      %add3A_2193 = arith.addi %add3A_2186, %and3A_2192 : vector<16xi32>
      %and3A_2194 = arith.constant -65536 : i32
      %and3A_2195 = vector.broadcast %and3A_2194 : i32 to vector<16xi32>
      %and3A_2196 = arith.andi %add3A_2193, %and3A_2195 : vector<16xi32>
      %bitcast_convert_type3A_2197 = tpu.bitcast %and3A_2196 : vector<16xi32> -> vector<16xf32>
      %mul3A_2198 = arith.mulf %bitcast_convert_type3A_2197, %bitcast_convert_type3A_1573 : vector<16xf32>
      %add3A_2199 = arith.addf %add3A_2180, %mul3A_2198 : vector<16xf32>
      %swap3A_2200 = arith.constant 48 : index
      %swap3A_2201 = tpu.vector_load %arg31[%swap3A_2200] {strides = array<i32>} : memref<80xf32, #tpu.memory_space<vmem>>, vector<16xf32>,
      tpu.vector_store %arg31[%swap3A_2200], %add3A_2199 {strides = array<i32>} : memref<80xf32, #tpu.memory_space<vmem>>, vector<16xf32>,
      "tpu.region"() ({
        %run_scoped3A = tpu.sem_alloc : memref<!tpu.dma_semaphore, #tpu.memory_space<semaphore_mem>>
        tpu.enqueue_dma source(%arg11 : memref<16xf32, #tpu.memory_space<hbm>>) target(%arg27 : memref<16xf32, #tpu.memory_space<vmem>>) target_semaphore(%run_scoped3A : memref<!tpu.dma_semaphore, #tpu.memory_space<semaphore_mem>>)
        tpu.wait_dma2 semaphore(%run_scoped3A : memref<!tpu.dma_semaphore, #tpu.memory_space<semaphore_mem>>) src(%arg11 : memref<16xf32, #tpu.memory_space<hbm>>) dst(%arg27 : memref<16xf32, #tpu.memory_space<vmem>>)
        tpu.yield
      }) : () -> ()
      "tpu.region"() ({
        %run_scoped3A = tpu.sem_alloc : memref<!tpu.dma_semaphore, #tpu.memory_space<semaphore_mem>>
        tpu.enqueue_dma source(%arg12 : memref<16xf32, #tpu.memory_space<hbm>>) target(%arg28 : memref<16xf32, #tpu.memory_space<vmem>>) target_semaphore(%run_scoped3A : memref<!tpu.dma_semaphore, #tpu.memory_space<semaphore_mem>>)
        tpu.wait_dma2 semaphore(%run_scoped3A : memref<!tpu.dma_semaphore, #tpu.memory_space<semaphore_mem>>) src(%arg12 : memref<16xf32, #tpu.memory_space<hbm>>) dst(%arg28 : memref<16xf32, #tpu.memory_space<vmem>>)
        tpu.yield
      }) : () -> ()
      %get3A_2202 = arith.constant 0 : index
      %get3A_2203 = tpu.vector_load %arg27[%get3A_2202] {strides = array<i32>} : memref<16xf32, #tpu.memory_space<vmem>>, vector<16xf32>,
      %bitcast_convert_type3A_2204 = tpu.bitcast %get3A_2203 : vector<16xf32> -> vector<16xi32>
      %add3A_2205 = arith.constant 32767 : i32
      %add3A_2206 = vector.broadcast %add3A_2205 : i32 to vector<16xi32>
      %add3A_2207 = arith.addi %bitcast_convert_type3A_2204, %add3A_2206 : vector<16xi32>
      %shift_right_arithmetic3A_2208 = arith.constant 16 : i32
      %shift_right_arithmetic3A_2209 = vector.broadcast %shift_right_arithmetic3A_2208 : i32 to vector<16xi32>
      %shift_right_arithmetic3A_2210 = arith.shrsi %bitcast_convert_type3A_2204, %shift_right_arithmetic3A_2209 : vector<16xi32>
      %and3A_2211 = arith.constant 1 : i32
      %and3A_2212 = vector.broadcast %and3A_2211 : i32 to vector<16xi32>
      %and3A_2213 = arith.andi %shift_right_arithmetic3A_2210, %and3A_2212 : vector<16xi32>
      %add3A_2214 = arith.addi %add3A_2207, %and3A_2213 : vector<16xi32>
      %and3A_2215 = arith.constant -65536 : i32
      %and3A_2216 = vector.broadcast %and3A_2215 : i32 to vector<16xi32>
      %and3A_2217 = arith.andi %add3A_2214, %and3A_2216 : vector<16xi32>
      %bitcast_convert_type3A_2218 = tpu.bitcast %and3A_2217 : vector<16xi32> -> vector<16xf32>
      %get3A_2219 = arith.constant 0 : index
      %get3A_2220 = tpu.vector_load %arg26[%get3A_2219] {strides = array<i32>} : memref<16xf32, #tpu.memory_space<vmem>>, vector<16xf32>,
      %bitcast_convert_type3A_2221 = tpu.bitcast %get3A_2220 : vector<16xf32> -> vector<16xi32>
      %add3A_2222 = arith.constant 32767 : i32
      %add3A_2223 = vector.broadcast %add3A_2222 : i32 to vector<16xi32>
      %add3A_2224 = arith.addi %bitcast_convert_type3A_2221, %add3A_2223 : vector<16xi32>
      %shift_right_arithmetic3A_2225 = arith.constant 16 : i32
      %shift_right_arithmetic3A_2226 = vector.broadcast %shift_right_arithmetic3A_2225 : i32 to vector<16xi32>
      %shift_right_arithmetic3A_2227 = arith.shrsi %bitcast_convert_type3A_2221, %shift_right_arithmetic3A_2226 : vector<16xi32>
      %and3A_2228 = arith.constant 1 : i32
      %and3A_2229 = vector.broadcast %and3A_2228 : i32 to vector<16xi32>
      %and3A_2230 = arith.andi %shift_right_arithmetic3A_2227, %and3A_2229 : vector<16xi32>
      %add3A_2231 = arith.addi %add3A_2224, %and3A_2230 : vector<16xi32>
      %and3A_2232 = arith.constant -65536 : i32
      %and3A_2233 = vector.broadcast %and3A_2232 : i32 to vector<16xi32>
      %and3A_2234 = arith.andi %add3A_2231, %and3A_2233 : vector<16xi32>
      %bitcast_convert_type3A_2235 = tpu.bitcast %and3A_2234 : vector<16xi32> -> vector<16xf32>
      %mul3A_2236 = arith.mulf %bitcast_convert_type3A_2218, %bitcast_convert_type3A_2235 : vector<16xf32>
      %swap3A_2237 = arith.constant 0 : index
      %swap3A_2238 = tpu.vector_load %arg33[%swap3A_2237] {strides = array<i32>} : memref<16xf32, #tpu.memory_space<vmem>>, vector<16xf32>,
      tpu.vector_store %arg33[%swap3A_2237], %mul3A_2236 {strides = array<i32>} : memref<16xf32, #tpu.memory_space<vmem>>, vector<16xf32>,
      %add3A_2239 = arith.constant 8 : i32
      %add3A_2240 = vector.broadcast %add3A_2239 : i32 to vector<16xi32>
      %add3A_2241 = arith.addi %iota3A, %add3A_2240 : vector<16xi32>
      %and3A_2242 = arith.constant 15 : i32
      %and3A_2243 = vector.broadcast %and3A_2242 : i32 to vector<16xi32>
      %and3A_2244 = arith.andi %add3A_2241, %and3A_2243 : vector<16xi32>
      %gather3A_2245 = tpu.vector_load_idx %arg33[%and3A_2244] : memref<16xf32, #tpu.memory_space<vmem>>[vector<16xi32>], vector<16xf32>,
      %add3A_2246 = arith.addf %mul3A_2236, %gather3A_2245 : vector<16xf32>
      %swap3A_2247 = arith.constant 0 : index
      %swap3A_2248 = tpu.vector_load %arg33[%swap3A_2247] {strides = array<i32>} : memref<16xf32, #tpu.memory_space<vmem>>, vector<16xf32>,
      tpu.vector_store %arg33[%swap3A_2247], %add3A_2246 {strides = array<i32>} : memref<16xf32, #tpu.memory_space<vmem>>, vector<16xf32>,
      %add3A_2249 = arith.constant 4 : i32
      %add3A_2250 = vector.broadcast %add3A_2249 : i32 to vector<16xi32>
      %add3A_2251 = arith.addi %iota3A, %add3A_2250 : vector<16xi32>
      %and3A_2252 = arith.constant 15 : i32
      %and3A_2253 = vector.broadcast %and3A_2252 : i32 to vector<16xi32>
      %and3A_2254 = arith.andi %add3A_2251, %and3A_2253 : vector<16xi32>
      %gather3A_2255 = tpu.vector_load_idx %arg33[%and3A_2254] : memref<16xf32, #tpu.memory_space<vmem>>[vector<16xi32>], vector<16xf32>,
      %add3A_2256 = arith.addf %add3A_2246, %gather3A_2255 : vector<16xf32>
      %swap3A_2257 = arith.constant 0 : index
      %swap3A_2258 = tpu.vector_load %arg33[%swap3A_2257] {strides = array<i32>} : memref<16xf32, #tpu.memory_space<vmem>>, vector<16xf32>,
      tpu.vector_store %arg33[%swap3A_2257], %add3A_2256 {strides = array<i32>} : memref<16xf32, #tpu.memory_space<vmem>>, vector<16xf32>,
      %add3A_2259 = arith.constant 2 : i32
      %add3A_2260 = vector.broadcast %add3A_2259 : i32 to vector<16xi32>
      %add3A_2261 = arith.addi %iota3A, %add3A_2260 : vector<16xi32>
      %and3A_2262 = arith.constant 15 : i32
      %and3A_2263 = vector.broadcast %and3A_2262 : i32 to vector<16xi32>
      %and3A_2264 = arith.andi %add3A_2261, %and3A_2263 : vector<16xi32>
      %gather3A_2265 = tpu.vector_load_idx %arg33[%and3A_2264] : memref<16xf32, #tpu.memory_space<vmem>>[vector<16xi32>], vector<16xf32>,
      %add3A_2266 = arith.addf %add3A_2256, %gather3A_2265 : vector<16xf32>
      %swap3A_2267 = arith.constant 0 : index
      %swap3A_2268 = tpu.vector_load %arg33[%swap3A_2267] {strides = array<i32>} : memref<16xf32, #tpu.memory_space<vmem>>, vector<16xf32>,
      tpu.vector_store %arg33[%swap3A_2267], %add3A_2266 {strides = array<i32>} : memref<16xf32, #tpu.memory_space<vmem>>, vector<16xf32>,
      %add3A_2269 = arith.constant 1 : i32
      %add3A_2270 = vector.broadcast %add3A_2269 : i32 to vector<16xi32>
      %add3A_2271 = arith.addi %iota3A, %add3A_2270 : vector<16xi32>
      %and3A_2272 = arith.constant 15 : i32
      %and3A_2273 = vector.broadcast %and3A_2272 : i32 to vector<16xi32>
      %and3A_2274 = arith.andi %add3A_2271, %and3A_2273 : vector<16xi32>
      %gather3A_2275 = tpu.vector_load_idx %arg33[%and3A_2274] : memref<16xf32, #tpu.memory_space<vmem>>[vector<16xi32>], vector<16xf32>,
      %add3A_2276 = arith.addf %add3A_2266, %gather3A_2275 : vector<16xf32>
      %add3A_2277 = arith.addf %add3A_2276, %add3A_345 : vector<16xf32>
      %get3A_2278 = arith.constant 0 : index
      %get3A_2279 = tpu.vector_load %arg28[%get3A_2278] {strides = array<i32>} : memref<16xf32, #tpu.memory_space<vmem>>, vector<16xf32>,
      %bitcast_convert_type3A_2280 = tpu.bitcast %get3A_2279 : vector<16xf32> -> vector<16xi32>
      %add3A_2281 = arith.constant 32767 : i32
      %add3A_2282 = vector.broadcast %add3A_2281 : i32 to vector<16xi32>
      %add3A_2283 = arith.addi %bitcast_convert_type3A_2280, %add3A_2282 : vector<16xi32>
      %shift_right_arithmetic3A_2284 = arith.constant 16 : i32
      %shift_right_arithmetic3A_2285 = vector.broadcast %shift_right_arithmetic3A_2284 : i32 to vector<16xi32>
      %shift_right_arithmetic3A_2286 = arith.shrsi %bitcast_convert_type3A_2280, %shift_right_arithmetic3A_2285 : vector<16xi32>
      %and3A_2287 = arith.constant 1 : i32
      %and3A_2288 = vector.broadcast %and3A_2287 : i32 to vector<16xi32>
      %and3A_2289 = arith.andi %shift_right_arithmetic3A_2286, %and3A_2288 : vector<16xi32>
      %add3A_2290 = arith.addi %add3A_2283, %and3A_2289 : vector<16xi32>
      %and3A_2291 = arith.constant -65536 : i32
      %and3A_2292 = vector.broadcast %and3A_2291 : i32 to vector<16xi32>
      %and3A_2293 = arith.andi %add3A_2290, %and3A_2292 : vector<16xi32>
      %bitcast_convert_type3A_2294 = tpu.bitcast %and3A_2293 : vector<16xi32> -> vector<16xf32>
      %get3A_2295 = arith.constant 0 : index
      %get3A_2296 = tpu.vector_load %arg26[%get3A_2295] {strides = array<i32>} : memref<16xf32, #tpu.memory_space<vmem>>, vector<16xf32>,
      %bitcast_convert_type3A_2297 = tpu.bitcast %get3A_2296 : vector<16xf32> -> vector<16xi32>
      %add3A_2298 = arith.constant 32767 : i32
      %add3A_2299 = vector.broadcast %add3A_2298 : i32 to vector<16xi32>
      %add3A_2300 = arith.addi %bitcast_convert_type3A_2297, %add3A_2299 : vector<16xi32>
      %shift_right_arithmetic3A_2301 = arith.constant 16 : i32
      %shift_right_arithmetic3A_2302 = vector.broadcast %shift_right_arithmetic3A_2301 : i32 to vector<16xi32>
      %shift_right_arithmetic3A_2303 = arith.shrsi %bitcast_convert_type3A_2297, %shift_right_arithmetic3A_2302 : vector<16xi32>
      %and3A_2304 = arith.constant 1 : i32
      %and3A_2305 = vector.broadcast %and3A_2304 : i32 to vector<16xi32>
      %and3A_2306 = arith.andi %shift_right_arithmetic3A_2303, %and3A_2305 : vector<16xi32>
      %add3A_2307 = arith.addi %add3A_2300, %and3A_2306 : vector<16xi32>
      %and3A_2308 = arith.constant -65536 : i32
      %and3A_2309 = vector.broadcast %and3A_2308 : i32 to vector<16xi32>
      %and3A_2310 = arith.andi %add3A_2307, %and3A_2309 : vector<16xi32>
      %bitcast_convert_type3A_2311 = tpu.bitcast %and3A_2310 : vector<16xi32> -> vector<16xf32>
      %mul3A_2312 = arith.mulf %bitcast_convert_type3A_2294, %bitcast_convert_type3A_2311 : vector<16xf32>
      %swap3A_2313 = arith.constant 0 : index
      %swap3A_2314 = tpu.vector_load %arg33[%swap3A_2313] {strides = array<i32>} : memref<16xf32, #tpu.memory_space<vmem>>, vector<16xf32>,
      tpu.vector_store %arg33[%swap3A_2313], %mul3A_2312 {strides = array<i32>} : memref<16xf32, #tpu.memory_space<vmem>>, vector<16xf32>,
      %add3A_2315 = arith.constant 8 : i32
      %add3A_2316 = vector.broadcast %add3A_2315 : i32 to vector<16xi32>
      %add3A_2317 = arith.addi %iota3A, %add3A_2316 : vector<16xi32>
      %and3A_2318 = arith.constant 15 : i32
      %and3A_2319 = vector.broadcast %and3A_2318 : i32 to vector<16xi32>
      %and3A_2320 = arith.andi %add3A_2317, %and3A_2319 : vector<16xi32>
      %gather3A_2321 = tpu.vector_load_idx %arg33[%and3A_2320] : memref<16xf32, #tpu.memory_space<vmem>>[vector<16xi32>], vector<16xf32>,
      %add3A_2322 = arith.addf %mul3A_2312, %gather3A_2321 : vector<16xf32>
      %swap3A_2323 = arith.constant 0 : index
      %swap3A_2324 = tpu.vector_load %arg33[%swap3A_2323] {strides = array<i32>} : memref<16xf32, #tpu.memory_space<vmem>>, vector<16xf32>,
      tpu.vector_store %arg33[%swap3A_2323], %add3A_2322 {strides = array<i32>} : memref<16xf32, #tpu.memory_space<vmem>>, vector<16xf32>,
      %add3A_2325 = arith.constant 4 : i32
      %add3A_2326 = vector.broadcast %add3A_2325 : i32 to vector<16xi32>
      %add3A_2327 = arith.addi %iota3A, %add3A_2326 : vector<16xi32>
      %and3A_2328 = arith.constant 15 : i32
      %and3A_2329 = vector.broadcast %and3A_2328 : i32 to vector<16xi32>
      %and3A_2330 = arith.andi %add3A_2327, %and3A_2329 : vector<16xi32>
      %gather3A_2331 = tpu.vector_load_idx %arg33[%and3A_2330] : memref<16xf32, #tpu.memory_space<vmem>>[vector<16xi32>], vector<16xf32>,
      %add3A_2332 = arith.addf %add3A_2322, %gather3A_2331 : vector<16xf32>
      %swap3A_2333 = arith.constant 0 : index
      %swap3A_2334 = tpu.vector_load %arg33[%swap3A_2333] {strides = array<i32>} : memref<16xf32, #tpu.memory_space<vmem>>, vector<16xf32>,
      tpu.vector_store %arg33[%swap3A_2333], %add3A_2332 {strides = array<i32>} : memref<16xf32, #tpu.memory_space<vmem>>, vector<16xf32>,
      %add3A_2335 = arith.constant 2 : i32
      %add3A_2336 = vector.broadcast %add3A_2335 : i32 to vector<16xi32>
      %add3A_2337 = arith.addi %iota3A, %add3A_2336 : vector<16xi32>
      %and3A_2338 = arith.constant 15 : i32
      %and3A_2339 = vector.broadcast %and3A_2338 : i32 to vector<16xi32>
      %and3A_2340 = arith.andi %add3A_2337, %and3A_2339 : vector<16xi32>
      %gather3A_2341 = tpu.vector_load_idx %arg33[%and3A_2340] : memref<16xf32, #tpu.memory_space<vmem>>[vector<16xi32>], vector<16xf32>,
      %add3A_2342 = arith.addf %add3A_2332, %gather3A_2341 : vector<16xf32>
      %swap3A_2343 = arith.constant 0 : index
      %swap3A_2344 = tpu.vector_load %arg33[%swap3A_2343] {strides = array<i32>} : memref<16xf32, #tpu.memory_space<vmem>>, vector<16xf32>,
      tpu.vector_store %arg33[%swap3A_2343], %add3A_2342 {strides = array<i32>} : memref<16xf32, #tpu.memory_space<vmem>>, vector<16xf32>,
      %add3A_2345 = arith.constant 1 : i32
      %add3A_2346 = vector.broadcast %add3A_2345 : i32 to vector<16xi32>
      %add3A_2347 = arith.addi %iota3A, %add3A_2346 : vector<16xi32>
      %and3A_2348 = arith.constant 15 : i32
      %and3A_2349 = vector.broadcast %and3A_2348 : i32 to vector<16xi32>
      %and3A_2350 = arith.andi %add3A_2347, %and3A_2349 : vector<16xi32>
      %gather3A_2351 = tpu.vector_load_idx %arg33[%and3A_2350] : memref<16xf32, #tpu.memory_space<vmem>>[vector<16xi32>], vector<16xf32>,
      %add3A_2352 = arith.addf %add3A_2342, %gather3A_2351 : vector<16xf32>
      %add3A_2353 = arith.addf %add3A_2352, %add3A_345 : vector<16xf32>
      %eq3A_2354 = arith.constant 0 : i32
      %eq3A_2355 = vector.broadcast %eq3A_2354 : i32 to vector<16xi32>
      %eq3A_2356 = arith.cmpi eq, %iota3A, %eq3A_2355 : vector<16xi32>
      %jit3A_2357 = arith.constant 0.000000e+00 : f32
      %broadcast_in_dim3A_2358 = vector.broadcast %jit3A_2357 : f32 to vector<16xf32>
      %select_n3A_2359 = arith.select %eq3A_2356, %add3A_2277, %broadcast_in_dim3A_2358 : vector<16xi1>, vector<16xf32>
      %eq3A_2360 = arith.constant 1 : i32
      %eq3A_2361 = vector.broadcast %eq3A_2360 : i32 to vector<16xi32>
      %eq3A_2362 = arith.cmpi eq, %iota3A, %eq3A_2361 : vector<16xi32>
      %jit3A_2363 = arith.constant 0.000000e+00 : f32
      %broadcast_in_dim3A_2364 = vector.broadcast %jit3A_2363 : f32 to vector<16xf32>
      %select_n3A_2365 = arith.select %eq3A_2362, %add3A_2353, %broadcast_in_dim3A_2364 : vector<16xi1>, vector<16xf32>
      %add3A_2366 = arith.addf %select_n3A_2359, %select_n3A_2365 : vector<16xf32>
      %swap3A_2367 = arith.constant 64 : index
      %swap3A_2368 = tpu.vector_load %arg31[%swap3A_2367] {strides = array<i32>} : memref<80xf32, #tpu.memory_space<vmem>>, vector<16xf32>,
      tpu.vector_store %arg31[%swap3A_2367], %add3A_2366 {strides = array<i32>} : memref<80xf32, #tpu.memory_space<vmem>>, vector<16xf32>,
      %mul3A_2369 = arith.constant 80 : i32
      %mul3A_2370 = arith.muli %add3A_300, %mul3A_2369 : i32
      "tpu.region"() ({
        %run_scoped3A = tpu.sem_alloc : memref<!tpu.dma_semaphore, #tpu.memory_space<semaphore_mem>>
        %dma_start3A = tpu.memref_slice %arg13[%mul3A_2370] : memref<320xf32, #tpu.memory_space<hbm>> -> memref<80xf32, #tpu.memory_space<hbm>>
        %dma_start3A_2371 = tpu.memref_slice %arg13[%mul3A_2370] : memref<320xf32, #tpu.memory_space<hbm>> -> memref<80xf32, #tpu.memory_space<hbm>>
        tpu.enqueue_dma source(%arg31 : memref<80xf32, #tpu.memory_space<vmem>>) target(%dma_start3A_2371 : memref<80xf32, #tpu.memory_space<hbm>>) target_semaphore(%run_scoped3A : memref<!tpu.dma_semaphore, #tpu.memory_space<semaphore_mem>>)
        %dma_wait3A = tpu.memref_slice %arg13[%mul3A_2370] : memref<320xf32, #tpu.memory_space<hbm>> -> memref<80xf32, #tpu.memory_space<hbm>>
        %dma_wait3A_2372 = tpu.memref_slice %arg13[%mul3A_2370] : memref<320xf32, #tpu.memory_space<hbm>> -> memref<80xf32, #tpu.memory_space<hbm>>
        tpu.wait_dma2 semaphore(%run_scoped3A : memref<!tpu.dma_semaphore, #tpu.memory_space<semaphore_mem>>) src(%arg31 : memref<80xf32, #tpu.memory_space<vmem>>) dst(%dma_wait3A_2372 : memref<80xf32, #tpu.memory_space<hbm>>)
        tpu.yield
      }) : () -> ()
    } else {
    }
    return
  }
}

</mosaic_0001>

<sc_bundles>
// kernel: _run.3.cloned.1.call-start
scs
__scs_entry_jumppad:
0x0: {  	(pc) =	sbr.rel $0x88, $3  }
0x1: {  	(tag) =	ssettag $0x0;
	lr =	simm.s32 $0x1  }
0x2: {  	[smem:$0x3F96] =	sst lr;
	_ =	strace $0xD0000000  }
0x3: {  	_ = 	snop  }
0x4: {  	_ = 	snop  }
0x5: {  	_ = 	snop  }
0x6: {  	_ = 	snop  }
0x7: {  	_ = 	snop  }
__scs_overlays_trampoline_lowered:
0x8: {  	[smem:$0x3FA5] =	sst s0  }
0x9: {  	[smem:$0x3FA6] =	sst s1  }
0xa: {  	[smem:$0x3FA7] =	sst s2  }
0xb: {  	[smem:$0x3FA8] =	sst s3  }
0xc: {  	[smem:$0x3FA9] =	sst s4  }
0xd: {  	[smem:$0x3FAA] =	sst s5  }
0xe: {  	[smem:$0x3FAB] =	sst s6  }
0xf: {  	[smem:$0x3FAC] =	sst s7  }
0x10: {  	[smem:$0x3FAD] =	sst s8  }
0x11: {  	[smem:$0x3FAE] =	sst s9;
	s0 =	simm.s32 @!p0 $0x0  }
0x12: {  	s1 =	sld [smem:$0x3F94];
	s0 =	simm.s32 @p0 $0x1  }
0x13: {  	[smem:$0x3FAF] =	sst s0;
	s0 =	simm.s32 @!p1 $0x0  }
0x14: {  	s2 =	sld [smem:$0x3F93];
	s0 =	simm.s32 @p1 $0x1  }
0x15: {  	[smem:$0x3FB0] =	sst s0;
	s0 =	simm.s32 @!p2 $0x0  }
0x16: {  	s3 =	sld [smem:$0x3FDB];
	s0 =	simm.s32 @p2 $0x1  }
0x17: {  	s4 =	simm.s32 $0x1BF5;
	[smem:$0x3FB2] =	sst s0  }
0x18: {  	s0 =	sld [smem:$0x3F95];
	_ =	swait.ge [sflag:s4], $0x0  }
0x19: {  	s7 =	sld [smem:$0x3F96]  }
0x1a: {  	s8 =	sadd.s32 $0xFFFFE003, lr  }
0x1b: {  	s9 =	sadd.s32 $0xFFFFFEF7, lr;
	s5 =	simm.s32 $0xFFFFFFFF;
	p2 =	slt.u32 s8, $0xFFFFF086  }
0x1c: {  	p1 =	slt.u32 s9, $0xF7A;
	s5 =	simm.s32 @!p2 $0x0  }
0x1d: {  	s5 =	simm.s32 @p1 $0x1;
	p0 =	seq.s32 s7, s2  }
0x1e: {  	s7 =	smul.u32 @!p0 $0xF7A, s2;
	p2 =	seq.s32 @!p0 s5, $0x0  }
0x1f: {  	s9 =	smul.u32 $0xF7A, s1;
	s8 =	simm.s32 @!p0 $0x1BF5;
	p2 =	por !p2, p0  }
0x20: {  	[sflag:s8] =	ssyncset.s32 @!p0 $0xFFFFF086;
	s6 =	sadd.s32 @!p0 s3, s7;
	s7 =	simm.s32 @!p0 $0x108  }
0x21: {  	s3 =	sadd.s32 s3, s9;
	s6 =	sadd.s32 @!p0 $0x88, s6;
	s7 =	simm.s32 @p2 $0x1082  }
0x22: {  	[simem:s7], [sflag:s8] =	dma.local @!p0 [hbm:s6], $0xF7A  }
0x23: {  	s9 =	sor.u32 $0xD0000000, s2;
	s6 =	simm.s32 $0x108;
	_ =	swait.ge @!p0 [sflag:s8], $0x0  }
0x24: {  	s3 =	sadd.s32 $0x88, s3;
	s6 =	simm.s32 @!p1 $0x1082;
	[sflag:s4] =	ssyncset.s32 $0xFFFFF086  }
0x25: {  	[simem:s6], [sflag:s4] =	dma.local [hbm:s3], $0xF7A  }
0x26: {  	[smem:$0x3F96] =	sst s1;
	(tag) =	ssettag s2;
	_ =	strace s9  }
0x27: {  	s1 =	sld [smem:$0x3FA6]  }
0x28: {  	s2 =	sld [smem:$0x3FA7]  }
0x29: {  	s4 =	sld [smem:$0x3FA9]  }
0x2a: {  	p0 =	seq.s32 s5, $0x0;
	s5 =	sld [smem:$0x3FAA]  }
0x2b: {  	s6 =	sld [smem:$0x3FAB]  }
0x2c: {  	s7 =	sld [smem:$0x3FAC]  }
0x2d: {  	s3 =	simm.s32 $0x108;
	s8 =	sld [smem:$0x3FAD]  }
0x2e: {  	s3 =	simm.s32 @!p0 $0x1082;
	s9 =	sld [smem:$0x3FAE]  }
0x2f: {  	lr =	sadd.s32 s0, s3;
	s0 =	sld [smem:$0x3FA5]  }
0x30: {  	s3 =	sld [smem:$0x3FA8]  }
0x31: {  	[smem:$0x3FB1] =	sst s10  }
0x32: {  	s10 =	sld [smem:$0x3FAF];
	_ =	sdelay $0x3  }
0x33: {  	p0 =	seq.s32 s10, $0x1;
	s10 =	sld [smem:$0x3FB1];
	_ =	sdelay $0x3  }
0x34: {  	[smem:$0x3FB1] =	sst s10  }
0x35: {  	s10 =	sld [smem:$0x3FB0];
	_ =	sdelay $0x3  }
0x36: {  	p1 =	seq.s32 s10, $0x1;
	s10 =	sld [smem:$0x3FB1];
	_ =	sdelay $0x3  }
0x37: {  	[smem:$0x3FB1] =	sst s10  }
0x38: {  	s10 =	sld [smem:$0x3FB2]  }
0x39: {  	_ = 	snop;
	(pc) =	sbr.ind lr, $3  }
0x3a: {  	_ = 	snop  }
0x3b: {  	_ = 	snop  }
0x3c: {  	p2 =	seq.s32 s10, $0x1;
	s10 =	sld [smem:$0x3FB1]  }
0x3d: {  	_ =	shalt  }
0x3e: {  	_ =	shalt  }
0x3f: {  	_ =	shalt  }
0x40: {  	_ =	shalt  }
0x41: {  	_ =	shalt  }
0x42: {  	_ =	shalt  }
0x43: {  	_ =	shalt  }
0x44: {  	_ =	shalt  }
0x45: {  	_ =	shalt  }
0x46: {  	_ =	shalt  }
0x47: {  	_ =	shalt  }
0x48: {  	_ =	shalt  }
0x49: {  	_ =	shalt  }
0x4a: {  	_ =	shalt  }
0x4b: {  	_ =	shalt  }
0x4c: {  	_ =	shalt  }
0x4d: {  	_ =	shalt  }
0x4e: {  	_ =	shalt  }
0x4f: {  	_ =	shalt  }
0x50: {  	_ =	shalt  }
0x51: {  	_ =	shalt  }
0x52: {  	_ =	shalt  }
0x53: {  	_ =	shalt  }
0x54: {  	_ =	shalt  }
0x55: {  	_ =	shalt  }
0x56: {  	_ =	shalt  }
0x57: {  	_ =	shalt  }
0x58: {  	_ =	shalt  }
0x59: {  	_ =	shalt  }
0x5a: {  	_ =	shalt  }
0x5b: {  	_ =	shalt  }
0x5c: {  	_ =	shalt  }
0x5d: {  	_ =	shalt  }
0x5e: {  	_ =	shalt  }
0x5f: {  	_ =	shalt  }
0x60: {  	_ =	shalt  }
0x61: {  	_ =	shalt  }
0x62: {  	_ =	shalt  }
0x63: {  	_ =	shalt  }
0x64: {  	_ =	shalt  }
0x65: {  	_ =	shalt  }
0x66: {  	_ =	shalt  }
0x67: {  	_ =	shalt  }
0x68: {  	_ =	shalt  }
0x69: {  	_ =	shalt  }
0x6a: {  	_ =	shalt  }
0x6b: {  	_ =	shalt  }
0x6c: {  	_ =	shalt  }
0x6d: {  	_ =	shalt  }
0x6e: {  	_ =	shalt  }
0x6f: {  	_ =	shalt  }
0x70: {  	_ =	shalt  }
0x71: {  	_ =	shalt  }
0x72: {  	_ =	shalt  }
0x73: {  	_ =	shalt  }
0x74: {  	_ =	shalt  }
0x75: {  	_ =	shalt  }
0x76: {  	_ =	shalt  }
0x77: {  	_ =	shalt  }
0x78: {  	_ =	shalt  }
0x79: {  	_ =	shalt  }
0x7a: {  	_ =	shalt  }
0x7b: {  	_ =	shalt  }
0x7c: {  	_ =	shalt  }
0x7d: {  	_ =	shalt  }
0x7e: {  	_ =	shalt  }
0x7f: {  	_ =	shalt  }
0x80: {  	_ =	shalt  }
0x81: {  	_ =	shalt  }
0x82: {  	_ =	shalt  }
0x83: {  	_ =	shalt  }
0x84: {  	_ =	shalt  }
0x85: {  	_ =	shalt  }
0x86: {  	_ =	shalt  }
0x87: {  	_ =	shalt  }
.Lfunc_end0:
.L_simem_size_0:
called_computation_lowered:
.L_overlay_start_0:
0x88: {  	s2 =	sld [smem:$0x3FD9]  }
0x89: {  	s3 =	sld [smem:$0x3FFE];
	_ =	sdelay $0x1  }
0x8a: {  	s1 =	srdreg.scid  }
0x8b: {  	s0 =	sand.u32 $0x1, s1  }
0x8c: {  	s25 =	sshll.u32 s0, $0xA;
	s2 =	sadd.s32 s3, s2  }
0x8d: {  	s2 =	sadd.s32 s2, s25  }
0x8e: {  	[smem:$0x3FBD] =	sst s2  }
0x8f: {  	_ = 	snop  }
0x90: {  	s2 =	sld [smem:$0x3FC9]  }
0x91: {  	s3 =	sld [smem:$0x3FC8]  }
0x92: {  	s4 =	sld [smem:$0x3FC7]  }
0x93: {  	s5 =	sld [smem:$0x3FC6]  }
0x94: {  	s6 =	sld [smem:$0x3FC5]  }
0x95: {  	s7 =	sld [smem:$0x3FC4]  }
0x96: {  	s8 =	sld [smem:$0x3FC3]  }
0x97: {  	s9 =	sld [smem:$0x3FC2]  }
0x98: {  	s13 =	sld [smem:$0x3FD0]  }
0x99: {  	s10 =	sld [smem:$0x3FC1]  }
0x9a: {  	s11 =	sld [smem:$0x3FC0]  }
0x9b: {  	s14 =	simm.s32 $0xA;
	s15 =	simm.s32 $0x10;
	s12 =	sld [smem:$0x3FBF]  }
0x9c: {  	[smem:s15], [sflag:s14] =	dma.local [hbm:s13], $0x1  }
0x9d: {  	_ =	swait.eq [sflag:s14], $0x1  }
0x9e: {  	[sflag:s14] =	ssyncset.done $0x0  }
0x9f: {  	s13 =	sld [smem:$0x10];
	[sflag:s14] =	ssyncadd.s32 $0xFFFFFFFF  }
0xa0: {  	s14 =	sld [smem:$0x11];
	(tm) =	ssettm $0x1  }
0xa1: {  	s26 =	sld [smem:$0x3FFB];
	_ =	sdelay $0x3  }
0xa2: {  	_ =	strace s26  }
0xa3: {  	s15 =	sld [smem:$0x3FFC];
	_ =	sdelay $0x3  }
0xa4: {  	_ =	strace s15  }
0xa5: {  	s15 =	sld [smem:$0x3FFD];
	_ =	sdelay $0x3  }
0xa6: {  	_ =	strace s15  }
0xa7: {  	_ =	strace $0x8FFFFFFF  }
0xa8: {  	s28 =	sld [smem:$0x3FDB];
	_ =	sdelay $0x1  }
0xa9: {  	s16 =	simm.s32 $_scs_section_size  }
0xaa: {  	s17 =	simm.s32 $_size__tile_task_arg_handler_lowered;
	s18 =	simm.s32 $_tile_task_arg_handler_lowered  }
0xab: {  	s31 =	simm.s32 $0x1BFF;
	s30 =	sshll.u32 s18, $0x1;
	s16 =	sadd.s32 s16, s28  }
0xac: {  	s19 =	simm.s32 $0x60;
	s29 =	sshll.u32 s17, $0x1;
	s17 =	sadd.s32 s30, s16  }
0xad: {  	[timem:s19], [sflag:s31] =	dma.local [hbm:s17], s29  }
0xae: {  	_ =	swait.ge [sflag:s31], s29  }
0xaf: {  	s15 =	ssub.s32 $0x0, s29;
	s19 =	simm.s32 $_tile_overlayer_lowered;
	[sflag:s31] =	ssyncset.done $0x0  }
0xb0: {  	s20 =	simm.s32 $_size__tile_overlayer_lowered;
	s17 =	sshll.u32 s19, $0x1;
	[sflag:s31] =	ssyncadd.s32 s15  }
0xb1: {  	s22 =	simm.s32 $0x0;
	s21 =	sshll.u32 s20, $0x1;
	s17 =	sadd.s32 s17, s16  }
0xb2: {  	[timem:s22], [sflag:s31] =	dma.local [hbm:s17], s21  }
0xb3: {  	_ =	swait.ge [sflag:s31], s21  }
0xb4: {  	s23 =	ssub.s32 $0x0, s21;
	[sflag:s31] =	ssyncset.done $0x0  }
0xb5: {  	[sflag:s31] =	ssyncadd.s32 s23;
	_ =	sdelay $0x1  }
0xb6: {  	s24 =	simm.s32 $0x1B8B  }
0xb7: {  	_ =	swait.ge [sflag:s24], $0x1  }
0xb8: {  	[sflag:s24] =	ssyncset.done $0x0  }
0xb9: {  	s25 =	simm.s32 $0x1B8E;
	[sflag:s24] =	ssyncadd.s32 $0xFFFFFFFF  }
0xba: {  	s26 =	simm.s32 $execute0_lowered;
	[smem:$0x3FD2] =	sst s25  }
0xbb: {  	s17 =	sshll.u32 s26, $0x1;
	_ =	strace $0x80000046;
	[dreg:$0x1] =	wrdreg $0xFFFFFFFF  }
0xbc: {  	s28 =	simm.s32 $_size_execute0_lowered;
	s16 =	sadd.s32 s16, s17;
	[dreg:$0x0] =	wrdreg $0x0  }
0xbd: {  	s17 =	sshll.u32 s28, $0x1;
	[dreg:$0x2] =	wrdreg s16  }
0xbe: {  	[dreg:$0x3] =	wrdreg s17  }
0xbf: {  	[dreg:$0x4] =	wrdreg $0xC0  }
0xc0: {  	_ =	task [dreg:s22], $0x5FFFF  }
0xc1: {  	[dreg:$0x1] =	wrdreg $0xFFFFFFFF  }
0xc2: {  	[dreg:$0x0] =	wrdreg $0x30  }
0xc3: {  	[dreg:$0x2] =	wrdreg $0x0  }
0xc4: {  	[dreg:$0x3] =	wrdreg $0x0  }
0xc5: {  	[dreg:$0x4] =	wrdreg $0xC400  }
0xc6: {  	[dreg:$0x5] =	wrdreg $0x18800  }
0xc7: {  	[dreg:$0x6] =	wrdreg $0x9  }
0xc8: {  	_ =	task [dreg:s22], $0x7FFFF  }
0xc9: {  	[dreg:$0x1] =	wrdreg $0xFFFFFFFF  }
0xca: {  	[dreg:$0x0] =	wrdreg $0x60  }
0xcb: {  	[dreg:$0x2] =	wrdreg s2  }
0xcc: {  	[dreg:$0x3] =	wrdreg s3  }
0xcd: {  	[dreg:$0x4] =	wrdreg s4  }
0xce: {  	[dreg:$0x5] =	wrdreg s5  }
0xcf: {  	[dreg:$0x6] =	wrdreg s6  }
0xd0: {  	[dreg:$0x7] =	wrdreg s7  }
0xd1: {  	[dreg:$0x8] =	wrdreg s8  }
0xd2: {  	[dreg:$0x9] =	wrdreg s9  }
0xd3: {  	[dreg:$0xa] =	wrdreg s10  }
0xd4: {  	[dreg:$0xb] =	wrdreg s11  }
0xd5: {  	[dreg:$0xc] =	wrdreg s12  }
0xd6: {  	[dreg:$0xd] =	wrdreg s13  }
0xd7: {  	[dreg:$0xe] =	wrdreg s14  }
0xd8: {  	[dreg:$0xf] =	wrdreg $0x24C00  }
0xd9: {  	_ =	task.clear_ibuf [dreg:s22], $0x10FFFF;
	_ =	strace $0x90000046  }
0xda: {  	s29 =	simm.s32 $0x9;
	_ =	strace $0x80000048  }
0xdb: {  	_ =	swait.ge [sflag:s29], $0x1  }
0xdc: {  	[sflag:s29] =	ssyncadd.s32 $0xFFFFFFFF  }
0xdd: {  	_ =	strace $0x90000048  }
0xde: {  	_ =	sfence  }
0xdf: {  	s30 =	sld [smem:$0x0];
	_ =	sdelay $0x2  }
0xe0: {  	s31 =	sshll.u32 s1, $0xD;
	s1 =	sshrl.u32 s1, $0x2  }
0xe1: {  	s3 =	sand.u32 $0x4000, s31;
	s1 =	sadd.s32 s1, s30  }
0xe2: {  	s0 =	sor.u32 s3, s0;
	s1 =	sshll.u32 s1, $0x11  }
0xe3: {  	s0 =	sor.u32 s1, s0  }
0xe4: {  	s0 =	sadd.s32 $0x8F2B, s0  }
0xe5: {  	[sflag:s0] =	ssyncadd.remote.s32 $0x1  }
0xe6: {  	_ =	sfence.sel $0xFFFF  }
0xe7: {  	[dreg:$0x0] =	wrdreg $0xFFFFFFFF;
	(pc) =	sbr.abs _section_cstart, $3  }
0xe8: {  	[dreg:$0x1] =	wrdreg $0xFFFFFFFF  }
0xe9: {  	_ =	task.clear_ibuf [dreg:s22], $0x2FFFF;
	_ =	strace $0x9FFFFFFF  }
0xea: {  	(tm) =	ssettm $0x7FFFFFFF  }
0xeb: {  	_ =	shalt  }
tec
_tile_task_arg_handler_lowered:
.L_overlay_start_1:
0x0: {  	(tag) =	ssettag $0x1  }
0x1: {  	s0 =	rddreg [dreg:$0x0]  }
0x2: {  	s1 =	rddreg [dreg:$0x1]  }
0x3: {  	s2 =	rddreg [dreg:$0x2]  }
0x4: {  	s3 =	rddreg [dreg:$0x3]  }
0x5: {  	s4 =	rddreg [dreg:$0x4]  }
0x6: {  	s5 =	rddreg [dreg:$0x5]  }
0x7: {  	s6 =	rddreg [dreg:$0x6]  }
0x8: {  	s7 =	rddreg [dreg:$0x7]  }
0x9: {  	s8 =	rddreg [dreg:$0x8]  }
0xa: {  	s9 =	rddreg [dreg:$0x9]  }
0xb: {  	s10 =	rddreg [dreg:$0xa]  }
0xc: {  	s11 =	rddreg [dreg:$0xb]  }
0xd: {  	s12 =	rddreg [dreg:$0xc]  }
0xe: {  	s13 =	rddreg [dreg:$0xd]  }
0xf: {  	[smem:s0] =	sst s1  }
0x10: {  	[smem:s0+$0x1] =	sst s2  }
0x11: {  	[smem:s0+$0x2] =	sst s3  }
0x12: {  	[smem:s0+$0x3] =	sst s4  }
0x13: {  	[smem:s0+$0x4] =	sst s5  }
0x14: {  	[smem:s0+$0x5] =	sst s6  }
0x15: {  	[smem:s0+$0x6] =	sst s7  }
0x16: {  	[smem:s0+$0x7] =	sst s8  }
0x17: {  	[smem:s0+$0x8] =	sst s9  }
0x18: {  	[smem:s0+$0x9] =	sst s10  }
0x19: {  	[smem:s0+$0xA] =	sst s11  }
0x1a: {  	[smem:s0+$0xB] =	sst s12  }
0x1b: {  	[smem:s0+$0xC] =	sst s13;
	_ =	shalt  }
.Lfunc_end2:
execute0_lowered:
.L_overlay_start_2:
0x1c: {  	(tag) =	ssettag $0x2  }
0x1d: {  	s0 =	rddreg [dreg:$0x0]  }
0x1e: {  	s1 =	rddreg [dreg:$0x1]  }
0x1f: {  	s2 =	rddreg [dreg:$0x2]  }
0x20: {  	s3 =	rddreg [dreg:$0xc]  }
0x21: {  	s4 =	rddreg [dreg:$0xd]  }
0x22: {  	s8 =	simm.s32 $0x0;
	s19 =	stileid.u32;
	s6 =	srdreg.scid  }
0x23: {  	[smem:$0x7FF] =	sst s8;
	s7 =	sshrl.u32 s19, $0x3;
	s10 =	smul.u32 $0xC40, s19  }
0x24: {  	s6 =	sand.u32 $0x1, s6;
	s11 =	sand.u32 $0x7, s19;
	s20 =	smul.u32 $0x6200, s19  }
0x25: {  	s30 =	sadd.s32 $0xFFFFFFFE, s19;
	s5 =	sld [smem:$0x0];
	s9 =	smul.u32 $0xC4000, s7  }
0x26: {  	p2 =	sgt.u32 s19, $0x1;
	s12 =	sld [smem:$0x1];
	s14 =	smul.u32 $0x3100, s11  }
0x27: {  	s13 =	ssub.s32 $0x2, s6;
	s16 =	sshll.u32 s6, $0x1;
	s17 =	smul.u32 $0xC400, s6  }
0x28: {  	s21 =	sld [smem:$0x2];
	s24 =	smul.u32 $0x18800, s30;
	s15 =	sshrl.u32 s13, $0x1  }
0x29: {  	s25 =	sor.u32 s7, s16;
	s7 =	smul.u32 $0x18800, s7;
	s18 =	ssub.s32 s13, s15  }
0x2a: {  	s9 =	sshrl.u32 s9, $0x2;
	s14 =	sshrl.u32 s14, $0x2;
	s26 =	sadd.s32 s10, s17  }
0x2b: {  	s13 =	smul.u32 $0x186A00, s25;
	s17 =	sand.u32 $0xE, s19;
	s9 =	sadd.s32 s9, s4  }
0x2c: {  	s29 =	sshrl.u32 s26, $0x3;
	s22 =	sshrl.u32 s7, $0x2;
	s23 =	sadd.s32 s10, s12  }
0x2d: {  	s25 =	sadd.s32 s10, s21;
	s26 =	sshra.s32 s24, $0x2;
	s24 =	smul.u32 $0x186A0, s11  }
0x2e: {  	s11 =	sor.u32 s19, s6;
	p1 =	sne.s32 s17, $0x2;
	s18 =	smax.u32 s18, $0x1  }
0x2f: {  	s9 =	sadd.s32 s14, s9;
	s1 =	sadd.s32 s1, s29;
	[dreg:$0x12] =	wrdreg s23  }
0x30: {  	s14 =	sadd.s32 s19, s16;
	s16 =	sor.u32 s30, s16;
	[dreg:$0x13] =	wrdreg s25  }
0x31: {  	s30 =	rddreg [dreg:$0xb];
	p0 =	sne.s32 s11, $0x0;
	s11 =	simm.s32 $0x18140  }
0x32: {  	[dreg:$0xe] =	wrdreg s1;
	s1 =	sshll.u32 s14, $0x1;
	s15 =	sshll.u32 s16, $0x3  }
0x33: {  	s14 =	sadd.s32 s20, s4;
	s29 =	smul.u32 $0xA, s16;
	s1 =	sadd.s32 s3, s1  }
0x34: {  	s2 =	sadd.s32 s2, s15;
	s15 =	sadd.s32 s10, s5;
	s5 =	sld [smem:$0x3]  }
0x35: {  	s4 =	sadd.s32 $0x18800, s9;
	s6 =	sadd.s32 $0x24C00, s9;
	[dreg:$0xf] =	wrdreg s1  }
0x36: {  	s3 =	sadd.s32 s22, s12;
	s10 =	sadd.s32 s20, s21;
	[dreg:$0x10] =	wrdreg s2  }
0x37: {  	v0 =	vimm.s32 $0x3210FEDC;
	v1 =	vimm.f32 $2.500000000e+04;
	s12 =	sadd.s32 $0x18000, s24;
	[dreg:$0x11] =	wrdreg s3;
	s1 =	sadd.s32 s26, s21  }
0x38: {  	v2 =	vimm.s32 $0xBA987654;
	v3 =	vimm.s32 $0xFEDCBA98;
	s7 =	sadd.s32 s30, s29;
	s26 =	sadd.s32 $0xC3500, s13;
	s21 =	sadd.s32 $0x6200, s9  }
0x39: {  	v4 =	vimm.s32 $0x10FEDCBA;
	v0 =	vunpack.c.l.s4.s8 v0;
	v2 =	vunpack.c.l.s4.s8 v2;
	s3 =	sadd.s32 $0x12600, s9;
	s19 =	sadd.s32 $0x55C0, s10;
	[dreg:$0x16] =	wrdreg s1  }
0x3a: {  	v5 =	vimm.s32 $0x98765432;
	v6 =	vimm.s32 $0xFEDCBA9;
	vm1 =	vmmov $0x1;
	s20 =	sadd.s32 $0xC40, s10;
	s22 =	sadd.s32 $0x1880, s10;
	[dreg:$0x17] =	wrdreg s7  }
0x3b: {  	vm2 =	vmmov $0xff;
	v0 =	vunpack.c.0.s8.s32 v0;
	v2 =	vunpack.c.0.s8.s32 v2;
	s23 =	sadd.s32 $0x24C0, s10;
	s25 =	sadd.s32 $0x3100, s10;
	[dreg:$0x15] =	wrdreg s5  }
0x3c: {  	vm3 =	vcmask $0x308;
	v4 =	vunpack.c.l.s4.s8 v4;
	v5 =	vunpack.c.l.s4.s8 v5;
	s29 =	sadd.s32 $0x3D40, s10;
	_ =	strace $0x80000047;
	[dreg:$0x19] =	wrdreg s18  }
0x3d: {  	vm4 =	vcmask $0x70C;
	v7 =	vcombine.low v2, v0;
	s30 =	sadd.s32 $0x4980, s10;
	s16 =	sadd.s32 s12, s26;
	[dreg:$0x1a] =	wrdreg s19;
	(erf) = vrcp.f32 v1  }
0x3e: {  	v2 =	vunpack.c.0.s8.s32 v4;
	v0 =	vimm.s32 $0x87654321;
	v4 =	vunpack.c.0.s8.s32 v5;
	s1 =	sadd.s32 s12, s13;
	s31 =	sadd.s32 s24, s26;
	[dreg:$0x1b] =	wrdreg s20  }
0x3f: {  	v5 =	vunpack.c.l.s4.s8 v6;
	v6 =	vunpack.c.l.s4.s8 v0;
	s7 =	sadd.s32 $0xC400, s9;
	s12 =	simm.s32 $0x15AC0;
	[dreg:$0x1c] =	wrdreg s22;
	v1 =	vimm.s32 $0x76543210  }
0x40: {  	vm5 =	vcmask $0xB10;
	v3 =	vunpack.c.l.s4.s8 v3;
	s2 =	sshrl.u32 s16, $0x3;
	s1 =	sshrl.u32 s1, $0x3;
	[dreg:$0x1d] =	wrdreg s23;
	v8 =	vunpack.c.l.s4.s8 v1  }
0x41: {  	v4 =	vcombine.low v4, v2;
	v2 =	vunpack.c.0.s8.s32 v5;
	v5 =	vunpack.c.0.s8.s32 v6;
	s5 =	sadd.s32 $0x1EA00, s9;
	s16 =	simm.s32 $0x0;
	[dreg:$0x1e] =	wrdreg s25  }
.Ltmp0:
0x42: {  	vm6 =	vcmask $0xF14;
	v3 =	vunpack.c.0.s8.s32 v3;
	s28 =	sadd.s32 s0, s2;
	[dreg:$0x1f] =	wrdreg s29;
	v6 =	vunpack.c.0.s8.s32 v8;
	(pc) =	sbr.rel .LBB3_1-.Ltmp0, $4  }
0x43: {  	vm7 =	vcmask $0x1318;
	vm8 =	vcmask $0x171C;
	v5 =	vcombine.low v5, v2;
	s1 =	sadd.s32 s0, s1;
	s18 =	sadd.s32 $0x2AE00, s9;
	[dreg:$0x14] =	wrdreg s10  }
0x44: {  	vm9 =	vcmask $0x1B20;
	v3 =	vand.u32 $0xF, v3;
	v0 =	vimm.f32 $0.0e+00;
	[smem:$0x7FD] =	sst s30;
	s22 =	simm.s32 $0x14AC0;
	s2 =	simm.s32 $0x86C0  }
0x45: {  	vm0 =	vcmask @!p0 $0x300;
	v4 =	vand.u32 $0xF, v4;
	s23 =	simm.s32 $0x173C0;
	s25 =	simm.s32 $0xE8C0;
	s20 =	simm.s32 $0x152C0;
	v5 =	vand.u32 $0xF, v5  }
0x46: {  	s10 =	simm.s32 $0x183C0;
	[dreg:$0x18] =	wrdreg s1;
	s1 =	simm.s32 $0x1;
	v1 =	vimm.f32 $1.000000000e+00;
	v2 =	vcombine.low v3, v6;
	v3 =	vand.u32 $0xF, v7;
	v6 =	vpop (erf)  }
.LBB3_69:
0x47: {  	s16 =	sadd.s32 $0x1, s16;
	s17 =	rddreg [dreg:$0x19]  }
0x48: {  	p3 =	sne.s32 s16, s17  }
.Ltmp1:
0x49: {  	_ = 	snop;
	(pc) =	sbr.rel @!p3 .LBB3_70-.Ltmp1, $1  }
0x4a: {  	_ =	sdelay $0x3  }
.LBB3_1:
0x4b: {  	s17 =	simm.s32 $0x40;
	s19 =	simm.s32 $0x0  }
.LBB3_2:
0x4c: {  	p3 =	sne.s32 s17, $0x187C0;
	[tilespmem:s19+$0x86C0] =	vst v0;
	s19 =	smov.u32 s17;
	s17 =	sadd.s32 $0x40, s17  }
.Ltmp2:
0x4d: {  	(pc) =	sbr.rel @p3 .LBB3_2-.Ltmp2, $2  }
0x4e: {  	_ =	sdelay $0x2  }
0x4f: {  	s19 =	sshra.s32 s19, $0x2  }
0x50: {  	[tilespmem:s19+$0x86C0] =	vst v0;
	s17 =	simm.s32 $0x0;
	s19 =	simm.s32 $0x0  }
.LBB3_4:
0x51: {  	s29 =	sshll.u32 s19, $0xB  }
0x52: {  	s29 =	sadd.s32 s29, s31  }
0x53: {  	s29 =	sshrl.u32 s29, $0x3  }
0x54: {  	s29 =	sadd.s32 s0, s29  }
0x55: {  	[tilespmem:s22], [sflag:$0x1] =	stream.linear.gather [hbm4b:s29+s17], $0x800, $0x38;
	[tilespmem:$0x18440] =	vst v63  }
0x56: {  	_ =	swait.ge [sflag:s1], $0x800  }
0x57: {  	[sflag:s1] =	ssyncset.done $0x0  }
0x58: {  	s29 =	simm.s32 $0x0;
	[sflag:s1] =	ssyncadd.s32 $0xFFFFF800  }
.LBB3_5:
0x59: {  	s30 =	sshra.s32 s29, $0x2  }
0x5a: {  	v7 =	vld [tilespmem:s30+$0x14AC0];
	_ =	sdelay $0x7  }
0x5b: {  	[tilespmem:v7+s2+$0x0] =	vst.idx.add.f32.msk $0xffff, v1  }
0x5c: {  	v7 =	vld [tilespmem:s30+$0x14AD0];
	_ =	sdelay $0x7  }
0x5d: {  	[tilespmem:v7+s2+$0x0] =	vst.idx.add.f32.msk $0xffff, v1  }
0x5e: {  	v7 =	vld [tilespmem:s30+$0x14AE0];
	_ =	sdelay $0x7  }
0x5f: {  	[tilespmem:v7+s2+$0x0] =	vst.idx.add.f32.msk $0xffff, v1  }
0x60: {  	v7 =	vld [tilespmem:s30+$0x14AF0];
	_ =	sdelay $0x2  }
0x61: {  	p3 =	sne.s32 s29, $0x1F00  }
.Ltmp3:
0x62: {  	_ = 	snop;
	(pc) =	sbr.rel @p3 .LBB3_5-.Ltmp3, $2  }
0x63: {  	_ =	sdelay $0x2  }
0x64: {  	s29 =	sadd.s32 $0x100, s29;
	[tilespmem:v7+s2+$0x0] =	vst.idx.add.f32.msk $0xffff, v1  }
0x65: {  	s19 =	sadd.s32 $0x1, s19  }
0x66: {  	p3 =	sne.s32 s19, $0x30  }
.Ltmp4:
0x67: {  	_ = 	snop;
	(pc) =	sbr.rel @p3 .LBB3_4-.Ltmp4, $1  }
0x68: {  	_ =	sdelay $0x3  }
0x69: {  	s17 =	simm.s32 $0x0  }
0x6a: {  	[tilespmem:s22], [sflag:$0x1] =	stream.linear.gather [hbm4b:s28+s17], $0x6A0, $0x38;
	[tilespmem:$0x18440] =	vst v63  }
0x6b: {  	_ =	swait.ge [sflag:s1], $0x6A0  }
0x6c: {  	[sflag:s1] =	ssyncset.done $0x0  }
0x6d: {  	[sflag:s1] =	ssyncadd.s32 $0xFFFFF960  }
.LBB3_8:
0x6e: {  	s19 =	sshra.s32 s17, $0x2  }
0x6f: {  	v7 =	vld [tilespmem:s19+$0x14AC0];
	_ =	sdelay $0x7  }
0x70: {  	[tilespmem:v7+s2+$0x0] =	vst.idx.add.f32.msk $0xffff, v1  }
0x71: {  	v7 =	vld [tilespmem:s19+$0x14AD0];
	_ =	sdelay $0x7  }
0x72: {  	[tilespmem:v7+s2+$0x0] =	vst.idx.add.f32.msk $0xffff, v1  }
0x73: {  	v7 =	vld [tilespmem:s19+$0x14AE0];
	_ =	sdelay $0x7  }
0x74: {  	[tilespmem:v7+s2+$0x0] =	vst.idx.add.f32.msk $0xffff, v1  }
0x75: {  	v7 =	vld [tilespmem:s19+$0x14AF0];
	_ =	sdelay $0x2  }
0x76: {  	p3 =	sne.s32 s17, $0x1900  }
.Ltmp5:
0x77: {  	_ = 	snop;
	(pc) =	sbr.rel @p3 .LBB3_8-.Ltmp5, $2  }
0x78: {  	_ =	sdelay $0x2  }
0x79: {  	s17 =	sadd.s32 $0x100, s17;
	[tilespmem:v7+s2+$0x0] =	vst.idx.add.f32.msk $0xffff, v1  }
0x7a: {  	[spmem:s14] =	stream.linear.scatter [tilespmem:s2], [sflag:$0x1], $0x6200, $0x38;
	[tilespmem:$0x18440] =	vst v63  }
0x7b: {  	_ =	swait.ge [sflag:s1], $0x6200  }
0x7c: {  	[sflag:s1] =	ssyncset.done $0x0  }
0x7d: {  	[sflag:s1] =	ssyncadd.s32 $0xFFFF9E00  }
0x7e: {  	s17 =	simm.s32 $0x16740;
	[bflag:$0x0] =	sbarrier.arrive $0xFFFF  }
0x7f: {  	[tilespmem:s17], [sflag:$0x1] =	stream.linear.gather [spmem:s9], $0xC40, $0x38;
	[tilespmem:$0x18440] =	vst v63  }
0x80: {  	_ =	swait.ge [sflag:s1], $0xC40  }
0x81: {  	[sflag:s1] =	ssyncset.done $0x0  }
0x82: {  	[sflag:s1] =	ssyncadd.s32 $0xFFFFF3C0  }
0x83: {  	[tilespmem:s12], [sflag:$0x1] =	stream.linear.gather [spmem:s21], $0xC40, $0x38;
	[tilespmem:$0x18440] =	vst v63  }
0x84: {  	_ =	swait.ge [sflag:s1], $0xC40  }
0x85: {  	[sflag:s1] =	ssyncset.done $0x0  }
0x86: {  	s17 =	simm.s32 $0x0;
	[sflag:s1] =	ssyncadd.s32 $0xFFFFF3C0  }
0x87: {  	v12 =	vld [tilespmem:s17+$0x15AC0]  }
0x88: {  	v13 =	vld [tilespmem:s17+$0x15AD0]  }
0x89: {  	v8 =	vld [tilespmem:s17+$0x15AE0]  }
0x8a: {  	v7 =	vld [tilespmem:s17+$0x15AF0]  }
0x8b: {  	v9 =	vld [tilespmem:s17+$0x16740]  }
0x8c: {  	v11 =	vld [tilespmem:s17+$0x16750]  }
0x8d: {  	s19 =	simm.s32 $0x100;
	v10 =	vld [tilespmem:s17+$0x16760]  }
.LBB3_10:
0x8e: {  	s29 =	sshra.s32 s19, $0x2;
	p3 =	sne.s32 s19, $0x3000;
	v14 =	vld [tilespmem:s17+$0x16770];
	v15 =	vmov v8  }
0x8f: {  	v16 =	vld [tilespmem:s29+$0x15AC0];
	v17 =	vmov v7  }
0x90: {  	v18 =	vld [tilespmem:s29+$0x15AD0];
	v9 =	vadd.f32 v12, v9  }
.Ltmp6:
0x91: {  	v8 =	vld [tilespmem:s29+$0x15AE0];
	v11 =	vadd.f32 v13, v11;
	(pc) =	sbr.rel @p3 .LBB3_10-.Ltmp6, $4  }
0x92: {  	v7 =	vld [tilespmem:s29+$0x15AF0];
	[tilespmem:s17+$0x16740] =	vst v9;
	v10 =	vadd.f32 v15, v10  }
0x93: {  	v9 =	vld [tilespmem:s29+$0x16740];
	[tilespmem:s17+$0x16750] =	vst v11;
	v14 =	vadd.f32 v17, v14  }
0x94: {  	v11 =	vld [tilespmem:s29+$0x16750];
	[tilespmem:s17+$0x16760] =	vst v10;
	v12 =	vmov v16  }
0x95: {  	s19 =	sadd.s32 $0x100, s19;
	v10 =	vld [tilespmem:s29+$0x16760];
	[tilespmem:s17+$0x16770] =	vst v14;
	v13 =	vmov v18;
	s17 =	smov.u32 s29  }
0x96: {  	v14 =	vld [tilespmem:s17+$0x16770];
	_ =	sdelay $0x1  }
0x97: {  	v9 =	vadd.f32 v12, v9  }
0x98: {  	v11 =	vadd.f32 v13, v11  }
0x99: {  	[tilespmem:s17+$0x16740] =	vst v9;
	v8 =	vadd.f32 v8, v10  }
0x9a: {  	[tilespmem:s17+$0x16750] =	vst v11;
	v7 =	vadd.f32 v7, v14  }
0x9b: {  	[tilespmem:s17+$0x16760] =	vst v8  }
0x9c: {  	[tilespmem:s17+$0x16770] =	vst v7  }
0x9d: {  	[tilespmem:s12], [sflag:$0x1] =	stream.linear.gather [spmem:s7], $0xC40, $0x38;
	[tilespmem:$0x18440] =	vst v63  }
0x9e: {  	_ =	swait.ge [sflag:s1], $0xC40  }
0x9f: {  	[sflag:s1] =	ssyncset.done $0x0  }
0xa0: {  	s17 =	simm.s32 $0x0;
	[sflag:s1] =	ssyncadd.s32 $0xFFFFF3C0  }
0xa1: {  	v12 =	vld [tilespmem:s17+$0x15AC0]  }
0xa2: {  	v13 =	vld [tilespmem:s17+$0x15AD0]  }
0xa3: {  	v8 =	vld [tilespmem:s17+$0x15AE0]  }
0xa4: {  	v7 =	vld [tilespmem:s17+$0x15AF0]  }
0xa5: {  	v9 =	vld [tilespmem:s17+$0x16740]  }
0xa6: {  	v11 =	vld [tilespmem:s17+$0x16750]  }
0xa7: {  	s19 =	simm.s32 $0x100;
	v10 =	vld [tilespmem:s17+$0x16760]  }
.LBB3_12:
0xa8: {  	s29 =	sshra.s32 s19, $0x2;
	p3 =	sne.s32 s19, $0x3000;
	v14 =	vld [tilespmem:s17+$0x16770];
	v15 =	vmov v8  }
0xa9: {  	v16 =	vld [tilespmem:s29+$0x15AC0];
	v17 =	vmov v7  }
0xaa: {  	v18 =	vld [tilespmem:s29+$0x15AD0];
	v9 =	vadd.f32 v12, v9  }
.Ltmp7:
0xab: {  	v8 =	vld [tilespmem:s29+$0x15AE0];
	v11 =	vadd.f32 v13, v11;
	(pc) =	sbr.rel @p3 .LBB3_12-.Ltmp7, $4  }
0xac: {  	v7 =	vld [tilespmem:s29+$0x15AF0];
	[tilespmem:s17+$0x16740] =	vst v9;
	v10 =	vadd.f32 v15, v10  }
0xad: {  	v9 =	vld [tilespmem:s29+$0x16740];
	[tilespmem:s17+$0x16750] =	vst v11;
	v14 =	vadd.f32 v17, v14  }
0xae: {  	v11 =	vld [tilespmem:s29+$0x16750];
	[tilespmem:s17+$0x16760] =	vst v10;
	v12 =	vmov v16  }
0xaf: {  	s19 =	sadd.s32 $0x100, s19;
	v10 =	vld [tilespmem:s29+$0x16760];
	[tilespmem:s17+$0x16770] =	vst v14;
	v13 =	vmov v18;
	s17 =	smov.u32 s29  }
0xb0: {  	v14 =	vld [tilespmem:s17+$0x16770];
	_ =	sdelay $0x1  }
0xb1: {  	v9 =	vadd.f32 v12, v9  }
0xb2: {  	v11 =	vadd.f32 v13, v11  }
0xb3: {  	[tilespmem:s17+$0x16740] =	vst v9;
	v8 =	vadd.f32 v8, v10  }
0xb4: {  	[tilespmem:s17+$0x16750] =	vst v11;
	v7 =	vadd.f32 v7, v14  }
0xb5: {  	[tilespmem:s17+$0x16760] =	vst v8  }
0xb6: {  	[tilespmem:s17+$0x16770] =	vst v7  }
0xb7: {  	[tilespmem:s12], [sflag:$0x1] =	stream.linear.gather [spmem:s3], $0xC40, $0x38;
	[tilespmem:$0x18440] =	vst v63  }
0xb8: {  	_ =	swait.ge [sflag:s1], $0xC40  }
0xb9: {  	[sflag:s1] =	ssyncset.done $0x0  }
0xba: {  	s17 =	simm.s32 $0x0;
	[sflag:s1] =	ssyncadd.s32 $0xFFFFF3C0  }
0xbb: {  	v12 =	vld [tilespmem:s17+$0x15AC0]  }
0xbc: {  	v13 =	vld [tilespmem:s17+$0x15AD0]  }
0xbd: {  	v8 =	vld [tilespmem:s17+$0x15AE0]  }
0xbe: {  	v7 =	vld [tilespmem:s17+$0x15AF0]  }
0xbf: {  	v9 =	vld [tilespmem:s17+$0x16740]  }
0xc0: {  	v11 =	vld [tilespmem:s17+$0x16750]  }
0xc1: {  	s19 =	simm.s32 $0x100;
	v10 =	vld [tilespmem:s17+$0x16760]  }
.LBB3_14:
0xc2: {  	s29 =	sshra.s32 s19, $0x2;
	p3 =	sne.s32 s19, $0x3000;
	v14 =	vld [tilespmem:s17+$0x16770];
	v15 =	vmov v8  }
0xc3: {  	v16 =	vld [tilespmem:s29+$0x15AC0];
	v17 =	vmov v7  }
0xc4: {  	v18 =	vld [tilespmem:s29+$0x15AD0];
	v9 =	vadd.f32 v12, v9  }
.Ltmp8:
0xc5: {  	v8 =	vld [tilespmem:s29+$0x15AE0];
	v11 =	vadd.f32 v13, v11;
	(pc) =	sbr.rel @p3 .LBB3_14-.Ltmp8, $4  }
0xc6: {  	v7 =	vld [tilespmem:s29+$0x15AF0];
	[tilespmem:s17+$0x16740] =	vst v9;
	v10 =	vadd.f32 v15, v10  }
0xc7: {  	v9 =	vld [tilespmem:s29+$0x16740];
	[tilespmem:s17+$0x16750] =	vst v11;
	v14 =	vadd.f32 v17, v14  }
0xc8: {  	v11 =	vld [tilespmem:s29+$0x16750];
	[tilespmem:s17+$0x16760] =	vst v10;
	v12 =	vmov v16  }
0xc9: {  	s19 =	sadd.s32 $0x100, s19;
	v10 =	vld [tilespmem:s29+$0x16760];
	[tilespmem:s17+$0x16770] =	vst v14;
	v13 =	vmov v18;
	s17 =	smov.u32 s29  }
0xca: {  	v14 =	vld [tilespmem:s17+$0x16770];
	_ =	sdelay $0x1  }
0xcb: {  	v9 =	vadd.f32 v12, v9  }
0xcc: {  	v11 =	vadd.f32 v13, v11  }
0xcd: {  	[tilespmem:s17+$0x16740] =	vst v9;
	v8 =	vadd.f32 v8, v10  }
0xce: {  	[tilespmem:s17+$0x16750] =	vst v11;
	v7 =	vadd.f32 v7, v14  }
0xcf: {  	[tilespmem:s17+$0x16760] =	vst v8  }
0xd0: {  	[tilespmem:s17+$0x16770] =	vst v7  }
0xd1: {  	[tilespmem:s12], [sflag:$0x1] =	stream.linear.gather [spmem:s4], $0xC40, $0x38;
	[tilespmem:$0x18440] =	vst v63  }
0xd2: {  	_ =	swait.ge [sflag:s1], $0xC40  }
0xd3: {  	[sflag:s1] =	ssyncset.done $0x0  }
0xd4: {  	s17 =	simm.s32 $0x0;
	[sflag:s1] =	ssyncadd.s32 $0xFFFFF3C0  }
0xd5: {  	v12 =	vld [tilespmem:s17+$0x15AC0]  }
0xd6: {  	v13 =	vld [tilespmem:s17+$0x15AD0]  }
0xd7: {  	v8 =	vld [tilespmem:s17+$0x15AE0]  }
0xd8: {  	v7 =	vld [tilespmem:s17+$0x15AF0]  }
0xd9: {  	v9 =	vld [tilespmem:s17+$0x16740]  }
0xda: {  	v11 =	vld [tilespmem:s17+$0x16750]  }
0xdb: {  	s19 =	simm.s32 $0x100;
	v10 =	vld [tilespmem:s17+$0x16760]  }
.LBB3_16:
0xdc: {  	s29 =	sshra.s32 s19, $0x2;
	p3 =	sne.s32 s19, $0x3000;
	v14 =	vld [tilespmem:s17+$0x16770];
	v15 =	vmov v8  }
0xdd: {  	v16 =	vld [tilespmem:s29+$0x15AC0];
	v17 =	vmov v7  }
0xde: {  	v18 =	vld [tilespmem:s29+$0x15AD0];
	v9 =	vadd.f32 v12, v9  }
.Ltmp9:
0xdf: {  	v8 =	vld [tilespmem:s29+$0x15AE0];
	v11 =	vadd.f32 v13, v11;
	(pc) =	sbr.rel @p3 .LBB3_16-.Ltmp9, $4  }
0xe0: {  	v7 =	vld [tilespmem:s29+$0x15AF0];
	[tilespmem:s17+$0x16740] =	vst v9;
	v10 =	vadd.f32 v15, v10  }
0xe1: {  	v9 =	vld [tilespmem:s29+$0x16740];
	[tilespmem:s17+$0x16750] =	vst v11;
	v14 =	vadd.f32 v17, v14  }
0xe2: {  	v11 =	vld [tilespmem:s29+$0x16750];
	[tilespmem:s17+$0x16760] =	vst v10;
	v12 =	vmov v16  }
0xe3: {  	s19 =	sadd.s32 $0x100, s19;
	v10 =	vld [tilespmem:s29+$0x16760];
	[tilespmem:s17+$0x16770] =	vst v14;
	v13 =	vmov v18;
	s17 =	smov.u32 s29  }
0xe4: {  	v14 =	vld [tilespmem:s17+$0x16770];
	_ =	sdelay $0x1  }
0xe5: {  	v9 =	vadd.f32 v12, v9  }
0xe6: {  	v11 =	vadd.f32 v13, v11  }
0xe7: {  	[tilespmem:s17+$0x16740] =	vst v9;
	v8 =	vadd.f32 v8, v10  }
0xe8: {  	[tilespmem:s17+$0x16750] =	vst v11;
	v7 =	vadd.f32 v7, v14  }
0xe9: {  	[tilespmem:s17+$0x16760] =	vst v8  }
0xea: {  	[tilespmem:s17+$0x16770] =	vst v7  }
0xeb: {  	[tilespmem:s12], [sflag:$0x1] =	stream.linear.gather [spmem:s5], $0xC40, $0x38;
	[tilespmem:$0x18440] =	vst v63  }
0xec: {  	_ =	swait.ge [sflag:s1], $0xC40  }
0xed: {  	[sflag:s1] =	ssyncset.done $0x0  }
0xee: {  	s17 =	simm.s32 $0x0;
	[sflag:s1] =	ssyncadd.s32 $0xFFFFF3C0  }
0xef: {  	v12 =	vld [tilespmem:s17+$0x15AC0]  }
0xf0: {  	v13 =	vld [tilespmem:s17+$0x15AD0]  }
0xf1: {  	v8 =	vld [tilespmem:s17+$0x15AE0]  }
0xf2: {  	v7 =	vld [tilespmem:s17+$0x15AF0]  }
0xf3: {  	v9 =	vld [tilespmem:s17+$0x16740]  }
0xf4: {  	v11 =	vld [tilespmem:s17+$0x16750]  }
0xf5: {  	s19 =	simm.s32 $0x100;
	v10 =	vld [tilespmem:s17+$0x16760]  }
.LBB3_18:
0xf6: {  	s29 =	sshra.s32 s19, $0x2;
	p3 =	sne.s32 s19, $0x3000;
	v14 =	vld [tilespmem:s17+$0x16770];
	v15 =	vmov v8  }
0xf7: {  	v16 =	vld [tilespmem:s29+$0x15AC0];
	v17 =	vmov v7  }
0xf8: {  	v18 =	vld [tilespmem:s29+$0x15AD0];
	v9 =	vadd.f32 v12, v9  }
.Ltmp10:
0xf9: {  	v8 =	vld [tilespmem:s29+$0x15AE0];
	v11 =	vadd.f32 v13, v11;
	(pc) =	sbr.rel @p3 .LBB3_18-.Ltmp10, $4  }
0xfa: {  	v7 =	vld [tilespmem:s29+$0x15AF0];
	[tilespmem:s17+$0x16740] =	vst v9;
	v10 =	vadd.f32 v15, v10  }
0xfb: {  	v9 =	vld [tilespmem:s29+$0x16740];
	[tilespmem:s17+$0x16750] =	vst v11;
	v14 =	vadd.f32 v17, v14  }
0xfc: {  	v11 =	vld [tilespmem:s29+$0x16750];
	[tilespmem:s17+$0x16760] =	vst v10;
	v12 =	vmov v16  }
0xfd: {  	s19 =	sadd.s32 $0x100, s19;
	v10 =	vld [tilespmem:s29+$0x16760];
	[tilespmem:s17+$0x16770] =	vst v14;
	v13 =	vmov v18;
	s17 =	smov.u32 s29  }
0xfe: {  	v14 =	vld [tilespmem:s17+$0x16770];
	_ =	sdelay $0x1  }
0xff: {  	v9 =	vadd.f32 v12, v9  }
0x100: {  	v11 =	vadd.f32 v13, v11  }
0x101: {  	[tilespmem:s17+$0x16740] =	vst v9;
	v8 =	vadd.f32 v8, v10  }
0x102: {  	[tilespmem:s17+$0x16750] =	vst v11;
	v7 =	vadd.f32 v7, v14  }
0x103: {  	[tilespmem:s17+$0x16760] =	vst v8  }
0x104: {  	[tilespmem:s17+$0x16770] =	vst v7  }
0x105: {  	[tilespmem:s12], [sflag:$0x1] =	stream.linear.gather [spmem:s6], $0xC40, $0x38;
	[tilespmem:$0x18440] =	vst v63  }
0x106: {  	_ =	swait.ge [sflag:s1], $0xC40  }
0x107: {  	[sflag:s1] =	ssyncset.done $0x0  }
0x108: {  	s17 =	simm.s32 $0x0;
	[sflag:s1] =	ssyncadd.s32 $0xFFFFF3C0  }
0x109: {  	v12 =	vld [tilespmem:s17+$0x15AC0]  }
0x10a: {  	v13 =	vld [tilespmem:s17+$0x15AD0]  }
0x10b: {  	v8 =	vld [tilespmem:s17+$0x15AE0]  }
0x10c: {  	v7 =	vld [tilespmem:s17+$0x15AF0]  }
0x10d: {  	v9 =	vld [tilespmem:s17+$0x16740]  }
0x10e: {  	v11 =	vld [tilespmem:s17+$0x16750]  }
0x10f: {  	s19 =	simm.s32 $0x100;
	v10 =	vld [tilespmem:s17+$0x16760]  }
.LBB3_20:
0x110: {  	s29 =	sshra.s32 s19, $0x2;
	p3 =	sne.s32 s19, $0x3000;
	v14 =	vld [tilespmem:s17+$0x16770];
	v15 =	vmov v8  }
0x111: {  	v16 =	vld [tilespmem:s29+$0x15AC0];
	v17 =	vmov v7  }
0x112: {  	v18 =	vld [tilespmem:s29+$0x15AD0];
	v9 =	vadd.f32 v12, v9  }
.Ltmp11:
0x113: {  	v8 =	vld [tilespmem:s29+$0x15AE0];
	v11 =	vadd.f32 v13, v11;
	(pc) =	sbr.rel @p3 .LBB3_20-.Ltmp11, $4  }
0x114: {  	v7 =	vld [tilespmem:s29+$0x15AF0];
	[tilespmem:s17+$0x16740] =	vst v9;
	v10 =	vadd.f32 v15, v10  }
0x115: {  	v9 =	vld [tilespmem:s29+$0x16740];
	[tilespmem:s17+$0x16750] =	vst v11;
	v14 =	vadd.f32 v17, v14  }
0x116: {  	v11 =	vld [tilespmem:s29+$0x16750];
	[tilespmem:s17+$0x16760] =	vst v10;
	v12 =	vmov v16  }
0x117: {  	s19 =	sadd.s32 $0x100, s19;
	v10 =	vld [tilespmem:s29+$0x16760];
	[tilespmem:s17+$0x16770] =	vst v14;
	v13 =	vmov v18;
	s17 =	smov.u32 s29  }
0x118: {  	v14 =	vld [tilespmem:s17+$0x16770];
	_ =	sdelay $0x1  }
0x119: {  	v9 =	vadd.f32 v12, v9  }
0x11a: {  	v11 =	vadd.f32 v13, v11  }
0x11b: {  	[tilespmem:s17+$0x16740] =	vst v9;
	v8 =	vadd.f32 v8, v10  }
0x11c: {  	[tilespmem:s17+$0x16750] =	vst v11;
	v7 =	vadd.f32 v7, v14  }
0x11d: {  	[tilespmem:s17+$0x16760] =	vst v8  }
0x11e: {  	[tilespmem:s17+$0x16770] =	vst v7  }
0x11f: {  	[tilespmem:s12], [sflag:$0x1] =	stream.linear.gather [spmem:s18], $0xC40, $0x38;
	[tilespmem:$0x18440] =	vst v63  }
0x120: {  	_ =	swait.ge [sflag:s1], $0xC40  }
0x121: {  	[sflag:s1] =	ssyncset.done $0x0  }
0x122: {  	s17 =	simm.s32 $0x0;
	[sflag:s1] =	ssyncadd.s32 $0xFFFFF3C0  }
0x123: {  	v12 =	vld [tilespmem:s17+$0x15AC0]  }
0x124: {  	v13 =	vld [tilespmem:s17+$0x15AD0]  }
0x125: {  	v8 =	vld [tilespmem:s17+$0x15AE0]  }
0x126: {  	v7 =	vld [tilespmem:s17+$0x15AF0]  }
0x127: {  	v9 =	vld [tilespmem:s17+$0x16740]  }
0x128: {  	v11 =	vld [tilespmem:s17+$0x16750]  }
0x129: {  	s19 =	simm.s32 $0x100;
	v10 =	vld [tilespmem:s17+$0x16760]  }
.LBB3_22:
0x12a: {  	s29 =	sshra.s32 s19, $0x2;
	p3 =	sne.s32 s19, $0x3000;
	v14 =	vld [tilespmem:s17+$0x16770];
	v15 =	vmov v8  }
0x12b: {  	v16 =	vld [tilespmem:s29+$0x15AC0];
	v17 =	vmov v7  }
0x12c: {  	v18 =	vld [tilespmem:s29+$0x15AD0];
	v9 =	vadd.f32 v12, v9  }
.Ltmp12:
0x12d: {  	v8 =	vld [tilespmem:s29+$0x15AE0];
	v11 =	vadd.f32 v13, v11;
	(pc) =	sbr.rel @p3 .LBB3_22-.Ltmp12, $4  }
0x12e: {  	v7 =	vld [tilespmem:s29+$0x15AF0];
	[tilespmem:s17+$0x16740] =	vst v9;
	v10 =	vadd.f32 v15, v10  }
0x12f: {  	v9 =	vld [tilespmem:s29+$0x16740];
	[tilespmem:s17+$0x16750] =	vst v11;
	v14 =	vadd.f32 v17, v14  }
0x130: {  	v11 =	vld [tilespmem:s29+$0x16750];
	[tilespmem:s17+$0x16760] =	vst v10;
	v12 =	vmov v16  }
0x131: {  	s19 =	sadd.s32 $0x100, s19;
	v10 =	vld [tilespmem:s29+$0x16760];
	[tilespmem:s17+$0x16770] =	vst v14;
	v13 =	vmov v18;
	s17 =	smov.u32 s29  }
0x132: {  	v14 =	vld [tilespmem:s17+$0x16770];
	_ =	sdelay $0x1  }
0x133: {  	v9 =	vadd.f32 v12, v9  }
0x134: {  	v11 =	vadd.f32 v13, v11  }
0x135: {  	[tilespmem:s17+$0x16740] =	vst v9;
	v8 =	vadd.f32 v8, v10  }
0x136: {  	[tilespmem:s17+$0x16750] =	vst v11;
	v7 =	vadd.f32 v7, v14  }
0x137: {  	[tilespmem:s17+$0x16760] =	vst v8  }
0x138: {  	[tilespmem:s17+$0x16770] =	vst v7  }
0x139: {  	v7 =	vld @!p0 [tilespmem:$0x16740];
	_ =	sdelay $0x2  }
0x13a: {  	v8 =	vimm.f32 @!p0 $0.0e+00  }
0x13b: {  	v8 =	vsel @!p0 vm0, $0x3F800000, v8  }
0x13c: {  	v7 =	vadd.f32 @!p0 v8, v7;
	_ =	sdelay $0x1  }
0x13d: {  	s30 =	simm.s32 $0x0;
	s19 =	rddreg [dreg:$0xe];
	[tilespmem:$0x16740] =	vst @!p0 v7  }
0x13e: {  	[tilespmem:s12], [sflag:$0x1] =	stream.linear.gather [hbm4b:s19+s30], $0xC40, $0x38;
	[tilespmem:$0x18440] =	vst v63  }
0x13f: {  	_ =	swait.ge [sflag:s1], $0xC40  }
0x140: {  	[sflag:s1] =	ssyncset.done $0x0  }
0x141: {  	s17 =	simm.s32 $0x0;
	[sflag:s1] =	ssyncadd.s32 $0xFFFFF3C0  }
0x142: {  	v9 =	vld [tilespmem:s17+$0x16740];
	_ =	sdelay $0x4  }
0x143: {  	v7 =	vshra.s32 v9, $0x1;
	v8 =	vmul.f32 $5.000000000e-01, v9  }
0x144: {  	v7 =	vsub.s32 $0x5F3759DF, v7  }
0x145: {  	v10 =	vmul.f32 v7, v8;
	_ =	sdelay $0x1  }
0x146: {  	v10 =	vmul.f32 v7, v10;
	_ =	sdelay $0x1  }
0x147: {  	v10 =	vsub.f32 $1.500000000e+00, v10;
	_ =	sdelay $0x1  }
0x148: {  	v7 =	vmul.f32 v7, v10;
	_ =	sdelay $0x1  }
0x149: {  	v10 =	vmul.f32 v7, v8;
	_ =	sdelay $0x1  }
0x14a: {  	v10 =	vmul.f32 v10, v7;
	_ =	sdelay $0x1  }
0x14b: {  	v10 =	vsub.f32 $1.500000000e+00, v10;
	_ =	sdelay $0x1  }
0x14c: {  	v10 =	vmul.f32 v10, v7;
	_ =	sdelay $0x1  }
0x14d: {  	v7 =	vmul.f32 v10, v8;
	_ =	sdelay $0x1  }
0x14e: {  	v7 =	vmul.f32 v7, v10;
	_ =	sdelay $0x1  }
0x14f: {  	v8 =	vsub.f32 $1.500000000e+00, v7;
	v7 =	vld [tilespmem:s17+$0x15AC0];
	_ =	sdelay $0x1  }
0x150: {  	v8 =	vmul.f32 v8, v10  }
0x151: {  	s29 =	simm.s32 $0x80;
	s19 =	simm.s32 $0x40;
	vm10 =	vgt.f32 v9, $5.000000000e-01  }
.LBB3_24:
0x152: {  	p3 =	sne.s32 s29, $0x30C0;
	v8 =	vnsel vm10, $0x0, v8  }
0x153: {  	s30 =	sshra.s32 s19, $0x2;
	s19 =	smov.u32 s29;
	[tilespmem:s17+$0x16740] =	vst v8;
	v8 =	vmul.f32 v8, v7  }
0x154: {  	v9 =	vld [tilespmem:s30+$0x16740]  }
0x155: {  	v7 =	vld [tilespmem:s30+$0x15AC0];
	[tilespmem:s17+$0x173C0] =	vst v8;
	s17 =	smov.u32 s30;
	_ =	sdelay $0x3  }
0x156: {  	v8 =	vshra.s32 v9, $0x1;
	v10 =	vmul.f32 $5.000000000e-01, v9  }
0x157: {  	v8 =	vsub.s32 $0x5F3759DF, v8  }
0x158: {  	v11 =	vmul.f32 v8, v10;
	_ =	sdelay $0x1  }
0x159: {  	v11 =	vmul.f32 v8, v11;
	_ =	sdelay $0x1  }
0x15a: {  	v11 =	vsub.f32 $1.500000000e+00, v11;
	_ =	sdelay $0x1  }
0x15b: {  	v8 =	vmul.f32 v8, v11;
	_ =	sdelay $0x1  }
0x15c: {  	v11 =	vmul.f32 v8, v10;
	_ =	sdelay $0x1  }
0x15d: {  	v11 =	vmul.f32 v11, v8;
	_ =	sdelay $0x1  }
0x15e: {  	v11 =	vsub.f32 $1.500000000e+00, v11;
	_ =	sdelay $0x1  }
0x15f: {  	v8 =	vmul.f32 v11, v8;
	_ =	sdelay $0x1  }
0x160: {  	v10 =	vmul.f32 v8, v10;
	_ =	sdelay $0x1  }
0x161: {  	v10 =	vmul.f32 v10, v8  }
.Ltmp13:
0x162: {  	(pc) =	sbr.rel @p3 .LBB3_24-.Ltmp13, $3  }
0x163: {  	v10 =	vsub.f32 $1.500000000e+00, v10;
	_ =	sdelay $0x1  }
0x164: {  	v8 =	vmul.f32 v10, v8  }
0x165: {  	s29 =	sadd.s32 $0x40, s29;
	vm10 =	vgt.f32 v9, $5.000000000e-01  }
0x166: {  	v8 =	vnsel vm10, $0x0, v8  }
0x167: {  	s19 =	sshra.s32 s19, $0x2;
	[tilespmem:s17+$0x16740] =	vst v8  }
0x168: {  	v9 =	vld [tilespmem:s19+$0x16740];
	_ =	sdelay $0x4  }
0x169: {  	v10 =	vshra.s32 v9, $0x1;
	v11 =	vmul.f32 $5.000000000e-01, v9  }
0x16a: {  	v10 =	vsub.s32 $0x5F3759DF, v10  }
0x16b: {  	v12 =	vmul.f32 v10, v11;
	_ =	sdelay $0x1  }
0x16c: {  	v12 =	vmul.f32 v10, v12;
	_ =	sdelay $0x1  }
0x16d: {  	v12 =	vsub.f32 $1.500000000e+00, v12;
	_ =	sdelay $0x1  }
0x16e: {  	v10 =	vmul.f32 v10, v12;
	_ =	sdelay $0x1  }
0x16f: {  	v12 =	vmul.f32 v10, v11;
	_ =	sdelay $0x1  }
0x170: {  	v12 =	vmul.f32 v12, v10;
	_ =	sdelay $0x1  }
0x171: {  	v12 =	vsub.f32 $1.500000000e+00, v12;
	_ =	sdelay $0x1  }
0x172: {  	v10 =	vmul.f32 v12, v10;
	_ =	sdelay $0x1  }
0x173: {  	v11 =	vmul.f32 v10, v11;
	_ =	sdelay $0x1  }
0x174: {  	v11 =	vmul.f32 v11, v10;
	_ =	sdelay $0x1  }
0x175: {  	v63 =	vld [tilespmem:s19+$0x15AC0];
	v11 =	vsub.f32 $1.500000000e+00, v11;
	_ =	sdelay $0x1  }
0x176: {  	v10 =	vmul.f32 v11, v10  }
0x177: {  	v7 =	vmul.f32 v8, v7;
	vm10 =	vgt.f32 v9, $5.000000000e-01  }
0x178: {  	v8 =	vnsel vm10, $0x0, v10  }
0x179: {  	[tilespmem:s17+$0x173C0] =	vst v7;
	v7 =	vmul.f32 v8, v63  }
0x17a: {  	[tilespmem:s19+$0x16740] =	vst v8  }
0x17b: {  	s29 =	simm.s32 $0x16740;
	[tilespmem:s19+$0x173C0] =	vst v7  }
0x17c: {  	[spmem:s15] =	stream.linear.scatter [tilespmem:s29], [sflag:$0x1], $0xC40, $0x38;
	[tilespmem:$0x18440] =	vst v63  }
0x17d: {  	_ =	swait.ge [sflag:s1], $0xC40  }
0x17e: {  	[sflag:s1] =	ssyncset.done $0x0  }
0x17f: {  	s30 =	rddreg [dreg:$0x12];
	[sflag:s1] =	ssyncadd.s32 $0xFFFFF3C0  }
0x180: {  	[spmem:s30] =	stream.linear.scatter [tilespmem:s23], [sflag:$0x1], $0xC40, $0x38;
	[tilespmem:$0x18440] =	vst v63  }
0x181: {  	_ =	swait.ge [sflag:s1], $0xC40  }
0x182: {  	[sflag:s1] =	ssyncset.done $0x0  }
0x183: {  	[sflag:s1] =	ssyncadd.s32 $0xFFFFF3C0  }
0x184: {  	v7 =	vld [tilespmem:$0x173C0];
	_ =	sdelay $0x4  }
0x185: {  	v7 =	vnsel vm1, $0x0, v7  }
0x186: {  	s17 =	simm.s32 $0x40;
	s19 =	simm.s32 $0x0;
	[tilespmem:$0x18340] =	vst v7  }
.LBB3_26:
0x187: {  	p3 =	sne.s32 s17, $0x187C0;
	[tilespmem:s19+$0x86C0] =	vst v0;
	s19 =	smov.u32 s17;
	s17 =	sadd.s32 $0x40, s17  }
.Ltmp14:
0x188: {  	(pc) =	sbr.rel @p3 .LBB3_26-.Ltmp14, $2  }
0x189: {  	_ =	sdelay $0x2  }
0x18a: {  	s19 =	sshra.s32 s19, $0x2  }
0x18b: {  	[tilespmem:s19+$0x86C0] =	vst v0  }
0x18c: {  	[bflag:$0x0] =	sbarrier.arrive $0xFFFF  }
0x18d: {  	s17 =	rddreg [dreg:$0x11]  }
0x18e: {  	[tilespmem:s25], [sflag:$0x1] =	stream.linear.gather [spmem:s17], $0x6200, $0x38;
	[tilespmem:$0x18440] =	vst v63  }
0x18f: {  	_ =	swait.ge [sflag:s1], $0x6200  }
0x190: {  	[sflag:s1] =	ssyncset.done $0x0  }
0x191: {  	s19 =	simm.s32 $0x0;
	s17 =	simm.s32 $0x0;
	[sflag:s1] =	ssyncadd.s32 $0xFFFF9E00  }
.LBB3_28:
0x192: {  	s29 =	sshll.u32 s19, $0xB  }
0x193: {  	s29 =	sadd.s32 s24, s29  }
0x194: {  	s30 =	sadd.s32 s13, s29  }
0x195: {  	s30 =	sshrl.u32 s30, $0x3  }
0x196: {  	s30 =	sadd.s32 s0, s30  }
0x197: {  	[tilespmem:s20], [sflag:$0x1] =	stream.linear.gather [hbm4b:s30+s17], $0x800, $0x38;
	[tilespmem:$0x18440] =	vst v63  }
0x198: {  	s29 =	sadd.s32 s26, s29;
	_ =	swait.ge [sflag:s1], $0x800  }
0x199: {  	s29 =	sshrl.u32 s29, $0x3;
	[sflag:s1] =	ssyncset.done $0x0  }
0x19a: {  	s29 =	sadd.s32 s0, s29;
	[sflag:s1] =	ssyncadd.s32 $0xFFFFF800  }
0x19b: {  	[tilespmem:s22], [sflag:$0x1] =	stream.linear.gather [hbm4b:s29+s17], $0x800, $0x38;
	[tilespmem:$0x18440] =	vst v63  }
0x19c: {  	_ =	swait.ge [sflag:s1], $0x800  }
0x19d: {  	[sflag:s1] =	ssyncset.done $0x0  }
0x19e: {  	s29 =	simm.s32 $0x0;
	[sflag:s1] =	ssyncadd.s32 $0xFFFFF800  }
.LBB3_29:
0x19f: {  	s30 =	sshra.s32 s29, $0x2  }
0x1a0: {  	v7 =	vld [tilespmem:s30+$0x152C0];
	_ =	sdelay $0x4  }
0x1a1: {  	v8 =	vld [tilespmem:s30+$0x14AC0];
	_ =	sdelay $0x2  }
0x1a2: {  	v7 =	vld.idx.msk [tilespmem:v7+s25+$0x0], $0xffff;
	_ =	sdelay $0x4  }
0x1a3: {  	[tilespmem:v8+s2+$0x0] =	vst.idx.add.f32.msk $0xffff, v7  }
0x1a4: {  	v7 =	vld [tilespmem:s30+$0x152D0];
	_ =	sdelay $0x4  }
0x1a5: {  	v8 =	vld [tilespmem:s30+$0x14AD0];
	_ =	sdelay $0x2  }
0x1a6: {  	v7 =	vld.idx.msk [tilespmem:v7+s25+$0x0], $0xffff;
	_ =	sdelay $0x4  }
0x1a7: {  	[tilespmem:v8+s2+$0x0] =	vst.idx.add.f32.msk $0xffff, v7  }
0x1a8: {  	v7 =	vld [tilespmem:s30+$0x152E0];
	_ =	sdelay $0x4  }
0x1a9: {  	v8 =	vld [tilespmem:s30+$0x14AE0];
	_ =	sdelay $0x2  }
0x1aa: {  	v7 =	vld.idx.msk [tilespmem:v7+s25+$0x0], $0xffff;
	_ =	sdelay $0x4  }
0x1ab: {  	[tilespmem:v8+s2+$0x0] =	vst.idx.add.f32.msk $0xffff, v7  }
0x1ac: {  	v7 =	vld [tilespmem:s30+$0x152F0];
	_ =	sdelay $0x4  }
0x1ad: {  	v8 =	vld [tilespmem:s30+$0x14AF0];
	_ =	sdelay $0x2  }
0x1ae: {  	p3 =	sne.s32 s29, $0x1F00;
	v7 =	vld.idx.msk [tilespmem:v7+s25+$0x0], $0xffff  }
.Ltmp15:
0x1af: {  	_ = 	snop;
	(pc) =	sbr.rel @p3 .LBB3_29-.Ltmp15, $2  }
0x1b0: {  	_ =	sdelay $0x2  }
0x1b1: {  	s29 =	sadd.s32 $0x100, s29;
	[tilespmem:v8+s2+$0x0] =	vst.idx.add.f32.msk $0xffff, v7  }
0x1b2: {  	s19 =	sadd.s32 $0x1, s19  }
0x1b3: {  	p3 =	sne.s32 s19, $0x30  }
.Ltmp16:
0x1b4: {  	_ = 	snop;
	(pc) =	sbr.rel @p3 .LBB3_28-.Ltmp16, $1  }
0x1b5: {  	_ =	sdelay $0x3  }
0x1b6: {  	s17 =	simm.s32 $0x0;
	s19 =	rddreg [dreg:$0x18]  }
0x1b7: {  	[tilespmem:s20], [sflag:$0x1] =	stream.linear.gather [hbm4b:s19+s17], $0x6A0, $0x38;
	[tilespmem:$0x18440] =	vst v63  }
0x1b8: {  	_ =	swait.ge [sflag:s1], $0x6A0  }
0x1b9: {  	[sflag:s1] =	ssyncset.done $0x0  }
0x1ba: {  	[sflag:s1] =	ssyncadd.s32 $0xFFFFF960  }
0x1bb: {  	[tilespmem:s22], [sflag:$0x1] =	stream.linear.gather [hbm4b:s28+s17], $0x6A0, $0x38;
	[tilespmem:$0x18440] =	vst v63  }
0x1bc: {  	_ =	swait.ge [sflag:s1], $0x6A0  }
0x1bd: {  	[sflag:s1] =	ssyncset.done $0x0  }
0x1be: {  	[sflag:s1] =	ssyncadd.s32 $0xFFFFF960  }
.LBB3_32:
0x1bf: {  	s19 =	sshra.s32 s17, $0x2  }
0x1c0: {  	v7 =	vld [tilespmem:s19+$0x152C0];
	_ =	sdelay $0x4  }
0x1c1: {  	v8 =	vld [tilespmem:s19+$0x14AC0];
	_ =	sdelay $0x2  }
0x1c2: {  	v7 =	vld.idx.msk [tilespmem:v7+s25+$0x0], $0xffff;
	_ =	sdelay $0x4  }
0x1c3: {  	[tilespmem:v8+s2+$0x0] =	vst.idx.add.f32.msk $0xffff, v7  }
0x1c4: {  	v7 =	vld [tilespmem:s19+$0x152D0];
	_ =	sdelay $0x4  }
0x1c5: {  	v8 =	vld [tilespmem:s19+$0x14AD0];
	_ =	sdelay $0x2  }
0x1c6: {  	v7 =	vld.idx.msk [tilespmem:v7+s25+$0x0], $0xffff;
	_ =	sdelay $0x4  }
0x1c7: {  	[tilespmem:v8+s2+$0x0] =	vst.idx.add.f32.msk $0xffff, v7  }
0x1c8: {  	v7 =	vld [tilespmem:s19+$0x152E0];
	_ =	sdelay $0x4  }
0x1c9: {  	v8 =	vld [tilespmem:s19+$0x14AE0];
	_ =	sdelay $0x2  }
0x1ca: {  	v7 =	vld.idx.msk [tilespmem:v7+s25+$0x0], $0xffff;
	_ =	sdelay $0x4  }
0x1cb: {  	[tilespmem:v8+s2+$0x0] =	vst.idx.add.f32.msk $0xffff, v7  }
0x1cc: {  	v7 =	vld [tilespmem:s19+$0x152F0];
	_ =	sdelay $0x4  }
0x1cd: {  	v8 =	vld [tilespmem:s19+$0x14AF0];
	_ =	sdelay $0x2  }
0x1ce: {  	p3 =	sne.s32 s17, $0x1900;
	v7 =	vld.idx.msk [tilespmem:v7+s25+$0x0], $0xffff  }
.Ltmp17:
0x1cf: {  	_ = 	snop;
	(pc) =	sbr.rel @p3 .LBB3_32-.Ltmp17, $2  }
0x1d0: {  	_ =	sdelay $0x2  }
0x1d1: {  	s17 =	sadd.s32 $0x100, s17;
	[tilespmem:v8+s2+$0x0] =	vst.idx.add.f32.msk $0xffff, v7  }
0x1d2: {  	v7 =	vld @!p0 [tilespmem:$0x86C0]  }
0x1d3: {  	v8 =	vld @!p0 [tilespmem:$0x18340];
	_ =	sdelay $0x4  }
0x1d4: {  	v7 =	vadd.f32 @!p0 v8, v7;
	_ =	sdelay $0x1  }
0x1d5: {  	[tilespmem:$0x86C0] =	vst @!p0 v7  }
0x1d6: {  	[spmem:s14] =	stream.linear.scatter [tilespmem:s2], [sflag:$0x1], $0x6200, $0x38;
	[tilespmem:$0x18440] =	vst v63  }
0x1d7: {  	_ =	swait.ge [sflag:s1], $0x6200  }
0x1d8: {  	[sflag:s1] =	ssyncset.done $0x0  }
0x1d9: {  	[sflag:s1] =	ssyncadd.s32 $0xFFFF9E00  }
0x1da: {  	[bflag:$0x0] =	sbarrier.arrive $0xFFFF  }
0x1db: {  	[tilespmem:s23], [sflag:$0x1] =	stream.linear.gather [spmem:s9], $0xC40, $0x38;
	[tilespmem:$0x18440] =	vst v63  }
0x1dc: {  	_ =	swait.ge [sflag:s1], $0xC40  }
0x1dd: {  	[sflag:s1] =	ssyncset.done $0x0  }
0x1de: {  	[sflag:s1] =	ssyncadd.s32 $0xFFFFF3C0  }
0x1df: {  	[tilespmem:s12], [sflag:$0x1] =	stream.linear.gather [spmem:s21], $0xC40, $0x38;
	[tilespmem:$0x18440] =	vst v63  }
0x1e0: {  	_ =	swait.ge [sflag:s1], $0xC40  }
0x1e1: {  	[sflag:s1] =	ssyncset.done $0x0  }
0x1e2: {  	s17 =	simm.s32 $0x0;
	[sflag:s1] =	ssyncadd.s32 $0xFFFFF3C0  }
0x1e3: {  	v12 =	vld [tilespmem:s17+$0x15AC0]  }
0x1e4: {  	v13 =	vld [tilespmem:s17+$0x15AD0]  }
0x1e5: {  	v8 =	vld [tilespmem:s17+$0x15AE0]  }
0x1e6: {  	v7 =	vld [tilespmem:s17+$0x15AF0]  }
0x1e7: {  	v9 =	vld [tilespmem:s17+$0x173C0]  }
0x1e8: {  	v11 =	vld [tilespmem:s17+$0x173D0]  }
0x1e9: {  	s19 =	simm.s32 $0x100;
	v10 =	vld [tilespmem:s17+$0x173E0]  }
.LBB3_34:
0x1ea: {  	s29 =	sshra.s32 s19, $0x2;
	p3 =	sne.s32 s19, $0x3000;
	v14 =	vld [tilespmem:s17+$0x173F0];
	v15 =	vmov v8  }
0x1eb: {  	v16 =	vld [tilespmem:s29+$0x15AC0];
	v17 =	vmov v7  }
0x1ec: {  	v18 =	vld [tilespmem:s29+$0x15AD0];
	v9 =	vadd.f32 v12, v9  }
.Ltmp18:
0x1ed: {  	v8 =	vld [tilespmem:s29+$0x15AE0];
	v11 =	vadd.f32 v13, v11;
	(pc) =	sbr.rel @p3 .LBB3_34-.Ltmp18, $4  }
0x1ee: {  	v7 =	vld [tilespmem:s29+$0x15AF0];
	[tilespmem:s17+$0x173C0] =	vst v9;
	v10 =	vadd.f32 v15, v10  }
0x1ef: {  	v9 =	vld [tilespmem:s29+$0x173C0];
	[tilespmem:s17+$0x173D0] =	vst v11;
	v14 =	vadd.f32 v17, v14  }
0x1f0: {  	v11 =	vld [tilespmem:s29+$0x173D0];
	[tilespmem:s17+$0x173E0] =	vst v10;
	v12 =	vmov v16  }
0x1f1: {  	s19 =	sadd.s32 $0x100, s19;
	v10 =	vld [tilespmem:s29+$0x173E0];
	[tilespmem:s17+$0x173F0] =	vst v14;
	v13 =	vmov v18;
	s17 =	smov.u32 s29  }
0x1f2: {  	v14 =	vld [tilespmem:s17+$0x173F0];
	_ =	sdelay $0x1  }
0x1f3: {  	v9 =	vadd.f32 v12, v9  }
0x1f4: {  	v11 =	vadd.f32 v13, v11  }
0x1f5: {  	[tilespmem:s17+$0x173C0] =	vst v9;
	v8 =	vadd.f32 v8, v10  }
0x1f6: {  	[tilespmem:s17+$0x173D0] =	vst v11;
	v7 =	vadd.f32 v7, v14  }
0x1f7: {  	[tilespmem:s17+$0x173E0] =	vst v8  }
0x1f8: {  	[tilespmem:s17+$0x173F0] =	vst v7  }
0x1f9: {  	[tilespmem:s12], [sflag:$0x1] =	stream.linear.gather [spmem:s7], $0xC40, $0x38;
	[tilespmem:$0x18440] =	vst v63  }
0x1fa: {  	_ =	swait.ge [sflag:s1], $0xC40  }
0x1fb: {  	[sflag:s1] =	ssyncset.done $0x0  }
0x1fc: {  	s17 =	simm.s32 $0x0;
	[sflag:s1] =	ssyncadd.s32 $0xFFFFF3C0  }
0x1fd: {  	v12 =	vld [tilespmem:s17+$0x15AC0]  }
0x1fe: {  	v13 =	vld [tilespmem:s17+$0x15AD0]  }
0x1ff: {  	v8 =	vld [tilespmem:s17+$0x15AE0]  }
0x200: {  	v7 =	vld [tilespmem:s17+$0x15AF0]  }
0x201: {  	v9 =	vld [tilespmem:s17+$0x173C0]  }
0x202: {  	v11 =	vld [tilespmem:s17+$0x173D0]  }
0x203: {  	s19 =	simm.s32 $0x100;
	v10 =	vld [tilespmem:s17+$0x173E0]  }
.LBB3_36:
0x204: {  	s29 =	sshra.s32 s19, $0x2;
	p3 =	sne.s32 s19, $0x3000;
	v14 =	vld [tilespmem:s17+$0x173F0];
	v15 =	vmov v8  }
0x205: {  	v16 =	vld [tilespmem:s29+$0x15AC0];
	v17 =	vmov v7  }
0x206: {  	v18 =	vld [tilespmem:s29+$0x15AD0];
	v9 =	vadd.f32 v12, v9  }
.Ltmp19:
0x207: {  	v8 =	vld [tilespmem:s29+$0x15AE0];
	v11 =	vadd.f32 v13, v11;
	(pc) =	sbr.rel @p3 .LBB3_36-.Ltmp19, $4  }
0x208: {  	v7 =	vld [tilespmem:s29+$0x15AF0];
	[tilespmem:s17+$0x173C0] =	vst v9;
	v10 =	vadd.f32 v15, v10  }
0x209: {  	v9 =	vld [tilespmem:s29+$0x173C0];
	[tilespmem:s17+$0x173D0] =	vst v11;
	v14 =	vadd.f32 v17, v14  }
0x20a: {  	v11 =	vld [tilespmem:s29+$0x173D0];
	[tilespmem:s17+$0x173E0] =	vst v10;
	v12 =	vmov v16  }
0x20b: {  	s19 =	sadd.s32 $0x100, s19;
	v10 =	vld [tilespmem:s29+$0x173E0];
	[tilespmem:s17+$0x173F0] =	vst v14;
	v13 =	vmov v18;
	s17 =	smov.u32 s29  }
0x20c: {  	v14 =	vld [tilespmem:s17+$0x173F0];
	_ =	sdelay $0x1  }
0x20d: {  	v9 =	vadd.f32 v12, v9  }
0x20e: {  	v11 =	vadd.f32 v13, v11  }
0x20f: {  	[tilespmem:s17+$0x173C0] =	vst v9;
	v8 =	vadd.f32 v8, v10  }
0x210: {  	[tilespmem:s17+$0x173D0] =	vst v11;
	v7 =	vadd.f32 v7, v14  }
0x211: {  	[tilespmem:s17+$0x173E0] =	vst v8  }
0x212: {  	[tilespmem:s17+$0x173F0] =	vst v7  }
0x213: {  	[tilespmem:s12], [sflag:$0x1] =	stream.linear.gather [spmem:s3], $0xC40, $0x38;
	[tilespmem:$0x18440] =	vst v63  }
0x214: {  	_ =	swait.ge [sflag:s1], $0xC40  }
0x215: {  	[sflag:s1] =	ssyncset.done $0x0  }
0x216: {  	s17 =	simm.s32 $0x0;
	[sflag:s1] =	ssyncadd.s32 $0xFFFFF3C0  }
0x217: {  	v12 =	vld [tilespmem:s17+$0x15AC0]  }
0x218: {  	v13 =	vld [tilespmem:s17+$0x15AD0]  }
0x219: {  	v8 =	vld [tilespmem:s17+$0x15AE0]  }
0x21a: {  	v7 =	vld [tilespmem:s17+$0x15AF0]  }
0x21b: {  	v9 =	vld [tilespmem:s17+$0x173C0]  }
0x21c: {  	v11 =	vld [tilespmem:s17+$0x173D0]  }
0x21d: {  	s19 =	simm.s32 $0x100;
	v10 =	vld [tilespmem:s17+$0x173E0]  }
.LBB3_38:
0x21e: {  	s29 =	sshra.s32 s19, $0x2;
	p3 =	sne.s32 s19, $0x3000;
	v14 =	vld [tilespmem:s17+$0x173F0];
	v15 =	vmov v8  }
0x21f: {  	v16 =	vld [tilespmem:s29+$0x15AC0];
	v17 =	vmov v7  }
0x220: {  	v18 =	vld [tilespmem:s29+$0x15AD0];
	v9 =	vadd.f32 v12, v9  }
.Ltmp20:
0x221: {  	v8 =	vld [tilespmem:s29+$0x15AE0];
	v11 =	vadd.f32 v13, v11;
	(pc) =	sbr.rel @p3 .LBB3_38-.Ltmp20, $4  }
0x222: {  	v7 =	vld [tilespmem:s29+$0x15AF0];
	[tilespmem:s17+$0x173C0] =	vst v9;
	v10 =	vadd.f32 v15, v10  }
0x223: {  	v9 =	vld [tilespmem:s29+$0x173C0];
	[tilespmem:s17+$0x173D0] =	vst v11;
	v14 =	vadd.f32 v17, v14  }
0x224: {  	v11 =	vld [tilespmem:s29+$0x173D0];
	[tilespmem:s17+$0x173E0] =	vst v10;
	v12 =	vmov v16  }
0x225: {  	s19 =	sadd.s32 $0x100, s19;
	v10 =	vld [tilespmem:s29+$0x173E0];
	[tilespmem:s17+$0x173F0] =	vst v14;
	v13 =	vmov v18;
	s17 =	smov.u32 s29  }
0x226: {  	v14 =	vld [tilespmem:s17+$0x173F0];
	_ =	sdelay $0x1  }
0x227: {  	v9 =	vadd.f32 v12, v9  }
0x228: {  	v11 =	vadd.f32 v13, v11  }
0x229: {  	[tilespmem:s17+$0x173C0] =	vst v9;
	v8 =	vadd.f32 v8, v10  }
0x22a: {  	[tilespmem:s17+$0x173D0] =	vst v11;
	v7 =	vadd.f32 v7, v14  }
0x22b: {  	[tilespmem:s17+$0x173E0] =	vst v8  }
0x22c: {  	[tilespmem:s17+$0x173F0] =	vst v7  }
0x22d: {  	[tilespmem:s12], [sflag:$0x1] =	stream.linear.gather [spmem:s4], $0xC40, $0x38;
	[tilespmem:$0x18440] =	vst v63  }
0x22e: {  	_ =	swait.ge [sflag:s1], $0xC40  }
0x22f: {  	[sflag:s1] =	ssyncset.done $0x0  }
0x230: {  	s17 =	simm.s32 $0x0;
	[sflag:s1] =	ssyncadd.s32 $0xFFFFF3C0  }
0x231: {  	v12 =	vld [tilespmem:s17+$0x15AC0]  }
0x232: {  	v13 =	vld [tilespmem:s17+$0x15AD0]  }
0x233: {  	v8 =	vld [tilespmem:s17+$0x15AE0]  }
0x234: {  	v7 =	vld [tilespmem:s17+$0x15AF0]  }
0x235: {  	v9 =	vld [tilespmem:s17+$0x173C0]  }
0x236: {  	v11 =	vld [tilespmem:s17+$0x173D0]  }
0x237: {  	s19 =	simm.s32 $0x100;
	v10 =	vld [tilespmem:s17+$0x173E0]  }
.LBB3_40:
0x238: {  	s29 =	sshra.s32 s19, $0x2;
	p3 =	sne.s32 s19, $0x3000;
	v14 =	vld [tilespmem:s17+$0x173F0];
	v15 =	vmov v8  }
0x239: {  	v16 =	vld [tilespmem:s29+$0x15AC0];
	v17 =	vmov v7  }
0x23a: {  	v18 =	vld [tilespmem:s29+$0x15AD0];
	v9 =	vadd.f32 v12, v9  }
.Ltmp21:
0x23b: {  	v8 =	vld [tilespmem:s29+$0x15AE0];
	v11 =	vadd.f32 v13, v11;
	(pc) =	sbr.rel @p3 .LBB3_40-.Ltmp21, $4  }
0x23c: {  	v7 =	vld [tilespmem:s29+$0x15AF0];
	[tilespmem:s17+$0x173C0] =	vst v9;
	v10 =	vadd.f32 v15, v10  }
0x23d: {  	v9 =	vld [tilespmem:s29+$0x173C0];
	[tilespmem:s17+$0x173D0] =	vst v11;
	v14 =	vadd.f32 v17, v14  }
0x23e: {  	v11 =	vld [tilespmem:s29+$0x173D0];
	[tilespmem:s17+$0x173E0] =	vst v10;
	v12 =	vmov v16  }
0x23f: {  	s19 =	sadd.s32 $0x100, s19;
	v10 =	vld [tilespmem:s29+$0x173E0];
	[tilespmem:s17+$0x173F0] =	vst v14;
	v13 =	vmov v18;
	s17 =	smov.u32 s29  }
0x240: {  	v14 =	vld [tilespmem:s17+$0x173F0];
	_ =	sdelay $0x1  }
0x241: {  	v9 =	vadd.f32 v12, v9  }
0x242: {  	v11 =	vadd.f32 v13, v11  }
0x243: {  	[tilespmem:s17+$0x173C0] =	vst v9;
	v8 =	vadd.f32 v8, v10  }
0x244: {  	[tilespmem:s17+$0x173D0] =	vst v11;
	v7 =	vadd.f32 v7, v14  }
0x245: {  	[tilespmem:s17+$0x173E0] =	vst v8  }
0x246: {  	[tilespmem:s17+$0x173F0] =	vst v7  }
0x247: {  	[tilespmem:s12], [sflag:$0x1] =	stream.linear.gather [spmem:s5], $0xC40, $0x38;
	[tilespmem:$0x18440] =	vst v63  }
0x248: {  	_ =	swait.ge [sflag:s1], $0xC40  }
0x249: {  	[sflag:s1] =	ssyncset.done $0x0  }
0x24a: {  	s17 =	simm.s32 $0x0;
	[sflag:s1] =	ssyncadd.s32 $0xFFFFF3C0  }
0x24b: {  	v12 =	vld [tilespmem:s17+$0x15AC0]  }
0x24c: {  	v13 =	vld [tilespmem:s17+$0x15AD0]  }
0x24d: {  	v8 =	vld [tilespmem:s17+$0x15AE0]  }
0x24e: {  	v7 =	vld [tilespmem:s17+$0x15AF0]  }
0x24f: {  	v9 =	vld [tilespmem:s17+$0x173C0]  }
0x250: {  	v11 =	vld [tilespmem:s17+$0x173D0]  }
0x251: {  	s19 =	simm.s32 $0x100;
	v10 =	vld [tilespmem:s17+$0x173E0]  }
.LBB3_42:
0x252: {  	s29 =	sshra.s32 s19, $0x2;
	p3 =	sne.s32 s19, $0x3000;
	v14 =	vld [tilespmem:s17+$0x173F0];
	v15 =	vmov v8  }
0x253: {  	v16 =	vld [tilespmem:s29+$0x15AC0];
	v17 =	vmov v7  }
0x254: {  	v18 =	vld [tilespmem:s29+$0x15AD0];
	v9 =	vadd.f32 v12, v9  }
.Ltmp22:
0x255: {  	v8 =	vld [tilespmem:s29+$0x15AE0];
	v11 =	vadd.f32 v13, v11;
	(pc) =	sbr.rel @p3 .LBB3_42-.Ltmp22, $4  }
0x256: {  	v7 =	vld [tilespmem:s29+$0x15AF0];
	[tilespmem:s17+$0x173C0] =	vst v9;
	v10 =	vadd.f32 v15, v10  }
0x257: {  	v9 =	vld [tilespmem:s29+$0x173C0];
	[tilespmem:s17+$0x173D0] =	vst v11;
	v14 =	vadd.f32 v17, v14  }
0x258: {  	v11 =	vld [tilespmem:s29+$0x173D0];
	[tilespmem:s17+$0x173E0] =	vst v10;
	v12 =	vmov v16  }
0x259: {  	s19 =	sadd.s32 $0x100, s19;
	v10 =	vld [tilespmem:s29+$0x173E0];
	[tilespmem:s17+$0x173F0] =	vst v14;
	v13 =	vmov v18;
	s17 =	smov.u32 s29  }
0x25a: {  	v14 =	vld [tilespmem:s17+$0x173F0];
	_ =	sdelay $0x1  }
0x25b: {  	v9 =	vadd.f32 v12, v9  }
0x25c: {  	v11 =	vadd.f32 v13, v11  }
0x25d: {  	[tilespmem:s17+$0x173C0] =	vst v9;
	v8 =	vadd.f32 v8, v10  }
0x25e: {  	[tilespmem:s17+$0x173D0] =	vst v11;
	v7 =	vadd.f32 v7, v14  }
0x25f: {  	[tilespmem:s17+$0x173E0] =	vst v8  }
0x260: {  	[tilespmem:s17+$0x173F0] =	vst v7  }
0x261: {  	[tilespmem:s12], [sflag:$0x1] =	stream.linear.gather [spmem:s6], $0xC40, $0x38;
	[tilespmem:$0x18440] =	vst v63  }
0x262: {  	_ =	swait.ge [sflag:s1], $0xC40  }
0x263: {  	[sflag:s1] =	ssyncset.done $0x0  }
0x264: {  	s17 =	simm.s32 $0x0;
	[sflag:s1] =	ssyncadd.s32 $0xFFFFF3C0  }
0x265: {  	v12 =	vld [tilespmem:s17+$0x15AC0]  }
0x266: {  	v13 =	vld [tilespmem:s17+$0x15AD0]  }
0x267: {  	v8 =	vld [tilespmem:s17+$0x15AE0]  }
0x268: {  	v7 =	vld [tilespmem:s17+$0x15AF0]  }
0x269: {  	v9 =	vld [tilespmem:s17+$0x173C0]  }
0x26a: {  	v11 =	vld [tilespmem:s17+$0x173D0]  }
0x26b: {  	s19 =	simm.s32 $0x100;
	v10 =	vld [tilespmem:s17+$0x173E0]  }
.LBB3_44:
0x26c: {  	s29 =	sshra.s32 s19, $0x2;
	p3 =	sne.s32 s19, $0x3000;
	v14 =	vld [tilespmem:s17+$0x173F0];
	v15 =	vmov v8  }
0x26d: {  	v16 =	vld [tilespmem:s29+$0x15AC0];
	v17 =	vmov v7  }
0x26e: {  	v18 =	vld [tilespmem:s29+$0x15AD0];
	v9 =	vadd.f32 v12, v9  }
.Ltmp23:
0x26f: {  	v8 =	vld [tilespmem:s29+$0x15AE0];
	v11 =	vadd.f32 v13, v11;
	(pc) =	sbr.rel @p3 .LBB3_44-.Ltmp23, $4  }
0x270: {  	v7 =	vld [tilespmem:s29+$0x15AF0];
	[tilespmem:s17+$0x173C0] =	vst v9;
	v10 =	vadd.f32 v15, v10  }
0x271: {  	v9 =	vld [tilespmem:s29+$0x173C0];
	[tilespmem:s17+$0x173D0] =	vst v11;
	v14 =	vadd.f32 v17, v14  }
0x272: {  	v11 =	vld [tilespmem:s29+$0x173D0];
	[tilespmem:s17+$0x173E0] =	vst v10;
	v12 =	vmov v16  }
0x273: {  	s19 =	sadd.s32 $0x100, s19;
	v10 =	vld [tilespmem:s29+$0x173E0];
	[tilespmem:s17+$0x173F0] =	vst v14;
	v13 =	vmov v18;
	s17 =	smov.u32 s29  }
0x274: {  	v14 =	vld [tilespmem:s17+$0x173F0];
	_ =	sdelay $0x1  }
0x275: {  	v9 =	vadd.f32 v12, v9  }
0x276: {  	v11 =	vadd.f32 v13, v11  }
0x277: {  	[tilespmem:s17+$0x173C0] =	vst v9;
	v8 =	vadd.f32 v8, v10  }
0x278: {  	[tilespmem:s17+$0x173D0] =	vst v11;
	v7 =	vadd.f32 v7, v14  }
0x279: {  	[tilespmem:s17+$0x173E0] =	vst v8  }
0x27a: {  	[tilespmem:s17+$0x173F0] =	vst v7  }
0x27b: {  	[tilespmem:s12], [sflag:$0x1] =	stream.linear.gather [spmem:s18], $0xC40, $0x38;
	[tilespmem:$0x18440] =	vst v63  }
0x27c: {  	_ =	swait.ge [sflag:s1], $0xC40  }
0x27d: {  	[sflag:s1] =	ssyncset.done $0x0  }
0x27e: {  	s17 =	simm.s32 $0x0;
	[sflag:s1] =	ssyncadd.s32 $0xFFFFF3C0  }
0x27f: {  	v12 =	vld [tilespmem:s17+$0x15AC0]  }
0x280: {  	v13 =	vld [tilespmem:s17+$0x15AD0]  }
0x281: {  	v8 =	vld [tilespmem:s17+$0x15AE0]  }
0x282: {  	v7 =	vld [tilespmem:s17+$0x15AF0]  }
0x283: {  	v9 =	vld [tilespmem:s17+$0x173C0]  }
0x284: {  	v11 =	vld [tilespmem:s17+$0x173D0]  }
0x285: {  	s19 =	simm.s32 $0x100;
	v10 =	vld [tilespmem:s17+$0x173E0]  }
.LBB3_46:
0x286: {  	s29 =	sshra.s32 s19, $0x2;
	p3 =	sne.s32 s19, $0x3000;
	v14 =	vld [tilespmem:s17+$0x173F0];
	v15 =	vmov v8  }
0x287: {  	v16 =	vld [tilespmem:s29+$0x15AC0];
	v17 =	vmov v7  }
0x288: {  	v18 =	vld [tilespmem:s29+$0x15AD0];
	v9 =	vadd.f32 v12, v9  }
.Ltmp24:
0x289: {  	v8 =	vld [tilespmem:s29+$0x15AE0];
	v11 =	vadd.f32 v13, v11;
	(pc) =	sbr.rel @p3 .LBB3_46-.Ltmp24, $4  }
0x28a: {  	v7 =	vld [tilespmem:s29+$0x15AF0];
	[tilespmem:s17+$0x173C0] =	vst v9;
	v10 =	vadd.f32 v15, v10  }
0x28b: {  	v9 =	vld [tilespmem:s29+$0x173C0];
	[tilespmem:s17+$0x173D0] =	vst v11;
	v14 =	vadd.f32 v17, v14  }
0x28c: {  	v11 =	vld [tilespmem:s29+$0x173D0];
	[tilespmem:s17+$0x173E0] =	vst v10;
	v12 =	vmov v16  }
0x28d: {  	s19 =	sadd.s32 $0x100, s19;
	v10 =	vld [tilespmem:s29+$0x173E0];
	[tilespmem:s17+$0x173F0] =	vst v14;
	v13 =	vmov v18;
	s17 =	smov.u32 s29  }
0x28e: {  	v14 =	vld [tilespmem:s17+$0x173F0];
	_ =	sdelay $0x1  }
0x28f: {  	v9 =	vadd.f32 v12, v9  }
0x290: {  	v11 =	vadd.f32 v13, v11  }
0x291: {  	[tilespmem:s17+$0x173C0] =	vst v9;
	v8 =	vadd.f32 v8, v10  }
0x292: {  	[tilespmem:s17+$0x173D0] =	vst v11;
	v7 =	vadd.f32 v7, v14  }
0x293: {  	[tilespmem:s17+$0x173E0] =	vst v8  }
0x294: {  	[tilespmem:s17+$0x173F0] =	vst v7  }
0x295: {  	[tilespmem:s12], [sflag:$0x1] =	stream.linear.gather [spmem:s15], $0xC40, $0x38;
	[tilespmem:$0x18440] =	vst v63  }
0x296: {  	_ =	swait.ge [sflag:s1], $0xC40  }
0x297: {  	[sflag:s1] =	ssyncset.done $0x0  }
0x298: {  	s17 =	simm.s32 $0x0;
	[sflag:s1] =	ssyncadd.s32 $0xFFFFF3C0  }
0x299: {  	s19 =	simm.s32 $0x40;
	v7 =	vld [tilespmem:s17+$0x15AC0]  }
.LBB3_48:
0x29a: {  	p3 =	sne.s32 s19, $0x30C0;
	v8 =	vld [tilespmem:s17+$0x173C0];
	_ =	sdelay $0x2  }
.Ltmp25:
0x29b: {  	(pc) =	sbr.rel @p3 .LBB3_48-.Ltmp25, $4  }
0x29c: {  	_ = 	snop  }
0x29d: {  	v8 =	vmul.f32 v7, v8  }
0x29e: {  	s29 =	sshra.s32 s19, $0x2  }
0x29f: {  	s19 =	sadd.s32 $0x40, s19;
	v7 =	vld [tilespmem:s29+$0x15AC0];
	[tilespmem:s17+$0x173C0] =	vst v8;
	s17 =	smov.u32 s29  }
0x2a0: {  	v8 =	vld [tilespmem:s17+$0x173C0];
	_ =	sdelay $0x4  }
0x2a1: {  	v7 =	vmul.f32 v7, v8;
	_ =	sdelay $0x1  }
0x2a2: {  	s30 =	rddreg [dreg:$0x13];
	[tilespmem:s17+$0x173C0] =	vst v7  }
0x2a3: {  	[spmem:s30] =	stream.linear.scatter [tilespmem:s23], [sflag:$0x1], $0xC40, $0x38;
	[tilespmem:$0x18440] =	vst v63  }
.Ltmp26:
0x2a4: {  	_ =	swait.ge [sflag:s1], $0xC40;
	(pc) =	sbr.rel @p2 .LBB3_67-.Ltmp26, $3  }
0x2a5: {  	[sflag:s1] =	ssyncset.done $0x0  }
0x2a6: {  	[sflag:s1] =	ssyncadd.s32 $0xFFFFF3C0  }
0x2a7: {  	[bflag:$0x0] =	sbarrier.arrive $0xFFFF;
	_ =	sdelay $0x1  }
0x2a8: {  	s17 =	rddreg [dreg:$0x14]  }
0x2a9: {  	[tilespmem:s12], [sflag:$0x1] =	stream.linear.gather [spmem:s17], $0xC40, $0x38;
	[tilespmem:$0x18440] =	vst v63  }
0x2aa: {  	_ =	swait.ge [sflag:s1], $0xC40  }
0x2ab: {  	[sflag:s1] =	ssyncset.done $0x0  }
0x2ac: {  	s19 =	simm.s32 $0x0;
	[sflag:s1] =	ssyncadd.s32 $0xFFFFF3C0  }
0x2ad: {  	v7 =	vimm.f32 $0.0e+00;
	s17 =	simm.s32 $0x40;
	v8 =	vld [tilespmem:s19+$0x15AC0]  }
.LBB3_51:
0x2ae: {  	p3 =	sne.s32 s17, $0x30C0  }
.Ltmp27:
0x2af: {  	_ = 	snop;
	(pc) =	sbr.rel @p3 .LBB3_51-.Ltmp27, $3  }
0x2b0: {  	_ =	sdelay $0x1  }
0x2b1: {  	s19 =	sshra.s32 s17, $0x2;
	s17 =	sadd.s32 $0x40, s17;
	v7 =	vadd.f32 v8, v7  }
0x2b2: {  	v8 =	vld [tilespmem:s19+$0x15AC0]  }
0x2b3: {  	s17 =	rddreg [dreg:$0x1b]  }
0x2b4: {  	[tilespmem:s12], [sflag:$0x1] =	stream.linear.gather [spmem:s17], $0xC40, $0x38;
	[tilespmem:$0x18440] =	vst v63  }
0x2b5: {  	_ =	swait.ge [sflag:s1], $0xC40  }
0x2b6: {  	[sflag:s1] =	ssyncset.done $0x0  }
0x2b7: {  	s19 =	simm.s32 $0x0;
	[sflag:s1] =	ssyncadd.s32 $0xFFFFF3C0  }
0x2b8: {  	s17 =	simm.s32 $0x40;
	v7 =	vadd.f32 v8, v7;
	v8 =	vld [tilespmem:s19+$0x15AC0]  }
.LBB3_53:
0x2b9: {  	p3 =	sne.s32 s17, $0x30C0  }
.Ltmp28:
0x2ba: {  	_ = 	snop;
	(pc) =	sbr.rel @p3 .LBB3_53-.Ltmp28, $3  }
0x2bb: {  	_ =	sdelay $0x1  }
0x2bc: {  	s19 =	sshra.s32 s17, $0x2;
	s17 =	sadd.s32 $0x40, s17;
	v7 =	vadd.f32 v8, v7  }
0x2bd: {  	v8 =	vld [tilespmem:s19+$0x15AC0]  }
0x2be: {  	s17 =	rddreg [dreg:$0x1c]  }
0x2bf: {  	[tilespmem:s12], [sflag:$0x1] =	stream.linear.gather [spmem:s17], $0xC40, $0x38;
	[tilespmem:$0x18440] =	vst v63  }
0x2c0: {  	_ =	swait.ge [sflag:s1], $0xC40  }
0x2c1: {  	[sflag:s1] =	ssyncset.done $0x0  }
0x2c2: {  	s19 =	simm.s32 $0x0;
	[sflag:s1] =	ssyncadd.s32 $0xFFFFF3C0  }
0x2c3: {  	s17 =	simm.s32 $0x40;
	v7 =	vadd.f32 v8, v7;
	v8 =	vld [tilespmem:s19+$0x15AC0]  }
.LBB3_55:
0x2c4: {  	p3 =	sne.s32 s17, $0x30C0  }
.Ltmp29:
0x2c5: {  	_ = 	snop;
	(pc) =	sbr.rel @p3 .LBB3_55-.Ltmp29, $3  }
0x2c6: {  	_ =	sdelay $0x1  }
0x2c7: {  	s19 =	sshra.s32 s17, $0x2;
	s17 =	sadd.s32 $0x40, s17;
	v7 =	vadd.f32 v8, v7  }
0x2c8: {  	v8 =	vld [tilespmem:s19+$0x15AC0]  }
0x2c9: {  	s17 =	rddreg [dreg:$0x1d]  }
0x2ca: {  	[tilespmem:s12], [sflag:$0x1] =	stream.linear.gather [spmem:s17], $0xC40, $0x38;
	[tilespmem:$0x18440] =	vst v63  }
0x2cb: {  	_ =	swait.ge [sflag:s1], $0xC40  }
0x2cc: {  	[sflag:s1] =	ssyncset.done $0x0  }
0x2cd: {  	s19 =	simm.s32 $0x0;
	[sflag:s1] =	ssyncadd.s32 $0xFFFFF3C0  }
0x2ce: {  	s17 =	simm.s32 $0x40;
	v7 =	vadd.f32 v8, v7;
	v8 =	vld [tilespmem:s19+$0x15AC0]  }
.LBB3_57:
0x2cf: {  	p3 =	sne.s32 s17, $0x30C0  }
.Ltmp30:
0x2d0: {  	_ = 	snop;
	(pc) =	sbr.rel @p3 .LBB3_57-.Ltmp30, $3  }
0x2d1: {  	_ =	sdelay $0x1  }
0x2d2: {  	s19 =	sshra.s32 s17, $0x2;
	s17 =	sadd.s32 $0x40, s17;
	v7 =	vadd.f32 v8, v7  }
0x2d3: {  	v8 =	vld [tilespmem:s19+$0x15AC0]  }
0x2d4: {  	s17 =	rddreg [dreg:$0x1e]  }
0x2d5: {  	[tilespmem:s12], [sflag:$0x1] =	stream.linear.gather [spmem:s17], $0xC40, $0x38;
	[tilespmem:$0x18440] =	vst v63  }
0x2d6: {  	_ =	swait.ge [sflag:s1], $0xC40  }
0x2d7: {  	[sflag:s1] =	ssyncset.done $0x0  }
0x2d8: {  	s19 =	simm.s32 $0x0;
	[sflag:s1] =	ssyncadd.s32 $0xFFFFF3C0  }
0x2d9: {  	s17 =	simm.s32 $0x40;
	v7 =	vadd.f32 v8, v7;
	v8 =	vld [tilespmem:s19+$0x15AC0]  }
.LBB3_59:
0x2da: {  	p3 =	sne.s32 s17, $0x30C0  }
.Ltmp31:
0x2db: {  	_ = 	snop;
	(pc) =	sbr.rel @p3 .LBB3_59-.Ltmp31, $3  }
0x2dc: {  	_ =	sdelay $0x1  }
0x2dd: {  	s19 =	sshra.s32 s17, $0x2;
	s17 =	sadd.s32 $0x40, s17;
	v7 =	vadd.f32 v8, v7  }
0x2de: {  	v8 =	vld [tilespmem:s19+$0x15AC0]  }
0x2df: {  	s17 =	rddreg [dreg:$0x1f]  }
0x2e0: {  	[tilespmem:s12], [sflag:$0x1] =	stream.linear.gather [spmem:s17], $0xC40, $0x38;
	[tilespmem:$0x18440] =	vst v63  }
0x2e1: {  	_ =	swait.ge [sflag:s1], $0xC40  }
0x2e2: {  	[sflag:s1] =	ssyncset.done $0x0  }
0x2e3: {  	s19 =	simm.s32 $0x0;
	[sflag:s1] =	ssyncadd.s32 $0xFFFFF3C0  }
0x2e4: {  	s17 =	simm.s32 $0x40;
	v7 =	vadd.f32 v8, v7;
	v8 =	vld [tilespmem:s19+$0x15AC0]  }
.LBB3_61:
0x2e5: {  	p3 =	sne.s32 s17, $0x30C0  }
.Ltmp32:
0x2e6: {  	_ = 	snop;
	(pc) =	sbr.rel @p3 .LBB3_61-.Ltmp32, $3  }
0x2e7: {  	_ =	sdelay $0x1  }
0x2e8: {  	s19 =	sshra.s32 s17, $0x2;
	s17 =	sadd.s32 $0x40, s17;
	v7 =	vadd.f32 v8, v7  }
0x2e9: {  	v8 =	vld [tilespmem:s19+$0x15AC0]  }
0x2ea: {  	s17 =	sld [smem:$0x7FD];
	_ =	sdelay $0x2  }
0x2eb: {  	[tilespmem:s12], [sflag:$0x1] =	stream.linear.gather [spmem:s17], $0xC40, $0x38;
	[tilespmem:$0x18440] =	vst v63  }
0x2ec: {  	_ =	swait.ge [sflag:s1], $0xC40  }
0x2ed: {  	[sflag:s1] =	ssyncset.done $0x0  }
0x2ee: {  	s19 =	simm.s32 $0x0;
	[sflag:s1] =	ssyncadd.s32 $0xFFFFF3C0  }
0x2ef: {  	s17 =	simm.s32 $0x40;
	v7 =	vadd.f32 v8, v7;
	v8 =	vld [tilespmem:s19+$0x15AC0]  }
.LBB3_63:
0x2f0: {  	p3 =	sne.s32 s17, $0x30C0  }
.Ltmp33:
0x2f1: {  	_ = 	snop;
	(pc) =	sbr.rel @p3 .LBB3_63-.Ltmp33, $3  }
0x2f2: {  	_ =	sdelay $0x1  }
0x2f3: {  	s19 =	sshra.s32 s17, $0x2;
	s17 =	sadd.s32 $0x40, s17;
	v7 =	vadd.f32 v8, v7  }
0x2f4: {  	v8 =	vld [tilespmem:s19+$0x15AC0]  }
0x2f5: {  	s17 =	rddreg [dreg:$0x1a]  }
0x2f6: {  	[tilespmem:s12], [sflag:$0x1] =	stream.linear.gather [spmem:s17], $0xBE8, $0x38;
	[tilespmem:$0x18440] =	vst v63  }
0x2f7: {  	_ =	swait.ge [sflag:s1], $0xBE8  }
0x2f8: {  	[sflag:s1] =	ssyncset.done $0x0  }
0x2f9: {  	s19 =	simm.s32 $0x0;
	[sflag:s1] =	ssyncadd.s32 $0xFFFFF418  }
0x2fa: {  	s17 =	simm.s32 $0x40;
	v7 =	vadd.f32 v8, v7;
	v8 =	vld [tilespmem:s19+$0x15AC0]  }
.LBB3_65:
0x2fb: {  	p3 =	sne.s32 s17, $0x2F40  }
.Ltmp34:
0x2fc: {  	_ = 	snop;
	(pc) =	sbr.rel @p3 .LBB3_65-.Ltmp34, $3  }
0x2fd: {  	_ =	sdelay $0x1  }
0x2fe: {  	s19 =	sshra.s32 s17, $0x2;
	s17 =	sadd.s32 $0x40, s17;
	v7 =	vadd.f32 v8, v7  }
0x2ff: {  	v8 =	vld [tilespmem:s19+$0x15AC0]  }
0x300: {  	s17 =	rddreg [dreg:$0x7];
	s19 =	simm.s32 $0x18040  }
0x301: {  	v9 =	vld [tilespmem:$0x166A0];
	[tilespmem:s19], [sflag:$0x1] =	stream.linear.gather [hbm4b:s17+s8], $0x80, $0x38  }
0x302: {  	_ =	swait.ge [sflag:s1], $0x80  }
0x303: {  	[sflag:s1] =	ssyncset.done $0x0  }
0x304: {  	[sflag:s1] =	ssyncadd.s32 $0xFFFFFF80  }
0x305: {  	s30 =	simm.s32 $0x180C0;
	s29 =	rddreg [dreg:$0x3]  }
0x306: {  	[tilespmem:s30], [sflag:$0x1] =	stream.linear.gather [hbm4b:s29+s8], $0x80, $0x38;
	[tilespmem:$0x18440] =	vst v63  }
0x307: {  	_ =	swait.ge [sflag:s1], $0x80  }
0x308: {  	[sflag:s1] =	ssyncset.done $0x0  }
0x309: {  	[sflag:s1] =	ssyncadd.s32 $0xFFFFFF80  }
0x30a: {  	s19 =	rddreg [dreg:$0x4]  }
0x30b: {  	[tilespmem:s11], [sflag:$0x1] =	stream.linear.gather [hbm4b:s19+s8], $0x80, $0x38;
	[tilespmem:$0x18440] =	vst v63  }
0x30c: {  	_ =	swait.ge [sflag:s1], $0x80  }
0x30d: {  	[sflag:s1] =	ssyncset.done $0x0  }
0x30e: {  	[sflag:s1] =	ssyncadd.s32 $0xFFFFFF80  }
0x30f: {  	s30 =	simm.s32 $0x181C0;
	s29 =	rddreg [dreg:$0x8]  }
0x310: {  	v7 =	vadd.f32 v8, v7;
	[tilespmem:s30], [sflag:$0x1] =	stream.linear.gather [hbm4b:s29+s8], $0x80, $0x38;
	[tilespmem:$0x18440] =	vst v63  }
0x311: {  	v8 =	vnsel vm2, $0x0, v9;
	_ =	swait.ge [sflag:s1], $0x80  }
0x312: {  	v7 =	vadd.f32 v8, v7;
	[sflag:s1] =	ssyncset.done $0x0  }
0x313: {  	[sflag:s1] =	ssyncadd.s32 $0xFFFFFF80  }
0x314: {  	[tilespmem:$0x183C0] =	vst v7  }
0x315: {  	v8 =	vld.idx.msk [tilespmem:v2+s10+$0x0], $0xffff;
	_ =	sdelay $0x4  }
0x316: {  	v7 =	vadd.f32 v8, v7;
	_ =	sdelay $0x1  }
0x317: {  	[tilespmem:$0x183C0] =	vst v7  }
0x318: {  	v8 =	vld.idx.msk [tilespmem:v3+s10+$0x0], $0xffff;
	_ =	sdelay $0x4  }
0x319: {  	v7 =	vadd.f32 v8, v7;
	_ =	sdelay $0x1  }
0x31a: {  	[tilespmem:$0x183C0] =	vst v7  }
0x31b: {  	v8 =	vld.idx.msk [tilespmem:v4+s10+$0x0], $0xffff;
	_ =	sdelay $0x4  }
0x31c: {  	v7 =	vadd.f32 v8, v7;
	_ =	sdelay $0x1  }
0x31d: {  	[tilespmem:$0x183C0] =	vst v7  }
0x31e: {  	v8 =	vld.idx.msk [tilespmem:v5+s10+$0x0], $0xffff;
	_ =	sdelay $0x3  }
0x31f: {  	v57 =	vld [tilespmem:$0x180C0]  }
0x320: {  	v7 =	vadd.f32 v8, v7  }
0x321: {  	v8 =	vld [tilespmem:$0x18140]  }
0x322: {  	v7 =	vmul.f32 v7, v6  }
0x323: {  	v10 =	vld [tilespmem:$0x18040]  }
0x324: {  	v7 =	vmul.f32 v7, v57;
	_ =	sdelay $0x1  }
0x325: {  	v7 =	vadd.f32 v7, v8;
	_ =	sdelay $0x1  }
0x326: {  	v58 =	vshrl.u32 v10, $0x10;
	v8 =	vshrl.u32 v7, $0x10  }
0x327: {  	v9 =	vand.u32 $0x1, v58;
	v8 =	vand.u32 $0x1, v8  }
0x328: {  	v7 =	vadd.s32 v8, v7;
	v8 =	vadd.s32 v9, v10  }
0x329: {  	v7 =	vadd.s32 $0x7FFF, v7;
	v8 =	vadd.s32 $0x7FFF, v8  }
0x32a: {  	v7 =	vand.u32 $0xFFFF0000, v7;
	v8 =	vand.u32 $0xFFFF0000, v8  }
0x32b: {  	v7 =	vmul.f32 v7, v8;
	_ =	sdelay $0x1  }
0x32c: {  	[tilespmem:$0x183C0] =	vst v7  }
0x32d: {  	v8 =	vld.idx.msk [tilespmem:v2+s10+$0x0], $0xffff;
	_ =	sdelay $0x4  }
0x32e: {  	v7 =	vadd.f32 v7, v8;
	_ =	sdelay $0x1  }
0x32f: {  	[tilespmem:$0x183C0] =	vst v7  }
0x330: {  	v8 =	vld.idx.msk [tilespmem:v3+s10+$0x0], $0xffff;
	_ =	sdelay $0x4  }
0x331: {  	v7 =	vadd.f32 v7, v8;
	_ =	sdelay $0x1  }
0x332: {  	[tilespmem:$0x183C0] =	vst v7  }
0x333: {  	v8 =	vld.idx.msk [tilespmem:v4+s10+$0x0], $0xffff;
	_ =	sdelay $0x2  }
0x334: {  	v59 =	vld [tilespmem:$0x181C0];
	_ =	sdelay $0x1  }
0x335: {  	v7 =	vadd.f32 v7, v8;
	_ =	sdelay $0x1  }
0x336: {  	[tilespmem:$0x183C0] =	vst v7  }
0x337: {  	v8 =	vld.idx.msk [tilespmem:v5+s10+$0x0], $0xffff;
	[tilespmem:$0x183C0] =	vst v59  }
0x338: {  	v60 =	vld.idx.msk [tilespmem:v2+s10+$0x0], $0xffff;
	_ =	sdelay $0x4  }
0x339: {  	v9 =	vadd.f32 v60, v59;
	_ =	sdelay $0x1  }
0x33a: {  	[tilespmem:$0x183C0] =	vst v9  }
0x33b: {  	v61 =	vld.idx.msk [tilespmem:v3+s10+$0x0], $0xffff;
	_ =	sdelay $0x4  }
0x33c: {  	v9 =	vadd.f32 v61, v9;
	_ =	sdelay $0x1  }
0x33d: {  	[tilespmem:$0x183C0] =	vst v9  }
0x33e: {  	v62 =	vld.idx.msk [tilespmem:v4+s10+$0x0], $0xffff;
	_ =	sdelay $0x4  }
0x33f: {  	v9 =	vadd.f32 v62, v9;
	_ =	sdelay $0x1  }
0x340: {  	[tilespmem:$0x183C0] =	vst v9  }
0x341: {  	v63 =	vld.idx.msk [tilespmem:v5+s10+$0x0], $0xffff;
	_ =	sdelay $0x4  }
0x342: {  	v7 =	vadd.f32 v7, v8;
	v8 =	vadd.f32 v63, v9;
	_ =	sdelay $0x1  }
0x343: {  	v7 =	vadd.f32 v8, v7;
	_ =	sdelay $0x1  }
0x344: {  	v7 =	vnsel vm1, $0x0, v7  }
0x345: {  	s30 =	simm.s32 $0x18340;
	s29 =	rddreg [dreg:$0xf];
	[tilespmem:$0x18340] =	vst v7  }
0x346: {  	[hbm4b:s29+s8] =	stream.linear.scatter [tilespmem:s30], [sflag:$0x1], $0x10, $0x38;
	[tilespmem:$0x18440] =	vst v63  }
0x347: {  	_ =	swait.ge [sflag:s1], $0x10  }
0x348: {  	[sflag:s1] =	ssyncset.done $0x0  }
0x349: {  	[sflag:s1] =	ssyncadd.s32 $0xFFFFFFF0  }
.LBB3_67:
.Ltmp35:
0x34a: {  	(pc) =	sbr.rel @p1 .LBB3_69-.Ltmp35, $1  }
0x34b: {  	_ =	sdelay $0x3  }
0x34c: {  	s17 =	rddreg [dreg:$0x10];
	s11 =	simm.s32 $0x18240  }
0x34d: {  	[tilespmem:s11], [sflag:$0x1] =	stream.linear.gather [hbm4b:s17+s8], $0x40, $0x38;
	[tilespmem:$0x18440] =	vst v63  }
0x34e: {  	_ =	swait.ge [sflag:s1], $0x40  }
0x34f: {  	[sflag:s1] =	ssyncset.done $0x0  }
0x350: {  	s30 =	rddreg [dreg:$0x16];
	[sflag:s1] =	ssyncadd.s32 $0xFFFFFFC0  }
0x351: {  	[tilespmem:s25], [sflag:$0x1] =	stream.linear.gather [spmem:s30], $0x6200, $0x38;
	[tilespmem:$0x18440] =	vst v63  }
0x352: {  	_ =	swait.ge [sflag:s1], $0x6200  }
0x353: {  	[sflag:s1] =	ssyncset.done $0x0  }
0x354: {  	[sflag:s1] =	ssyncadd.s32 $0xFFFF9E00  }
0x355: {  	s19 =	simm.s32 $0x18040;
	s11 =	rddreg [dreg:$0x5]  }
0x356: {  	[tilespmem:s19], [sflag:$0x1] =	stream.linear.gather [hbm4b:s11+s8], $0x80, $0x38;
	[tilespmem:$0x18440] =	vst v63  }
0x357: {  	_ =	swait.ge [sflag:s1], $0x80  }
0x358: {  	[sflag:s1] =	ssyncset.done $0x0  }
0x359: {  	[sflag:s1] =	ssyncadd.s32 $0xFFFFFF80  }
0x35a: {  	s19 =	simm.s32 $0x180C0;
	s29 =	rddreg [dreg:$0x3]  }
0x35b: {  	[tilespmem:s19], [sflag:$0x1] =	stream.linear.gather [hbm4b:s29+s8], $0x80, $0x38;
	[tilespmem:$0x18440] =	vst v63  }
0x35c: {  	_ =	swait.ge [sflag:s1], $0x80  }
0x35d: {  	[sflag:s1] =	ssyncset.done $0x0  }
0x35e: {  	[sflag:s1] =	ssyncadd.s32 $0xFFFFFF80  }
0x35f: {  	s29 =	simm.s32 $0x18140;
	s30 =	rddreg [dreg:$0x4]  }
0x360: {  	[tilespmem:s29], [sflag:$0x1] =	stream.linear.gather [hbm4b:s30+s8], $0x80, $0x38;
	[tilespmem:$0x18440] =	vst v63  }
0x361: {  	_ =	swait.ge [sflag:s1], $0x80  }
0x362: {  	[sflag:s1] =	ssyncset.done $0x0  }
0x363: {  	[sflag:s1] =	ssyncadd.s32 $0xFFFFFF80  }
0x364: {  	s30 =	simm.s32 $0x181C0;
	s11 =	rddreg [dreg:$0x6]  }
0x365: {  	[tilespmem:s30], [sflag:$0x1] =	stream.linear.gather [hbm4b:s11+s8], $0x80, $0x38;
	[tilespmem:$0x18440] =	vst v63  }
0x366: {  	_ =	swait.ge [sflag:s1], $0x80  }
0x367: {  	[sflag:s1] =	ssyncset.done $0x0  }
0x368: {  	[sflag:s1] =	ssyncadd.s32 $0xFFFFFF80  }
0x369: {  	v7 =	vld [tilespmem:$0x181C0];
	_ =	sdelay $0x4  }
0x36a: {  	[tilespmem:$0x183C0] =	vst v7  }
0x36b: {  	v8 =	vld.idx.msk [tilespmem:v2+s10+$0x0], $0xffff;
	_ =	sdelay $0x4  }
0x36c: {  	v7 =	vadd.f32 v8, v7;
	_ =	sdelay $0x1  }
0x36d: {  	[tilespmem:$0x183C0] =	vst v7  }
0x36e: {  	v8 =	vld.idx.msk [tilespmem:v3+s10+$0x0], $0xffff;
	_ =	sdelay $0x4  }
0x36f: {  	v7 =	vadd.f32 v8, v7;
	_ =	sdelay $0x1  }
0x370: {  	[tilespmem:$0x183C0] =	vst v7  }
0x371: {  	v8 =	vld.idx.msk [tilespmem:v4+s10+$0x0], $0xffff;
	_ =	sdelay $0x1  }
0x372: {  	v17 =	vld [tilespmem:$0x180C0];
	_ =	sdelay $0x2  }
0x373: {  	v7 =	vadd.f32 v8, v7;
	_ =	sdelay $0x1  }
0x374: {  	v9 =	vnsel vm1, $0x0, v17;
	[tilespmem:$0x183C0] =	vst v7  }
0x375: {  	v8 =	vld.idx.msk [tilespmem:v5+s10+$0x0], $0xffff;
	[tilespmem:$0x183C0] =	vst v9  }
0x376: {  	v10 =	vld.idx.msk [tilespmem:v2+s10+$0x0], $0xffff;
	_ =	sdelay $0x4  }
0x377: {  	v9 =	vadd.f32 v10, v9;
	_ =	sdelay $0x1  }
0x378: {  	[tilespmem:$0x183C0] =	vst v9  }
0x379: {  	v34 =	vld.idx.msk [tilespmem:v3+s10+$0x0], $0xffff;
	_ =	sdelay $0x4  }
0x37a: {  	v9 =	vadd.f32 v34, v9;
	_ =	sdelay $0x1  }
0x37b: {  	[tilespmem:$0x183C0] =	vst v9  }
0x37c: {  	v35 =	vld.idx.msk [tilespmem:v4+s10+$0x0], $0xffff;
	_ =	sdelay $0x4  }
0x37d: {  	v9 =	vadd.f32 v35, v9;
	_ =	sdelay $0x1  }
0x37e: {  	v11 =	vsel vm3, $0x0, v17;
	[tilespmem:$0x183C0] =	vst v9  }
0x37f: {  	v10 =	vld.idx.msk [tilespmem:v5+s10+$0x0], $0xffff;
	[tilespmem:$0x183C0] =	vst v11  }
0x380: {  	v12 =	vld.idx.msk [tilespmem:v2+s10+$0x0], $0xffff;
	_ =	sdelay $0x4  }
0x381: {  	v11 =	vadd.f32 v12, v11;
	_ =	sdelay $0x1  }
0x382: {  	[tilespmem:$0x183C0] =	vst v11  }
0x383: {  	v36 =	vld.idx.msk [tilespmem:v3+s10+$0x0], $0xffff;
	_ =	sdelay $0x4  }
0x384: {  	v11 =	vadd.f32 v36, v11;
	_ =	sdelay $0x1  }
0x385: {  	[tilespmem:$0x183C0] =	vst v11  }
0x386: {  	v37 =	vld.idx.msk [tilespmem:v4+s10+$0x0], $0xffff;
	_ =	sdelay $0x4  }
0x387: {  	v11 =	vadd.f32 v37, v11;
	_ =	sdelay $0x1  }
0x388: {  	v13 =	vsel vm4, $0x0, v17;
	[tilespmem:$0x183C0] =	vst v11  }
0x389: {  	v12 =	vld.idx.msk [tilespmem:v5+s10+$0x0], $0xffff;
	[tilespmem:$0x183C0] =	vst v13  }
0x38a: {  	v14 =	vld.idx.msk [tilespmem:v2+s10+$0x0], $0xffff;
	_ =	sdelay $0x4  }
0x38b: {  	v13 =	vadd.f32 v14, v13;
	_ =	sdelay $0x1  }
0x38c: {  	[tilespmem:$0x183C0] =	vst v13  }
0x38d: {  	v38 =	vld.idx.msk [tilespmem:v3+s10+$0x0], $0xffff;
	_ =	sdelay $0x4  }
0x38e: {  	v13 =	vadd.f32 v38, v13;
	_ =	sdelay $0x1  }
0x38f: {  	[tilespmem:$0x183C0] =	vst v13  }
0x390: {  	v39 =	vld.idx.msk [tilespmem:v4+s10+$0x0], $0xffff;
	_ =	sdelay $0x4  }
0x391: {  	v13 =	vadd.f32 v39, v13;
	_ =	sdelay $0x1  }
0x392: {  	v15 =	vsel vm5, $0x0, v17;
	[tilespmem:$0x183C0] =	vst v13  }
0x393: {  	v14 =	vld.idx.msk [tilespmem:v5+s10+$0x0], $0xffff;
	[tilespmem:$0x183C0] =	vst v15  }
0x394: {  	v16 =	vld.idx.msk [tilespmem:v2+s10+$0x0], $0xffff;
	_ =	sdelay $0x4  }
0x395: {  	v15 =	vadd.f32 v16, v15;
	_ =	sdelay $0x1  }
0x396: {  	[tilespmem:$0x183C0] =	vst v15  }
0x397: {  	v40 =	vld.idx.msk [tilespmem:v3+s10+$0x0], $0xffff;
	_ =	sdelay $0x4  }
0x398: {  	v15 =	vadd.f32 v40, v15;
	_ =	sdelay $0x1  }
0x399: {  	[tilespmem:$0x183C0] =	vst v15  }
0x39a: {  	v41 =	vld.idx.msk [tilespmem:v4+s10+$0x0], $0xffff;
	_ =	sdelay $0x4  }
0x39b: {  	v15 =	vadd.f32 v41, v15;
	_ =	sdelay $0x1  }
0x39c: {  	v18 =	vsel vm6, $0x0, v17;
	[tilespmem:$0x183C0] =	vst v15  }
0x39d: {  	v16 =	vld.idx.msk [tilespmem:v5+s10+$0x0], $0xffff;
	[tilespmem:$0x183C0] =	vst v18  }
0x39e: {  	v19 =	vld.idx.msk [tilespmem:v2+s10+$0x0], $0xffff;
	_ =	sdelay $0x4  }
0x39f: {  	v18 =	vadd.f32 v19, v18;
	_ =	sdelay $0x1  }
0x3a0: {  	[tilespmem:$0x183C0] =	vst v18  }
0x3a1: {  	v42 =	vld.idx.msk [tilespmem:v3+s10+$0x0], $0xffff;
	_ =	sdelay $0x4  }
0x3a2: {  	v18 =	vadd.f32 v42, v18;
	_ =	sdelay $0x1  }
0x3a3: {  	[tilespmem:$0x183C0] =	vst v18  }
0x3a4: {  	v43 =	vld.idx.msk [tilespmem:v4+s10+$0x0], $0xffff;
	_ =	sdelay $0x4  }
0x3a5: {  	v18 =	vadd.f32 v43, v18;
	_ =	sdelay $0x1  }
0x3a6: {  	v44 =	vsel vm7, $0x0, v17;
	[tilespmem:$0x183C0] =	vst v18  }
0x3a7: {  	v21 =	vld.idx.msk [tilespmem:v5+s10+$0x0], $0xffff;
	[tilespmem:$0x183C0] =	vst v44  }
0x3a8: {  	v20 =	vld.idx.msk [tilespmem:v2+s10+$0x0], $0xffff;
	_ =	sdelay $0x4  }
0x3a9: {  	v19 =	vadd.f32 v20, v44;
	_ =	sdelay $0x1  }
0x3aa: {  	[tilespmem:$0x183C0] =	vst v19  }
0x3ab: {  	v45 =	vld.idx.msk [tilespmem:v3+s10+$0x0], $0xffff;
	_ =	sdelay $0x4  }
0x3ac: {  	v19 =	vadd.f32 v45, v19;
	_ =	sdelay $0x1  }
0x3ad: {  	[tilespmem:$0x183C0] =	vst v19  }
0x3ae: {  	v46 =	vld.idx.msk [tilespmem:v4+s10+$0x0], $0xffff;
	_ =	sdelay $0x4  }
0x3af: {  	v22 =	vadd.f32 v46, v19;
	_ =	sdelay $0x1  }
0x3b0: {  	v47 =	vsel vm8, $0x0, v17;
	[tilespmem:$0x183C0] =	vst v22  }
0x3b1: {  	v23 =	vld.idx.msk [tilespmem:v5+s10+$0x0], $0xffff;
	[tilespmem:$0x183C0] =	vst v47  }
0x3b2: {  	v48 =	vld.idx.msk [tilespmem:v2+s10+$0x0], $0xffff;
	_ =	sdelay $0x4  }
0x3b3: {  	v19 =	vadd.f32 v48, v47;
	_ =	sdelay $0x1  }
0x3b4: {  	[tilespmem:$0x183C0] =	vst v19  }
0x3b5: {  	v49 =	vld.idx.msk [tilespmem:v3+s10+$0x0], $0xffff;
	_ =	sdelay $0x4  }
0x3b6: {  	v19 =	vadd.f32 v49, v19;
	_ =	sdelay $0x1  }
0x3b7: {  	[tilespmem:$0x183C0] =	vst v19  }
0x3b8: {  	v50 =	vld.idx.msk [tilespmem:v4+s10+$0x0], $0xffff;
	_ =	sdelay $0x4  }
0x3b9: {  	v24 =	vadd.f32 v50, v19;
	_ =	sdelay $0x1  }
0x3ba: {  	v17 =	vsel vm9, $0x0, v17;
	[tilespmem:$0x183C0] =	vst v24  }
0x3bb: {  	v25 =	vld.idx.msk [tilespmem:v5+s10+$0x0], $0xffff;
	[tilespmem:$0x183C0] =	vst v17  }
0x3bc: {  	v51 =	vld.idx.msk [tilespmem:v2+s10+$0x0], $0xffff;
	_ =	sdelay $0x4  }
0x3bd: {  	v17 =	vadd.f32 v51, v17;
	_ =	sdelay $0x1  }
0x3be: {  	[tilespmem:$0x183C0] =	vst v17  }
0x3bf: {  	v52 =	vld.idx.msk [tilespmem:v3+s10+$0x0], $0xffff;
	_ =	sdelay $0x4  }
0x3c0: {  	v17 =	vadd.f32 v52, v17;
	_ =	sdelay $0x1  }
0x3c1: {  	[tilespmem:$0x183C0] =	vst v17  }
0x3c2: {  	v53 =	vld.idx.msk [tilespmem:v4+s10+$0x0], $0xffff;
	_ =	sdelay $0x1  }
0x3c3: {  	v54 =	vld [tilespmem:$0x18140];
	_ =	sdelay $0x2  }
0x3c4: {  	v26 =	vadd.f32 v53, v17;
	_ =	sdelay $0x1  }
0x3c5: {  	v55 =	vnsel vm1, $0x0, v54;
	[tilespmem:$0x183C0] =	vst v26  }
0x3c6: {  	v27 =	vld.idx.msk [tilespmem:v5+s10+$0x0], $0xffff;
	[tilespmem:$0x183C0] =	vst v55  }
0x3c7: {  	v56 =	vld.idx.msk [tilespmem:v2+s10+$0x0], $0xffff;
	_ =	sdelay $0x4  }
0x3c8: {  	v17 =	vadd.f32 v56, v55;
	_ =	sdelay $0x1  }
0x3c9: {  	[tilespmem:$0x183C0] =	vst v17  }
0x3ca: {  	v57 =	vld.idx.msk [tilespmem:v3+s10+$0x0], $0xffff;
	_ =	sdelay $0x4  }
0x3cb: {  	v17 =	vadd.f32 v57, v17;
	_ =	sdelay $0x1  }
0x3cc: {  	[tilespmem:$0x183C0] =	vst v17  }
0x3cd: {  	v58 =	vld.idx.msk [tilespmem:v4+s10+$0x0], $0xffff;
	_ =	sdelay $0x4  }
0x3ce: {  	v28 =	vadd.f32 v58, v17;
	_ =	sdelay $0x1  }
0x3cf: {  	v59 =	vsel vm3, $0x0, v54;
	[tilespmem:$0x183C0] =	vst v28  }
0x3d0: {  	v29 =	vld.idx.msk [tilespmem:v5+s10+$0x0], $0xffff;
	[tilespmem:$0x183C0] =	vst v59  }
0x3d1: {  	v60 =	vld.idx.msk [tilespmem:v2+s10+$0x0], $0xffff;
	_ =	sdelay $0x4  }
0x3d2: {  	v17 =	vadd.f32 v60, v59;
	_ =	sdelay $0x1  }
0x3d3: {  	[tilespmem:$0x183C0] =	vst v17  }
0x3d4: {  	v61 =	vld.idx.msk [tilespmem:v3+s10+$0x0], $0xffff;
	_ =	sdelay $0x4  }
0x3d5: {  	v17 =	vadd.f32 v61, v17;
	_ =	sdelay $0x1  }
0x3d6: {  	[tilespmem:$0x183C0] =	vst v17  }
0x3d7: {  	v62 =	vld.idx.msk [tilespmem:v4+s10+$0x0], $0xffff;
	_ =	sdelay $0x4  }
0x3d8: {  	v30 =	vadd.f32 v62, v17;
	_ =	sdelay $0x1  }
0x3d9: {  	v63 =	vsel vm4, $0x0, v54;
	[tilespmem:$0x183C0] =	vst v30  }
0x3da: {  	v31 =	vld.idx.msk [tilespmem:v5+s10+$0x0], $0xffff;
	[tilespmem:$0x183C0] =	vst v63  }
0x3db: {  	v32 =	vld.idx.msk [tilespmem:v2+s10+$0x0], $0xffff;
	_ =	sdelay $0x4  }
0x3dc: {  	v17 =	vadd.f32 v32, v63;
	_ =	sdelay $0x1  }
0x3dd: {  	[tilespmem:$0x183C0] =	vst v17  }
0x3de: {  	v33 =	vld.idx.msk [tilespmem:v3+s10+$0x0], $0xffff;
	_ =	sdelay $0x4  }
0x3df: {  	v17 =	vadd.f32 v33, v17;
	_ =	sdelay $0x1  }
0x3e0: {  	[tilespmem:$0x183C0] =	vst v17  }
0x3e1: {  	v34 =	vld.idx.msk [tilespmem:v4+s10+$0x0], $0xffff;
	_ =	sdelay $0x4  }
0x3e2: {  	v32 =	vadd.f32 v34, v17;
	_ =	sdelay $0x1  }
0x3e3: {  	v35 =	vsel vm5, $0x0, v54;
	[tilespmem:$0x183C0] =	vst v32  }
0x3e4: {  	v33 =	vld.idx.msk [tilespmem:v5+s10+$0x0], $0xffff;
	[tilespmem:$0x183C0] =	vst v35  }
0x3e5: {  	v36 =	vld.idx.msk [tilespmem:v2+s10+$0x0], $0xffff;
	_ =	sdelay $0x4  }
0x3e6: {  	v17 =	vadd.f32 v36, v35;
	_ =	sdelay $0x1  }
0x3e7: {  	[tilespmem:$0x183C0] =	vst v17  }
0x3e8: {  	v37 =	vld.idx.msk [tilespmem:v3+s10+$0x0], $0xffff;
	_ =	sdelay $0x4  }
0x3e9: {  	v17 =	vadd.f32 v37, v17;
	_ =	sdelay $0x1  }
0x3ea: {  	[tilespmem:$0x183C0] =	vst v17  }
0x3eb: {  	v38 =	vld.idx.msk [tilespmem:v4+s10+$0x0], $0xffff;
	_ =	sdelay $0x4  }
0x3ec: {  	v34 =	vadd.f32 v38, v17;
	_ =	sdelay $0x1  }
0x3ed: {  	v39 =	vsel vm6, $0x0, v54;
	[tilespmem:$0x183C0] =	vst v34  }
0x3ee: {  	v35 =	vld.idx.msk [tilespmem:v5+s10+$0x0], $0xffff;
	[tilespmem:$0x183C0] =	vst v39  }
0x3ef: {  	v40 =	vld.idx.msk [tilespmem:v2+s10+$0x0], $0xffff;
	_ =	sdelay $0x4  }
0x3f0: {  	v17 =	vadd.f32 v40, v39;
	_ =	sdelay $0x1  }
0x3f1: {  	[tilespmem:$0x183C0] =	vst v17  }
0x3f2: {  	v41 =	vld.idx.msk [tilespmem:v3+s10+$0x0], $0xffff;
	_ =	sdelay $0x4  }
0x3f3: {  	v17 =	vadd.f32 v41, v17;
	_ =	sdelay $0x1  }
0x3f4: {  	[tilespmem:$0x183C0] =	vst v17  }
0x3f5: {  	v42 =	vld.idx.msk [tilespmem:v4+s10+$0x0], $0xffff;
	_ =	sdelay $0x4  }
0x3f6: {  	v36 =	vadd.f32 v42, v17;
	_ =	sdelay $0x1  }
0x3f7: {  	v43 =	vsel vm7, $0x0, v54;
	[tilespmem:$0x183C0] =	vst v36  }
0x3f8: {  	v37 =	vld.idx.msk [tilespmem:v5+s10+$0x0], $0xffff;
	[tilespmem:$0x183C0] =	vst v43  }
0x3f9: {  	v44 =	vld.idx.msk [tilespmem:v2+s10+$0x0], $0xffff;
	_ =	sdelay $0x4  }
0x3fa: {  	v17 =	vadd.f32 v44, v43;
	_ =	sdelay $0x1  }
0x3fb: {  	[tilespmem:$0x183C0] =	vst v17  }
0x3fc: {  	v45 =	vld.idx.msk [tilespmem:v3+s10+$0x0], $0xffff;
	_ =	sdelay $0x4  }
0x3fd: {  	v17 =	vadd.f32 v45, v17;
	_ =	sdelay $0x1  }
0x3fe: {  	[tilespmem:$0x183C0] =	vst v17  }
0x3ff: {  	v46 =	vld.idx.msk [tilespmem:v4+s10+$0x0], $0xffff;
	_ =	sdelay $0x4  }
0x400: {  	v38 =	vadd.f32 v46, v17;
	_ =	sdelay $0x1  }
0x401: {  	v47 =	vsel vm8, $0x0, v54;
	[tilespmem:$0x183C0] =	vst v38  }
0x402: {  	v39 =	vld.idx.msk [tilespmem:v5+s10+$0x0], $0xffff;
	[tilespmem:$0x183C0] =	vst v47  }
0x403: {  	v48 =	vld.idx.msk [tilespmem:v2+s10+$0x0], $0xffff;
	_ =	sdelay $0x4  }
0x404: {  	v17 =	vadd.f32 v48, v47;
	_ =	sdelay $0x1  }
0x405: {  	[tilespmem:$0x183C0] =	vst v17  }
0x406: {  	v49 =	vld.idx.msk [tilespmem:v3+s10+$0x0], $0xffff;
	_ =	sdelay $0x4  }
0x407: {  	v17 =	vadd.f32 v49, v17;
	_ =	sdelay $0x1  }
0x408: {  	[tilespmem:$0x183C0] =	vst v17  }
0x409: {  	v50 =	vld.idx.msk [tilespmem:v4+s10+$0x0], $0xffff;
	_ =	sdelay $0x4  }
0x40a: {  	v40 =	vadd.f32 v50, v17;
	_ =	sdelay $0x1  }
0x40b: {  	v51 =	vsel vm9, $0x0, v54;
	[tilespmem:$0x183C0] =	vst v40  }
0x40c: {  	v41 =	vld.idx.msk [tilespmem:v5+s10+$0x0], $0xffff;
	[tilespmem:$0x183C0] =	vst v51  }
0x40d: {  	v52 =	vld.idx.msk [tilespmem:v2+s10+$0x0], $0xffff;
	_ =	sdelay $0x4  }
0x40e: {  	v17 =	vadd.f32 v52, v51;
	_ =	sdelay $0x1  }
0x40f: {  	[tilespmem:$0x183C0] =	vst v17  }
0x410: {  	v53 =	vld.idx.msk [tilespmem:v3+s10+$0x0], $0xffff;
	_ =	sdelay $0x4  }
0x411: {  	v17 =	vadd.f32 v53, v17;
	_ =	sdelay $0x1  }
0x412: {  	[tilespmem:$0x183C0] =	vst v17  }
0x413: {  	v54 =	vld.idx.msk [tilespmem:v4+s10+$0x0], $0xffff;
	_ =	sdelay $0x1  }
0x414: {  	v20 =	vld [tilespmem:$0x18040];
	_ =	sdelay $0x2  }
0x415: {  	v42 =	vadd.f32 v54, v17;
	_ =	sdelay $0x1  }
0x416: {  	v55 =	vnsel vm1, $0x0, v20;
	[tilespmem:$0x183C0] =	vst v42  }
0x417: {  	v43 =	vld.idx.msk [tilespmem:v5+s10+$0x0], $0xffff;
	[tilespmem:$0x183C0] =	vst v55  }
0x418: {  	v56 =	vld.idx.msk [tilespmem:v2+s10+$0x0], $0xffff;
	_ =	sdelay $0x4  }
0x419: {  	v17 =	vadd.f32 v56, v55;
	_ =	sdelay $0x1  }
0x41a: {  	[tilespmem:$0x183C0] =	vst v17  }
0x41b: {  	v57 =	vld.idx.msk [tilespmem:v3+s10+$0x0], $0xffff;
	_ =	sdelay $0x4  }
0x41c: {  	v17 =	vadd.f32 v57, v17;
	_ =	sdelay $0x1  }
0x41d: {  	[tilespmem:$0x183C0] =	vst v17  }
0x41e: {  	v58 =	vld.idx.msk [tilespmem:v4+s10+$0x0], $0xffff;
	_ =	sdelay $0x4  }
0x41f: {  	v44 =	vadd.f32 v58, v17;
	_ =	sdelay $0x1  }
0x420: {  	v59 =	vsel vm3, $0x0, v20;
	[tilespmem:$0x183C0] =	vst v44  }
0x421: {  	v45 =	vld.idx.msk [tilespmem:v5+s10+$0x0], $0xffff;
	[tilespmem:$0x183C0] =	vst v59  }
0x422: {  	v60 =	vld.idx.msk [tilespmem:v2+s10+$0x0], $0xffff;
	_ =	sdelay $0x4  }
0x423: {  	v17 =	vadd.f32 v60, v59;
	_ =	sdelay $0x1  }
0x424: {  	[tilespmem:$0x183C0] =	vst v17  }
0x425: {  	v61 =	vld.idx.msk [tilespmem:v3+s10+$0x0], $0xffff;
	_ =	sdelay $0x4  }
0x426: {  	v17 =	vadd.f32 v61, v17;
	_ =	sdelay $0x1  }
0x427: {  	[tilespmem:$0x183C0] =	vst v17  }
0x428: {  	v62 =	vld.idx.msk [tilespmem:v4+s10+$0x0], $0xffff;
	_ =	sdelay $0x4  }
0x429: {  	v46 =	vadd.f32 v62, v17;
	_ =	sdelay $0x1  }
0x42a: {  	v63 =	vsel vm4, $0x0, v20;
	[tilespmem:$0x183C0] =	vst v46  }
0x42b: {  	v47 =	vld.idx.msk [tilespmem:v5+s10+$0x0], $0xffff;
	[tilespmem:$0x183C0] =	vst v63  }
0x42c: {  	v48 =	vld.idx.msk [tilespmem:v2+s10+$0x0], $0xffff;
	_ =	sdelay $0x4  }
0x42d: {  	v17 =	vadd.f32 v48, v63;
	_ =	sdelay $0x1  }
0x42e: {  	[tilespmem:$0x183C0] =	vst v17  }
0x42f: {  	v49 =	vld.idx.msk [tilespmem:v3+s10+$0x0], $0xffff;
	_ =	sdelay $0x4  }
0x430: {  	v17 =	vadd.f32 v49, v17;
	_ =	sdelay $0x1  }
0x431: {  	[tilespmem:$0x183C0] =	vst v17  }
0x432: {  	v50 =	vld.idx.msk [tilespmem:v4+s10+$0x0], $0xffff;
	_ =	sdelay $0x4  }
0x433: {  	v48 =	vadd.f32 v50, v17;
	_ =	sdelay $0x1  }
0x434: {  	v51 =	vsel vm5, $0x0, v20;
	[tilespmem:$0x183C0] =	vst v48  }
0x435: {  	v49 =	vld.idx.msk [tilespmem:v5+s10+$0x0], $0xffff;
	[tilespmem:$0x183C0] =	vst v51  }
0x436: {  	v52 =	vld.idx.msk [tilespmem:v2+s10+$0x0], $0xffff;
	_ =	sdelay $0x4  }
0x437: {  	v17 =	vadd.f32 v52, v51;
	_ =	sdelay $0x1  }
0x438: {  	[tilespmem:$0x183C0] =	vst v17  }
0x439: {  	v53 =	vld.idx.msk [tilespmem:v3+s10+$0x0], $0xffff;
	_ =	sdelay $0x4  }
0x43a: {  	v17 =	vadd.f32 v53, v17;
	_ =	sdelay $0x1  }
0x43b: {  	[tilespmem:$0x183C0] =	vst v17  }
0x43c: {  	v54 =	vld.idx.msk [tilespmem:v4+s10+$0x0], $0xffff;
	_ =	sdelay $0x4  }
0x43d: {  	v50 =	vadd.f32 v54, v17;
	_ =	sdelay $0x1  }
0x43e: {  	v55 =	vsel vm6, $0x0, v20;
	[tilespmem:$0x183C0] =	vst v50  }
0x43f: {  	v51 =	vld.idx.msk [tilespmem:v5+s10+$0x0], $0xffff;
	[tilespmem:$0x183C0] =	vst v55  }
0x440: {  	v56 =	vld.idx.msk [tilespmem:v2+s10+$0x0], $0xffff;
	_ =	sdelay $0x4  }
0x441: {  	v17 =	vadd.f32 v56, v55;
	_ =	sdelay $0x1  }
0x442: {  	[tilespmem:$0x183C0] =	vst v17  }
0x443: {  	v57 =	vld.idx.msk [tilespmem:v3+s10+$0x0], $0xffff;
	_ =	sdelay $0x4  }
0x444: {  	v17 =	vadd.f32 v57, v17;
	_ =	sdelay $0x1  }
0x445: {  	[tilespmem:$0x183C0] =	vst v17  }
0x446: {  	v58 =	vld.idx.msk [tilespmem:v4+s10+$0x0], $0xffff;
	_ =	sdelay $0x4  }
0x447: {  	v52 =	vadd.f32 v58, v17;
	_ =	sdelay $0x1  }
0x448: {  	v59 =	vsel vm7, $0x0, v20;
	[tilespmem:$0x183C0] =	vst v52  }
0x449: {  	v53 =	vld.idx.msk [tilespmem:v5+s10+$0x0], $0xffff;
	[tilespmem:$0x183C0] =	vst v59  }
0x44a: {  	v60 =	vld.idx.msk [tilespmem:v2+s10+$0x0], $0xffff;
	_ =	sdelay $0x4  }
0x44b: {  	v17 =	vadd.f32 v60, v59;
	_ =	sdelay $0x1  }
0x44c: {  	[tilespmem:$0x183C0] =	vst v17  }
0x44d: {  	v61 =	vld.idx.msk [tilespmem:v3+s10+$0x0], $0xffff;
	_ =	sdelay $0x4  }
0x44e: {  	v17 =	vadd.f32 v61, v17;
	_ =	sdelay $0x1  }
0x44f: {  	[tilespmem:$0x183C0] =	vst v17  }
0x450: {  	v62 =	vld.idx.msk [tilespmem:v4+s10+$0x0], $0xffff;
	_ =	sdelay $0x4  }
0x451: {  	v54 =	vadd.f32 v62, v17;
	_ =	sdelay $0x1  }
0x452: {  	v63 =	vsel vm8, $0x0, v20;
	[tilespmem:$0x183C0] =	vst v54  }
0x453: {  	v55 =	vld.idx.msk [tilespmem:v5+s10+$0x0], $0xffff;
	[tilespmem:$0x183C0] =	vst v63  }
0x454: {  	v56 =	vld.idx.msk [tilespmem:v2+s10+$0x0], $0xffff;
	_ =	sdelay $0x4  }
0x455: {  	v17 =	vadd.f32 v56, v63;
	_ =	sdelay $0x1  }
0x456: {  	[tilespmem:$0x183C0] =	vst v17  }
0x457: {  	v57 =	vld.idx.msk [tilespmem:v3+s10+$0x0], $0xffff;
	_ =	sdelay $0x4  }
0x458: {  	v17 =	vadd.f32 v57, v17;
	_ =	sdelay $0x1  }
0x459: {  	[tilespmem:$0x183C0] =	vst v17  }
0x45a: {  	v58 =	vld.idx.msk [tilespmem:v4+s10+$0x0], $0xffff;
	_ =	sdelay $0x4  }
0x45b: {  	v56 =	vadd.f32 v58, v17;
	_ =	sdelay $0x1  }
0x45c: {  	v59 =	vsel vm9, $0x0, v20;
	[tilespmem:$0x183C0] =	vst v56  }
0x45d: {  	v57 =	vld.idx.msk [tilespmem:v5+s10+$0x0], $0xffff;
	[tilespmem:$0x183C0] =	vst v59  }
0x45e: {  	v60 =	vld.idx.msk [tilespmem:v2+s10+$0x0], $0xffff;
	_ =	sdelay $0x4  }
0x45f: {  	v58 =	vadd.f32 v60, v59;
	_ =	sdelay $0x1  }
0x460: {  	[tilespmem:$0x183C0] =	vst v58  }
0x461: {  	v7 =	vadd.f32 v8, v7;
	v15 =	vadd.f32 v16, v15;
	v59 =	vld.idx.msk [tilespmem:v3+s10+$0x0], $0xffff  }
0x462: {  	v19 =	vadd.f32 v12, v11;
	v8 =	vadd.f32 v27, v26  }
0x463: {  	v26 =	vadd.f32 v31, v30;
	v16 =	vadd.f32 v37, v36  }
0x464: {  	v12 =	vadd.f32 v41, v40;
	v11 =	vadd.f32 v43, v42  }
0x465: {  	v41 =	vadd.f32 v49, v48;
	v49 =	vadd.f32 v53, v52  }
0x466: {  	v20 =	vadd.f32 v10, v9;
	v58 =	vadd.f32 v59, v58  }
0x467: {  	v10 =	vadd.f32 v23, v22;
	v9 =	vadd.f32 v25, v24  }
0x468: {  	v25 =	vadd.f32 v29, v28;
	v61 =	vadd.f32 v45, v44;
	v45 =	vshrl.u32 v41, $0x10;
	v63 =	vld [tilespmem:$0x18240];
	[tilespmem:$0x183C0] =	vst v58  }
0x469: {  	v30 =	vand.u32 $0x1, v45;
	v52 =	vadd.f32 v55, v54;
	v17 =	vadd.f32 v14, v13;
	v62 =	vld.idx.msk [tilespmem:v4+s10+$0x0], $0xffff  }
0x46a: {  	v37 =	vshrl.u32 v61, $0x10;
	v14 =	vadd.f32 v21, v18;
	v21 =	vadd.f32 v33, v32  }
0x46b: {  	v54 =	vshrl.u32 v52, $0x10;
	v18 =	vadd.f32 v35, v34;
	v13 =	vadd.f32 v39, v38  }
0x46c: {  	v38 =	vadd.f32 v47, v46;
	v39 =	vand.u32 $0x1, v37;
	v46 =	vadd.f32 v51, v50  }
0x46d: {  	v47 =	vadd.s32 v30, v41;
	v51 =	vshrl.u32 v49, $0x10;
	v32 =	vand.u32 $0x1, v54  }
0x46e: {  	v27 =	vadd.s32 v39, v61;
	v44 =	vshrl.u32 v38, $0x10;
	v22 =	vadd.f32 v62, v58  }
0x46f: {  	v32 =	vadd.s32 v32, v52;
	v48 =	vshrl.u32 v46, $0x10;
	v29 =	vand.u32 $0x1, v44  }
0x470: {  	v27 =	vadd.s32 $0x7FFF, v27;
	v50 =	vand.u32 $0x1, v48;
	v24 =	vadd.s32 v29, v38;
	[tilespmem:$0x183C0] =	vst v22  }
0x471: {  	v29 =	vand.u32 $0xFFFF0000, v27;
	v27 =	vadd.s32 $0x7FFF, v47;
	v24 =	vadd.s32 $0x7FFF, v24;
	v33 =	vld.idx.msk [tilespmem:v63+s25+$0x0], $0xffff  }
0x472: {  	v23 =	vand.u32 $0xFFFF0000, v27;
	v27 =	vand.u32 $0x1, v51;
	v30 =	vand.u32 $0xFFFF0000, v24  }
0x473: {  	v24 =	vadd.s32 v50, v46;
	v27 =	vadd.s32 v27, v49;
	v53 =	vadd.f32 v57, v56  }
0x474: {  	v61 =	vadd.s32 $0x7FFF, v32;
	v24 =	vadd.s32 $0x7FFF, v24;
	v27 =	vadd.s32 $0x7FFF, v27;
	v55 =	vld.idx.msk [tilespmem:v5+s10+$0x0], $0xffff  }
0x475: {  	v24 =	vand.u32 $0xFFFF0000, v24;
	v28 =	vand.u32 $0xFFFF0000, v27;
	v56 =	vshrl.u32 v53, $0x10  }
0x476: {  	v27 =	vand.u32 $0xFFFF0000, v61;
	v58 =	vand.u32 $0x1, v56;
	v57 =	vmul.f32 v33, v20  }
0x477: {  	v31 =	vadd.s32 v58, v53;
	v60 =	vmul.f32 v33, v19;
	v42 =	vmul.f32 v33, v17  }
0x478: {  	v31 =	vadd.s32 $0x7FFF, v31;
	v44 =	vmul.f32 v33, v15;
	v47 =	vmul.f32 v33, v14  }
0x479: {  	v62 =	vadd.f32 v55, v22;
	v52 =	vmul.f32 v33, v10;
	v53 =	vmul.f32 v33, v9  }
0x47a: {  	v33 =	vmul.f32 v33, v8;
	v59 =	vadd.f32 v57, v25;
	v36 =	vadd.f32 v60, v26  }
0x47b: {  	v22 =	vand.u32 $0xFFFF0000, v31;
	v43 =	vadd.f32 v42, v21;
	v37 =	vadd.f32 v44, v18  }
0x47c: {  	v40 =	vshrl.u32 v62, $0x10;
	v38 =	vadd.f32 v47, v16;
	v33 =	vadd.f32 v33, v11  }
0x47d: {  	v34 =	vand.u32 $0x1, v40;
	v63 =	vshrl.u32 v59, $0x10;
	v41 =	vshrl.u32 v36, $0x10  }
0x47e: {  	v32 =	vadd.s32 v34, v62;
	v46 =	vshrl.u32 v43, $0x10;
	v39 =	vand.u32 $0x1, v63  }
0x47f: {  	v48 =	vshrl.u32 v37, $0x10;
	v51 =	vshrl.u32 v38, $0x10;
	v31 =	vadd.s32 v39, v59  }
0x480: {  	v62 =	vshrl.u32 v33, $0x10;
	v35 =	vand.u32 $0x1, v41;
	v31 =	vadd.s32 $0x7FFF, v31  }
0x481: {  	v50 =	vand.u32 $0x1, v48;
	v35 =	vadd.s32 v35, v36;
	v31 =	vand.u32 $0xFFFF0000, v31  }
0x482: {  	v36 =	vand.u32 $0x1, v51;
	v35 =	vadd.s32 $0x7FFF, v35;
	v31 =	vmul.f32 v31, v29  }
0x483: {  	v36 =	vadd.s32 v36, v38;
	v45 =	vand.u32 $0xFFFF0000, v35;
	v35 =	vand.u32 $0x1, v46  }
0x484: {  	v34 =	vmul.f32 v45, v30;
	v35 =	vadd.s32 v35, v43;
	v31 =	vadd.f32 v31, v7  }
0x485: {  	v38 =	vadd.f32 v53, v12;
	v49 =	vadd.s32 $0x7FFF, v35;
	v35 =	vadd.s32 v50, v37  }
0x486: {  	v37 =	vadd.f32 v52, v13;
	v31 =	vadd.f32 v31, v34;
	v34 =	vand.u32 $0xFFFF0000, v49  }
0x487: {  	v36 =	vadd.s32 $0x7FFF, v36;
	v35 =	vadd.s32 $0x7FFF, v35;
	v34 =	vmul.f32 v34, v23  }
0x488: {  	v55 =	vand.u32 $0xFFFF0000, v36;
	v35 =	vand.u32 $0xFFFF0000, v35;
	v56 =	vshrl.u32 v37, $0x10  }
0x489: {  	v54 =	vmul.f32 v35, v24;
	v58 =	vand.u32 $0x1, v56;
	v31 =	vadd.f32 v31, v34  }
0x48a: {  	v59 =	vshrl.u32 v38, $0x10;
	v57 =	vmul.f32 v55, v28;
	v35 =	vadd.s32 v58, v37  }
0x48b: {  	v61 =	vand.u32 $0x1, v59;
	v60 =	vadd.s32 $0x7FFF, v35;
	v31 =	vadd.f32 v31, v54  }
0x48c: {  	v36 =	vand.u32 $0x1, v62;
	v35 =	vadd.s32 v61, v38;
	v34 =	vand.u32 $0xFFFF0000, v60  }
0x48d: {  	v35 =	vadd.s32 $0x7FFF, v35;
	v34 =	vmul.f32 v34, v27;
	v31 =	vadd.f32 v31, v57  }
0x48e: {  	v32 =	vadd.s32 $0x7FFF, v32;
	v63 =	vld [tilespmem:$0x18250];
	v33 =	vadd.s32 v36, v33;
	v35 =	vand.u32 $0xFFFF0000, v35  }
0x48f: {  	v33 =	vadd.s32 $0x7FFF, v33;
	v35 =	vmul.f32 v35, v22;
	v34 =	vadd.f32 v31, v34  }
0x490: {  	v38 =	vand.u32 $0xFFFF0000, v33;
	v31 =	vand.u32 $0xFFFF0000, v32  }
0x491: {  	v32 =	vmul.f32 v38, v31;
	v39 =	vadd.f32 v34, v35;
	_ =	sdelay $0x1  }
0x492: {  	v32 =	vadd.f32 v39, v32;
	_ =	sdelay $0x1  }
0x493: {  	[tilespmem:$0x182C0] =	vst v32  }
0x494: {  	v32 =	vld.idx.msk [tilespmem:v63+s25+$0x0], $0xffff;
	_ =	sdelay $0x4  }
0x495: {  	v40 =	vmul.f32 v32, v20  }
0x496: {  	v41 =	vmul.f32 v32, v19;
	v36 =	vmul.f32 v32, v17  }
0x497: {  	v45 =	vmul.f32 v32, v15;
	v47 =	vmul.f32 v32, v14  }
0x498: {  	v52 =	vmul.f32 v32, v10;
	v53 =	vmul.f32 v32, v9  }
0x499: {  	v32 =	vmul.f32 v32, v8;
	v33 =	vadd.f32 v40, v25;
	v34 =	vadd.f32 v41, v26  }
0x49a: {  	v44 =	vadd.f32 v36, v21;
	v36 =	vadd.f32 v45, v18  }
0x49b: {  	v38 =	vadd.f32 v47, v16;
	v32 =	vadd.f32 v32, v11;
	v42 =	vshrl.u32 v33, $0x10  }
0x49c: {  	v43 =	vshrl.u32 v34, $0x10;
	v46 =	vshrl.u32 v44, $0x10;
	v35 =	vand.u32 $0x1, v42  }
0x49d: {  	v48 =	vshrl.u32 v36, $0x10;
	v51 =	vshrl.u32 v38, $0x10;
	v33 =	vadd.s32 v35, v33  }
0x49e: {  	v62 =	vshrl.u32 v32, $0x10;
	v35 =	vand.u32 $0x1, v43;
	v33 =	vadd.s32 $0x7FFF, v33  }
0x49f: {  	v37 =	vand.u32 $0x1, v46;
	v34 =	vadd.s32 v35, v34;
	v33 =	vand.u32 $0xFFFF0000, v33  }
0x4a0: {  	v35 =	vadd.s32 v37, v44;
	v34 =	vadd.s32 $0x7FFF, v34;
	v33 =	vmul.f32 v33, v29  }
0x4a1: {  	v50 =	vand.u32 $0x1, v48;
	v49 =	vadd.s32 $0x7FFF, v35;
	v34 =	vand.u32 $0xFFFF0000, v34  }
0x4a2: {  	v35 =	vadd.s32 v50, v36;
	v34 =	vmul.f32 v34, v30;
	v33 =	vadd.f32 v33, v7  }
0x4a3: {  	v37 =	vadd.f32 v52, v13;
	v36 =	vand.u32 $0x1, v51;
	v35 =	vadd.s32 $0x7FFF, v35  }
0x4a4: {  	v36 =	vadd.s32 v36, v38;
	v33 =	vadd.f32 v33, v34;
	v34 =	vand.u32 $0xFFFF0000, v49  }
0x4a5: {  	v56 =	vshrl.u32 v37, $0x10;
	v38 =	vadd.f32 v53, v12;
	v34 =	vmul.f32 v34, v23  }
0x4a6: {  	v35 =	vand.u32 $0xFFFF0000, v35;
	v36 =	vadd.s32 $0x7FFF, v36;
	v58 =	vand.u32 $0x1, v56  }
0x4a7: {  	v54 =	vmul.f32 v35, v24;
	v55 =	vand.u32 $0xFFFF0000, v36;
	v33 =	vadd.f32 v33, v34  }
0x4a8: {  	v35 =	vadd.s32 v58, v37;
	v59 =	vshrl.u32 v38, $0x10;
	v57 =	vmul.f32 v55, v28  }
0x4a9: {  	v60 =	vadd.s32 $0x7FFF, v35;
	v61 =	vand.u32 $0x1, v59;
	v33 =	vadd.f32 v33, v54  }
0x4aa: {  	v36 =	vand.u32 $0x1, v62;
	v35 =	vadd.s32 v61, v38;
	v34 =	vand.u32 $0xFFFF0000, v60  }
0x4ab: {  	v35 =	vadd.s32 $0x7FFF, v35;
	v34 =	vmul.f32 v34, v27;
	v33 =	vadd.f32 v33, v57  }
0x4ac: {  	v63 =	vld [tilespmem:$0x18260];
	v32 =	vadd.s32 v36, v32;
	v35 =	vand.u32 $0xFFFF0000, v35  }
0x4ad: {  	v32 =	vadd.s32 $0x7FFF, v32;
	v38 =	vmul.f32 v35, v22;
	v33 =	vadd.f32 v33, v34  }
0x4ae: {  	v32 =	vand.u32 $0xFFFF0000, v32  }
0x4af: {  	v32 =	vmul.f32 v32, v31;
	v33 =	vadd.f32 v33, v38;
	_ =	sdelay $0x1  }
0x4b0: {  	v32 =	vadd.f32 v33, v32;
	_ =	sdelay $0x1  }
0x4b1: {  	[tilespmem:$0x182D0] =	vst v32  }
0x4b2: {  	v32 =	vld.idx.msk [tilespmem:v63+s25+$0x0], $0xffff;
	_ =	sdelay $0x4  }
0x4b3: {  	v39 =	vmul.f32 v32, v20  }
0x4b4: {  	v40 =	vmul.f32 v32, v19;
	v36 =	vmul.f32 v32, v17  }
0x4b5: {  	v44 =	vmul.f32 v32, v15;
	v46 =	vmul.f32 v32, v14  }
0x4b6: {  	v51 =	vmul.f32 v32, v10;
	v52 =	vmul.f32 v32, v9  }
0x4b7: {  	v32 =	vmul.f32 v32, v8;
	v33 =	vadd.f32 v39, v25;
	v34 =	vadd.f32 v40, v26  }
0x4b8: {  	v43 =	vadd.f32 v36, v21;
	v36 =	vadd.f32 v44, v18  }
0x4b9: {  	v38 =	vadd.f32 v46, v16;
	v32 =	vadd.f32 v32, v11;
	v41 =	vshrl.u32 v33, $0x10  }
0x4ba: {  	v42 =	vshrl.u32 v34, $0x10;
	v45 =	vshrl.u32 v43, $0x10;
	v35 =	vand.u32 $0x1, v41  }
0x4bb: {  	v47 =	vshrl.u32 v36, $0x10;
	v50 =	vshrl.u32 v38, $0x10;
	v33 =	vadd.s32 v35, v33  }
0x4bc: {  	v61 =	vshrl.u32 v32, $0x10;
	v35 =	vand.u32 $0x1, v42;
	v33 =	vadd.s32 $0x7FFF, v33  }
0x4bd: {  	v37 =	vand.u32 $0x1, v45;
	v34 =	vadd.s32 v35, v34;
	v33 =	vand.u32 $0xFFFF0000, v33  }
0x4be: {  	v35 =	vadd.s32 v37, v43;
	v34 =	vadd.s32 $0x7FFF, v34;
	v33 =	vmul.f32 v33, v29  }
0x4bf: {  	v49 =	vand.u32 $0x1, v47;
	v48 =	vadd.s32 $0x7FFF, v35;
	v34 =	vand.u32 $0xFFFF0000, v34  }
0x4c0: {  	v35 =	vadd.s32 v49, v36;
	v34 =	vmul.f32 v34, v30;
	v33 =	vadd.f32 v33, v7  }
0x4c1: {  	v37 =	vadd.f32 v51, v13;
	v36 =	vand.u32 $0x1, v50;
	v35 =	vadd.s32 $0x7FFF, v35  }
0x4c2: {  	v36 =	vadd.s32 v36, v38;
	v33 =	vadd.f32 v33, v34;
	v34 =	vand.u32 $0xFFFF0000, v48  }
0x4c3: {  	v55 =	vshrl.u32 v37, $0x10;
	v38 =	vadd.f32 v52, v12;
	v34 =	vmul.f32 v34, v23  }
0x4c4: {  	v35 =	vand.u32 $0xFFFF0000, v35;
	v36 =	vadd.s32 $0x7FFF, v36;
	v57 =	vand.u32 $0x1, v55  }
0x4c5: {  	v53 =	vmul.f32 v35, v24;
	v54 =	vand.u32 $0xFFFF0000, v36;
	v33 =	vadd.f32 v33, v34  }
0x4c6: {  	v35 =	vadd.s32 v57, v37;
	v58 =	vshrl.u32 v38, $0x10;
	v56 =	vmul.f32 v54, v28  }
0x4c7: {  	v59 =	vadd.s32 $0x7FFF, v35;
	v60 =	vand.u32 $0x1, v58;
	v33 =	vadd.f32 v33, v53  }
0x4c8: {  	v36 =	vand.u32 $0x1, v61;
	v35 =	vadd.s32 v60, v38;
	v34 =	vand.u32 $0xFFFF0000, v59  }
0x4c9: {  	v35 =	vadd.s32 $0x7FFF, v35;
	v34 =	vmul.f32 v34, v27;
	v33 =	vadd.f32 v33, v56  }
0x4ca: {  	v62 =	vld [tilespmem:$0x18270];
	v32 =	vadd.s32 v36, v32;
	v35 =	vand.u32 $0xFFFF0000, v35  }
0x4cb: {  	v32 =	vadd.s32 $0x7FFF, v32;
	v63 =	vmul.f32 v35, v22;
	v33 =	vadd.f32 v33, v34  }
0x4cc: {  	v32 =	vand.u32 $0xFFFF0000, v32  }
0x4cd: {  	v32 =	vmul.f32 v32, v31;
	v33 =	vadd.f32 v33, v63;
	_ =	sdelay $0x1  }
0x4ce: {  	v32 =	vadd.f32 v33, v32;
	_ =	sdelay $0x1  }
0x4cf: {  	[tilespmem:$0x182E0] =	vst v32  }
0x4d0: {  	v32 =	vld.idx.msk [tilespmem:v62+s25+$0x0], $0xffff;
	_ =	sdelay $0x4  }
0x4d1: {  	v20 =	vmul.f32 v32, v20;
	v19 =	vmul.f32 v32, v19  }
0x4d2: {  	v17 =	vmul.f32 v32, v17;
	v15 =	vmul.f32 v32, v15  }
0x4d3: {  	v14 =	vmul.f32 v32, v14;
	v10 =	vmul.f32 v32, v10;
	v20 =	vadd.f32 v20, v25  }
0x4d4: {  	v9 =	vmul.f32 v32, v9;
	v19 =	vadd.f32 v19, v26;
	v17 =	vadd.f32 v17, v21  }
0x4d5: {  	v8 =	vmul.f32 v32, v8;
	v15 =	vadd.f32 v15, v18;
	v14 =	vadd.f32 v14, v16  }
0x4d6: {  	v10 =	vadd.f32 v10, v13;
	v9 =	vadd.f32 v9, v12  }
0x4d7: {  	v8 =	vadd.f32 v8, v11;
	v25 =	vshrl.u32 v20, $0x10;
	v33 =	vshrl.u32 v19, $0x10  }
0x4d8: {  	v21 =	vshrl.u32 v17, $0x10;
	v36 =	vshrl.u32 v15, $0x10;
	v25 =	vand.u32 $0x1, v25  }
0x4d9: {  	v39 =	vshrl.u32 v14, $0x10;
	v41 =	vshrl.u32 v10, $0x10;
	v20 =	vadd.s32 v25, v20  }
0x4da: {  	v45 =	vshrl.u32 v9, $0x10;
	v25 =	vand.u32 $0x1, v33;
	v20 =	vadd.s32 $0x7FFF, v20  }
0x4db: {  	v48 =	vshrl.u32 v8, $0x10;
	v19 =	vadd.s32 v25, v19;
	v20 =	vand.u32 $0xFFFF0000, v20  }
0x4dc: {  	v35 =	vand.u32 $0x1, v21;
	v19 =	vadd.s32 $0x7FFF, v19;
	v20 =	vmul.f32 v20, v29  }
0x4dd: {  	v38 =	vand.u32 $0x1, v36;
	v17 =	vadd.s32 v35, v17;
	v19 =	vand.u32 $0xFFFF0000, v19  }
0x4de: {  	v17 =	vadd.s32 $0x7FFF, v17;
	v19 =	vmul.f32 v19, v30;
	v34 =	vadd.f32 v20, v7  }
0x4df: {  	v18 =	vand.u32 $0x1, v39;
	v15 =	vadd.s32 v38, v15;
	v17 =	vand.u32 $0xFFFF0000, v17  }
0x4e0: {  	v15 =	vadd.s32 $0x7FFF, v15;
	v17 =	vmul.f32 v17, v23;
	v37 =	vadd.f32 v34, v19  }
0x4e1: {  	v44 =	vand.u32 $0x1, v41;
	v14 =	vadd.s32 v18, v14;
	v15 =	vand.u32 $0xFFFF0000, v15  }
0x4e2: {  	v14 =	vadd.s32 $0x7FFF, v14;
	v15 =	vmul.f32 v15, v24;
	v40 =	vadd.f32 v37, v17  }
0x4e3: {  	v47 =	vand.u32 $0x1, v45;
	v10 =	vadd.s32 v44, v10;
	v14 =	vand.u32 $0xFFFF0000, v14  }
0x4e4: {  	v10 =	vadd.s32 $0x7FFF, v10;
	v43 =	vmul.f32 v14, v28;
	v42 =	vadd.f32 v40, v15  }
0x4e5: {  	v12 =	vand.u32 $0x1, v48;
	v9 =	vadd.s32 v47, v9;
	v10 =	vand.u32 $0xFFFF0000, v10  }
0x4e6: {  	v9 =	vadd.s32 $0x7FFF, v9;
	v10 =	vmul.f32 v10, v27;
	v46 =	vadd.f32 v42, v43  }
0x4e7: {  	v8 =	vadd.s32 v12, v8;
	v9 =	vand.u32 $0xFFFF0000, v9  }
0x4e8: {  	v8 =	vadd.s32 $0x7FFF, v8;
	v9 =	vmul.f32 v9, v22;
	v10 =	vadd.f32 v46, v10  }
0x4e9: {  	v8 =	vand.u32 $0xFFFF0000, v8  }
0x4ea: {  	v8 =	vmul.f32 v8, v31;
	v9 =	vadd.f32 v10, v9;
	_ =	sdelay $0x1  }
0x4eb: {  	v8 =	vadd.f32 v9, v8;
	_ =	sdelay $0x1  }
0x4ec: {  	s11 =	rddreg [dreg:$0x9];
	[tilespmem:$0x182F0] =	vst v8  }
0x4ed: {  	[tilespmem:s19], [sflag:$0x1] =	stream.linear.gather [hbm4b:s11+s8], $0x80, $0x38;
	[tilespmem:$0x18440] =	vst v63  }
0x4ee: {  	_ =	swait.ge [sflag:s1], $0x80  }
0x4ef: {  	[sflag:s1] =	ssyncset.done $0x0  }
0x4f0: {  	[sflag:s1] =	ssyncadd.s32 $0xFFFFFF80  }
0x4f1: {  	s19 =	rddreg [dreg:$0xa]  }
0x4f2: {  	[tilespmem:s29], [sflag:$0x1] =	stream.linear.gather [hbm4b:s19+s8], $0x80, $0x38;
	[tilespmem:$0x18440] =	vst v63  }
0x4f3: {  	_ =	swait.ge [sflag:s1], $0x80  }
0x4f4: {  	[sflag:s1] =	ssyncset.done $0x0  }
0x4f5: {  	[sflag:s1] =	ssyncadd.s32 $0xFFFFFF80  }
0x4f6: {  	v8 =	vld [tilespmem:$0x180C0]  }
0x4f7: {  	v49 =	vld [tilespmem:$0x18040];
	_ =	sdelay $0x4  }
0x4f8: {  	v50 =	vshrl.u32 v8, $0x10;
	v51 =	vshrl.u32 v49, $0x10  }
0x4f9: {  	v10 =	vand.u32 $0x1, v50;
	v11 =	vand.u32 $0x1, v51  }
0x4fa: {  	v8 =	vadd.s32 v10, v8;
	v9 =	vadd.s32 v11, v49  }
0x4fb: {  	v8 =	vadd.s32 $0x7FFF, v8;
	v9 =	vadd.s32 $0x7FFF, v9  }
0x4fc: {  	v8 =	vand.u32 $0xFFFF0000, v8;
	v9 =	vand.u32 $0xFFFF0000, v9  }
0x4fd: {  	v8 =	vmul.f32 v9, v8;
	_ =	sdelay $0x1  }
0x4fe: {  	[tilespmem:$0x183C0] =	vst v8  }
0x4ff: {  	v52 =	vld.idx.msk [tilespmem:v2+s10+$0x0], $0xffff;
	_ =	sdelay $0x4  }
0x500: {  	v8 =	vadd.f32 v8, v52;
	_ =	sdelay $0x1  }
0x501: {  	[tilespmem:$0x183C0] =	vst v8  }
0x502: {  	v53 =	vld.idx.msk [tilespmem:v3+s10+$0x0], $0xffff;
	_ =	sdelay $0x2  }
0x503: {  	v54 =	vld [tilespmem:$0x18140]  }
0x504: {  	v55 =	vld [tilespmem:$0x18040]  }
0x505: {  	v8 =	vadd.f32 v8, v53;
	_ =	sdelay $0x1  }
0x506: {  	[tilespmem:$0x183C0] =	vst v8  }
0x507: {  	v56 =	vld.idx.msk [tilespmem:v4+s10+$0x0], $0xffff  }
0x508: {  	v57 =	vshrl.u32 v54, $0x10;
	v58 =	vshrl.u32 v55, $0x10  }
0x509: {  	v12 =	vand.u32 $0x1, v57;
	v13 =	vand.u32 $0x1, v58  }
0x50a: {  	v10 =	vadd.s32 v12, v54;
	v9 =	vadd.s32 v13, v55  }
0x50b: {  	v10 =	vadd.s32 $0x7FFF, v10;
	v9 =	vadd.s32 $0x7FFF, v9  }
0x50c: {  	v10 =	vand.u32 $0xFFFF0000, v10;
	v9 =	vand.u32 $0xFFFF0000, v9;
	v8 =	vadd.f32 v8, v56  }
0x50d: {  	v9 =	vmul.f32 v9, v10  }
0x50e: {  	[tilespmem:$0x183C0] =	vst v8  }
0x50f: {  	v59 =	vld.idx.msk [tilespmem:v5+s10+$0x0], $0xffff;
	[tilespmem:$0x183C0] =	vst v9  }
0x510: {  	v60 =	vld.idx.msk [tilespmem:v2+s10+$0x0], $0xffff;
	_ =	sdelay $0x4  }
0x511: {  	v9 =	vadd.f32 v9, v60;
	_ =	sdelay $0x1  }
0x512: {  	[tilespmem:$0x183C0] =	vst v9  }
0x513: {  	v61 =	vld.idx.msk [tilespmem:v3+s10+$0x0], $0xffff;
	_ =	sdelay $0x4  }
0x514: {  	v9 =	vadd.f32 v9, v61;
	_ =	sdelay $0x1  }
0x515: {  	[tilespmem:$0x183C0] =	vst v9  }
0x516: {  	v62 =	vld.idx.msk [tilespmem:v4+s10+$0x0], $0xffff;
	_ =	sdelay $0x4  }
0x517: {  	v9 =	vadd.f32 v9, v62;
	_ =	sdelay $0x1  }
0x518: {  	[tilespmem:$0x183C0] =	vst v9  }
0x519: {  	v63 =	vld.idx.msk [tilespmem:v5+s10+$0x0], $0xffff;
	_ =	sdelay $0x4  }
0x51a: {  	v8 =	vadd.f32 v8, v59;
	v9 =	vadd.f32 v9, v63;
	_ =	sdelay $0x1  }
0x51b: {  	v8 =	vadd.f32 v8, v7;
	v7 =	vadd.f32 v9, v7;
	_ =	sdelay $0x1  }
0x51c: {  	v8 =	vnsel vm1, $0x0, v8;
	v7 =	vsel vm3, $0x0, v7  }
0x51d: {  	v7 =	vadd.f32 v7, v8;
	_ =	sdelay $0x1  }
.Ltmp36:
0x51e: {  	s30 =	simm.s32 $0x182C0;
	s29 =	rddreg [dreg:$0x17];
	[tilespmem:$0x18300] =	vst v7;
	(pc) =	sbr.rel .LBB3_69-.Ltmp36, $4  }
0x51f: {  	[hbm4b:s29+s8] =	stream.linear.scatter [tilespmem:s30], [sflag:$0x1], $0x50, $0x38;
	[tilespmem:$0x18440] =	vst v63  }
0x520: {  	_ =	swait.ge [sflag:s1], $0x50  }
0x521: {  	[sflag:s1] =	ssyncset.done $0x0  }
0x522: {  	s11 =	simm.s32 $0x18140;
	[sflag:s1] =	ssyncadd.s32 $0xFFFFFFB0  }
.LBB3_70:
0x523: {  	_ =	sfence.sel $0x180000  }
0x524: {  	[bflag:$0x0] =	sbarrier.arrive $0xFFFF  }
0x525: {  	_ =	strace $0x90000047  }
0x526: {  	s0 =	stileid.u32;
	[bflag:$0x2] =	sbarrier.arrive $0xFFFF  }
0x527: {  	p0 =	sne.s32 s0, $0x0;
	s0 =	rddreg [dreg:$0x15]  }
0x528: {  	s0 =	sadd.s32 @!p0 $0x100000, s0  }
0x529: {  	[sflag:s0] =	ssyncadd.tile.s32 @!p0 $0x1;
	_ =	shalt  }
.Lfunc_end3:
_tile_overlayer_lowered:
.L_overlay_start_3:
0x52a: {  	(tag) =	ssettag $0x3  }
0x52b: {  	s0 =	rddreg [dreg:$0x0];
	s2 =	stileid.u32  }
0x52c: {  	s1 =	rddreg [dreg:$0x1];
	p0 =	sne.s32 s2, $0x0  }
0x52d: {  	s3 =	rddreg [dreg:$0x2];
	[bflag:$0x3] =	sbarrier.arrive $0xFFFF;
	s2 =	simm.s32 @!p0 $0x1C01  }
0x52e: {  	[timem:s3], [sflag:s2] =	dma.local @!p0 [hbm:s0], s1  }
0x52f: {  	s0 =	simm.s32 @!p0 $0x1  }
0x530: {  	_ =	swait.ge @!p0 [sflag:s0], s1  }
0x531: {  	s1 =	ssub.s32 @!p0 $0x0, s1;
	[sflag:s0] =	ssyncset.done @!p0 $0x0  }
0x532: {  	[sflag:s0] =	ssyncadd.s32 @!p0 s1  }
0x533: {  	[bflag:$0x3] =	sbarrier.arrive $0xFFFF  }
0x534: {  	_ =	shalt  }

</sc_bundles>
